<compile_context>
chip_gen: v7x
topology: tpu7x:2x2x1
jax: 0.10.2.dev20260603
libtpu: 0.0.44.dev20260713+nightly
codegen_flags: <defaults>
</compile_context>

<pallas_src>
import jax
import jax.numpy as jnp
from jax import lax
from jax.experimental import pallas as pl
from jax.experimental.pallas import tpu as pltpu
from jax.experimental.pallas import tpu_sc as plsc

H, W = 32, 32
D = 256
HALF = D // 2
L = 16


def _pe_body(ex_hbm, ey_hbm, out_hbm, blk, eyv, sem, sem2, wsem):
    c = lax.axis_index("c")
    s = lax.axis_index("s")
    y0 = (s * 2 + c) * 2

    cp = pltpu.make_async_copy(ex_hbm.at[pl.ds(0, W)], blk.at[:, pl.ds(0, HALF)], sem)
    cp.start()
    eyc = pltpu.make_async_copy(ey_hbm.at[pl.ds(y0, 2)], eyv, sem2)
    eyc.start()
    eyc.wait()

    for j in range(HALF // L):
        ev = eyv[0, pl.ds(j * L, L)]
        for x in range(W):
            blk[x, pl.ds(HALF + j * L, L)] = ev
    cp.wait()
    w0 = pltpu.make_async_copy(blk, out_hbm.at[0, y0], wsem)
    w0.start()
    w0.wait()

    for j in range(HALF // L):
        ev = eyv[1, pl.ds(j * L, L)]
        for x in range(W):
            blk[x, pl.ds(HALF + j * L, L)] = ev
    pltpu.sync_copy(blk, out_hbm.at[0, y0 + 1])


@jax.jit
def _pe_call(emb_x, emb_y):
    mesh = plsc.VectorSubcoreMesh(
        core_axis_name="c", subcore_axis_name="s", num_subcores=8
    )
    fn = pl.kernel(
        _pe_body,
        out_type=jax.ShapeDtypeStruct((1, H, W, D), jnp.float32),
        mesh=mesh,
        scratch_types=[
            pltpu.VMEM((W, D), jnp.float32),
            pltpu.VMEM((2, HALF), jnp.float32),
            pltpu.SemaphoreType.DMA,
            pltpu.SemaphoreType.DMA,
            pltpu.SemaphoreType.DMA,
        ],
    )
    return fn(emb_x, emb_y)


def kernel(inputs, emb_x, emb_y):
    del inputs
    return _pe_call(emb_x, emb_y)

# --- scband reference (transcript-rebuilt; emitter-appended) ---
"""Pipeline reference for scband-positional-embedding-learned-9285719294366 (READ-ONLY COPY).

The authoritative reference and input builder live on the scoring server;
editing this copy changes nothing except your own understanding.
"""

import jax, jax.numpy as jnp
import numpy as np

EMB_DIM = 256
H, W = 32, 32

def setup_inputs(seed: int = 0) -> dict:
    key = jax.random.key(seed)
    k1, k2, k3 = jax.random.split(key, 3)
    inputs = jax.random.normal(k1, (1, H, W, EMB_DIM), dtype=jnp.float32)
    # learned embedding tables: Embedding(50, emb_dim // 2)
    emb_x = jax.random.normal(k2, (50, EMB_DIM // 2), dtype=jnp.float32) * 0.05
    emb_y = jax.random.normal(k3, (50, EMB_DIM // 2), dtype=jnp.float32) * 0.05
    return {"inputs": inputs, "emb_x": emb_x, "emb_y": emb_y}

def reference(inputs, emb_x, emb_y):
    h, w = H, W
    coord_x = jnp.arange(w).reshape((1, w))
    coord_y = jnp.arange(h).reshape((1, h))
    # embedding lookups (gather)
    ex = jnp.take(emb_x, coord_x, axis=0)  # (1, w, d/2)
    ey = jnp.take(emb_y, coord_y, axis=0)  # (1, h, d/2)
    pe_x = jnp.tile(ex, (h, 1, 1))                                 # (h, w, d/2)
    pe_y = jnp.tile(jnp.transpose(ey, (1, 0, 2)), (1, w, 1))       # (h, w, d/2)
    PE = jnp.concatenate([pe_x, pe_y], axis=2)                     # (h, w, d)
    PE = jnp.expand_dims(PE, axis=0)                               # (1, h, w, d)
    return PE

if False:  # reference __main__ guard neutralized (emitter)
    out = reference(**setup_inputs())
    print(out.shape)

if __name__ == "__main__":
    import jax
    _d = setup_inputs()
    print(jax.jit(kernel)(*tuple(_d.values())))

</pallas_src>

<mosaic_0001>
#map = affine_map<(d0, d1) -> (0, 0)>
#map1 = affine_map<(d0, d1) -> (0, 0, 0, 0)>
module attributes {stable_mosaic.version = 14 : i64} {
  func.func @_pe_body(%arg0: i32, %arg1: i32, %arg2: memref<50x128xf32, #tpu.memory_space<hbm>>, %arg3: memref<50x128xf32, #tpu.memory_space<hbm>>, %arg4: memref<1x32x32x256xf32, #tpu.memory_space<hbm>>, %arg5: memref<32x256xf32, #tpu.memory_space<vmem>>, %arg6: memref<2x128xf32, #tpu.memory_space<vmem>>, %arg7: memref<!tpu.dma_semaphore, #tpu.memory_space<semaphore_mem>>, %arg8: memref<!tpu.dma_semaphore, #tpu.memory_space<semaphore_mem>>, %arg9: memref<!tpu.dma_semaphore, #tpu.memory_space<semaphore_mem>>) attributes {dimension_semantics = [#tpu.dimension_semantics<core_parallel>, #tpu.dimension_semantics<subcore_parallel>], iteration_bounds = array<i64: 2, 8>, scalar_prefetch = 0 : i64, scratch_operands = 5 : i64, tpu.core_type = #tpu.core_type<sc_vector_subcore>, window_params = [{transform_indices = #map}, {transform_indices = #map}, {transform_indices = #map1}]} {
    %mul3A = arith.constant 2 : i32
    %mul3A_0 = arith.muli %arg1, %mul3A : i32
    %add3A = arith.addi %mul3A_0, %arg0 : i32
    %mul3A_1 = arith.constant 2 : i32
    %mul3A_2 = arith.muli %add3A, %mul3A_1 : i32
    %dma_start3A = arith.constant 0 : i32
    %dma_start3A_3 = arith.constant 0 : i32
    %dma_start3A_4 = tpu.memref_slice %arg5[%dma_start3A, %dma_start3A_3] : memref<32x256xf32, #tpu.memory_space<vmem>> -> memref<32x128xf32, #tpu.memory_space<vmem>>
    %dma_start3A_5 = arith.constant 0 : i32
    %dma_start3A_6 = arith.constant 0 : i32
    %dma_start3A_7 = tpu.memref_slice %arg2[%dma_start3A_5, %dma_start3A_6] : memref<50x128xf32, #tpu.memory_space<hbm>> -> memref<32x128xf32, #tpu.memory_space<hbm>>
    %dma_start3A_8 = arith.constant 0 : i32
    %dma_start3A_9 = arith.constant 0 : i32
    %dma_start3A_10 = tpu.memref_slice %arg5[%dma_start3A_8, %dma_start3A_9] : memref<32x256xf32, #tpu.memory_space<vmem>> -> memref<32x128xf32, #tpu.memory_space<vmem>>
    %dma_start3A_11 = arith.constant 0 : i32
    %dma_start3A_12 = arith.constant 0 : i32
    %dma_start3A_13 = tpu.memref_slice %arg2[%dma_start3A_11, %dma_start3A_12] : memref<50x128xf32, #tpu.memory_space<hbm>> -> memref<32x128xf32, #tpu.memory_space<hbm>>
    tpu.enqueue_dma source(%dma_start3A_13 : memref<32x128xf32, #tpu.memory_space<hbm>>) target(%dma_start3A_10 : memref<32x128xf32, #tpu.memory_space<vmem>>) target_semaphore(%arg7 : memref<!tpu.dma_semaphore, #tpu.memory_space<semaphore_mem>>)
    %dma_start3A_14 = arith.constant 0 : i32
    %dma_start3A_15 = tpu.memref_slice %arg3[%mul3A_2, %dma_start3A_14] : memref<50x128xf32, #tpu.memory_space<hbm>> -> memref<2x128xf32, #tpu.memory_space<hbm>>
    %dma_start3A_16 = arith.constant 0 : i32
    %dma_start3A_17 = tpu.memref_slice %arg3[%mul3A_2, %dma_start3A_16] : memref<50x128xf32, #tpu.memory_space<hbm>> -> memref<2x128xf32, #tpu.memory_space<hbm>>
    tpu.enqueue_dma source(%dma_start3A_17 : memref<2x128xf32, #tpu.memory_space<hbm>>) target(%arg6 : memref<2x128xf32, #tpu.memory_space<vmem>>) target_semaphore(%arg8 : memref<!tpu.dma_semaphore, #tpu.memory_space<semaphore_mem>>)
    %dma_wait3A = arith.constant 0 : i32
    %dma_wait3A_18 = tpu.memref_slice %arg3[%mul3A_2, %dma_wait3A] : memref<50x128xf32, #tpu.memory_space<hbm>> -> memref<2x128xf32, #tpu.memory_space<hbm>>
    %dma_wait3A_19 = arith.constant 0 : i32
    %dma_wait3A_20 = tpu.memref_slice %arg3[%mul3A_2, %dma_wait3A_19] : memref<50x128xf32, #tpu.memory_space<hbm>> -> memref<2x128xf32, #tpu.memory_space<hbm>>
    tpu.wait_dma2 semaphore(%arg8 : memref<!tpu.dma_semaphore, #tpu.memory_space<semaphore_mem>>) src(%dma_wait3A_20 : memref<2x128xf32, #tpu.memory_space<hbm>>) dst(%arg6 : memref<2x128xf32, #tpu.memory_space<vmem>>)
    %get3A = arith.constant 0 : i32
    %get3A_21 = arith.index_cast %get3A : i32 to index
    %get3A_22 = arith.constant 0 : index
    %get3A_23 = tpu.vector_load %arg6[%get3A_21, %get3A_22] {strides = array<i32>} : memref<2x128xf32, #tpu.memory_space<vmem>>, vector<1x16xf32>,
    %get3A_24 = vector.shape_cast %get3A_23 : vector<1x16xf32> to vector<16xf32>
    %swap3A = arith.constant 0 : i32
    %swap3A_25 = arith.index_cast %swap3A : i32 to index
    %swap3A_26 = arith.constant 128 : index
    %swap3A_27 = tpu.vector_load %arg5[%swap3A_25, %swap3A_26] {strides = array<i32>} : memref<32x256xf32, #tpu.memory_space<vmem>>, vector<1x16xf32>,
    %swap3A_28 = vector.shape_cast %swap3A_27 : vector<1x16xf32> to vector<16xf32>
    %swap3A_29 = vector.shape_cast %get3A_24 : vector<16xf32> to vector<1x16xf32>
    tpu.vector_store %arg5[%swap3A_25, %swap3A_26], %swap3A_29 {strides = array<i32>} : memref<32x256xf32, #tpu.memory_space<vmem>>, vector<1x16xf32>,
    %swap3A_30 = arith.constant 1 : i32
    %swap3A_31 = arith.index_cast %swap3A_30 : i32 to index
    %swap3A_32 = arith.constant 128 : index
    %swap3A_33 = tpu.vector_load %arg5[%swap3A_31, %swap3A_32] {strides = array<i32>} : memref<32x256xf32, #tpu.memory_space<vmem>>, vector<1x16xf32>,
    %swap3A_34 = vector.shape_cast %swap3A_33 : vector<1x16xf32> to vector<16xf32>
    %swap3A_35 = vector.shape_cast %get3A_24 : vector<16xf32> to vector<1x16xf32>
    tpu.vector_store %arg5[%swap3A_31, %swap3A_32], %swap3A_35 {strides = array<i32>} : memref<32x256xf32, #tpu.memory_space<vmem>>, vector<1x16xf32>,
    %swap3A_36 = arith.constant 2 : i32
    %swap3A_37 = arith.index_cast %swap3A_36 : i32 to index
    %swap3A_38 = arith.constant 128 : index
    %swap3A_39 = tpu.vector_load %arg5[%swap3A_37, %swap3A_38] {strides = array<i32>} : memref<32x256xf32, #tpu.memory_space<vmem>>, vector<1x16xf32>,
    %swap3A_40 = vector.shape_cast %swap3A_39 : vector<1x16xf32> to vector<16xf32>
    %swap3A_41 = vector.shape_cast %get3A_24 : vector<16xf32> to vector<1x16xf32>
    tpu.vector_store %arg5[%swap3A_37, %swap3A_38], %swap3A_41 {strides = array<i32>} : memref<32x256xf32, #tpu.memory_space<vmem>>, vector<1x16xf32>,
    %swap3A_42 = arith.constant 3 : i32
    %swap3A_43 = arith.index_cast %swap3A_42 : i32 to index
    %swap3A_44 = arith.constant 128 : index
    %swap3A_45 = tpu.vector_load %arg5[%swap3A_43, %swap3A_44] {strides = array<i32>} : memref<32x256xf32, #tpu.memory_space<vmem>>, vector<1x16xf32>,
    %swap3A_46 = vector.shape_cast %swap3A_45 : vector<1x16xf32> to vector<16xf32>
    %swap3A_47 = vector.shape_cast %get3A_24 : vector<16xf32> to vector<1x16xf32>
    tpu.vector_store %arg5[%swap3A_43, %swap3A_44], %swap3A_47 {strides = array<i32>} : memref<32x256xf32, #tpu.memory_space<vmem>>, vector<1x16xf32>,
    %swap3A_48 = arith.constant 4 : i32
    %swap3A_49 = arith.index_cast %swap3A_48 : i32 to index
    %swap3A_50 = arith.constant 128 : index
    %swap3A_51 = tpu.vector_load %arg5[%swap3A_49, %swap3A_50] {strides = array<i32>} : memref<32x256xf32, #tpu.memory_space<vmem>>, vector<1x16xf32>,
    %swap3A_52 = vector.shape_cast %swap3A_51 : vector<1x16xf32> to vector<16xf32>
    %swap3A_53 = vector.shape_cast %get3A_24 : vector<16xf32> to vector<1x16xf32>
    tpu.vector_store %arg5[%swap3A_49, %swap3A_50], %swap3A_53 {strides = array<i32>} : memref<32x256xf32, #tpu.memory_space<vmem>>, vector<1x16xf32>,
    %swap3A_54 = arith.constant 5 : i32
    %swap3A_55 = arith.index_cast %swap3A_54 : i32 to index
    %swap3A_56 = arith.constant 128 : index
    %swap3A_57 = tpu.vector_load %arg5[%swap3A_55, %swap3A_56] {strides = array<i32>} : memref<32x256xf32, #tpu.memory_space<vmem>>, vector<1x16xf32>,
    %swap3A_58 = vector.shape_cast %swap3A_57 : vector<1x16xf32> to vector<16xf32>
    %swap3A_59 = vector.shape_cast %get3A_24 : vector<16xf32> to vector<1x16xf32>
    tpu.vector_store %arg5[%swap3A_55, %swap3A_56], %swap3A_59 {strides = array<i32>} : memref<32x256xf32, #tpu.memory_space<vmem>>, vector<1x16xf32>,
    %swap3A_60 = arith.constant 6 : i32
    %swap3A_61 = arith.index_cast %swap3A_60 : i32 to index
    %swap3A_62 = arith.constant 128 : index
    %swap3A_63 = tpu.vector_load %arg5[%swap3A_61, %swap3A_62] {strides = array<i32>} : memref<32x256xf32, #tpu.memory_space<vmem>>, vector<1x16xf32>,
    %swap3A_64 = vector.shape_cast %swap3A_63 : vector<1x16xf32> to vector<16xf32>
    %swap3A_65 = vector.shape_cast %get3A_24 : vector<16xf32> to vector<1x16xf32>
    tpu.vector_store %arg5[%swap3A_61, %swap3A_62], %swap3A_65 {strides = array<i32>} : memref<32x256xf32, #tpu.memory_space<vmem>>, vector<1x16xf32>,
    %swap3A_66 = arith.constant 7 : i32
    %swap3A_67 = arith.index_cast %swap3A_66 : i32 to index
    %swap3A_68 = arith.constant 128 : index
    %swap3A_69 = tpu.vector_load %arg5[%swap3A_67, %swap3A_68] {strides = array<i32>} : memref<32x256xf32, #tpu.memory_space<vmem>>, vector<1x16xf32>,
    %swap3A_70 = vector.shape_cast %swap3A_69 : vector<1x16xf32> to vector<16xf32>
    %swap3A_71 = vector.shape_cast %get3A_24 : vector<16xf32> to vector<1x16xf32>
    tpu.vector_store %arg5[%swap3A_67, %swap3A_68], %swap3A_71 {strides = array<i32>} : memref<32x256xf32, #tpu.memory_space<vmem>>, vector<1x16xf32>,
    %swap3A_72 = arith.constant 8 : i32
    %swap3A_73 = arith.index_cast %swap3A_72 : i32 to index
    %swap3A_74 = arith.constant 128 : index
    %swap3A_75 = tpu.vector_load %arg5[%swap3A_73, %swap3A_74] {strides = array<i32>} : memref<32x256xf32, #tpu.memory_space<vmem>>, vector<1x16xf32>,
    %swap3A_76 = vector.shape_cast %swap3A_75 : vector<1x16xf32> to vector<16xf32>
    %swap3A_77 = vector.shape_cast %get3A_24 : vector<16xf32> to vector<1x16xf32>
    tpu.vector_store %arg5[%swap3A_73, %swap3A_74], %swap3A_77 {strides = array<i32>} : memref<32x256xf32, #tpu.memory_space<vmem>>, vector<1x16xf32>,
    %swap3A_78 = arith.constant 9 : i32
    %swap3A_79 = arith.index_cast %swap3A_78 : i32 to index
    %swap3A_80 = arith.constant 128 : index
    %swap3A_81 = tpu.vector_load %arg5[%swap3A_79, %swap3A_80] {strides = array<i32>} : memref<32x256xf32, #tpu.memory_space<vmem>>, vector<1x16xf32>,
    %swap3A_82 = vector.shape_cast %swap3A_81 : vector<1x16xf32> to vector<16xf32>
    %swap3A_83 = vector.shape_cast %get3A_24 : vector<16xf32> to vector<1x16xf32>
    tpu.vector_store %arg5[%swap3A_79, %swap3A_80], %swap3A_83 {strides = array<i32>} : memref<32x256xf32, #tpu.memory_space<vmem>>, vector<1x16xf32>,
    %swap3A_84 = arith.constant 10 : i32
    %swap3A_85 = arith.index_cast %swap3A_84 : i32 to index
    %swap3A_86 = arith.constant 128 : index
    %swap3A_87 = tpu.vector_load %arg5[%swap3A_85, %swap3A_86] {strides = array<i32>} : memref<32x256xf32, #tpu.memory_space<vmem>>, vector<1x16xf32>,
    %swap3A_88 = vector.shape_cast %swap3A_87 : vector<1x16xf32> to vector<16xf32>
    %swap3A_89 = vector.shape_cast %get3A_24 : vector<16xf32> to vector<1x16xf32>
    tpu.vector_store %arg5[%swap3A_85, %swap3A_86], %swap3A_89 {strides = array<i32>} : memref<32x256xf32, #tpu.memory_space<vmem>>, vector<1x16xf32>,
    %swap3A_90 = arith.constant 11 : i32
    %swap3A_91 = arith.index_cast %swap3A_90 : i32 to index
    %swap3A_92 = arith.constant 128 : index
    %swap3A_93 = tpu.vector_load %arg5[%swap3A_91, %swap3A_92] {strides = array<i32>} : memref<32x256xf32, #tpu.memory_space<vmem>>, vector<1x16xf32>,
    %swap3A_94 = vector.shape_cast %swap3A_93 : vector<1x16xf32> to vector<16xf32>
    %swap3A_95 = vector.shape_cast %get3A_24 : vector<16xf32> to vector<1x16xf32>
    tpu.vector_store %arg5[%swap3A_91, %swap3A_92], %swap3A_95 {strides = array<i32>} : memref<32x256xf32, #tpu.memory_space<vmem>>, vector<1x16xf32>,
    %swap3A_96 = arith.constant 12 : i32
    %swap3A_97 = arith.index_cast %swap3A_96 : i32 to index
    %swap3A_98 = arith.constant 128 : index
    %swap3A_99 = tpu.vector_load %arg5[%swap3A_97, %swap3A_98] {strides = array<i32>} : memref<32x256xf32, #tpu.memory_space<vmem>>, vector<1x16xf32>,
    %swap3A_100 = vector.shape_cast %swap3A_99 : vector<1x16xf32> to vector<16xf32>
    %swap3A_101 = vector.shape_cast %get3A_24 : vector<16xf32> to vector<1x16xf32>
    tpu.vector_store %arg5[%swap3A_97, %swap3A_98], %swap3A_101 {strides = array<i32>} : memref<32x256xf32, #tpu.memory_space<vmem>>, vector<1x16xf32>,
    %swap3A_102 = arith.constant 13 : i32
    %swap3A_103 = arith.index_cast %swap3A_102 : i32 to index
    %swap3A_104 = arith.constant 128 : index
    %swap3A_105 = tpu.vector_load %arg5[%swap3A_103, %swap3A_104] {strides = array<i32>} : memref<32x256xf32, #tpu.memory_space<vmem>>, vector<1x16xf32>,
    %swap3A_106 = vector.shape_cast %swap3A_105 : vector<1x16xf32> to vector<16xf32>
    %swap3A_107 = vector.shape_cast %get3A_24 : vector<16xf32> to vector<1x16xf32>
    tpu.vector_store %arg5[%swap3A_103, %swap3A_104], %swap3A_107 {strides = array<i32>} : memref<32x256xf32, #tpu.memory_space<vmem>>, vector<1x16xf32>,
    %swap3A_108 = arith.constant 14 : i32
    %swap3A_109 = arith.index_cast %swap3A_108 : i32 to index
    %swap3A_110 = arith.constant 128 : index
    %swap3A_111 = tpu.vector_load %arg5[%swap3A_109, %swap3A_110] {strides = array<i32>} : memref<32x256xf32, #tpu.memory_space<vmem>>, vector<1x16xf32>,
    %swap3A_112 = vector.shape_cast %swap3A_111 : vector<1x16xf32> to vector<16xf32>
    %swap3A_113 = vector.shape_cast %get3A_24 : vector<16xf32> to vector<1x16xf32>
    tpu.vector_store %arg5[%swap3A_109, %swap3A_110], %swap3A_113 {strides = array<i32>} : memref<32x256xf32, #tpu.memory_space<vmem>>, vector<1x16xf32>,
    %swap3A_114 = arith.constant 15 : i32
    %swap3A_115 = arith.index_cast %swap3A_114 : i32 to index
    %swap3A_116 = arith.constant 128 : index
    %swap3A_117 = tpu.vector_load %arg5[%swap3A_115, %swap3A_116] {strides = array<i32>} : memref<32x256xf32, #tpu.memory_space<vmem>>, vector<1x16xf32>,
    %swap3A_118 = vector.shape_cast %swap3A_117 : vector<1x16xf32> to vector<16xf32>
    %swap3A_119 = vector.shape_cast %get3A_24 : vector<16xf32> to vector<1x16xf32>
    tpu.vector_store %arg5[%swap3A_115, %swap3A_116], %swap3A_119 {strides = array<i32>} : memref<32x256xf32, #tpu.memory_space<vmem>>, vector<1x16xf32>,
    %swap3A_120 = arith.constant 16 : i32
    %swap3A_121 = arith.index_cast %swap3A_120 : i32 to index
    %swap3A_122 = arith.constant 128 : index
    %swap3A_123 = tpu.vector_load %arg5[%swap3A_121, %swap3A_122] {strides = array<i32>} : memref<32x256xf32, #tpu.memory_space<vmem>>, vector<1x16xf32>,
    %swap3A_124 = vector.shape_cast %swap3A_123 : vector<1x16xf32> to vector<16xf32>
    %swap3A_125 = vector.shape_cast %get3A_24 : vector<16xf32> to vector<1x16xf32>
    tpu.vector_store %arg5[%swap3A_121, %swap3A_122], %swap3A_125 {strides = array<i32>} : memref<32x256xf32, #tpu.memory_space<vmem>>, vector<1x16xf32>,
    %swap3A_126 = arith.constant 17 : i32
    %swap3A_127 = arith.index_cast %swap3A_126 : i32 to index
    %swap3A_128 = arith.constant 128 : index
    %swap3A_129 = tpu.vector_load %arg5[%swap3A_127, %swap3A_128] {strides = array<i32>} : memref<32x256xf32, #tpu.memory_space<vmem>>, vector<1x16xf32>,
    %swap3A_130 = vector.shape_cast %swap3A_129 : vector<1x16xf32> to vector<16xf32>
    %swap3A_131 = vector.shape_cast %get3A_24 : vector<16xf32> to vector<1x16xf32>
    tpu.vector_store %arg5[%swap3A_127, %swap3A_128], %swap3A_131 {strides = array<i32>} : memref<32x256xf32, #tpu.memory_space<vmem>>, vector<1x16xf32>,
    %swap3A_132 = arith.constant 18 : i32
    %swap3A_133 = arith.index_cast %swap3A_132 : i32 to index
    %swap3A_134 = arith.constant 128 : index
    %swap3A_135 = tpu.vector_load %arg5[%swap3A_133, %swap3A_134] {strides = array<i32>} : memref<32x256xf32, #tpu.memory_space<vmem>>, vector<1x16xf32>,
    %swap3A_136 = vector.shape_cast %swap3A_135 : vector<1x16xf32> to vector<16xf32>
    %swap3A_137 = vector.shape_cast %get3A_24 : vector<16xf32> to vector<1x16xf32>
    tpu.vector_store %arg5[%swap3A_133, %swap3A_134], %swap3A_137 {strides = array<i32>} : memref<32x256xf32, #tpu.memory_space<vmem>>, vector<1x16xf32>,
    %swap3A_138 = arith.constant 19 : i32
    %swap3A_139 = arith.index_cast %swap3A_138 : i32 to index
    %swap3A_140 = arith.constant 128 : index
    %swap3A_141 = tpu.vector_load %arg5[%swap3A_139, %swap3A_140] {strides = array<i32>} : memref<32x256xf32, #tpu.memory_space<vmem>>, vector<1x16xf32>,
    %swap3A_142 = vector.shape_cast %swap3A_141 : vector<1x16xf32> to vector<16xf32>
    %swap3A_143 = vector.shape_cast %get3A_24 : vector<16xf32> to vector<1x16xf32>
    tpu.vector_store %arg5[%swap3A_139, %swap3A_140], %swap3A_143 {strides = array<i32>} : memref<32x256xf32, #tpu.memory_space<vmem>>, vector<1x16xf32>,
    %swap3A_144 = arith.constant 20 : i32
    %swap3A_145 = arith.index_cast %swap3A_144 : i32 to index
    %swap3A_146 = arith.constant 128 : index
    %swap3A_147 = tpu.vector_load %arg5[%swap3A_145, %swap3A_146] {strides = array<i32>} : memref<32x256xf32, #tpu.memory_space<vmem>>, vector<1x16xf32>,
    %swap3A_148 = vector.shape_cast %swap3A_147 : vector<1x16xf32> to vector<16xf32>
    %swap3A_149 = vector.shape_cast %get3A_24 : vector<16xf32> to vector<1x16xf32>
    tpu.vector_store %arg5[%swap3A_145, %swap3A_146], %swap3A_149 {strides = array<i32>} : memref<32x256xf32, #tpu.memory_space<vmem>>, vector<1x16xf32>,
    %swap3A_150 = arith.constant 21 : i32
    %swap3A_151 = arith.index_cast %swap3A_150 : i32 to index
    %swap3A_152 = arith.constant 128 : index
    %swap3A_153 = tpu.vector_load %arg5[%swap3A_151, %swap3A_152] {strides = array<i32>} : memref<32x256xf32, #tpu.memory_space<vmem>>, vector<1x16xf32>,
    %swap3A_154 = vector.shape_cast %swap3A_153 : vector<1x16xf32> to vector<16xf32>
    %swap3A_155 = vector.shape_cast %get3A_24 : vector<16xf32> to vector<1x16xf32>
    tpu.vector_store %arg5[%swap3A_151, %swap3A_152], %swap3A_155 {strides = array<i32>} : memref<32x256xf32, #tpu.memory_space<vmem>>, vector<1x16xf32>,
    %swap3A_156 = arith.constant 22 : i32
    %swap3A_157 = arith.index_cast %swap3A_156 : i32 to index
    %swap3A_158 = arith.constant 128 : index
    %swap3A_159 = tpu.vector_load %arg5[%swap3A_157, %swap3A_158] {strides = array<i32>} : memref<32x256xf32, #tpu.memory_space<vmem>>, vector<1x16xf32>,
    %swap3A_160 = vector.shape_cast %swap3A_159 : vector<1x16xf32> to vector<16xf32>
    %swap3A_161 = vector.shape_cast %get3A_24 : vector<16xf32> to vector<1x16xf32>
    tpu.vector_store %arg5[%swap3A_157, %swap3A_158], %swap3A_161 {strides = array<i32>} : memref<32x256xf32, #tpu.memory_space<vmem>>, vector<1x16xf32>,
    %swap3A_162 = arith.constant 23 : i32
    %swap3A_163 = arith.index_cast %swap3A_162 : i32 to index
    %swap3A_164 = arith.constant 128 : index
    %swap3A_165 = tpu.vector_load %arg5[%swap3A_163, %swap3A_164] {strides = array<i32>} : memref<32x256xf32, #tpu.memory_space<vmem>>, vector<1x16xf32>,
    %swap3A_166 = vector.shape_cast %swap3A_165 : vector<1x16xf32> to vector<16xf32>
    %swap3A_167 = vector.shape_cast %get3A_24 : vector<16xf32> to vector<1x16xf32>
    tpu.vector_store %arg5[%swap3A_163, %swap3A_164], %swap3A_167 {strides = array<i32>} : memref<32x256xf32, #tpu.memory_space<vmem>>, vector<1x16xf32>,
    %swap3A_168 = arith.constant 24 : i32
    %swap3A_169 = arith.index_cast %swap3A_168 : i32 to index
    %swap3A_170 = arith.constant 128 : index
    %swap3A_171 = tpu.vector_load %arg5[%swap3A_169, %swap3A_170] {strides = array<i32>} : memref<32x256xf32, #tpu.memory_space<vmem>>, vector<1x16xf32>,
    %swap3A_172 = vector.shape_cast %swap3A_171 : vector<1x16xf32> to vector<16xf32>
    %swap3A_173 = vector.shape_cast %get3A_24 : vector<16xf32> to vector<1x16xf32>
    tpu.vector_store %arg5[%swap3A_169, %swap3A_170], %swap3A_173 {strides = array<i32>} : memref<32x256xf32, #tpu.memory_space<vmem>>, vector<1x16xf32>,
    %swap3A_174 = arith.constant 25 : i32
    %swap3A_175 = arith.index_cast %swap3A_174 : i32 to index
    %swap3A_176 = arith.constant 128 : index
    %swap3A_177 = tpu.vector_load %arg5[%swap3A_175, %swap3A_176] {strides = array<i32>} : memref<32x256xf32, #tpu.memory_space<vmem>>, vector<1x16xf32>,
    %swap3A_178 = vector.shape_cast %swap3A_177 : vector<1x16xf32> to vector<16xf32>
    %swap3A_179 = vector.shape_cast %get3A_24 : vector<16xf32> to vector<1x16xf32>
    tpu.vector_store %arg5[%swap3A_175, %swap3A_176], %swap3A_179 {strides = array<i32>} : memref<32x256xf32, #tpu.memory_space<vmem>>, vector<1x16xf32>,
    %swap3A_180 = arith.constant 26 : i32
    %swap3A_181 = arith.index_cast %swap3A_180 : i32 to index
    %swap3A_182 = arith.constant 128 : index
    %swap3A_183 = tpu.vector_load %arg5[%swap3A_181, %swap3A_182] {strides = array<i32>} : memref<32x256xf32, #tpu.memory_space<vmem>>, vector<1x16xf32>,
    %swap3A_184 = vector.shape_cast %swap3A_183 : vector<1x16xf32> to vector<16xf32>
    %swap3A_185 = vector.shape_cast %get3A_24 : vector<16xf32> to vector<1x16xf32>
    tpu.vector_store %arg5[%swap3A_181, %swap3A_182], %swap3A_185 {strides = array<i32>} : memref<32x256xf32, #tpu.memory_space<vmem>>, vector<1x16xf32>,
    %swap3A_186 = arith.constant 27 : i32
    %swap3A_187 = arith.index_cast %swap3A_186 : i32 to index
    %swap3A_188 = arith.constant 128 : index
    %swap3A_189 = tpu.vector_load %arg5[%swap3A_187, %swap3A_188] {strides = array<i32>} : memref<32x256xf32, #tpu.memory_space<vmem>>, vector<1x16xf32>,
    %swap3A_190 = vector.shape_cast %swap3A_189 : vector<1x16xf32> to vector<16xf32>
    %swap3A_191 = vector.shape_cast %get3A_24 : vector<16xf32> to vector<1x16xf32>
    tpu.vector_store %arg5[%swap3A_187, %swap3A_188], %swap3A_191 {strides = array<i32>} : memref<32x256xf32, #tpu.memory_space<vmem>>, vector<1x16xf32>,
    %swap3A_192 = arith.constant 28 : i32
    %swap3A_193 = arith.index_cast %swap3A_192 : i32 to index
    %swap3A_194 = arith.constant 128 : index
    %swap3A_195 = tpu.vector_load %arg5[%swap3A_193, %swap3A_194] {strides = array<i32>} : memref<32x256xf32, #tpu.memory_space<vmem>>, vector<1x16xf32>,
    %swap3A_196 = vector.shape_cast %swap3A_195 : vector<1x16xf32> to vector<16xf32>
    %swap3A_197 = vector.shape_cast %get3A_24 : vector<16xf32> to vector<1x16xf32>
    tpu.vector_store %arg5[%swap3A_193, %swap3A_194], %swap3A_197 {strides = array<i32>} : memref<32x256xf32, #tpu.memory_space<vmem>>, vector<1x16xf32>,
    %swap3A_198 = arith.constant 29 : i32
    %swap3A_199 = arith.index_cast %swap3A_198 : i32 to index
    %swap3A_200 = arith.constant 128 : index
    %swap3A_201 = tpu.vector_load %arg5[%swap3A_199, %swap3A_200] {strides = array<i32>} : memref<32x256xf32, #tpu.memory_space<vmem>>, vector<1x16xf32>,
    %swap3A_202 = vector.shape_cast %swap3A_201 : vector<1x16xf32> to vector<16xf32>
    %swap3A_203 = vector.shape_cast %get3A_24 : vector<16xf32> to vector<1x16xf32>
    tpu.vector_store %arg5[%swap3A_199, %swap3A_200], %swap3A_203 {strides = array<i32>} : memref<32x256xf32, #tpu.memory_space<vmem>>, vector<1x16xf32>,
    %swap3A_204 = arith.constant 30 : i32
    %swap3A_205 = arith.index_cast %swap3A_204 : i32 to index
    %swap3A_206 = arith.constant 128 : index
    %swap3A_207 = tpu.vector_load %arg5[%swap3A_205, %swap3A_206] {strides = array<i32>} : memref<32x256xf32, #tpu.memory_space<vmem>>, vector<1x16xf32>,
    %swap3A_208 = vector.shape_cast %swap3A_207 : vector<1x16xf32> to vector<16xf32>
    %swap3A_209 = vector.shape_cast %get3A_24 : vector<16xf32> to vector<1x16xf32>
    tpu.vector_store %arg5[%swap3A_205, %swap3A_206], %swap3A_209 {strides = array<i32>} : memref<32x256xf32, #tpu.memory_space<vmem>>, vector<1x16xf32>,
    %swap3A_210 = arith.constant 31 : i32
    %swap3A_211 = arith.index_cast %swap3A_210 : i32 to index
    %swap3A_212 = arith.constant 128 : index
    %swap3A_213 = tpu.vector_load %arg5[%swap3A_211, %swap3A_212] {strides = array<i32>} : memref<32x256xf32, #tpu.memory_space<vmem>>, vector<1x16xf32>,
    %swap3A_214 = vector.shape_cast %swap3A_213 : vector<1x16xf32> to vector<16xf32>
    %swap3A_215 = vector.shape_cast %get3A_24 : vector<16xf32> to vector<1x16xf32>
    tpu.vector_store %arg5[%swap3A_211, %swap3A_212], %swap3A_215 {strides = array<i32>} : memref<32x256xf32, #tpu.memory_space<vmem>>, vector<1x16xf32>,
    %get3A_216 = arith.constant 0 : i32
    %get3A_217 = arith.index_cast %get3A_216 : i32 to index
    %get3A_218 = arith.constant 16 : index
    %get3A_219 = tpu.vector_load %arg6[%get3A_217, %get3A_218] {strides = array<i32>} : memref<2x128xf32, #tpu.memory_space<vmem>>, vector<1x16xf32>,
    %get3A_220 = vector.shape_cast %get3A_219 : vector<1x16xf32> to vector<16xf32>
    %swap3A_221 = arith.constant 0 : i32
    %swap3A_222 = arith.index_cast %swap3A_221 : i32 to index
    %swap3A_223 = arith.constant 144 : index
    %swap3A_224 = tpu.vector_load %arg5[%swap3A_222, %swap3A_223] {strides = array<i32>} : memref<32x256xf32, #tpu.memory_space<vmem>>, vector<1x16xf32>,
    %swap3A_225 = vector.shape_cast %swap3A_224 : vector<1x16xf32> to vector<16xf32>
    %swap3A_226 = vector.shape_cast %get3A_220 : vector<16xf32> to vector<1x16xf32>
    tpu.vector_store %arg5[%swap3A_222, %swap3A_223], %swap3A_226 {strides = array<i32>} : memref<32x256xf32, #tpu.memory_space<vmem>>, vector<1x16xf32>,
    %swap3A_227 = arith.constant 1 : i32
    %swap3A_228 = arith.index_cast %swap3A_227 : i32 to index
    %swap3A_229 = arith.constant 144 : index
    %swap3A_230 = tpu.vector_load %arg5[%swap3A_228, %swap3A_229] {strides = array<i32>} : memref<32x256xf32, #tpu.memory_space<vmem>>, vector<1x16xf32>,
    %swap3A_231 = vector.shape_cast %swap3A_230 : vector<1x16xf32> to vector<16xf32>
    %swap3A_232 = vector.shape_cast %get3A_220 : vector<16xf32> to vector<1x16xf32>
    tpu.vector_store %arg5[%swap3A_228, %swap3A_229], %swap3A_232 {strides = array<i32>} : memref<32x256xf32, #tpu.memory_space<vmem>>, vector<1x16xf32>,
    %swap3A_233 = arith.constant 2 : i32
    %swap3A_234 = arith.index_cast %swap3A_233 : i32 to index
    %swap3A_235 = arith.constant 144 : index
    %swap3A_236 = tpu.vector_load %arg5[%swap3A_234, %swap3A_235] {strides = array<i32>} : memref<32x256xf32, #tpu.memory_space<vmem>>, vector<1x16xf32>,
    %swap3A_237 = vector.shape_cast %swap3A_236 : vector<1x16xf32> to vector<16xf32>
    %swap3A_238 = vector.shape_cast %get3A_220 : vector<16xf32> to vector<1x16xf32>
    tpu.vector_store %arg5[%swap3A_234, %swap3A_235], %swap3A_238 {strides = array<i32>} : memref<32x256xf32, #tpu.memory_space<vmem>>, vector<1x16xf32>,
    %swap3A_239 = arith.constant 3 : i32
    %swap3A_240 = arith.index_cast %swap3A_239 : i32 to index
    %swap3A_241 = arith.constant 144 : index
    %swap3A_242 = tpu.vector_load %arg5[%swap3A_240, %swap3A_241] {strides = array<i32>} : memref<32x256xf32, #tpu.memory_space<vmem>>, vector<1x16xf32>,
    %swap3A_243 = vector.shape_cast %swap3A_242 : vector<1x16xf32> to vector<16xf32>
    %swap3A_244 = vector.shape_cast %get3A_220 : vector<16xf32> to vector<1x16xf32>
    tpu.vector_store %arg5[%swap3A_240, %swap3A_241], %swap3A_244 {strides = array<i32>} : memref<32x256xf32, #tpu.memory_space<vmem>>, vector<1x16xf32>,
    %swap3A_245 = arith.constant 4 : i32
    %swap3A_246 = arith.index_cast %swap3A_245 : i32 to index
    %swap3A_247 = arith.constant 144 : index
    %swap3A_248 = tpu.vector_load %arg5[%swap3A_246, %swap3A_247] {strides = array<i32>} : memref<32x256xf32, #tpu.memory_space<vmem>>, vector<1x16xf32>,
    %swap3A_249 = vector.shape_cast %swap3A_248 : vector<1x16xf32> to vector<16xf32>
    %swap3A_250 = vector.shape_cast %get3A_220 : vector<16xf32> to vector<1x16xf32>
    tpu.vector_store %arg5[%swap3A_246, %swap3A_247], %swap3A_250 {strides = array<i32>} : memref<32x256xf32, #tpu.memory_space<vmem>>, vector<1x16xf32>,
    %swap3A_251 = arith.constant 5 : i32
    %swap3A_252 = arith.index_cast %swap3A_251 : i32 to index
    %swap3A_253 = arith.constant 144 : index
    %swap3A_254 = tpu.vector_load %arg5[%swap3A_252, %swap3A_253] {strides = array<i32>} : memref<32x256xf32, #tpu.memory_space<vmem>>, vector<1x16xf32>,
    %swap3A_255 = vector.shape_cast %swap3A_254 : vector<1x16xf32> to vector<16xf32>
    %swap3A_256 = vector.shape_cast %get3A_220 : vector<16xf32> to vector<1x16xf32>
    tpu.vector_store %arg5[%swap3A_252, %swap3A_253], %swap3A_256 {strides = array<i32>} : memref<32x256xf32, #tpu.memory_space<vmem>>, vector<1x16xf32>,
    %swap3A_257 = arith.constant 6 : i32
    %swap3A_258 = arith.index_cast %swap3A_257 : i32 to index
    %swap3A_259 = arith.constant 144 : index
    %swap3A_260 = tpu.vector_load %arg5[%swap3A_258, %swap3A_259] {strides = array<i32>} : memref<32x256xf32, #tpu.memory_space<vmem>>, vector<1x16xf32>,
    %swap3A_261 = vector.shape_cast %swap3A_260 : vector<1x16xf32> to vector<16xf32>
    %swap3A_262 = vector.shape_cast %get3A_220 : vector<16xf32> to vector<1x16xf32>
    tpu.vector_store %arg5[%swap3A_258, %swap3A_259], %swap3A_262 {strides = array<i32>} : memref<32x256xf32, #tpu.memory_space<vmem>>, vector<1x16xf32>,
    %swap3A_263 = arith.constant 7 : i32
    %swap3A_264 = arith.index_cast %swap3A_263 : i32 to index
    %swap3A_265 = arith.constant 144 : index
    %swap3A_266 = tpu.vector_load %arg5[%swap3A_264, %swap3A_265] {strides = array<i32>} : memref<32x256xf32, #tpu.memory_space<vmem>>, vector<1x16xf32>,
    %swap3A_267 = vector.shape_cast %swap3A_266 : vector<1x16xf32> to vector<16xf32>
    %swap3A_268 = vector.shape_cast %get3A_220 : vector<16xf32> to vector<1x16xf32>
    tpu.vector_store %arg5[%swap3A_264, %swap3A_265], %swap3A_268 {strides = array<i32>} : memref<32x256xf32, #tpu.memory_space<vmem>>, vector<1x16xf32>,
    %swap3A_269 = arith.constant 8 : i32
    %swap3A_270 = arith.index_cast %swap3A_269 : i32 to index
    %swap3A_271 = arith.constant 144 : index
    %swap3A_272 = tpu.vector_load %arg5[%swap3A_270, %swap3A_271] {strides = array<i32>} : memref<32x256xf32, #tpu.memory_space<vmem>>, vector<1x16xf32>,
    %swap3A_273 = vector.shape_cast %swap3A_272 : vector<1x16xf32> to vector<16xf32>
    %swap3A_274 = vector.shape_cast %get3A_220 : vector<16xf32> to vector<1x16xf32>
    tpu.vector_store %arg5[%swap3A_270, %swap3A_271], %swap3A_274 {strides = array<i32>} : memref<32x256xf32, #tpu.memory_space<vmem>>, vector<1x16xf32>,
    %swap3A_275 = arith.constant 9 : i32
    %swap3A_276 = arith.index_cast %swap3A_275 : i32 to index
    %swap3A_277 = arith.constant 144 : index
    %swap3A_278 = tpu.vector_load %arg5[%swap3A_276, %swap3A_277] {strides = array<i32>} : memref<32x256xf32, #tpu.memory_space<vmem>>, vector<1x16xf32>,
    %swap3A_279 = vector.shape_cast %swap3A_278 : vector<1x16xf32> to vector<16xf32>
    %swap3A_280 = vector.shape_cast %get3A_220 : vector<16xf32> to vector<1x16xf32>
    tpu.vector_store %arg5[%swap3A_276, %swap3A_277], %swap3A_280 {strides = array<i32>} : memref<32x256xf32, #tpu.memory_space<vmem>>, vector<1x16xf32>,
    %swap3A_281 = arith.constant 10 : i32
    %swap3A_282 = arith.index_cast %swap3A_281 : i32 to index
    %swap3A_283 = arith.constant 144 : index
    %swap3A_284 = tpu.vector_load %arg5[%swap3A_282, %swap3A_283] {strides = array<i32>} : memref<32x256xf32, #tpu.memory_space<vmem>>, vector<1x16xf32>,
    %swap3A_285 = vector.shape_cast %swap3A_284 : vector<1x16xf32> to vector<16xf32>
    %swap3A_286 = vector.shape_cast %get3A_220 : vector<16xf32> to vector<1x16xf32>
    tpu.vector_store %arg5[%swap3A_282, %swap3A_283], %swap3A_286 {strides = array<i32>} : memref<32x256xf32, #tpu.memory_space<vmem>>, vector<1x16xf32>,
    %swap3A_287 = arith.constant 11 : i32
    %swap3A_288 = arith.index_cast %swap3A_287 : i32 to index
    %swap3A_289 = arith.constant 144 : index
    %swap3A_290 = tpu.vector_load %arg5[%swap3A_288, %swap3A_289] {strides = array<i32>} : memref<32x256xf32, #tpu.memory_space<vmem>>, vector<1x16xf32>,
    %swap3A_291 = vector.shape_cast %swap3A_290 : vector<1x16xf32> to vector<16xf32>
    %swap3A_292 = vector.shape_cast %get3A_220 : vector<16xf32> to vector<1x16xf32>
    tpu.vector_store %arg5[%swap3A_288, %swap3A_289], %swap3A_292 {strides = array<i32>} : memref<32x256xf32, #tpu.memory_space<vmem>>, vector<1x16xf32>,
    %swap3A_293 = arith.constant 12 : i32
    %swap3A_294 = arith.index_cast %swap3A_293 : i32 to index
    %swap3A_295 = arith.constant 144 : index
    %swap3A_296 = tpu.vector_load %arg5[%swap3A_294, %swap3A_295] {strides = array<i32>} : memref<32x256xf32, #tpu.memory_space<vmem>>, vector<1x16xf32>,
    %swap3A_297 = vector.shape_cast %swap3A_296 : vector<1x16xf32> to vector<16xf32>
    %swap3A_298 = vector.shape_cast %get3A_220 : vector<16xf32> to vector<1x16xf32>
    tpu.vector_store %arg5[%swap3A_294, %swap3A_295], %swap3A_298 {strides = array<i32>} : memref<32x256xf32, #tpu.memory_space<vmem>>, vector<1x16xf32>,
    %swap3A_299 = arith.constant 13 : i32
    %swap3A_300 = arith.index_cast %swap3A_299 : i32 to index
    %swap3A_301 = arith.constant 144 : index
    %swap3A_302 = tpu.vector_load %arg5[%swap3A_300, %swap3A_301] {strides = array<i32>} : memref<32x256xf32, #tpu.memory_space<vmem>>, vector<1x16xf32>,
    %swap3A_303 = vector.shape_cast %swap3A_302 : vector<1x16xf32> to vector<16xf32>
    %swap3A_304 = vector.shape_cast %get3A_220 : vector<16xf32> to vector<1x16xf32>
    tpu.vector_store %arg5[%swap3A_300, %swap3A_301], %swap3A_304 {strides = array<i32>} : memref<32x256xf32, #tpu.memory_space<vmem>>, vector<1x16xf32>,
    %swap3A_305 = arith.constant 14 : i32
    %swap3A_306 = arith.index_cast %swap3A_305 : i32 to index
    %swap3A_307 = arith.constant 144 : index
    %swap3A_308 = tpu.vector_load %arg5[%swap3A_306, %swap3A_307] {strides = array<i32>} : memref<32x256xf32, #tpu.memory_space<vmem>>, vector<1x16xf32>,
    %swap3A_309 = vector.shape_cast %swap3A_308 : vector<1x16xf32> to vector<16xf32>
    %swap3A_310 = vector.shape_cast %get3A_220 : vector<16xf32> to vector<1x16xf32>
    tpu.vector_store %arg5[%swap3A_306, %swap3A_307], %swap3A_310 {strides = array<i32>} : memref<32x256xf32, #tpu.memory_space<vmem>>, vector<1x16xf32>,
    %swap3A_311 = arith.constant 15 : i32
    %swap3A_312 = arith.index_cast %swap3A_311 : i32 to index
    %swap3A_313 = arith.constant 144 : index
    %swap3A_314 = tpu.vector_load %arg5[%swap3A_312, %swap3A_313] {strides = array<i32>} : memref<32x256xf32, #tpu.memory_space<vmem>>, vector<1x16xf32>,
    %swap3A_315 = vector.shape_cast %swap3A_314 : vector<1x16xf32> to vector<16xf32>
    %swap3A_316 = vector.shape_cast %get3A_220 : vector<16xf32> to vector<1x16xf32>
    tpu.vector_store %arg5[%swap3A_312, %swap3A_313], %swap3A_316 {strides = array<i32>} : memref<32x256xf32, #tpu.memory_space<vmem>>, vector<1x16xf32>,
    %swap3A_317 = arith.constant 16 : i32
    %swap3A_318 = arith.index_cast %swap3A_317 : i32 to index
    %swap3A_319 = arith.constant 144 : index
    %swap3A_320 = tpu.vector_load %arg5[%swap3A_318, %swap3A_319] {strides = array<i32>} : memref<32x256xf32, #tpu.memory_space<vmem>>, vector<1x16xf32>,
    %swap3A_321 = vector.shape_cast %swap3A_320 : vector<1x16xf32> to vector<16xf32>
    %swap3A_322 = vector.shape_cast %get3A_220 : vector<16xf32> to vector<1x16xf32>
    tpu.vector_store %arg5[%swap3A_318, %swap3A_319], %swap3A_322 {strides = array<i32>} : memref<32x256xf32, #tpu.memory_space<vmem>>, vector<1x16xf32>,
    %swap3A_323 = arith.constant 17 : i32
    %swap3A_324 = arith.index_cast %swap3A_323 : i32 to index
    %swap3A_325 = arith.constant 144 : index
    %swap3A_326 = tpu.vector_load %arg5[%swap3A_324, %swap3A_325] {strides = array<i32>} : memref<32x256xf32, #tpu.memory_space<vmem>>, vector<1x16xf32>,
    %swap3A_327 = vector.shape_cast %swap3A_326 : vector<1x16xf32> to vector<16xf32>
    %swap3A_328 = vector.shape_cast %get3A_220 : vector<16xf32> to vector<1x16xf32>
    tpu.vector_store %arg5[%swap3A_324, %swap3A_325], %swap3A_328 {strides = array<i32>} : memref<32x256xf32, #tpu.memory_space<vmem>>, vector<1x16xf32>,
    %swap3A_329 = arith.constant 18 : i32
    %swap3A_330 = arith.index_cast %swap3A_329 : i32 to index
    %swap3A_331 = arith.constant 144 : index
    %swap3A_332 = tpu.vector_load %arg5[%swap3A_330, %swap3A_331] {strides = array<i32>} : memref<32x256xf32, #tpu.memory_space<vmem>>, vector<1x16xf32>,
    %swap3A_333 = vector.shape_cast %swap3A_332 : vector<1x16xf32> to vector<16xf32>
    %swap3A_334 = vector.shape_cast %get3A_220 : vector<16xf32> to vector<1x16xf32>
    tpu.vector_store %arg5[%swap3A_330, %swap3A_331], %swap3A_334 {strides = array<i32>} : memref<32x256xf32, #tpu.memory_space<vmem>>, vector<1x16xf32>,
    %swap3A_335 = arith.constant 19 : i32
    %swap3A_336 = arith.index_cast %swap3A_335 : i32 to index
    %swap3A_337 = arith.constant 144 : index
    %swap3A_338 = tpu.vector_load %arg5[%swap3A_336, %swap3A_337] {strides = array<i32>} : memref<32x256xf32, #tpu.memory_space<vmem>>, vector<1x16xf32>,
    %swap3A_339 = vector.shape_cast %swap3A_338 : vector<1x16xf32> to vector<16xf32>
    %swap3A_340 = vector.shape_cast %get3A_220 : vector<16xf32> to vector<1x16xf32>
    tpu.vector_store %arg5[%swap3A_336, %swap3A_337], %swap3A_340 {strides = array<i32>} : memref<32x256xf32, #tpu.memory_space<vmem>>, vector<1x16xf32>,
    %swap3A_341 = arith.constant 20 : i32
    %swap3A_342 = arith.index_cast %swap3A_341 : i32 to index
    %swap3A_343 = arith.constant 144 : index
    %swap3A_344 = tpu.vector_load %arg5[%swap3A_342, %swap3A_343] {strides = array<i32>} : memref<32x256xf32, #tpu.memory_space<vmem>>, vector<1x16xf32>,
    %swap3A_345 = vector.shape_cast %swap3A_344 : vector<1x16xf32> to vector<16xf32>
    %swap3A_346 = vector.shape_cast %get3A_220 : vector<16xf32> to vector<1x16xf32>
    tpu.vector_store %arg5[%swap3A_342, %swap3A_343], %swap3A_346 {strides = array<i32>} : memref<32x256xf32, #tpu.memory_space<vmem>>, vector<1x16xf32>,
    %swap3A_347 = arith.constant 21 : i32
    %swap3A_348 = arith.index_cast %swap3A_347 : i32 to index
    %swap3A_349 = arith.constant 144 : index
    %swap3A_350 = tpu.vector_load %arg5[%swap3A_348, %swap3A_349] {strides = array<i32>} : memref<32x256xf32, #tpu.memory_space<vmem>>, vector<1x16xf32>,
    %swap3A_351 = vector.shape_cast %swap3A_350 : vector<1x16xf32> to vector<16xf32>
    %swap3A_352 = vector.shape_cast %get3A_220 : vector<16xf32> to vector<1x16xf32>
    tpu.vector_store %arg5[%swap3A_348, %swap3A_349], %swap3A_352 {strides = array<i32>} : memref<32x256xf32, #tpu.memory_space<vmem>>, vector<1x16xf32>,
    %swap3A_353 = arith.constant 22 : i32
    %swap3A_354 = arith.index_cast %swap3A_353 : i32 to index
    %swap3A_355 = arith.constant 144 : index
    %swap3A_356 = tpu.vector_load %arg5[%swap3A_354, %swap3A_355] {strides = array<i32>} : memref<32x256xf32, #tpu.memory_space<vmem>>, vector<1x16xf32>,
    %swap3A_357 = vector.shape_cast %swap3A_356 : vector<1x16xf32> to vector<16xf32>
    %swap3A_358 = vector.shape_cast %get3A_220 : vector<16xf32> to vector<1x16xf32>
    tpu.vector_store %arg5[%swap3A_354, %swap3A_355], %swap3A_358 {strides = array<i32>} : memref<32x256xf32, #tpu.memory_space<vmem>>, vector<1x16xf32>,
    %swap3A_359 = arith.constant 23 : i32
    %swap3A_360 = arith.index_cast %swap3A_359 : i32 to index
    %swap3A_361 = arith.constant 144 : index
    %swap3A_362 = tpu.vector_load %arg5[%swap3A_360, %swap3A_361] {strides = array<i32>} : memref<32x256xf32, #tpu.memory_space<vmem>>, vector<1x16xf32>,
    %swap3A_363 = vector.shape_cast %swap3A_362 : vector<1x16xf32> to vector<16xf32>
    %swap3A_364 = vector.shape_cast %get3A_220 : vector<16xf32> to vector<1x16xf32>
    tpu.vector_store %arg5[%swap3A_360, %swap3A_361], %swap3A_364 {strides = array<i32>} : memref<32x256xf32, #tpu.memory_space<vmem>>, vector<1x16xf32>,
    %swap3A_365 = arith.constant 24 : i32
    %swap3A_366 = arith.index_cast %swap3A_365 : i32 to index
    %swap3A_367 = arith.constant 144 : index
    %swap3A_368 = tpu.vector_load %arg5[%swap3A_366, %swap3A_367] {strides = array<i32>} : memref<32x256xf32, #tpu.memory_space<vmem>>, vector<1x16xf32>,
    %swap3A_369 = vector.shape_cast %swap3A_368 : vector<1x16xf32> to vector<16xf32>
    %swap3A_370 = vector.shape_cast %get3A_220 : vector<16xf32> to vector<1x16xf32>
    tpu.vector_store %arg5[%swap3A_366, %swap3A_367], %swap3A_370 {strides = array<i32>} : memref<32x256xf32, #tpu.memory_space<vmem>>, vector<1x16xf32>,
    %swap3A_371 = arith.constant 25 : i32
    %swap3A_372 = arith.index_cast %swap3A_371 : i32 to index
    %swap3A_373 = arith.constant 144 : index
    %swap3A_374 = tpu.vector_load %arg5[%swap3A_372, %swap3A_373] {strides = array<i32>} : memref<32x256xf32, #tpu.memory_space<vmem>>, vector<1x16xf32>,
    %swap3A_375 = vector.shape_cast %swap3A_374 : vector<1x16xf32> to vector<16xf32>
    %swap3A_376 = vector.shape_cast %get3A_220 : vector<16xf32> to vector<1x16xf32>
    tpu.vector_store %arg5[%swap3A_372, %swap3A_373], %swap3A_376 {strides = array<i32>} : memref<32x256xf32, #tpu.memory_space<vmem>>, vector<1x16xf32>,
    %swap3A_377 = arith.constant 26 : i32
    %swap3A_378 = arith.index_cast %swap3A_377 : i32 to index
    %swap3A_379 = arith.constant 144 : index
    %swap3A_380 = tpu.vector_load %arg5[%swap3A_378, %swap3A_379] {strides = array<i32>} : memref<32x256xf32, #tpu.memory_space<vmem>>, vector<1x16xf32>,
    %swap3A_381 = vector.shape_cast %swap3A_380 : vector<1x16xf32> to vector<16xf32>
    %swap3A_382 = vector.shape_cast %get3A_220 : vector<16xf32> to vector<1x16xf32>
    tpu.vector_store %arg5[%swap3A_378, %swap3A_379], %swap3A_382 {strides = array<i32>} : memref<32x256xf32, #tpu.memory_space<vmem>>, vector<1x16xf32>,
    %swap3A_383 = arith.constant 27 : i32
    %swap3A_384 = arith.index_cast %swap3A_383 : i32 to index
    %swap3A_385 = arith.constant 144 : index
    %swap3A_386 = tpu.vector_load %arg5[%swap3A_384, %swap3A_385] {strides = array<i32>} : memref<32x256xf32, #tpu.memory_space<vmem>>, vector<1x16xf32>,
    %swap3A_387 = vector.shape_cast %swap3A_386 : vector<1x16xf32> to vector<16xf32>
    %swap3A_388 = vector.shape_cast %get3A_220 : vector<16xf32> to vector<1x16xf32>
    tpu.vector_store %arg5[%swap3A_384, %swap3A_385], %swap3A_388 {strides = array<i32>} : memref<32x256xf32, #tpu.memory_space<vmem>>, vector<1x16xf32>,
    %swap3A_389 = arith.constant 28 : i32
    %swap3A_390 = arith.index_cast %swap3A_389 : i32 to index
    %swap3A_391 = arith.constant 144 : index
    %swap3A_392 = tpu.vector_load %arg5[%swap3A_390, %swap3A_391] {strides = array<i32>} : memref<32x256xf32, #tpu.memory_space<vmem>>, vector<1x16xf32>,
    %swap3A_393 = vector.shape_cast %swap3A_392 : vector<1x16xf32> to vector<16xf32>
    %swap3A_394 = vector.shape_cast %get3A_220 : vector<16xf32> to vector<1x16xf32>
    tpu.vector_store %arg5[%swap3A_390, %swap3A_391], %swap3A_394 {strides = array<i32>} : memref<32x256xf32, #tpu.memory_space<vmem>>, vector<1x16xf32>,
    %swap3A_395 = arith.constant 29 : i32
    %swap3A_396 = arith.index_cast %swap3A_395 : i32 to index
    %swap3A_397 = arith.constant 144 : index
    %swap3A_398 = tpu.vector_load %arg5[%swap3A_396, %swap3A_397] {strides = array<i32>} : memref<32x256xf32, #tpu.memory_space<vmem>>, vector<1x16xf32>,
    %swap3A_399 = vector.shape_cast %swap3A_398 : vector<1x16xf32> to vector<16xf32>
    %swap3A_400 = vector.shape_cast %get3A_220 : vector<16xf32> to vector<1x16xf32>
    tpu.vector_store %arg5[%swap3A_396, %swap3A_397], %swap3A_400 {strides = array<i32>} : memref<32x256xf32, #tpu.memory_space<vmem>>, vector<1x16xf32>,
    %swap3A_401 = arith.constant 30 : i32
    %swap3A_402 = arith.index_cast %swap3A_401 : i32 to index
    %swap3A_403 = arith.constant 144 : index
    %swap3A_404 = tpu.vector_load %arg5[%swap3A_402, %swap3A_403] {strides = array<i32>} : memref<32x256xf32, #tpu.memory_space<vmem>>, vector<1x16xf32>,
    %swap3A_405 = vector.shape_cast %swap3A_404 : vector<1x16xf32> to vector<16xf32>
    %swap3A_406 = vector.shape_cast %get3A_220 : vector<16xf32> to vector<1x16xf32>
    tpu.vector_store %arg5[%swap3A_402, %swap3A_403], %swap3A_406 {strides = array<i32>} : memref<32x256xf32, #tpu.memory_space<vmem>>, vector<1x16xf32>,
    %swap3A_407 = arith.constant 31 : i32
    %swap3A_408 = arith.index_cast %swap3A_407 : i32 to index
    %swap3A_409 = arith.constant 144 : index
    %swap3A_410 = tpu.vector_load %arg5[%swap3A_408, %swap3A_409] {strides = array<i32>} : memref<32x256xf32, #tpu.memory_space<vmem>>, vector<1x16xf32>,
    %swap3A_411 = vector.shape_cast %swap3A_410 : vector<1x16xf32> to vector<16xf32>
    %swap3A_412 = vector.shape_cast %get3A_220 : vector<16xf32> to vector<1x16xf32>
    tpu.vector_store %arg5[%swap3A_408, %swap3A_409], %swap3A_412 {strides = array<i32>} : memref<32x256xf32, #tpu.memory_space<vmem>>, vector<1x16xf32>,
    %get3A_413 = arith.constant 0 : i32
    %get3A_414 = arith.index_cast %get3A_413 : i32 to index
    %get3A_415 = arith.constant 32 : index
    %get3A_416 = tpu.vector_load %arg6[%get3A_414, %get3A_415] {strides = array<i32>} : memref<2x128xf32, #tpu.memory_space<vmem>>, vector<1x16xf32>,
    %get3A_417 = vector.shape_cast %get3A_416 : vector<1x16xf32> to vector<16xf32>
    %swap3A_418 = arith.constant 0 : i32
    %swap3A_419 = arith.index_cast %swap3A_418 : i32 to index
    %swap3A_420 = arith.constant 160 : index
    %swap3A_421 = tpu.vector_load %arg5[%swap3A_419, %swap3A_420] {strides = array<i32>} : memref<32x256xf32, #tpu.memory_space<vmem>>, vector<1x16xf32>,
    %swap3A_422 = vector.shape_cast %swap3A_421 : vector<1x16xf32> to vector<16xf32>
    %swap3A_423 = vector.shape_cast %get3A_417 : vector<16xf32> to vector<1x16xf32>
    tpu.vector_store %arg5[%swap3A_419, %swap3A_420], %swap3A_423 {strides = array<i32>} : memref<32x256xf32, #tpu.memory_space<vmem>>, vector<1x16xf32>,
    %swap3A_424 = arith.constant 1 : i32
    %swap3A_425 = arith.index_cast %swap3A_424 : i32 to index
    %swap3A_426 = arith.constant 160 : index
    %swap3A_427 = tpu.vector_load %arg5[%swap3A_425, %swap3A_426] {strides = array<i32>} : memref<32x256xf32, #tpu.memory_space<vmem>>, vector<1x16xf32>,
    %swap3A_428 = vector.shape_cast %swap3A_427 : vector<1x16xf32> to vector<16xf32>
    %swap3A_429 = vector.shape_cast %get3A_417 : vector<16xf32> to vector<1x16xf32>
    tpu.vector_store %arg5[%swap3A_425, %swap3A_426], %swap3A_429 {strides = array<i32>} : memref<32x256xf32, #tpu.memory_space<vmem>>, vector<1x16xf32>,
    %swap3A_430 = arith.constant 2 : i32
    %swap3A_431 = arith.index_cast %swap3A_430 : i32 to index
    %swap3A_432 = arith.constant 160 : index
    %swap3A_433 = tpu.vector_load %arg5[%swap3A_431, %swap3A_432] {strides = array<i32>} : memref<32x256xf32, #tpu.memory_space<vmem>>, vector<1x16xf32>,
    %swap3A_434 = vector.shape_cast %swap3A_433 : vector<1x16xf32> to vector<16xf32>
    %swap3A_435 = vector.shape_cast %get3A_417 : vector<16xf32> to vector<1x16xf32>
    tpu.vector_store %arg5[%swap3A_431, %swap3A_432], %swap3A_435 {strides = array<i32>} : memref<32x256xf32, #tpu.memory_space<vmem>>, vector<1x16xf32>,
    %swap3A_436 = arith.constant 3 : i32
    %swap3A_437 = arith.index_cast %swap3A_436 : i32 to index
    %swap3A_438 = arith.constant 160 : index
    %swap3A_439 = tpu.vector_load %arg5[%swap3A_437, %swap3A_438] {strides = array<i32>} : memref<32x256xf32, #tpu.memory_space<vmem>>, vector<1x16xf32>,
    %swap3A_440 = vector.shape_cast %swap3A_439 : vector<1x16xf32> to vector<16xf32>
    %swap3A_441 = vector.shape_cast %get3A_417 : vector<16xf32> to vector<1x16xf32>
    tpu.vector_store %arg5[%swap3A_437, %swap3A_438], %swap3A_441 {strides = array<i32>} : memref<32x256xf32, #tpu.memory_space<vmem>>, vector<1x16xf32>,
    %swap3A_442 = arith.constant 4 : i32
    %swap3A_443 = arith.index_cast %swap3A_442 : i32 to index
    %swap3A_444 = arith.constant 160 : index
    %swap3A_445 = tpu.vector_load %arg5[%swap3A_443, %swap3A_444] {strides = array<i32>} : memref<32x256xf32, #tpu.memory_space<vmem>>, vector<1x16xf32>,
    %swap3A_446 = vector.shape_cast %swap3A_445 : vector<1x16xf32> to vector<16xf32>
    %swap3A_447 = vector.shape_cast %get3A_417 : vector<16xf32> to vector<1x16xf32>
    tpu.vector_store %arg5[%swap3A_443, %swap3A_444], %swap3A_447 {strides = array<i32>} : memref<32x256xf32, #tpu.memory_space<vmem>>, vector<1x16xf32>,
    %swap3A_448 = arith.constant 5 : i32
    %swap3A_449 = arith.index_cast %swap3A_448 : i32 to index
    %swap3A_450 = arith.constant 160 : index
    %swap3A_451 = tpu.vector_load %arg5[%swap3A_449, %swap3A_450] {strides = array<i32>} : memref<32x256xf32, #tpu.memory_space<vmem>>, vector<1x16xf32>,
    %swap3A_452 = vector.shape_cast %swap3A_451 : vector<1x16xf32> to vector<16xf32>
    %swap3A_453 = vector.shape_cast %get3A_417 : vector<16xf32> to vector<1x16xf32>
    tpu.vector_store %arg5[%swap3A_449, %swap3A_450], %swap3A_453 {strides = array<i32>} : memref<32x256xf32, #tpu.memory_space<vmem>>, vector<1x16xf32>,
    %swap3A_454 = arith.constant 6 : i32
    %swap3A_455 = arith.index_cast %swap3A_454 : i32 to index
    %swap3A_456 = arith.constant 160 : index
    %swap3A_457 = tpu.vector_load %arg5[%swap3A_455, %swap3A_456] {strides = array<i32>} : memref<32x256xf32, #tpu.memory_space<vmem>>, vector<1x16xf32>,
    %swap3A_458 = vector.shape_cast %swap3A_457 : vector<1x16xf32> to vector<16xf32>
    %swap3A_459 = vector.shape_cast %get3A_417 : vector<16xf32> to vector<1x16xf32>
    tpu.vector_store %arg5[%swap3A_455, %swap3A_456], %swap3A_459 {strides = array<i32>} : memref<32x256xf32, #tpu.memory_space<vmem>>, vector<1x16xf32>,
    %swap3A_460 = arith.constant 7 : i32
    %swap3A_461 = arith.index_cast %swap3A_460 : i32 to index
    %swap3A_462 = arith.constant 160 : index
    %swap3A_463 = tpu.vector_load %arg5[%swap3A_461, %swap3A_462] {strides = array<i32>} : memref<32x256xf32, #tpu.memory_space<vmem>>, vector<1x16xf32>,
    %swap3A_464 = vector.shape_cast %swap3A_463 : vector<1x16xf32> to vector<16xf32>
    %swap3A_465 = vector.shape_cast %get3A_417 : vector<16xf32> to vector<1x16xf32>
    tpu.vector_store %arg5[%swap3A_461, %swap3A_462], %swap3A_465 {strides = array<i32>} : memref<32x256xf32, #tpu.memory_space<vmem>>, vector<1x16xf32>,
    %swap3A_466 = arith.constant 8 : i32
    %swap3A_467 = arith.index_cast %swap3A_466 : i32 to index
    %swap3A_468 = arith.constant 160 : index
    %swap3A_469 = tpu.vector_load %arg5[%swap3A_467, %swap3A_468] {strides = array<i32>} : memref<32x256xf32, #tpu.memory_space<vmem>>, vector<1x16xf32>,
    %swap3A_470 = vector.shape_cast %swap3A_469 : vector<1x16xf32> to vector<16xf32>
    %swap3A_471 = vector.shape_cast %get3A_417 : vector<16xf32> to vector<1x16xf32>
    tpu.vector_store %arg5[%swap3A_467, %swap3A_468], %swap3A_471 {strides = array<i32>} : memref<32x256xf32, #tpu.memory_space<vmem>>, vector<1x16xf32>,
    %swap3A_472 = arith.constant 9 : i32
    %swap3A_473 = arith.index_cast %swap3A_472 : i32 to index
    %swap3A_474 = arith.constant 160 : index
    %swap3A_475 = tpu.vector_load %arg5[%swap3A_473, %swap3A_474] {strides = array<i32>} : memref<32x256xf32, #tpu.memory_space<vmem>>, vector<1x16xf32>,
    %swap3A_476 = vector.shape_cast %swap3A_475 : vector<1x16xf32> to vector<16xf32>
    %swap3A_477 = vector.shape_cast %get3A_417 : vector<16xf32> to vector<1x16xf32>
    tpu.vector_store %arg5[%swap3A_473, %swap3A_474], %swap3A_477 {strides = array<i32>} : memref<32x256xf32, #tpu.memory_space<vmem>>, vector<1x16xf32>,
    %swap3A_478 = arith.constant 10 : i32
    %swap3A_479 = arith.index_cast %swap3A_478 : i32 to index
    %swap3A_480 = arith.constant 160 : index
    %swap3A_481 = tpu.vector_load %arg5[%swap3A_479, %swap3A_480] {strides = array<i32>} : memref<32x256xf32, #tpu.memory_space<vmem>>, vector<1x16xf32>,
    %swap3A_482 = vector.shape_cast %swap3A_481 : vector<1x16xf32> to vector<16xf32>
    %swap3A_483 = vector.shape_cast %get3A_417 : vector<16xf32> to vector<1x16xf32>
    tpu.vector_store %arg5[%swap3A_479, %swap3A_480], %swap3A_483 {strides = array<i32>} : memref<32x256xf32, #tpu.memory_space<vmem>>, vector<1x16xf32>,
    %swap3A_484 = arith.constant 11 : i32
    %swap3A_485 = arith.index_cast %swap3A_484 : i32 to index
    %swap3A_486 = arith.constant 160 : index
    %swap3A_487 = tpu.vector_load %arg5[%swap3A_485, %swap3A_486] {strides = array<i32>} : memref<32x256xf32, #tpu.memory_space<vmem>>, vector<1x16xf32>,
    %swap3A_488 = vector.shape_cast %swap3A_487 : vector<1x16xf32> to vector<16xf32>
    %swap3A_489 = vector.shape_cast %get3A_417 : vector<16xf32> to vector<1x16xf32>
    tpu.vector_store %arg5[%swap3A_485, %swap3A_486], %swap3A_489 {strides = array<i32>} : memref<32x256xf32, #tpu.memory_space<vmem>>, vector<1x16xf32>,
    %swap3A_490 = arith.constant 12 : i32
    %swap3A_491 = arith.index_cast %swap3A_490 : i32 to index
    %swap3A_492 = arith.constant 160 : index
    %swap3A_493 = tpu.vector_load %arg5[%swap3A_491, %swap3A_492] {strides = array<i32>} : memref<32x256xf32, #tpu.memory_space<vmem>>, vector<1x16xf32>,
    %swap3A_494 = vector.shape_cast %swap3A_493 : vector<1x16xf32> to vector<16xf32>
    %swap3A_495 = vector.shape_cast %get3A_417 : vector<16xf32> to vector<1x16xf32>
    tpu.vector_store %arg5[%swap3A_491, %swap3A_492], %swap3A_495 {strides = array<i32>} : memref<32x256xf32, #tpu.memory_space<vmem>>, vector<1x16xf32>,
    %swap3A_496 = arith.constant 13 : i32
    %swap3A_497 = arith.index_cast %swap3A_496 : i32 to index
    %swap3A_498 = arith.constant 160 : index
    %swap3A_499 = tpu.vector_load %arg5[%swap3A_497, %swap3A_498] {strides = array<i32>} : memref<32x256xf32, #tpu.memory_space<vmem>>, vector<1x16xf32>,
    %swap3A_500 = vector.shape_cast %swap3A_499 : vector<1x16xf32> to vector<16xf32>
    %swap3A_501 = vector.shape_cast %get3A_417 : vector<16xf32> to vector<1x16xf32>
    tpu.vector_store %arg5[%swap3A_497, %swap3A_498], %swap3A_501 {strides = array<i32>} : memref<32x256xf32, #tpu.memory_space<vmem>>, vector<1x16xf32>,
    %swap3A_502 = arith.constant 14 : i32
    %swap3A_503 = arith.index_cast %swap3A_502 : i32 to index
    %swap3A_504 = arith.constant 160 : index
    %swap3A_505 = tpu.vector_load %arg5[%swap3A_503, %swap3A_504] {strides = array<i32>} : memref<32x256xf32, #tpu.memory_space<vmem>>, vector<1x16xf32>,
    %swap3A_506 = vector.shape_cast %swap3A_505 : vector<1x16xf32> to vector<16xf32>
    %swap3A_507 = vector.shape_cast %get3A_417 : vector<16xf32> to vector<1x16xf32>
    tpu.vector_store %arg5[%swap3A_503, %swap3A_504], %swap3A_507 {strides = array<i32>} : memref<32x256xf32, #tpu.memory_space<vmem>>, vector<1x16xf32>,
    %swap3A_508 = arith.constant 15 : i32
    %swap3A_509 = arith.index_cast %swap3A_508 : i32 to index
    %swap3A_510 = arith.constant 160 : index
    %swap3A_511 = tpu.vector_load %arg5[%swap3A_509, %swap3A_510] {strides = array<i32>} : memref<32x256xf32, #tpu.memory_space<vmem>>, vector<1x16xf32>,
    %swap3A_512 = vector.shape_cast %swap3A_511 : vector<1x16xf32> to vector<16xf32>
    %swap3A_513 = vector.shape_cast %get3A_417 : vector<16xf32> to vector<1x16xf32>
    tpu.vector_store %arg5[%swap3A_509, %swap3A_510], %swap3A_513 {strides = array<i32>} : memref<32x256xf32, #tpu.memory_space<vmem>>, vector<1x16xf32>,
    %swap3A_514 = arith.constant 16 : i32
    %swap3A_515 = arith.index_cast %swap3A_514 : i32 to index
    %swap3A_516 = arith.constant 160 : index
    %swap3A_517 = tpu.vector_load %arg5[%swap3A_515, %swap3A_516] {strides = array<i32>} : memref<32x256xf32, #tpu.memory_space<vmem>>, vector<1x16xf32>,
    %swap3A_518 = vector.shape_cast %swap3A_517 : vector<1x16xf32> to vector<16xf32>
    %swap3A_519 = vector.shape_cast %get3A_417 : vector<16xf32> to vector<1x16xf32>
    tpu.vector_store %arg5[%swap3A_515, %swap3A_516], %swap3A_519 {strides = array<i32>} : memref<32x256xf32, #tpu.memory_space<vmem>>, vector<1x16xf32>,
    %swap3A_520 = arith.constant 17 : i32
    %swap3A_521 = arith.index_cast %swap3A_520 : i32 to index
    %swap3A_522 = arith.constant 160 : index
    %swap3A_523 = tpu.vector_load %arg5[%swap3A_521, %swap3A_522] {strides = array<i32>} : memref<32x256xf32, #tpu.memory_space<vmem>>, vector<1x16xf32>,
    %swap3A_524 = vector.shape_cast %swap3A_523 : vector<1x16xf32> to vector<16xf32>
    %swap3A_525 = vector.shape_cast %get3A_417 : vector<16xf32> to vector<1x16xf32>
    tpu.vector_store %arg5[%swap3A_521, %swap3A_522], %swap3A_525 {strides = array<i32>} : memref<32x256xf32, #tpu.memory_space<vmem>>, vector<1x16xf32>,
    %swap3A_526 = arith.constant 18 : i32
    %swap3A_527 = arith.index_cast %swap3A_526 : i32 to index
    %swap3A_528 = arith.constant 160 : index
    %swap3A_529 = tpu.vector_load %arg5[%swap3A_527, %swap3A_528] {strides = array<i32>} : memref<32x256xf32, #tpu.memory_space<vmem>>, vector<1x16xf32>,
    %swap3A_530 = vector.shape_cast %swap3A_529 : vector<1x16xf32> to vector<16xf32>
    %swap3A_531 = vector.shape_cast %get3A_417 : vector<16xf32> to vector<1x16xf32>
    tpu.vector_store %arg5[%swap3A_527, %swap3A_528], %swap3A_531 {strides = array<i32>} : memref<32x256xf32, #tpu.memory_space<vmem>>, vector<1x16xf32>,
    %swap3A_532 = arith.constant 19 : i32
    %swap3A_533 = arith.index_cast %swap3A_532 : i32 to index
    %swap3A_534 = arith.constant 160 : index
    %swap3A_535 = tpu.vector_load %arg5[%swap3A_533, %swap3A_534] {strides = array<i32>} : memref<32x256xf32, #tpu.memory_space<vmem>>, vector<1x16xf32>,
    %swap3A_536 = vector.shape_cast %swap3A_535 : vector<1x16xf32> to vector<16xf32>
    %swap3A_537 = vector.shape_cast %get3A_417 : vector<16xf32> to vector<1x16xf32>
    tpu.vector_store %arg5[%swap3A_533, %swap3A_534], %swap3A_537 {strides = array<i32>} : memref<32x256xf32, #tpu.memory_space<vmem>>, vector<1x16xf32>,
    %swap3A_538 = arith.constant 20 : i32
    %swap3A_539 = arith.index_cast %swap3A_538 : i32 to index
    %swap3A_540 = arith.constant 160 : index
    %swap3A_541 = tpu.vector_load %arg5[%swap3A_539, %swap3A_540] {strides = array<i32>} : memref<32x256xf32, #tpu.memory_space<vmem>>, vector<1x16xf32>,
    %swap3A_542 = vector.shape_cast %swap3A_541 : vector<1x16xf32> to vector<16xf32>
    %swap3A_543 = vector.shape_cast %get3A_417 : vector<16xf32> to vector<1x16xf32>
    tpu.vector_store %arg5[%swap3A_539, %swap3A_540], %swap3A_543 {strides = array<i32>} : memref<32x256xf32, #tpu.memory_space<vmem>>, vector<1x16xf32>,
    %swap3A_544 = arith.constant 21 : i32
    %swap3A_545 = arith.index_cast %swap3A_544 : i32 to index
    %swap3A_546 = arith.constant 160 : index
    %swap3A_547 = tpu.vector_load %arg5[%swap3A_545, %swap3A_546] {strides = array<i32>} : memref<32x256xf32, #tpu.memory_space<vmem>>, vector<1x16xf32>,
    %swap3A_548 = vector.shape_cast %swap3A_547 : vector<1x16xf32> to vector<16xf32>
    %swap3A_549 = vector.shape_cast %get3A_417 : vector<16xf32> to vector<1x16xf32>
    tpu.vector_store %arg5[%swap3A_545, %swap3A_546], %swap3A_549 {strides = array<i32>} : memref<32x256xf32, #tpu.memory_space<vmem>>, vector<1x16xf32>,
    %swap3A_550 = arith.constant 22 : i32
    %swap3A_551 = arith.index_cast %swap3A_550 : i32 to index
    %swap3A_552 = arith.constant 160 : index
    %swap3A_553 = tpu.vector_load %arg5[%swap3A_551, %swap3A_552] {strides = array<i32>} : memref<32x256xf32, #tpu.memory_space<vmem>>, vector<1x16xf32>,
    %swap3A_554 = vector.shape_cast %swap3A_553 : vector<1x16xf32> to vector<16xf32>
    %swap3A_555 = vector.shape_cast %get3A_417 : vector<16xf32> to vector<1x16xf32>
    tpu.vector_store %arg5[%swap3A_551, %swap3A_552], %swap3A_555 {strides = array<i32>} : memref<32x256xf32, #tpu.memory_space<vmem>>, vector<1x16xf32>,
    %swap3A_556 = arith.constant 23 : i32
    %swap3A_557 = arith.index_cast %swap3A_556 : i32 to index
    %swap3A_558 = arith.constant 160 : index
    %swap3A_559 = tpu.vector_load %arg5[%swap3A_557, %swap3A_558] {strides = array<i32>} : memref<32x256xf32, #tpu.memory_space<vmem>>, vector<1x16xf32>,
    %swap3A_560 = vector.shape_cast %swap3A_559 : vector<1x16xf32> to vector<16xf32>
    %swap3A_561 = vector.shape_cast %get3A_417 : vector<16xf32> to vector<1x16xf32>
    tpu.vector_store %arg5[%swap3A_557, %swap3A_558], %swap3A_561 {strides = array<i32>} : memref<32x256xf32, #tpu.memory_space<vmem>>, vector<1x16xf32>,
    %swap3A_562 = arith.constant 24 : i32
    %swap3A_563 = arith.index_cast %swap3A_562 : i32 to index
    %swap3A_564 = arith.constant 160 : index
    %swap3A_565 = tpu.vector_load %arg5[%swap3A_563, %swap3A_564] {strides = array<i32>} : memref<32x256xf32, #tpu.memory_space<vmem>>, vector<1x16xf32>,
    %swap3A_566 = vector.shape_cast %swap3A_565 : vector<1x16xf32> to vector<16xf32>
    %swap3A_567 = vector.shape_cast %get3A_417 : vector<16xf32> to vector<1x16xf32>
    tpu.vector_store %arg5[%swap3A_563, %swap3A_564], %swap3A_567 {strides = array<i32>} : memref<32x256xf32, #tpu.memory_space<vmem>>, vector<1x16xf32>,
    %swap3A_568 = arith.constant 25 : i32
    %swap3A_569 = arith.index_cast %swap3A_568 : i32 to index
    %swap3A_570 = arith.constant 160 : index
    %swap3A_571 = tpu.vector_load %arg5[%swap3A_569, %swap3A_570] {strides = array<i32>} : memref<32x256xf32, #tpu.memory_space<vmem>>, vector<1x16xf32>,
    %swap3A_572 = vector.shape_cast %swap3A_571 : vector<1x16xf32> to vector<16xf32>
    %swap3A_573 = vector.shape_cast %get3A_417 : vector<16xf32> to vector<1x16xf32>
    tpu.vector_store %arg5[%swap3A_569, %swap3A_570], %swap3A_573 {strides = array<i32>} : memref<32x256xf32, #tpu.memory_space<vmem>>, vector<1x16xf32>,
    %swap3A_574 = arith.constant 26 : i32
    %swap3A_575 = arith.index_cast %swap3A_574 : i32 to index
    %swap3A_576 = arith.constant 160 : index
    %swap3A_577 = tpu.vector_load %arg5[%swap3A_575, %swap3A_576] {strides = array<i32>} : memref<32x256xf32, #tpu.memory_space<vmem>>, vector<1x16xf32>,
    %swap3A_578 = vector.shape_cast %swap3A_577 : vector<1x16xf32> to vector<16xf32>
    %swap3A_579 = vector.shape_cast %get3A_417 : vector<16xf32> to vector<1x16xf32>
    tpu.vector_store %arg5[%swap3A_575, %swap3A_576], %swap3A_579 {strides = array<i32>} : memref<32x256xf32, #tpu.memory_space<vmem>>, vector<1x16xf32>,
    %swap3A_580 = arith.constant 27 : i32
    %swap3A_581 = arith.index_cast %swap3A_580 : i32 to index
    %swap3A_582 = arith.constant 160 : index
    %swap3A_583 = tpu.vector_load %arg5[%swap3A_581, %swap3A_582] {strides = array<i32>} : memref<32x256xf32, #tpu.memory_space<vmem>>, vector<1x16xf32>,
    %swap3A_584 = vector.shape_cast %swap3A_583 : vector<1x16xf32> to vector<16xf32>
    %swap3A_585 = vector.shape_cast %get3A_417 : vector<16xf32> to vector<1x16xf32>
    tpu.vector_store %arg5[%swap3A_581, %swap3A_582], %swap3A_585 {strides = array<i32>} : memref<32x256xf32, #tpu.memory_space<vmem>>, vector<1x16xf32>,
    %swap3A_586 = arith.constant 28 : i32
    %swap3A_587 = arith.index_cast %swap3A_586 : i32 to index
    %swap3A_588 = arith.constant 160 : index
    %swap3A_589 = tpu.vector_load %arg5[%swap3A_587, %swap3A_588] {strides = array<i32>} : memref<32x256xf32, #tpu.memory_space<vmem>>, vector<1x16xf32>,
    %swap3A_590 = vector.shape_cast %swap3A_589 : vector<1x16xf32> to vector<16xf32>
    %swap3A_591 = vector.shape_cast %get3A_417 : vector<16xf32> to vector<1x16xf32>
    tpu.vector_store %arg5[%swap3A_587, %swap3A_588], %swap3A_591 {strides = array<i32>} : memref<32x256xf32, #tpu.memory_space<vmem>>, vector<1x16xf32>,
    %swap3A_592 = arith.constant 29 : i32
    %swap3A_593 = arith.index_cast %swap3A_592 : i32 to index
    %swap3A_594 = arith.constant 160 : index
    %swap3A_595 = tpu.vector_load %arg5[%swap3A_593, %swap3A_594] {strides = array<i32>} : memref<32x256xf32, #tpu.memory_space<vmem>>, vector<1x16xf32>,
    %swap3A_596 = vector.shape_cast %swap3A_595 : vector<1x16xf32> to vector<16xf32>
    %swap3A_597 = vector.shape_cast %get3A_417 : vector<16xf32> to vector<1x16xf32>
    tpu.vector_store %arg5[%swap3A_593, %swap3A_594], %swap3A_597 {strides = array<i32>} : memref<32x256xf32, #tpu.memory_space<vmem>>, vector<1x16xf32>,
    %swap3A_598 = arith.constant 30 : i32
    %swap3A_599 = arith.index_cast %swap3A_598 : i32 to index
    %swap3A_600 = arith.constant 160 : index
    %swap3A_601 = tpu.vector_load %arg5[%swap3A_599, %swap3A_600] {strides = array<i32>} : memref<32x256xf32, #tpu.memory_space<vmem>>, vector<1x16xf32>,
    %swap3A_602 = vector.shape_cast %swap3A_601 : vector<1x16xf32> to vector<16xf32>
    %swap3A_603 = vector.shape_cast %get3A_417 : vector<16xf32> to vector<1x16xf32>
    tpu.vector_store %arg5[%swap3A_599, %swap3A_600], %swap3A_603 {strides = array<i32>} : memref<32x256xf32, #tpu.memory_space<vmem>>, vector<1x16xf32>,
    %swap3A_604 = arith.constant 31 : i32
    %swap3A_605 = arith.index_cast %swap3A_604 : i32 to index
    %swap3A_606 = arith.constant 160 : index
    %swap3A_607 = tpu.vector_load %arg5[%swap3A_605, %swap3A_606] {strides = array<i32>} : memref<32x256xf32, #tpu.memory_space<vmem>>, vector<1x16xf32>,
    %swap3A_608 = vector.shape_cast %swap3A_607 : vector<1x16xf32> to vector<16xf32>
    %swap3A_609 = vector.shape_cast %get3A_417 : vector<16xf32> to vector<1x16xf32>
    tpu.vector_store %arg5[%swap3A_605, %swap3A_606], %swap3A_609 {strides = array<i32>} : memref<32x256xf32, #tpu.memory_space<vmem>>, vector<1x16xf32>,
    %get3A_610 = arith.constant 0 : i32
    %get3A_611 = arith.index_cast %get3A_610 : i32 to index
    %get3A_612 = arith.constant 48 : index
    %get3A_613 = tpu.vector_load %arg6[%get3A_611, %get3A_612] {strides = array<i32>} : memref<2x128xf32, #tpu.memory_space<vmem>>, vector<1x16xf32>,
    %get3A_614 = vector.shape_cast %get3A_613 : vector<1x16xf32> to vector<16xf32>
    %swap3A_615 = arith.constant 0 : i32
    %swap3A_616 = arith.index_cast %swap3A_615 : i32 to index
    %swap3A_617 = arith.constant 176 : index
    %swap3A_618 = tpu.vector_load %arg5[%swap3A_616, %swap3A_617] {strides = array<i32>} : memref<32x256xf32, #tpu.memory_space<vmem>>, vector<1x16xf32>,
    %swap3A_619 = vector.shape_cast %swap3A_618 : vector<1x16xf32> to vector<16xf32>
    %swap3A_620 = vector.shape_cast %get3A_614 : vector<16xf32> to vector<1x16xf32>
    tpu.vector_store %arg5[%swap3A_616, %swap3A_617], %swap3A_620 {strides = array<i32>} : memref<32x256xf32, #tpu.memory_space<vmem>>, vector<1x16xf32>,
    %swap3A_621 = arith.constant 1 : i32
    %swap3A_622 = arith.index_cast %swap3A_621 : i32 to index
    %swap3A_623 = arith.constant 176 : index
    %swap3A_624 = tpu.vector_load %arg5[%swap3A_622, %swap3A_623] {strides = array<i32>} : memref<32x256xf32, #tpu.memory_space<vmem>>, vector<1x16xf32>,
    %swap3A_625 = vector.shape_cast %swap3A_624 : vector<1x16xf32> to vector<16xf32>
    %swap3A_626 = vector.shape_cast %get3A_614 : vector<16xf32> to vector<1x16xf32>
    tpu.vector_store %arg5[%swap3A_622, %swap3A_623], %swap3A_626 {strides = array<i32>} : memref<32x256xf32, #tpu.memory_space<vmem>>, vector<1x16xf32>,
    %swap3A_627 = arith.constant 2 : i32
    %swap3A_628 = arith.index_cast %swap3A_627 : i32 to index
    %swap3A_629 = arith.constant 176 : index
    %swap3A_630 = tpu.vector_load %arg5[%swap3A_628, %swap3A_629] {strides = array<i32>} : memref<32x256xf32, #tpu.memory_space<vmem>>, vector<1x16xf32>,
    %swap3A_631 = vector.shape_cast %swap3A_630 : vector<1x16xf32> to vector<16xf32>
    %swap3A_632 = vector.shape_cast %get3A_614 : vector<16xf32> to vector<1x16xf32>
    tpu.vector_store %arg5[%swap3A_628, %swap3A_629], %swap3A_632 {strides = array<i32>} : memref<32x256xf32, #tpu.memory_space<vmem>>, vector<1x16xf32>,
    %swap3A_633 = arith.constant 3 : i32
    %swap3A_634 = arith.index_cast %swap3A_633 : i32 to index
    %swap3A_635 = arith.constant 176 : index
    %swap3A_636 = tpu.vector_load %arg5[%swap3A_634, %swap3A_635] {strides = array<i32>} : memref<32x256xf32, #tpu.memory_space<vmem>>, vector<1x16xf32>,
    %swap3A_637 = vector.shape_cast %swap3A_636 : vector<1x16xf32> to vector<16xf32>
    %swap3A_638 = vector.shape_cast %get3A_614 : vector<16xf32> to vector<1x16xf32>
    tpu.vector_store %arg5[%swap3A_634, %swap3A_635], %swap3A_638 {strides = array<i32>} : memref<32x256xf32, #tpu.memory_space<vmem>>, vector<1x16xf32>,
    %swap3A_639 = arith.constant 4 : i32
    %swap3A_640 = arith.index_cast %swap3A_639 : i32 to index
    %swap3A_641 = arith.constant 176 : index
    %swap3A_642 = tpu.vector_load %arg5[%swap3A_640, %swap3A_641] {strides = array<i32>} : memref<32x256xf32, #tpu.memory_space<vmem>>, vector<1x16xf32>,
    %swap3A_643 = vector.shape_cast %swap3A_642 : vector<1x16xf32> to vector<16xf32>
    %swap3A_644 = vector.shape_cast %get3A_614 : vector<16xf32> to vector<1x16xf32>
    tpu.vector_store %arg5[%swap3A_640, %swap3A_641], %swap3A_644 {strides = array<i32>} : memref<32x256xf32, #tpu.memory_space<vmem>>, vector<1x16xf32>,
    %swap3A_645 = arith.constant 5 : i32
    %swap3A_646 = arith.index_cast %swap3A_645 : i32 to index
    %swap3A_647 = arith.constant 176 : index
    %swap3A_648 = tpu.vector_load %arg5[%swap3A_646, %swap3A_647] {strides = array<i32>} : memref<32x256xf32, #tpu.memory_space<vmem>>, vector<1x16xf32>,
    %swap3A_649 = vector.shape_cast %swap3A_648 : vector<1x16xf32> to vector<16xf32>
    %swap3A_650 = vector.shape_cast %get3A_614 : vector<16xf32> to vector<1x16xf32>
    tpu.vector_store %arg5[%swap3A_646, %swap3A_647], %swap3A_650 {strides = array<i32>} : memref<32x256xf32, #tpu.memory_space<vmem>>, vector<1x16xf32>,
    %swap3A_651 = arith.constant 6 : i32
    %swap3A_652 = arith.index_cast %swap3A_651 : i32 to index
    %swap3A_653 = arith.constant 176 : index
    %swap3A_654 = tpu.vector_load %arg5[%swap3A_652, %swap3A_653] {strides = array<i32>} : memref<32x256xf32, #tpu.memory_space<vmem>>, vector<1x16xf32>,
    %swap3A_655 = vector.shape_cast %swap3A_654 : vector<1x16xf32> to vector<16xf32>
    %swap3A_656 = vector.shape_cast %get3A_614 : vector<16xf32> to vector<1x16xf32>
    tpu.vector_store %arg5[%swap3A_652, %swap3A_653], %swap3A_656 {strides = array<i32>} : memref<32x256xf32, #tpu.memory_space<vmem>>, vector<1x16xf32>,
    %swap3A_657 = arith.constant 7 : i32
    %swap3A_658 = arith.index_cast %swap3A_657 : i32 to index
    %swap3A_659 = arith.constant 176 : index
    %swap3A_660 = tpu.vector_load %arg5[%swap3A_658, %swap3A_659] {strides = array<i32>} : memref<32x256xf32, #tpu.memory_space<vmem>>, vector<1x16xf32>,
    %swap3A_661 = vector.shape_cast %swap3A_660 : vector<1x16xf32> to vector<16xf32>
    %swap3A_662 = vector.shape_cast %get3A_614 : vector<16xf32> to vector<1x16xf32>
    tpu.vector_store %arg5[%swap3A_658, %swap3A_659], %swap3A_662 {strides = array<i32>} : memref<32x256xf32, #tpu.memory_space<vmem>>, vector<1x16xf32>,
    %swap3A_663 = arith.constant 8 : i32
    %swap3A_664 = arith.index_cast %swap3A_663 : i32 to index
    %swap3A_665 = arith.constant 176 : index
    %swap3A_666 = tpu.vector_load %arg5[%swap3A_664, %swap3A_665] {strides = array<i32>} : memref<32x256xf32, #tpu.memory_space<vmem>>, vector<1x16xf32>,
    %swap3A_667 = vector.shape_cast %swap3A_666 : vector<1x16xf32> to vector<16xf32>
    %swap3A_668 = vector.shape_cast %get3A_614 : vector<16xf32> to vector<1x16xf32>
    tpu.vector_store %arg5[%swap3A_664, %swap3A_665], %swap3A_668 {strides = array<i32>} : memref<32x256xf32, #tpu.memory_space<vmem>>, vector<1x16xf32>,
    %swap3A_669 = arith.constant 9 : i32
    %swap3A_670 = arith.index_cast %swap3A_669 : i32 to index
    %swap3A_671 = arith.constant 176 : index
    %swap3A_672 = tpu.vector_load %arg5[%swap3A_670, %swap3A_671] {strides = array<i32>} : memref<32x256xf32, #tpu.memory_space<vmem>>, vector<1x16xf32>,
    %swap3A_673 = vector.shape_cast %swap3A_672 : vector<1x16xf32> to vector<16xf32>
    %swap3A_674 = vector.shape_cast %get3A_614 : vector<16xf32> to vector<1x16xf32>
    tpu.vector_store %arg5[%swap3A_670, %swap3A_671], %swap3A_674 {strides = array<i32>} : memref<32x256xf32, #tpu.memory_space<vmem>>, vector<1x16xf32>,
    %swap3A_675 = arith.constant 10 : i32
    %swap3A_676 = arith.index_cast %swap3A_675 : i32 to index
    %swap3A_677 = arith.constant 176 : index
    %swap3A_678 = tpu.vector_load %arg5[%swap3A_676, %swap3A_677] {strides = array<i32>} : memref<32x256xf32, #tpu.memory_space<vmem>>, vector<1x16xf32>,
    %swap3A_679 = vector.shape_cast %swap3A_678 : vector<1x16xf32> to vector<16xf32>
    %swap3A_680 = vector.shape_cast %get3A_614 : vector<16xf32> to vector<1x16xf32>
    tpu.vector_store %arg5[%swap3A_676, %swap3A_677], %swap3A_680 {strides = array<i32>} : memref<32x256xf32, #tpu.memory_space<vmem>>, vector<1x16xf32>,
    %swap3A_681 = arith.constant 11 : i32
    %swap3A_682 = arith.index_cast %swap3A_681 : i32 to index
    %swap3A_683 = arith.constant 176 : index
    %swap3A_684 = tpu.vector_load %arg5[%swap3A_682, %swap3A_683] {strides = array<i32>} : memref<32x256xf32, #tpu.memory_space<vmem>>, vector<1x16xf32>,
    %swap3A_685 = vector.shape_cast %swap3A_684 : vector<1x16xf32> to vector<16xf32>
    %swap3A_686 = vector.shape_cast %get3A_614 : vector<16xf32> to vector<1x16xf32>
    tpu.vector_store %arg5[%swap3A_682, %swap3A_683], %swap3A_686 {strides = array<i32>} : memref<32x256xf32, #tpu.memory_space<vmem>>, vector<1x16xf32>,
    %swap3A_687 = arith.constant 12 : i32
    %swap3A_688 = arith.index_cast %swap3A_687 : i32 to index
    %swap3A_689 = arith.constant 176 : index
    %swap3A_690 = tpu.vector_load %arg5[%swap3A_688, %swap3A_689] {strides = array<i32>} : memref<32x256xf32, #tpu.memory_space<vmem>>, vector<1x16xf32>,
    %swap3A_691 = vector.shape_cast %swap3A_690 : vector<1x16xf32> to vector<16xf32>
    %swap3A_692 = vector.shape_cast %get3A_614 : vector<16xf32> to vector<1x16xf32>
    tpu.vector_store %arg5[%swap3A_688, %swap3A_689], %swap3A_692 {strides = array<i32>} : memref<32x256xf32, #tpu.memory_space<vmem>>, vector<1x16xf32>,
    %swap3A_693 = arith.constant 13 : i32
    %swap3A_694 = arith.index_cast %swap3A_693 : i32 to index
    %swap3A_695 = arith.constant 176 : index
    %swap3A_696 = tpu.vector_load %arg5[%swap3A_694, %swap3A_695] {strides = array<i32>} : memref<32x256xf32, #tpu.memory_space<vmem>>, vector<1x16xf32>,
    %swap3A_697 = vector.shape_cast %swap3A_696 : vector<1x16xf32> to vector<16xf32>
    %swap3A_698 = vector.shape_cast %get3A_614 : vector<16xf32> to vector<1x16xf32>
    tpu.vector_store %arg5[%swap3A_694, %swap3A_695], %swap3A_698 {strides = array<i32>} : memref<32x256xf32, #tpu.memory_space<vmem>>, vector<1x16xf32>,
    %swap3A_699 = arith.constant 14 : i32
    %swap3A_700 = arith.index_cast %swap3A_699 : i32 to index
    %swap3A_701 = arith.constant 176 : index
    %swap3A_702 = tpu.vector_load %arg5[%swap3A_700, %swap3A_701] {strides = array<i32>} : memref<32x256xf32, #tpu.memory_space<vmem>>, vector<1x16xf32>,
    %swap3A_703 = vector.shape_cast %swap3A_702 : vector<1x16xf32> to vector<16xf32>
    %swap3A_704 = vector.shape_cast %get3A_614 : vector<16xf32> to vector<1x16xf32>
    tpu.vector_store %arg5[%swap3A_700, %swap3A_701], %swap3A_704 {strides = array<i32>} : memref<32x256xf32, #tpu.memory_space<vmem>>, vector<1x16xf32>,
    %swap3A_705 = arith.constant 15 : i32
    %swap3A_706 = arith.index_cast %swap3A_705 : i32 to index
    %swap3A_707 = arith.constant 176 : index
    %swap3A_708 = tpu.vector_load %arg5[%swap3A_706, %swap3A_707] {strides = array<i32>} : memref<32x256xf32, #tpu.memory_space<vmem>>, vector<1x16xf32>,
    %swap3A_709 = vector.shape_cast %swap3A_708 : vector<1x16xf32> to vector<16xf32>
    %swap3A_710 = vector.shape_cast %get3A_614 : vector<16xf32> to vector<1x16xf32>
    tpu.vector_store %arg5[%swap3A_706, %swap3A_707], %swap3A_710 {strides = array<i32>} : memref<32x256xf32, #tpu.memory_space<vmem>>, vector<1x16xf32>,
    %swap3A_711 = arith.constant 16 : i32
    %swap3A_712 = arith.index_cast %swap3A_711 : i32 to index
    %swap3A_713 = arith.constant 176 : index
    %swap3A_714 = tpu.vector_load %arg5[%swap3A_712, %swap3A_713] {strides = array<i32>} : memref<32x256xf32, #tpu.memory_space<vmem>>, vector<1x16xf32>,
    %swap3A_715 = vector.shape_cast %swap3A_714 : vector<1x16xf32> to vector<16xf32>
    %swap3A_716 = vector.shape_cast %get3A_614 : vector<16xf32> to vector<1x16xf32>
    tpu.vector_store %arg5[%swap3A_712, %swap3A_713], %swap3A_716 {strides = array<i32>} : memref<32x256xf32, #tpu.memory_space<vmem>>, vector<1x16xf32>,
    %swap3A_717 = arith.constant 17 : i32
    %swap3A_718 = arith.index_cast %swap3A_717 : i32 to index
    %swap3A_719 = arith.constant 176 : index
    %swap3A_720 = tpu.vector_load %arg5[%swap3A_718, %swap3A_719] {strides = array<i32>} : memref<32x256xf32, #tpu.memory_space<vmem>>, vector<1x16xf32>,
    %swap3A_721 = vector.shape_cast %swap3A_720 : vector<1x16xf32> to vector<16xf32>
    %swap3A_722 = vector.shape_cast %get3A_614 : vector<16xf32> to vector<1x16xf32>
    tpu.vector_store %arg5[%swap3A_718, %swap3A_719], %swap3A_722 {strides = array<i32>} : memref<32x256xf32, #tpu.memory_space<vmem>>, vector<1x16xf32>,
    %swap3A_723 = arith.constant 18 : i32
    %swap3A_724 = arith.index_cast %swap3A_723 : i32 to index
    %swap3A_725 = arith.constant 176 : index
    %swap3A_726 = tpu.vector_load %arg5[%swap3A_724, %swap3A_725] {strides = array<i32>} : memref<32x256xf32, #tpu.memory_space<vmem>>, vector<1x16xf32>,
    %swap3A_727 = vector.shape_cast %swap3A_726 : vector<1x16xf32> to vector<16xf32>
    %swap3A_728 = vector.shape_cast %get3A_614 : vector<16xf32> to vector<1x16xf32>
    tpu.vector_store %arg5[%swap3A_724, %swap3A_725], %swap3A_728 {strides = array<i32>} : memref<32x256xf32, #tpu.memory_space<vmem>>, vector<1x16xf32>,
    %swap3A_729 = arith.constant 19 : i32
    %swap3A_730 = arith.index_cast %swap3A_729 : i32 to index
    %swap3A_731 = arith.constant 176 : index
    %swap3A_732 = tpu.vector_load %arg5[%swap3A_730, %swap3A_731] {strides = array<i32>} : memref<32x256xf32, #tpu.memory_space<vmem>>, vector<1x16xf32>,
    %swap3A_733 = vector.shape_cast %swap3A_732 : vector<1x16xf32> to vector<16xf32>
    %swap3A_734 = vector.shape_cast %get3A_614 : vector<16xf32> to vector<1x16xf32>
    tpu.vector_store %arg5[%swap3A_730, %swap3A_731], %swap3A_734 {strides = array<i32>} : memref<32x256xf32, #tpu.memory_space<vmem>>, vector<1x16xf32>,
    %swap3A_735 = arith.constant 20 : i32
    %swap3A_736 = arith.index_cast %swap3A_735 : i32 to index
    %swap3A_737 = arith.constant 176 : index
    %swap3A_738 = tpu.vector_load %arg5[%swap3A_736, %swap3A_737] {strides = array<i32>} : memref<32x256xf32, #tpu.memory_space<vmem>>, vector<1x16xf32>,
    %swap3A_739 = vector.shape_cast %swap3A_738 : vector<1x16xf32> to vector<16xf32>
    %swap3A_740 = vector.shape_cast %get3A_614 : vector<16xf32> to vector<1x16xf32>
    tpu.vector_store %arg5[%swap3A_736, %swap3A_737], %swap3A_740 {strides = array<i32>} : memref<32x256xf32, #tpu.memory_space<vmem>>, vector<1x16xf32>,
    %swap3A_741 = arith.constant 21 : i32
    %swap3A_742 = arith.index_cast %swap3A_741 : i32 to index
    %swap3A_743 = arith.constant 176 : index
    %swap3A_744 = tpu.vector_load %arg5[%swap3A_742, %swap3A_743] {strides = array<i32>} : memref<32x256xf32, #tpu.memory_space<vmem>>, vector<1x16xf32>,
    %swap3A_745 = vector.shape_cast %swap3A_744 : vector<1x16xf32> to vector<16xf32>
    %swap3A_746 = vector.shape_cast %get3A_614 : vector<16xf32> to vector<1x16xf32>
    tpu.vector_store %arg5[%swap3A_742, %swap3A_743], %swap3A_746 {strides = array<i32>} : memref<32x256xf32, #tpu.memory_space<vmem>>, vector<1x16xf32>,
    %swap3A_747 = arith.constant 22 : i32
    %swap3A_748 = arith.index_cast %swap3A_747 : i32 to index
    %swap3A_749 = arith.constant 176 : index
    %swap3A_750 = tpu.vector_load %arg5[%swap3A_748, %swap3A_749] {strides = array<i32>} : memref<32x256xf32, #tpu.memory_space<vmem>>, vector<1x16xf32>,
    %swap3A_751 = vector.shape_cast %swap3A_750 : vector<1x16xf32> to vector<16xf32>
    %swap3A_752 = vector.shape_cast %get3A_614 : vector<16xf32> to vector<1x16xf32>
    tpu.vector_store %arg5[%swap3A_748, %swap3A_749], %swap3A_752 {strides = array<i32>} : memref<32x256xf32, #tpu.memory_space<vmem>>, vector<1x16xf32>,
    %swap3A_753 = arith.constant 23 : i32
    %swap3A_754 = arith.index_cast %swap3A_753 : i32 to index
    %swap3A_755 = arith.constant 176 : index
    %swap3A_756 = tpu.vector_load %arg5[%swap3A_754, %swap3A_755] {strides = array<i32>} : memref<32x256xf32, #tpu.memory_space<vmem>>, vector<1x16xf32>,
    %swap3A_757 = vector.shape_cast %swap3A_756 : vector<1x16xf32> to vector<16xf32>
    %swap3A_758 = vector.shape_cast %get3A_614 : vector<16xf32> to vector<1x16xf32>
    tpu.vector_store %arg5[%swap3A_754, %swap3A_755], %swap3A_758 {strides = array<i32>} : memref<32x256xf32, #tpu.memory_space<vmem>>, vector<1x16xf32>,
    %swap3A_759 = arith.constant 24 : i32
    %swap3A_760 = arith.index_cast %swap3A_759 : i32 to index
    %swap3A_761 = arith.constant 176 : index
    %swap3A_762 = tpu.vector_load %arg5[%swap3A_760, %swap3A_761] {strides = array<i32>} : memref<32x256xf32, #tpu.memory_space<vmem>>, vector<1x16xf32>,
    %swap3A_763 = vector.shape_cast %swap3A_762 : vector<1x16xf32> to vector<16xf32>
    %swap3A_764 = vector.shape_cast %get3A_614 : vector<16xf32> to vector<1x16xf32>
    tpu.vector_store %arg5[%swap3A_760, %swap3A_761], %swap3A_764 {strides = array<i32>} : memref<32x256xf32, #tpu.memory_space<vmem>>, vector<1x16xf32>,
    %swap3A_765 = arith.constant 25 : i32
    %swap3A_766 = arith.index_cast %swap3A_765 : i32 to index
    %swap3A_767 = arith.constant 176 : index
    %swap3A_768 = tpu.vector_load %arg5[%swap3A_766, %swap3A_767] {strides = array<i32>} : memref<32x256xf32, #tpu.memory_space<vmem>>, vector<1x16xf32>,
    %swap3A_769 = vector.shape_cast %swap3A_768 : vector<1x16xf32> to vector<16xf32>
    %swap3A_770 = vector.shape_cast %get3A_614 : vector<16xf32> to vector<1x16xf32>
    tpu.vector_store %arg5[%swap3A_766, %swap3A_767], %swap3A_770 {strides = array<i32>} : memref<32x256xf32, #tpu.memory_space<vmem>>, vector<1x16xf32>,
    %swap3A_771 = arith.constant 26 : i32
    %swap3A_772 = arith.index_cast %swap3A_771 : i32 to index
    %swap3A_773 = arith.constant 176 : index
    %swap3A_774 = tpu.vector_load %arg5[%swap3A_772, %swap3A_773] {strides = array<i32>} : memref<32x256xf32, #tpu.memory_space<vmem>>, vector<1x16xf32>,
    %swap3A_775 = vector.shape_cast %swap3A_774 : vector<1x16xf32> to vector<16xf32>
    %swap3A_776 = vector.shape_cast %get3A_614 : vector<16xf32> to vector<1x16xf32>
    tpu.vector_store %arg5[%swap3A_772, %swap3A_773], %swap3A_776 {strides = array<i32>} : memref<32x256xf32, #tpu.memory_space<vmem>>, vector<1x16xf32>,
    %swap3A_777 = arith.constant 27 : i32
    %swap3A_778 = arith.index_cast %swap3A_777 : i32 to index
    %swap3A_779 = arith.constant 176 : index
    %swap3A_780 = tpu.vector_load %arg5[%swap3A_778, %swap3A_779] {strides = array<i32>} : memref<32x256xf32, #tpu.memory_space<vmem>>, vector<1x16xf32>,
    %swap3A_781 = vector.shape_cast %swap3A_780 : vector<1x16xf32> to vector<16xf32>
    %swap3A_782 = vector.shape_cast %get3A_614 : vector<16xf32> to vector<1x16xf32>
    tpu.vector_store %arg5[%swap3A_778, %swap3A_779], %swap3A_782 {strides = array<i32>} : memref<32x256xf32, #tpu.memory_space<vmem>>, vector<1x16xf32>,
    %swap3A_783 = arith.constant 28 : i32
    %swap3A_784 = arith.index_cast %swap3A_783 : i32 to index
    %swap3A_785 = arith.constant 176 : index
    %swap3A_786 = tpu.vector_load %arg5[%swap3A_784, %swap3A_785] {strides = array<i32>} : memref<32x256xf32, #tpu.memory_space<vmem>>, vector<1x16xf32>,
    %swap3A_787 = vector.shape_cast %swap3A_786 : vector<1x16xf32> to vector<16xf32>
    %swap3A_788 = vector.shape_cast %get3A_614 : vector<16xf32> to vector<1x16xf32>
    tpu.vector_store %arg5[%swap3A_784, %swap3A_785], %swap3A_788 {strides = array<i32>} : memref<32x256xf32, #tpu.memory_space<vmem>>, vector<1x16xf32>,
    %swap3A_789 = arith.constant 29 : i32
    %swap3A_790 = arith.index_cast %swap3A_789 : i32 to index
    %swap3A_791 = arith.constant 176 : index
    %swap3A_792 = tpu.vector_load %arg5[%swap3A_790, %swap3A_791] {strides = array<i32>} : memref<32x256xf32, #tpu.memory_space<vmem>>, vector<1x16xf32>,
    %swap3A_793 = vector.shape_cast %swap3A_792 : vector<1x16xf32> to vector<16xf32>
    %swap3A_794 = vector.shape_cast %get3A_614 : vector<16xf32> to vector<1x16xf32>
    tpu.vector_store %arg5[%swap3A_790, %swap3A_791], %swap3A_794 {strides = array<i32>} : memref<32x256xf32, #tpu.memory_space<vmem>>, vector<1x16xf32>,
    %swap3A_795 = arith.constant 30 : i32
    %swap3A_796 = arith.index_cast %swap3A_795 : i32 to index
    %swap3A_797 = arith.constant 176 : index
    %swap3A_798 = tpu.vector_load %arg5[%swap3A_796, %swap3A_797] {strides = array<i32>} : memref<32x256xf32, #tpu.memory_space<vmem>>, vector<1x16xf32>,
    %swap3A_799 = vector.shape_cast %swap3A_798 : vector<1x16xf32> to vector<16xf32>
    %swap3A_800 = vector.shape_cast %get3A_614 : vector<16xf32> to vector<1x16xf32>
    tpu.vector_store %arg5[%swap3A_796, %swap3A_797], %swap3A_800 {strides = array<i32>} : memref<32x256xf32, #tpu.memory_space<vmem>>, vector<1x16xf32>,
    %swap3A_801 = arith.constant 31 : i32
    %swap3A_802 = arith.index_cast %swap3A_801 : i32 to index
    %swap3A_803 = arith.constant 176 : index
    %swap3A_804 = tpu.vector_load %arg5[%swap3A_802, %swap3A_803] {strides = array<i32>} : memref<32x256xf32, #tpu.memory_space<vmem>>, vector<1x16xf32>,
    %swap3A_805 = vector.shape_cast %swap3A_804 : vector<1x16xf32> to vector<16xf32>
    %swap3A_806 = vector.shape_cast %get3A_614 : vector<16xf32> to vector<1x16xf32>
    tpu.vector_store %arg5[%swap3A_802, %swap3A_803], %swap3A_806 {strides = array<i32>} : memref<32x256xf32, #tpu.memory_space<vmem>>, vector<1x16xf32>,
    %get3A_807 = arith.constant 0 : i32
    %get3A_808 = arith.index_cast %get3A_807 : i32 to index
    %get3A_809 = arith.constant 64 : index
    %get3A_810 = tpu.vector_load %arg6[%get3A_808, %get3A_809] {strides = array<i32>} : memref<2x128xf32, #tpu.memory_space<vmem>>, vector<1x16xf32>,
    %get3A_811 = vector.shape_cast %get3A_810 : vector<1x16xf32> to vector<16xf32>
    %swap3A_812 = arith.constant 0 : i32
    %swap3A_813 = arith.index_cast %swap3A_812 : i32 to index
    %swap3A_814 = arith.constant 192 : index
    %swap3A_815 = tpu.vector_load %arg5[%swap3A_813, %swap3A_814] {strides = array<i32>} : memref<32x256xf32, #tpu.memory_space<vmem>>, vector<1x16xf32>,
    %swap3A_816 = vector.shape_cast %swap3A_815 : vector<1x16xf32> to vector<16xf32>
    %swap3A_817 = vector.shape_cast %get3A_811 : vector<16xf32> to vector<1x16xf32>
    tpu.vector_store %arg5[%swap3A_813, %swap3A_814], %swap3A_817 {strides = array<i32>} : memref<32x256xf32, #tpu.memory_space<vmem>>, vector<1x16xf32>,
    %swap3A_818 = arith.constant 1 : i32
    %swap3A_819 = arith.index_cast %swap3A_818 : i32 to index
    %swap3A_820 = arith.constant 192 : index
    %swap3A_821 = tpu.vector_load %arg5[%swap3A_819, %swap3A_820] {strides = array<i32>} : memref<32x256xf32, #tpu.memory_space<vmem>>, vector<1x16xf32>,
    %swap3A_822 = vector.shape_cast %swap3A_821 : vector<1x16xf32> to vector<16xf32>
    %swap3A_823 = vector.shape_cast %get3A_811 : vector<16xf32> to vector<1x16xf32>
    tpu.vector_store %arg5[%swap3A_819, %swap3A_820], %swap3A_823 {strides = array<i32>} : memref<32x256xf32, #tpu.memory_space<vmem>>, vector<1x16xf32>,
    %swap3A_824 = arith.constant 2 : i32
    %swap3A_825 = arith.index_cast %swap3A_824 : i32 to index
    %swap3A_826 = arith.constant 192 : index
    %swap3A_827 = tpu.vector_load %arg5[%swap3A_825, %swap3A_826] {strides = array<i32>} : memref<32x256xf32, #tpu.memory_space<vmem>>, vector<1x16xf32>,
    %swap3A_828 = vector.shape_cast %swap3A_827 : vector<1x16xf32> to vector<16xf32>
    %swap3A_829 = vector.shape_cast %get3A_811 : vector<16xf32> to vector<1x16xf32>
    tpu.vector_store %arg5[%swap3A_825, %swap3A_826], %swap3A_829 {strides = array<i32>} : memref<32x256xf32, #tpu.memory_space<vmem>>, vector<1x16xf32>,
    %swap3A_830 = arith.constant 3 : i32
    %swap3A_831 = arith.index_cast %swap3A_830 : i32 to index
    %swap3A_832 = arith.constant 192 : index
    %swap3A_833 = tpu.vector_load %arg5[%swap3A_831, %swap3A_832] {strides = array<i32>} : memref<32x256xf32, #tpu.memory_space<vmem>>, vector<1x16xf32>,
    %swap3A_834 = vector.shape_cast %swap3A_833 : vector<1x16xf32> to vector<16xf32>
    %swap3A_835 = vector.shape_cast %get3A_811 : vector<16xf32> to vector<1x16xf32>
    tpu.vector_store %arg5[%swap3A_831, %swap3A_832], %swap3A_835 {strides = array<i32>} : memref<32x256xf32, #tpu.memory_space<vmem>>, vector<1x16xf32>,
    %swap3A_836 = arith.constant 4 : i32
    %swap3A_837 = arith.index_cast %swap3A_836 : i32 to index
    %swap3A_838 = arith.constant 192 : index
    %swap3A_839 = tpu.vector_load %arg5[%swap3A_837, %swap3A_838] {strides = array<i32>} : memref<32x256xf32, #tpu.memory_space<vmem>>, vector<1x16xf32>,
    %swap3A_840 = vector.shape_cast %swap3A_839 : vector<1x16xf32> to vector<16xf32>
    %swap3A_841 = vector.shape_cast %get3A_811 : vector<16xf32> to vector<1x16xf32>
    tpu.vector_store %arg5[%swap3A_837, %swap3A_838], %swap3A_841 {strides = array<i32>} : memref<32x256xf32, #tpu.memory_space<vmem>>, vector<1x16xf32>,
    %swap3A_842 = arith.constant 5 : i32
    %swap3A_843 = arith.index_cast %swap3A_842 : i32 to index
    %swap3A_844 = arith.constant 192 : index
    %swap3A_845 = tpu.vector_load %arg5[%swap3A_843, %swap3A_844] {strides = array<i32>} : memref<32x256xf32, #tpu.memory_space<vmem>>, vector<1x16xf32>,
    %swap3A_846 = vector.shape_cast %swap3A_845 : vector<1x16xf32> to vector<16xf32>
    %swap3A_847 = vector.shape_cast %get3A_811 : vector<16xf32> to vector<1x16xf32>
    tpu.vector_store %arg5[%swap3A_843, %swap3A_844], %swap3A_847 {strides = array<i32>} : memref<32x256xf32, #tpu.memory_space<vmem>>, vector<1x16xf32>,
    %swap3A_848 = arith.constant 6 : i32
    %swap3A_849 = arith.index_cast %swap3A_848 : i32 to index
    %swap3A_850 = arith.constant 192 : index
    %swap3A_851 = tpu.vector_load %arg5[%swap3A_849, %swap3A_850] {strides = array<i32>} : memref<32x256xf32, #tpu.memory_space<vmem>>, vector<1x16xf32>,
    %swap3A_852 = vector.shape_cast %swap3A_851 : vector<1x16xf32> to vector<16xf32>
    %swap3A_853 = vector.shape_cast %get3A_811 : vector<16xf32> to vector<1x16xf32>
    tpu.vector_store %arg5[%swap3A_849, %swap3A_850], %swap3A_853 {strides = array<i32>} : memref<32x256xf32, #tpu.memory_space<vmem>>, vector<1x16xf32>,
    %swap3A_854 = arith.constant 7 : i32
    %swap3A_855 = arith.index_cast %swap3A_854 : i32 to index
    %swap3A_856 = arith.constant 192 : index
    %swap3A_857 = tpu.vector_load %arg5[%swap3A_855, %swap3A_856] {strides = array<i32>} : memref<32x256xf32, #tpu.memory_space<vmem>>, vector<1x16xf32>,
    %swap3A_858 = vector.shape_cast %swap3A_857 : vector<1x16xf32> to vector<16xf32>
    %swap3A_859 = vector.shape_cast %get3A_811 : vector<16xf32> to vector<1x16xf32>
    tpu.vector_store %arg5[%swap3A_855, %swap3A_856], %swap3A_859 {strides = array<i32>} : memref<32x256xf32, #tpu.memory_space<vmem>>, vector<1x16xf32>,
    %swap3A_860 = arith.constant 8 : i32
    %swap3A_861 = arith.index_cast %swap3A_860 : i32 to index
    %swap3A_862 = arith.constant 192 : index
    %swap3A_863 = tpu.vector_load %arg5[%swap3A_861, %swap3A_862] {strides = array<i32>} : memref<32x256xf32, #tpu.memory_space<vmem>>, vector<1x16xf32>,
    %swap3A_864 = vector.shape_cast %swap3A_863 : vector<1x16xf32> to vector<16xf32>
    %swap3A_865 = vector.shape_cast %get3A_811 : vector<16xf32> to vector<1x16xf32>
    tpu.vector_store %arg5[%swap3A_861, %swap3A_862], %swap3A_865 {strides = array<i32>} : memref<32x256xf32, #tpu.memory_space<vmem>>, vector<1x16xf32>,
    %swap3A_866 = arith.constant 9 : i32
    %swap3A_867 = arith.index_cast %swap3A_866 : i32 to index
    %swap3A_868 = arith.constant 192 : index
    %swap3A_869 = tpu.vector_load %arg5[%swap3A_867, %swap3A_868] {strides = array<i32>} : memref<32x256xf32, #tpu.memory_space<vmem>>, vector<1x16xf32>,
    %swap3A_870 = vector.shape_cast %swap3A_869 : vector<1x16xf32> to vector<16xf32>
    %swap3A_871 = vector.shape_cast %get3A_811 : vector<16xf32> to vector<1x16xf32>
    tpu.vector_store %arg5[%swap3A_867, %swap3A_868], %swap3A_871 {strides = array<i32>} : memref<32x256xf32, #tpu.memory_space<vmem>>, vector<1x16xf32>,
    %swap3A_872 = arith.constant 10 : i32
    %swap3A_873 = arith.index_cast %swap3A_872 : i32 to index
    %swap3A_874 = arith.constant 192 : index
    %swap3A_875 = tpu.vector_load %arg5[%swap3A_873, %swap3A_874] {strides = array<i32>} : memref<32x256xf32, #tpu.memory_space<vmem>>, vector<1x16xf32>,
    %swap3A_876 = vector.shape_cast %swap3A_875 : vector<1x16xf32> to vector<16xf32>
    %swap3A_877 = vector.shape_cast %get3A_811 : vector<16xf32> to vector<1x16xf32>
    tpu.vector_store %arg5[%swap3A_873, %swap3A_874], %swap3A_877 {strides = array<i32>} : memref<32x256xf32, #tpu.memory_space<vmem>>, vector<1x16xf32>,
    %swap3A_878 = arith.constant 11 : i32
    %swap3A_879 = arith.index_cast %swap3A_878 : i32 to index
    %swap3A_880 = arith.constant 192 : index
    %swap3A_881 = tpu.vector_load %arg5[%swap3A_879, %swap3A_880] {strides = array<i32>} : memref<32x256xf32, #tpu.memory_space<vmem>>, vector<1x16xf32>,
    %swap3A_882 = vector.shape_cast %swap3A_881 : vector<1x16xf32> to vector<16xf32>
    %swap3A_883 = vector.shape_cast %get3A_811 : vector<16xf32> to vector<1x16xf32>
    tpu.vector_store %arg5[%swap3A_879, %swap3A_880], %swap3A_883 {strides = array<i32>} : memref<32x256xf32, #tpu.memory_space<vmem>>, vector<1x16xf32>,
    %swap3A_884 = arith.constant 12 : i32
    %swap3A_885 = arith.index_cast %swap3A_884 : i32 to index
    %swap3A_886 = arith.constant 192 : index
    %swap3A_887 = tpu.vector_load %arg5[%swap3A_885, %swap3A_886] {strides = array<i32>} : memref<32x256xf32, #tpu.memory_space<vmem>>, vector<1x16xf32>,
    %swap3A_888 = vector.shape_cast %swap3A_887 : vector<1x16xf32> to vector<16xf32>
    %swap3A_889 = vector.shape_cast %get3A_811 : vector<16xf32> to vector<1x16xf32>
    tpu.vector_store %arg5[%swap3A_885, %swap3A_886], %swap3A_889 {strides = array<i32>} : memref<32x256xf32, #tpu.memory_space<vmem>>, vector<1x16xf32>,
    %swap3A_890 = arith.constant 13 : i32
    %swap3A_891 = arith.index_cast %swap3A_890 : i32 to index
    %swap3A_892 = arith.constant 192 : index
    %swap3A_893 = tpu.vector_load %arg5[%swap3A_891, %swap3A_892] {strides = array<i32>} : memref<32x256xf32, #tpu.memory_space<vmem>>, vector<1x16xf32>,
    %swap3A_894 = vector.shape_cast %swap3A_893 : vector<1x16xf32> to vector<16xf32>
    %swap3A_895 = vector.shape_cast %get3A_811 : vector<16xf32> to vector<1x16xf32>
    tpu.vector_store %arg5[%swap3A_891, %swap3A_892], %swap3A_895 {strides = array<i32>} : memref<32x256xf32, #tpu.memory_space<vmem>>, vector<1x16xf32>,
    %swap3A_896 = arith.constant 14 : i32
    %swap3A_897 = arith.index_cast %swap3A_896 : i32 to index
    %swap3A_898 = arith.constant 192 : index
    %swap3A_899 = tpu.vector_load %arg5[%swap3A_897, %swap3A_898] {strides = array<i32>} : memref<32x256xf32, #tpu.memory_space<vmem>>, vector<1x16xf32>,
    %swap3A_900 = vector.shape_cast %swap3A_899 : vector<1x16xf32> to vector<16xf32>
    %swap3A_901 = vector.shape_cast %get3A_811 : vector<16xf32> to vector<1x16xf32>
    tpu.vector_store %arg5[%swap3A_897, %swap3A_898], %swap3A_901 {strides = array<i32>} : memref<32x256xf32, #tpu.memory_space<vmem>>, vector<1x16xf32>,
    %swap3A_902 = arith.constant 15 : i32
    %swap3A_903 = arith.index_cast %swap3A_902 : i32 to index
    %swap3A_904 = arith.constant 192 : index
    %swap3A_905 = tpu.vector_load %arg5[%swap3A_903, %swap3A_904] {strides = array<i32>} : memref<32x256xf32, #tpu.memory_space<vmem>>, vector<1x16xf32>,
    %swap3A_906 = vector.shape_cast %swap3A_905 : vector<1x16xf32> to vector<16xf32>
    %swap3A_907 = vector.shape_cast %get3A_811 : vector<16xf32> to vector<1x16xf32>
    tpu.vector_store %arg5[%swap3A_903, %swap3A_904], %swap3A_907 {strides = array<i32>} : memref<32x256xf32, #tpu.memory_space<vmem>>, vector<1x16xf32>,
    %swap3A_908 = arith.constant 16 : i32
    %swap3A_909 = arith.index_cast %swap3A_908 : i32 to index
    %swap3A_910 = arith.constant 192 : index
    %swap3A_911 = tpu.vector_load %arg5[%swap3A_909, %swap3A_910] {strides = array<i32>} : memref<32x256xf32, #tpu.memory_space<vmem>>, vector<1x16xf32>,
    %swap3A_912 = vector.shape_cast %swap3A_911 : vector<1x16xf32> to vector<16xf32>
    %swap3A_913 = vector.shape_cast %get3A_811 : vector<16xf32> to vector<1x16xf32>
    tpu.vector_store %arg5[%swap3A_909, %swap3A_910], %swap3A_913 {strides = array<i32>} : memref<32x256xf32, #tpu.memory_space<vmem>>, vector<1x16xf32>,
    %swap3A_914 = arith.constant 17 : i32
    %swap3A_915 = arith.index_cast %swap3A_914 : i32 to index
    %swap3A_916 = arith.constant 192 : index
    %swap3A_917 = tpu.vector_load %arg5[%swap3A_915, %swap3A_916] {strides = array<i32>} : memref<32x256xf32, #tpu.memory_space<vmem>>, vector<1x16xf32>,
    %swap3A_918 = vector.shape_cast %swap3A_917 : vector<1x16xf32> to vector<16xf32>
    %swap3A_919 = vector.shape_cast %get3A_811 : vector<16xf32> to vector<1x16xf32>
    tpu.vector_store %arg5[%swap3A_915, %swap3A_916], %swap3A_919 {strides = array<i32>} : memref<32x256xf32, #tpu.memory_space<vmem>>, vector<1x16xf32>,
    %swap3A_920 = arith.constant 18 : i32
    %swap3A_921 = arith.index_cast %swap3A_920 : i32 to index
    %swap3A_922 = arith.constant 192 : index
    %swap3A_923 = tpu.vector_load %arg5[%swap3A_921, %swap3A_922] {strides = array<i32>} : memref<32x256xf32, #tpu.memory_space<vmem>>, vector<1x16xf32>,
    %swap3A_924 = vector.shape_cast %swap3A_923 : vector<1x16xf32> to vector<16xf32>
    %swap3A_925 = vector.shape_cast %get3A_811 : vector<16xf32> to vector<1x16xf32>
    tpu.vector_store %arg5[%swap3A_921, %swap3A_922], %swap3A_925 {strides = array<i32>} : memref<32x256xf32, #tpu.memory_space<vmem>>, vector<1x16xf32>,
    %swap3A_926 = arith.constant 19 : i32
    %swap3A_927 = arith.index_cast %swap3A_926 : i32 to index
    %swap3A_928 = arith.constant 192 : index
    %swap3A_929 = tpu.vector_load %arg5[%swap3A_927, %swap3A_928] {strides = array<i32>} : memref<32x256xf32, #tpu.memory_space<vmem>>, vector<1x16xf32>,
    %swap3A_930 = vector.shape_cast %swap3A_929 : vector<1x16xf32> to vector<16xf32>
    %swap3A_931 = vector.shape_cast %get3A_811 : vector<16xf32> to vector<1x16xf32>
    tpu.vector_store %arg5[%swap3A_927, %swap3A_928], %swap3A_931 {strides = array<i32>} : memref<32x256xf32, #tpu.memory_space<vmem>>, vector<1x16xf32>,
    %swap3A_932 = arith.constant 20 : i32
    %swap3A_933 = arith.index_cast %swap3A_932 : i32 to index
    %swap3A_934 = arith.constant 192 : index
    %swap3A_935 = tpu.vector_load %arg5[%swap3A_933, %swap3A_934] {strides = array<i32>} : memref<32x256xf32, #tpu.memory_space<vmem>>, vector<1x16xf32>,
    %swap3A_936 = vector.shape_cast %swap3A_935 : vector<1x16xf32> to vector<16xf32>
    %swap3A_937 = vector.shape_cast %get3A_811 : vector<16xf32> to vector<1x16xf32>
    tpu.vector_store %arg5[%swap3A_933, %swap3A_934], %swap3A_937 {strides = array<i32>} : memref<32x256xf32, #tpu.memory_space<vmem>>, vector<1x16xf32>,
    %swap3A_938 = arith.constant 21 : i32
    %swap3A_939 = arith.index_cast %swap3A_938 : i32 to index
    %swap3A_940 = arith.constant 192 : index
    %swap3A_941 = tpu.vector_load %arg5[%swap3A_939, %swap3A_940] {strides = array<i32>} : memref<32x256xf32, #tpu.memory_space<vmem>>, vector<1x16xf32>,
    %swap3A_942 = vector.shape_cast %swap3A_941 : vector<1x16xf32> to vector<16xf32>
    %swap3A_943 = vector.shape_cast %get3A_811 : vector<16xf32> to vector<1x16xf32>
    tpu.vector_store %arg5[%swap3A_939, %swap3A_940], %swap3A_943 {strides = array<i32>} : memref<32x256xf32, #tpu.memory_space<vmem>>, vector<1x16xf32>,
    %swap3A_944 = arith.constant 22 : i32
    %swap3A_945 = arith.index_cast %swap3A_944 : i32 to index
    %swap3A_946 = arith.constant 192 : index
    %swap3A_947 = tpu.vector_load %arg5[%swap3A_945, %swap3A_946] {strides = array<i32>} : memref<32x256xf32, #tpu.memory_space<vmem>>, vector<1x16xf32>,
    %swap3A_948 = vector.shape_cast %swap3A_947 : vector<1x16xf32> to vector<16xf32>
    %swap3A_949 = vector.shape_cast %get3A_811 : vector<16xf32> to vector<1x16xf32>
    tpu.vector_store %arg5[%swap3A_945, %swap3A_946], %swap3A_949 {strides = array<i32>} : memref<32x256xf32, #tpu.memory_space<vmem>>, vector<1x16xf32>,
    %swap3A_950 = arith.constant 23 : i32
    %swap3A_951 = arith.index_cast %swap3A_950 : i32 to index
    %swap3A_952 = arith.constant 192 : index
    %swap3A_953 = tpu.vector_load %arg5[%swap3A_951, %swap3A_952] {strides = array<i32>} : memref<32x256xf32, #tpu.memory_space<vmem>>, vector<1x16xf32>,
    %swap3A_954 = vector.shape_cast %swap3A_953 : vector<1x16xf32> to vector<16xf32>
    %swap3A_955 = vector.shape_cast %get3A_811 : vector<16xf32> to vector<1x16xf32>
    tpu.vector_store %arg5[%swap3A_951, %swap3A_952], %swap3A_955 {strides = array<i32>} : memref<32x256xf32, #tpu.memory_space<vmem>>, vector<1x16xf32>,
    %swap3A_956 = arith.constant 24 : i32
    %swap3A_957 = arith.index_cast %swap3A_956 : i32 to index
    %swap3A_958 = arith.constant 192 : index
    %swap3A_959 = tpu.vector_load %arg5[%swap3A_957, %swap3A_958] {strides = array<i32>} : memref<32x256xf32, #tpu.memory_space<vmem>>, vector<1x16xf32>,
    %swap3A_960 = vector.shape_cast %swap3A_959 : vector<1x16xf32> to vector<16xf32>
    %swap3A_961 = vector.shape_cast %get3A_811 : vector<16xf32> to vector<1x16xf32>
    tpu.vector_store %arg5[%swap3A_957, %swap3A_958], %swap3A_961 {strides = array<i32>} : memref<32x256xf32, #tpu.memory_space<vmem>>, vector<1x16xf32>,
    %swap3A_962 = arith.constant 25 : i32
    %swap3A_963 = arith.index_cast %swap3A_962 : i32 to index
    %swap3A_964 = arith.constant 192 : index
    %swap3A_965 = tpu.vector_load %arg5[%swap3A_963, %swap3A_964] {strides = array<i32>} : memref<32x256xf32, #tpu.memory_space<vmem>>, vector<1x16xf32>,
    %swap3A_966 = vector.shape_cast %swap3A_965 : vector<1x16xf32> to vector<16xf32>
    %swap3A_967 = vector.shape_cast %get3A_811 : vector<16xf32> to vector<1x16xf32>
    tpu.vector_store %arg5[%swap3A_963, %swap3A_964], %swap3A_967 {strides = array<i32>} : memref<32x256xf32, #tpu.memory_space<vmem>>, vector<1x16xf32>,
    %swap3A_968 = arith.constant 26 : i32
    %swap3A_969 = arith.index_cast %swap3A_968 : i32 to index
    %swap3A_970 = arith.constant 192 : index
    %swap3A_971 = tpu.vector_load %arg5[%swap3A_969, %swap3A_970] {strides = array<i32>} : memref<32x256xf32, #tpu.memory_space<vmem>>, vector<1x16xf32>,
    %swap3A_972 = vector.shape_cast %swap3A_971 : vector<1x16xf32> to vector<16xf32>
    %swap3A_973 = vector.shape_cast %get3A_811 : vector<16xf32> to vector<1x16xf32>
    tpu.vector_store %arg5[%swap3A_969, %swap3A_970], %swap3A_973 {strides = array<i32>} : memref<32x256xf32, #tpu.memory_space<vmem>>, vector<1x16xf32>,
    %swap3A_974 = arith.constant 27 : i32
    %swap3A_975 = arith.index_cast %swap3A_974 : i32 to index
    %swap3A_976 = arith.constant 192 : index
    %swap3A_977 = tpu.vector_load %arg5[%swap3A_975, %swap3A_976] {strides = array<i32>} : memref<32x256xf32, #tpu.memory_space<vmem>>, vector<1x16xf32>,
    %swap3A_978 = vector.shape_cast %swap3A_977 : vector<1x16xf32> to vector<16xf32>
    %swap3A_979 = vector.shape_cast %get3A_811 : vector<16xf32> to vector<1x16xf32>
    tpu.vector_store %arg5[%swap3A_975, %swap3A_976], %swap3A_979 {strides = array<i32>} : memref<32x256xf32, #tpu.memory_space<vmem>>, vector<1x16xf32>,
    %swap3A_980 = arith.constant 28 : i32
    %swap3A_981 = arith.index_cast %swap3A_980 : i32 to index
    %swap3A_982 = arith.constant 192 : index
    %swap3A_983 = tpu.vector_load %arg5[%swap3A_981, %swap3A_982] {strides = array<i32>} : memref<32x256xf32, #tpu.memory_space<vmem>>, vector<1x16xf32>,
    %swap3A_984 = vector.shape_cast %swap3A_983 : vector<1x16xf32> to vector<16xf32>
    %swap3A_985 = vector.shape_cast %get3A_811 : vector<16xf32> to vector<1x16xf32>
    tpu.vector_store %arg5[%swap3A_981, %swap3A_982], %swap3A_985 {strides = array<i32>} : memref<32x256xf32, #tpu.memory_space<vmem>>, vector<1x16xf32>,
    %swap3A_986 = arith.constant 29 : i32
    %swap3A_987 = arith.index_cast %swap3A_986 : i32 to index
    %swap3A_988 = arith.constant 192 : index
    %swap3A_989 = tpu.vector_load %arg5[%swap3A_987, %swap3A_988] {strides = array<i32>} : memref<32x256xf32, #tpu.memory_space<vmem>>, vector<1x16xf32>,
    %swap3A_990 = vector.shape_cast %swap3A_989 : vector<1x16xf32> to vector<16xf32>
    %swap3A_991 = vector.shape_cast %get3A_811 : vector<16xf32> to vector<1x16xf32>
    tpu.vector_store %arg5[%swap3A_987, %swap3A_988], %swap3A_991 {strides = array<i32>} : memref<32x256xf32, #tpu.memory_space<vmem>>, vector<1x16xf32>,
    %swap3A_992 = arith.constant 30 : i32
    %swap3A_993 = arith.index_cast %swap3A_992 : i32 to index
    %swap3A_994 = arith.constant 192 : index
    %swap3A_995 = tpu.vector_load %arg5[%swap3A_993, %swap3A_994] {strides = array<i32>} : memref<32x256xf32, #tpu.memory_space<vmem>>, vector<1x16xf32>,
    %swap3A_996 = vector.shape_cast %swap3A_995 : vector<1x16xf32> to vector<16xf32>
    %swap3A_997 = vector.shape_cast %get3A_811 : vector<16xf32> to vector<1x16xf32>
    tpu.vector_store %arg5[%swap3A_993, %swap3A_994], %swap3A_997 {strides = array<i32>} : memref<32x256xf32, #tpu.memory_space<vmem>>, vector<1x16xf32>,
    %swap3A_998 = arith.constant 31 : i32
    %swap3A_999 = arith.index_cast %swap3A_998 : i32 to index
    %swap3A_1000 = arith.constant 192 : index
    %swap3A_1001 = tpu.vector_load %arg5[%swap3A_999, %swap3A_1000] {strides = array<i32>} : memref<32x256xf32, #tpu.memory_space<vmem>>, vector<1x16xf32>,
    %swap3A_1002 = vector.shape_cast %swap3A_1001 : vector<1x16xf32> to vector<16xf32>
    %swap3A_1003 = vector.shape_cast %get3A_811 : vector<16xf32> to vector<1x16xf32>
    tpu.vector_store %arg5[%swap3A_999, %swap3A_1000], %swap3A_1003 {strides = array<i32>} : memref<32x256xf32, #tpu.memory_space<vmem>>, vector<1x16xf32>,
    %get3A_1004 = arith.constant 0 : i32
    %get3A_1005 = arith.index_cast %get3A_1004 : i32 to index
    %get3A_1006 = arith.constant 80 : index
    %get3A_1007 = tpu.vector_load %arg6[%get3A_1005, %get3A_1006] {strides = array<i32>} : memref<2x128xf32, #tpu.memory_space<vmem>>, vector<1x16xf32>,
    %get3A_1008 = vector.shape_cast %get3A_1007 : vector<1x16xf32> to vector<16xf32>
    %swap3A_1009 = arith.constant 0 : i32
    %swap3A_1010 = arith.index_cast %swap3A_1009 : i32 to index
    %swap3A_1011 = arith.constant 208 : index
    %swap3A_1012 = tpu.vector_load %arg5[%swap3A_1010, %swap3A_1011] {strides = array<i32>} : memref<32x256xf32, #tpu.memory_space<vmem>>, vector<1x16xf32>,
    %swap3A_1013 = vector.shape_cast %swap3A_1012 : vector<1x16xf32> to vector<16xf32>
    %swap3A_1014 = vector.shape_cast %get3A_1008 : vector<16xf32> to vector<1x16xf32>
    tpu.vector_store %arg5[%swap3A_1010, %swap3A_1011], %swap3A_1014 {strides = array<i32>} : memref<32x256xf32, #tpu.memory_space<vmem>>, vector<1x16xf32>,
    %swap3A_1015 = arith.constant 1 : i32
    %swap3A_1016 = arith.index_cast %swap3A_1015 : i32 to index
    %swap3A_1017 = arith.constant 208 : index
    %swap3A_1018 = tpu.vector_load %arg5[%swap3A_1016, %swap3A_1017] {strides = array<i32>} : memref<32x256xf32, #tpu.memory_space<vmem>>, vector<1x16xf32>,
    %swap3A_1019 = vector.shape_cast %swap3A_1018 : vector<1x16xf32> to vector<16xf32>
    %swap3A_1020 = vector.shape_cast %get3A_1008 : vector<16xf32> to vector<1x16xf32>
    tpu.vector_store %arg5[%swap3A_1016, %swap3A_1017], %swap3A_1020 {strides = array<i32>} : memref<32x256xf32, #tpu.memory_space<vmem>>, vector<1x16xf32>,
    %swap3A_1021 = arith.constant 2 : i32
    %swap3A_1022 = arith.index_cast %swap3A_1021 : i32 to index
    %swap3A_1023 = arith.constant 208 : index
    %swap3A_1024 = tpu.vector_load %arg5[%swap3A_1022, %swap3A_1023] {strides = array<i32>} : memref<32x256xf32, #tpu.memory_space<vmem>>, vector<1x16xf32>,
    %swap3A_1025 = vector.shape_cast %swap3A_1024 : vector<1x16xf32> to vector<16xf32>
    %swap3A_1026 = vector.shape_cast %get3A_1008 : vector<16xf32> to vector<1x16xf32>
    tpu.vector_store %arg5[%swap3A_1022, %swap3A_1023], %swap3A_1026 {strides = array<i32>} : memref<32x256xf32, #tpu.memory_space<vmem>>, vector<1x16xf32>,
    %swap3A_1027 = arith.constant 3 : i32
    %swap3A_1028 = arith.index_cast %swap3A_1027 : i32 to index
    %swap3A_1029 = arith.constant 208 : index
    %swap3A_1030 = tpu.vector_load %arg5[%swap3A_1028, %swap3A_1029] {strides = array<i32>} : memref<32x256xf32, #tpu.memory_space<vmem>>, vector<1x16xf32>,
    %swap3A_1031 = vector.shape_cast %swap3A_1030 : vector<1x16xf32> to vector<16xf32>
    %swap3A_1032 = vector.shape_cast %get3A_1008 : vector<16xf32> to vector<1x16xf32>
    tpu.vector_store %arg5[%swap3A_1028, %swap3A_1029], %swap3A_1032 {strides = array<i32>} : memref<32x256xf32, #tpu.memory_space<vmem>>, vector<1x16xf32>,
    %swap3A_1033 = arith.constant 4 : i32
    %swap3A_1034 = arith.index_cast %swap3A_1033 : i32 to index
    %swap3A_1035 = arith.constant 208 : index
    %swap3A_1036 = tpu.vector_load %arg5[%swap3A_1034, %swap3A_1035] {strides = array<i32>} : memref<32x256xf32, #tpu.memory_space<vmem>>, vector<1x16xf32>,
    %swap3A_1037 = vector.shape_cast %swap3A_1036 : vector<1x16xf32> to vector<16xf32>
    %swap3A_1038 = vector.shape_cast %get3A_1008 : vector<16xf32> to vector<1x16xf32>
    tpu.vector_store %arg5[%swap3A_1034, %swap3A_1035], %swap3A_1038 {strides = array<i32>} : memref<32x256xf32, #tpu.memory_space<vmem>>, vector<1x16xf32>,
    %swap3A_1039 = arith.constant 5 : i32
    %swap3A_1040 = arith.index_cast %swap3A_1039 : i32 to index
    %swap3A_1041 = arith.constant 208 : index
    %swap3A_1042 = tpu.vector_load %arg5[%swap3A_1040, %swap3A_1041] {strides = array<i32>} : memref<32x256xf32, #tpu.memory_space<vmem>>, vector<1x16xf32>,
    %swap3A_1043 = vector.shape_cast %swap3A_1042 : vector<1x16xf32> to vector<16xf32>
    %swap3A_1044 = vector.shape_cast %get3A_1008 : vector<16xf32> to vector<1x16xf32>
    tpu.vector_store %arg5[%swap3A_1040, %swap3A_1041], %swap3A_1044 {strides = array<i32>} : memref<32x256xf32, #tpu.memory_space<vmem>>, vector<1x16xf32>,
    %swap3A_1045 = arith.constant 6 : i32
    %swap3A_1046 = arith.index_cast %swap3A_1045 : i32 to index
    %swap3A_1047 = arith.constant 208 : index
    %swap3A_1048 = tpu.vector_load %arg5[%swap3A_1046, %swap3A_1047] {strides = array<i32>} : memref<32x256xf32, #tpu.memory_space<vmem>>, vector<1x16xf32>,
    %swap3A_1049 = vector.shape_cast %swap3A_1048 : vector<1x16xf32> to vector<16xf32>
    %swap3A_1050 = vector.shape_cast %get3A_1008 : vector<16xf32> to vector<1x16xf32>
    tpu.vector_store %arg5[%swap3A_1046, %swap3A_1047], %swap3A_1050 {strides = array<i32>} : memref<32x256xf32, #tpu.memory_space<vmem>>, vector<1x16xf32>,
    %swap3A_1051 = arith.constant 7 : i32
    %swap3A_1052 = arith.index_cast %swap3A_1051 : i32 to index
    %swap3A_1053 = arith.constant 208 : index
    %swap3A_1054 = tpu.vector_load %arg5[%swap3A_1052, %swap3A_1053] {strides = array<i32>} : memref<32x256xf32, #tpu.memory_space<vmem>>, vector<1x16xf32>,
    %swap3A_1055 = vector.shape_cast %swap3A_1054 : vector<1x16xf32> to vector<16xf32>
    %swap3A_1056 = vector.shape_cast %get3A_1008 : vector<16xf32> to vector<1x16xf32>
    tpu.vector_store %arg5[%swap3A_1052, %swap3A_1053], %swap3A_1056 {strides = array<i32>} : memref<32x256xf32, #tpu.memory_space<vmem>>, vector<1x16xf32>,
    %swap3A_1057 = arith.constant 8 : i32
    %swap3A_1058 = arith.index_cast %swap3A_1057 : i32 to index
    %swap3A_1059 = arith.constant 208 : index
    %swap3A_1060 = tpu.vector_load %arg5[%swap3A_1058, %swap3A_1059] {strides = array<i32>} : memref<32x256xf32, #tpu.memory_space<vmem>>, vector<1x16xf32>,
    %swap3A_1061 = vector.shape_cast %swap3A_1060 : vector<1x16xf32> to vector<16xf32>
    %swap3A_1062 = vector.shape_cast %get3A_1008 : vector<16xf32> to vector<1x16xf32>
    tpu.vector_store %arg5[%swap3A_1058, %swap3A_1059], %swap3A_1062 {strides = array<i32>} : memref<32x256xf32, #tpu.memory_space<vmem>>, vector<1x16xf32>,
    %swap3A_1063 = arith.constant 9 : i32
    %swap3A_1064 = arith.index_cast %swap3A_1063 : i32 to index
    %swap3A_1065 = arith.constant 208 : index
    %swap3A_1066 = tpu.vector_load %arg5[%swap3A_1064, %swap3A_1065] {strides = array<i32>} : memref<32x256xf32, #tpu.memory_space<vmem>>, vector<1x16xf32>,
    %swap3A_1067 = vector.shape_cast %swap3A_1066 : vector<1x16xf32> to vector<16xf32>
    %swap3A_1068 = vector.shape_cast %get3A_1008 : vector<16xf32> to vector<1x16xf32>
    tpu.vector_store %arg5[%swap3A_1064, %swap3A_1065], %swap3A_1068 {strides = array<i32>} : memref<32x256xf32, #tpu.memory_space<vmem>>, vector<1x16xf32>,
    %swap3A_1069 = arith.constant 10 : i32
    %swap3A_1070 = arith.index_cast %swap3A_1069 : i32 to index
    %swap3A_1071 = arith.constant 208 : index
    %swap3A_1072 = tpu.vector_load %arg5[%swap3A_1070, %swap3A_1071] {strides = array<i32>} : memref<32x256xf32, #tpu.memory_space<vmem>>, vector<1x16xf32>,
    %swap3A_1073 = vector.shape_cast %swap3A_1072 : vector<1x16xf32> to vector<16xf32>
    %swap3A_1074 = vector.shape_cast %get3A_1008 : vector<16xf32> to vector<1x16xf32>
    tpu.vector_store %arg5[%swap3A_1070, %swap3A_1071], %swap3A_1074 {strides = array<i32>} : memref<32x256xf32, #tpu.memory_space<vmem>>, vector<1x16xf32>,
    %swap3A_1075 = arith.constant 11 : i32
    %swap3A_1076 = arith.index_cast %swap3A_1075 : i32 to index
    %swap3A_1077 = arith.constant 208 : index
    %swap3A_1078 = tpu.vector_load %arg5[%swap3A_1076, %swap3A_1077] {strides = array<i32>} : memref<32x256xf32, #tpu.memory_space<vmem>>, vector<1x16xf32>,
    %swap3A_1079 = vector.shape_cast %swap3A_1078 : vector<1x16xf32> to vector<16xf32>
    %swap3A_1080 = vector.shape_cast %get3A_1008 : vector<16xf32> to vector<1x16xf32>
    tpu.vector_store %arg5[%swap3A_1076, %swap3A_1077], %swap3A_1080 {strides = array<i32>} : memref<32x256xf32, #tpu.memory_space<vmem>>, vector<1x16xf32>,
    %swap3A_1081 = arith.constant 12 : i32
    %swap3A_1082 = arith.index_cast %swap3A_1081 : i32 to index
    %swap3A_1083 = arith.constant 208 : index
    %swap3A_1084 = tpu.vector_load %arg5[%swap3A_1082, %swap3A_1083] {strides = array<i32>} : memref<32x256xf32, #tpu.memory_space<vmem>>, vector<1x16xf32>,
    %swap3A_1085 = vector.shape_cast %swap3A_1084 : vector<1x16xf32> to vector<16xf32>
    %swap3A_1086 = vector.shape_cast %get3A_1008 : vector<16xf32> to vector<1x16xf32>
    tpu.vector_store %arg5[%swap3A_1082, %swap3A_1083], %swap3A_1086 {strides = array<i32>} : memref<32x256xf32, #tpu.memory_space<vmem>>, vector<1x16xf32>,
    %swap3A_1087 = arith.constant 13 : i32
    %swap3A_1088 = arith.index_cast %swap3A_1087 : i32 to index
    %swap3A_1089 = arith.constant 208 : index
    %swap3A_1090 = tpu.vector_load %arg5[%swap3A_1088, %swap3A_1089] {strides = array<i32>} : memref<32x256xf32, #tpu.memory_space<vmem>>, vector<1x16xf32>,
    %swap3A_1091 = vector.shape_cast %swap3A_1090 : vector<1x16xf32> to vector<16xf32>
    %swap3A_1092 = vector.shape_cast %get3A_1008 : vector<16xf32> to vector<1x16xf32>
    tpu.vector_store %arg5[%swap3A_1088, %swap3A_1089], %swap3A_1092 {strides = array<i32>} : memref<32x256xf32, #tpu.memory_space<vmem>>, vector<1x16xf32>,
    %swap3A_1093 = arith.constant 14 : i32
    %swap3A_1094 = arith.index_cast %swap3A_1093 : i32 to index
    %swap3A_1095 = arith.constant 208 : index
    %swap3A_1096 = tpu.vector_load %arg5[%swap3A_1094, %swap3A_1095] {strides = array<i32>} : memref<32x256xf32, #tpu.memory_space<vmem>>, vector<1x16xf32>,
    %swap3A_1097 = vector.shape_cast %swap3A_1096 : vector<1x16xf32> to vector<16xf32>
    %swap3A_1098 = vector.shape_cast %get3A_1008 : vector<16xf32> to vector<1x16xf32>
    tpu.vector_store %arg5[%swap3A_1094, %swap3A_1095], %swap3A_1098 {strides = array<i32>} : memref<32x256xf32, #tpu.memory_space<vmem>>, vector<1x16xf32>,
    %swap3A_1099 = arith.constant 15 : i32
    %swap3A_1100 = arith.index_cast %swap3A_1099 : i32 to index
    %swap3A_1101 = arith.constant 208 : index
    %swap3A_1102 = tpu.vector_load %arg5[%swap3A_1100, %swap3A_1101] {strides = array<i32>} : memref<32x256xf32, #tpu.memory_space<vmem>>, vector<1x16xf32>,
    %swap3A_1103 = vector.shape_cast %swap3A_1102 : vector<1x16xf32> to vector<16xf32>
    %swap3A_1104 = vector.shape_cast %get3A_1008 : vector<16xf32> to vector<1x16xf32>
    tpu.vector_store %arg5[%swap3A_1100, %swap3A_1101], %swap3A_1104 {strides = array<i32>} : memref<32x256xf32, #tpu.memory_space<vmem>>, vector<1x16xf32>,
    %swap3A_1105 = arith.constant 16 : i32
    %swap3A_1106 = arith.index_cast %swap3A_1105 : i32 to index
    %swap3A_1107 = arith.constant 208 : index
    %swap3A_1108 = tpu.vector_load %arg5[%swap3A_1106, %swap3A_1107] {strides = array<i32>} : memref<32x256xf32, #tpu.memory_space<vmem>>, vector<1x16xf32>,
    %swap3A_1109 = vector.shape_cast %swap3A_1108 : vector<1x16xf32> to vector<16xf32>
    %swap3A_1110 = vector.shape_cast %get3A_1008 : vector<16xf32> to vector<1x16xf32>
    tpu.vector_store %arg5[%swap3A_1106, %swap3A_1107], %swap3A_1110 {strides = array<i32>} : memref<32x256xf32, #tpu.memory_space<vmem>>, vector<1x16xf32>,
    %swap3A_1111 = arith.constant 17 : i32
    %swap3A_1112 = arith.index_cast %swap3A_1111 : i32 to index
    %swap3A_1113 = arith.constant 208 : index
    %swap3A_1114 = tpu.vector_load %arg5[%swap3A_1112, %swap3A_1113] {strides = array<i32>} : memref<32x256xf32, #tpu.memory_space<vmem>>, vector<1x16xf32>,
    %swap3A_1115 = vector.shape_cast %swap3A_1114 : vector<1x16xf32> to vector<16xf32>
    %swap3A_1116 = vector.shape_cast %get3A_1008 : vector<16xf32> to vector<1x16xf32>
    tpu.vector_store %arg5[%swap3A_1112, %swap3A_1113], %swap3A_1116 {strides = array<i32>} : memref<32x256xf32, #tpu.memory_space<vmem>>, vector<1x16xf32>,
    %swap3A_1117 = arith.constant 18 : i32
    %swap3A_1118 = arith.index_cast %swap3A_1117 : i32 to index
    %swap3A_1119 = arith.constant 208 : index
    %swap3A_1120 = tpu.vector_load %arg5[%swap3A_1118, %swap3A_1119] {strides = array<i32>} : memref<32x256xf32, #tpu.memory_space<vmem>>, vector<1x16xf32>,
    %swap3A_1121 = vector.shape_cast %swap3A_1120 : vector<1x16xf32> to vector<16xf32>
    %swap3A_1122 = vector.shape_cast %get3A_1008 : vector<16xf32> to vector<1x16xf32>
    tpu.vector_store %arg5[%swap3A_1118, %swap3A_1119], %swap3A_1122 {strides = array<i32>} : memref<32x256xf32, #tpu.memory_space<vmem>>, vector<1x16xf32>,
    %swap3A_1123 = arith.constant 19 : i32
    %swap3A_1124 = arith.index_cast %swap3A_1123 : i32 to index
    %swap3A_1125 = arith.constant 208 : index
    %swap3A_1126 = tpu.vector_load %arg5[%swap3A_1124, %swap3A_1125] {strides = array<i32>} : memref<32x256xf32, #tpu.memory_space<vmem>>, vector<1x16xf32>,
    %swap3A_1127 = vector.shape_cast %swap3A_1126 : vector<1x16xf32> to vector<16xf32>
    %swap3A_1128 = vector.shape_cast %get3A_1008 : vector<16xf32> to vector<1x16xf32>
    tpu.vector_store %arg5[%swap3A_1124, %swap3A_1125], %swap3A_1128 {strides = array<i32>} : memref<32x256xf32, #tpu.memory_space<vmem>>, vector<1x16xf32>,
    %swap3A_1129 = arith.constant 20 : i32
    %swap3A_1130 = arith.index_cast %swap3A_1129 : i32 to index
    %swap3A_1131 = arith.constant 208 : index
    %swap3A_1132 = tpu.vector_load %arg5[%swap3A_1130, %swap3A_1131] {strides = array<i32>} : memref<32x256xf32, #tpu.memory_space<vmem>>, vector<1x16xf32>,
    %swap3A_1133 = vector.shape_cast %swap3A_1132 : vector<1x16xf32> to vector<16xf32>
    %swap3A_1134 = vector.shape_cast %get3A_1008 : vector<16xf32> to vector<1x16xf32>
    tpu.vector_store %arg5[%swap3A_1130, %swap3A_1131], %swap3A_1134 {strides = array<i32>} : memref<32x256xf32, #tpu.memory_space<vmem>>, vector<1x16xf32>,
    %swap3A_1135 = arith.constant 21 : i32
    %swap3A_1136 = arith.index_cast %swap3A_1135 : i32 to index
    %swap3A_1137 = arith.constant 208 : index
    %swap3A_1138 = tpu.vector_load %arg5[%swap3A_1136, %swap3A_1137] {strides = array<i32>} : memref<32x256xf32, #tpu.memory_space<vmem>>, vector<1x16xf32>,
    %swap3A_1139 = vector.shape_cast %swap3A_1138 : vector<1x16xf32> to vector<16xf32>
    %swap3A_1140 = vector.shape_cast %get3A_1008 : vector<16xf32> to vector<1x16xf32>
    tpu.vector_store %arg5[%swap3A_1136, %swap3A_1137], %swap3A_1140 {strides = array<i32>} : memref<32x256xf32, #tpu.memory_space<vmem>>, vector<1x16xf32>,
    %swap3A_1141 = arith.constant 22 : i32
    %swap3A_1142 = arith.index_cast %swap3A_1141 : i32 to index
    %swap3A_1143 = arith.constant 208 : index
    %swap3A_1144 = tpu.vector_load %arg5[%swap3A_1142, %swap3A_1143] {strides = array<i32>} : memref<32x256xf32, #tpu.memory_space<vmem>>, vector<1x16xf32>,
    %swap3A_1145 = vector.shape_cast %swap3A_1144 : vector<1x16xf32> to vector<16xf32>
    %swap3A_1146 = vector.shape_cast %get3A_1008 : vector<16xf32> to vector<1x16xf32>
    tpu.vector_store %arg5[%swap3A_1142, %swap3A_1143], %swap3A_1146 {strides = array<i32>} : memref<32x256xf32, #tpu.memory_space<vmem>>, vector<1x16xf32>,
    %swap3A_1147 = arith.constant 23 : i32
    %swap3A_1148 = arith.index_cast %swap3A_1147 : i32 to index
    %swap3A_1149 = arith.constant 208 : index
    %swap3A_1150 = tpu.vector_load %arg5[%swap3A_1148, %swap3A_1149] {strides = array<i32>} : memref<32x256xf32, #tpu.memory_space<vmem>>, vector<1x16xf32>,
    %swap3A_1151 = vector.shape_cast %swap3A_1150 : vector<1x16xf32> to vector<16xf32>
    %swap3A_1152 = vector.shape_cast %get3A_1008 : vector<16xf32> to vector<1x16xf32>
    tpu.vector_store %arg5[%swap3A_1148, %swap3A_1149], %swap3A_1152 {strides = array<i32>} : memref<32x256xf32, #tpu.memory_space<vmem>>, vector<1x16xf32>,
    %swap3A_1153 = arith.constant 24 : i32
    %swap3A_1154 = arith.index_cast %swap3A_1153 : i32 to index
    %swap3A_1155 = arith.constant 208 : index
    %swap3A_1156 = tpu.vector_load %arg5[%swap3A_1154, %swap3A_1155] {strides = array<i32>} : memref<32x256xf32, #tpu.memory_space<vmem>>, vector<1x16xf32>,
    %swap3A_1157 = vector.shape_cast %swap3A_1156 : vector<1x16xf32> to vector<16xf32>
    %swap3A_1158 = vector.shape_cast %get3A_1008 : vector<16xf32> to vector<1x16xf32>
    tpu.vector_store %arg5[%swap3A_1154, %swap3A_1155], %swap3A_1158 {strides = array<i32>} : memref<32x256xf32, #tpu.memory_space<vmem>>, vector<1x16xf32>,
    %swap3A_1159 = arith.constant 25 : i32
    %swap3A_1160 = arith.index_cast %swap3A_1159 : i32 to index
    %swap3A_1161 = arith.constant 208 : index
    %swap3A_1162 = tpu.vector_load %arg5[%swap3A_1160, %swap3A_1161] {strides = array<i32>} : memref<32x256xf32, #tpu.memory_space<vmem>>, vector<1x16xf32>,
    %swap3A_1163 = vector.shape_cast %swap3A_1162 : vector<1x16xf32> to vector<16xf32>
    %swap3A_1164 = vector.shape_cast %get3A_1008 : vector<16xf32> to vector<1x16xf32>
    tpu.vector_store %arg5[%swap3A_1160, %swap3A_1161], %swap3A_1164 {strides = array<i32>} : memref<32x256xf32, #tpu.memory_space<vmem>>, vector<1x16xf32>,
    %swap3A_1165 = arith.constant 26 : i32
    %swap3A_1166 = arith.index_cast %swap3A_1165 : i32 to index
    %swap3A_1167 = arith.constant 208 : index
    %swap3A_1168 = tpu.vector_load %arg5[%swap3A_1166, %swap3A_1167] {strides = array<i32>} : memref<32x256xf32, #tpu.memory_space<vmem>>, vector<1x16xf32>,
    %swap3A_1169 = vector.shape_cast %swap3A_1168 : vector<1x16xf32> to vector<16xf32>
    %swap3A_1170 = vector.shape_cast %get3A_1008 : vector<16xf32> to vector<1x16xf32>
    tpu.vector_store %arg5[%swap3A_1166, %swap3A_1167], %swap3A_1170 {strides = array<i32>} : memref<32x256xf32, #tpu.memory_space<vmem>>, vector<1x16xf32>,
    %swap3A_1171 = arith.constant 27 : i32
    %swap3A_1172 = arith.index_cast %swap3A_1171 : i32 to index
    %swap3A_1173 = arith.constant 208 : index
    %swap3A_1174 = tpu.vector_load %arg5[%swap3A_1172, %swap3A_1173] {strides = array<i32>} : memref<32x256xf32, #tpu.memory_space<vmem>>, vector<1x16xf32>,
    %swap3A_1175 = vector.shape_cast %swap3A_1174 : vector<1x16xf32> to vector<16xf32>
    %swap3A_1176 = vector.shape_cast %get3A_1008 : vector<16xf32> to vector<1x16xf32>
    tpu.vector_store %arg5[%swap3A_1172, %swap3A_1173], %swap3A_1176 {strides = array<i32>} : memref<32x256xf32, #tpu.memory_space<vmem>>, vector<1x16xf32>,
    %swap3A_1177 = arith.constant 28 : i32
    %swap3A_1178 = arith.index_cast %swap3A_1177 : i32 to index
    %swap3A_1179 = arith.constant 208 : index
    %swap3A_1180 = tpu.vector_load %arg5[%swap3A_1178, %swap3A_1179] {strides = array<i32>} : memref<32x256xf32, #tpu.memory_space<vmem>>, vector<1x16xf32>,
    %swap3A_1181 = vector.shape_cast %swap3A_1180 : vector<1x16xf32> to vector<16xf32>
    %swap3A_1182 = vector.shape_cast %get3A_1008 : vector<16xf32> to vector<1x16xf32>
    tpu.vector_store %arg5[%swap3A_1178, %swap3A_1179], %swap3A_1182 {strides = array<i32>} : memref<32x256xf32, #tpu.memory_space<vmem>>, vector<1x16xf32>,
    %swap3A_1183 = arith.constant 29 : i32
    %swap3A_1184 = arith.index_cast %swap3A_1183 : i32 to index
    %swap3A_1185 = arith.constant 208 : index
    %swap3A_1186 = tpu.vector_load %arg5[%swap3A_1184, %swap3A_1185] {strides = array<i32>} : memref<32x256xf32, #tpu.memory_space<vmem>>, vector<1x16xf32>,
    %swap3A_1187 = vector.shape_cast %swap3A_1186 : vector<1x16xf32> to vector<16xf32>
    %swap3A_1188 = vector.shape_cast %get3A_1008 : vector<16xf32> to vector<1x16xf32>
    tpu.vector_store %arg5[%swap3A_1184, %swap3A_1185], %swap3A_1188 {strides = array<i32>} : memref<32x256xf32, #tpu.memory_space<vmem>>, vector<1x16xf32>,
    %swap3A_1189 = arith.constant 30 : i32
    %swap3A_1190 = arith.index_cast %swap3A_1189 : i32 to index
    %swap3A_1191 = arith.constant 208 : index
    %swap3A_1192 = tpu.vector_load %arg5[%swap3A_1190, %swap3A_1191] {strides = array<i32>} : memref<32x256xf32, #tpu.memory_space<vmem>>, vector<1x16xf32>,
    %swap3A_1193 = vector.shape_cast %swap3A_1192 : vector<1x16xf32> to vector<16xf32>
    %swap3A_1194 = vector.shape_cast %get3A_1008 : vector<16xf32> to vector<1x16xf32>
    tpu.vector_store %arg5[%swap3A_1190, %swap3A_1191], %swap3A_1194 {strides = array<i32>} : memref<32x256xf32, #tpu.memory_space<vmem>>, vector<1x16xf32>,
    %swap3A_1195 = arith.constant 31 : i32
    %swap3A_1196 = arith.index_cast %swap3A_1195 : i32 to index
    %swap3A_1197 = arith.constant 208 : index
    %swap3A_1198 = tpu.vector_load %arg5[%swap3A_1196, %swap3A_1197] {strides = array<i32>} : memref<32x256xf32, #tpu.memory_space<vmem>>, vector<1x16xf32>,
    %swap3A_1199 = vector.shape_cast %swap3A_1198 : vector<1x16xf32> to vector<16xf32>
    %swap3A_1200 = vector.shape_cast %get3A_1008 : vector<16xf32> to vector<1x16xf32>
    tpu.vector_store %arg5[%swap3A_1196, %swap3A_1197], %swap3A_1200 {strides = array<i32>} : memref<32x256xf32, #tpu.memory_space<vmem>>, vector<1x16xf32>,
    %get3A_1201 = arith.constant 0 : i32
    %get3A_1202 = arith.index_cast %get3A_1201 : i32 to index
    %get3A_1203 = arith.constant 96 : index
    %get3A_1204 = tpu.vector_load %arg6[%get3A_1202, %get3A_1203] {strides = array<i32>} : memref<2x128xf32, #tpu.memory_space<vmem>>, vector<1x16xf32>,
    %get3A_1205 = vector.shape_cast %get3A_1204 : vector<1x16xf32> to vector<16xf32>
    %swap3A_1206 = arith.constant 0 : i32
    %swap3A_1207 = arith.index_cast %swap3A_1206 : i32 to index
    %swap3A_1208 = arith.constant 224 : index
    %swap3A_1209 = tpu.vector_load %arg5[%swap3A_1207, %swap3A_1208] {strides = array<i32>} : memref<32x256xf32, #tpu.memory_space<vmem>>, vector<1x16xf32>,
    %swap3A_1210 = vector.shape_cast %swap3A_1209 : vector<1x16xf32> to vector<16xf32>
    %swap3A_1211 = vector.shape_cast %get3A_1205 : vector<16xf32> to vector<1x16xf32>
    tpu.vector_store %arg5[%swap3A_1207, %swap3A_1208], %swap3A_1211 {strides = array<i32>} : memref<32x256xf32, #tpu.memory_space<vmem>>, vector<1x16xf32>,
    %swap3A_1212 = arith.constant 1 : i32
    %swap3A_1213 = arith.index_cast %swap3A_1212 : i32 to index
    %swap3A_1214 = arith.constant 224 : index
    %swap3A_1215 = tpu.vector_load %arg5[%swap3A_1213, %swap3A_1214] {strides = array<i32>} : memref<32x256xf32, #tpu.memory_space<vmem>>, vector<1x16xf32>,
    %swap3A_1216 = vector.shape_cast %swap3A_1215 : vector<1x16xf32> to vector<16xf32>
    %swap3A_1217 = vector.shape_cast %get3A_1205 : vector<16xf32> to vector<1x16xf32>
    tpu.vector_store %arg5[%swap3A_1213, %swap3A_1214], %swap3A_1217 {strides = array<i32>} : memref<32x256xf32, #tpu.memory_space<vmem>>, vector<1x16xf32>,
    %swap3A_1218 = arith.constant 2 : i32
    %swap3A_1219 = arith.index_cast %swap3A_1218 : i32 to index
    %swap3A_1220 = arith.constant 224 : index
    %swap3A_1221 = tpu.vector_load %arg5[%swap3A_1219, %swap3A_1220] {strides = array<i32>} : memref<32x256xf32, #tpu.memory_space<vmem>>, vector<1x16xf32>,
    %swap3A_1222 = vector.shape_cast %swap3A_1221 : vector<1x16xf32> to vector<16xf32>
    %swap3A_1223 = vector.shape_cast %get3A_1205 : vector<16xf32> to vector<1x16xf32>
    tpu.vector_store %arg5[%swap3A_1219, %swap3A_1220], %swap3A_1223 {strides = array<i32>} : memref<32x256xf32, #tpu.memory_space<vmem>>, vector<1x16xf32>,
    %swap3A_1224 = arith.constant 3 : i32
    %swap3A_1225 = arith.index_cast %swap3A_1224 : i32 to index
    %swap3A_1226 = arith.constant 224 : index
    %swap3A_1227 = tpu.vector_load %arg5[%swap3A_1225, %swap3A_1226] {strides = array<i32>} : memref<32x256xf32, #tpu.memory_space<vmem>>, vector<1x16xf32>,
    %swap3A_1228 = vector.shape_cast %swap3A_1227 : vector<1x16xf32> to vector<16xf32>
    %swap3A_1229 = vector.shape_cast %get3A_1205 : vector<16xf32> to vector<1x16xf32>
    tpu.vector_store %arg5[%swap3A_1225, %swap3A_1226], %swap3A_1229 {strides = array<i32>} : memref<32x256xf32, #tpu.memory_space<vmem>>, vector<1x16xf32>,
    %swap3A_1230 = arith.constant 4 : i32
    %swap3A_1231 = arith.index_cast %swap3A_1230 : i32 to index
    %swap3A_1232 = arith.constant 224 : index
    %swap3A_1233 = tpu.vector_load %arg5[%swap3A_1231, %swap3A_1232] {strides = array<i32>} : memref<32x256xf32, #tpu.memory_space<vmem>>, vector<1x16xf32>,
    %swap3A_1234 = vector.shape_cast %swap3A_1233 : vector<1x16xf32> to vector<16xf32>
    %swap3A_1235 = vector.shape_cast %get3A_1205 : vector<16xf32> to vector<1x16xf32>
    tpu.vector_store %arg5[%swap3A_1231, %swap3A_1232], %swap3A_1235 {strides = array<i32>} : memref<32x256xf32, #tpu.memory_space<vmem>>, vector<1x16xf32>,
    %swap3A_1236 = arith.constant 5 : i32
    %swap3A_1237 = arith.index_cast %swap3A_1236 : i32 to index
    %swap3A_1238 = arith.constant 224 : index
    %swap3A_1239 = tpu.vector_load %arg5[%swap3A_1237, %swap3A_1238] {strides = array<i32>} : memref<32x256xf32, #tpu.memory_space<vmem>>, vector<1x16xf32>,
    %swap3A_1240 = vector.shape_cast %swap3A_1239 : vector<1x16xf32> to vector<16xf32>
    %swap3A_1241 = vector.shape_cast %get3A_1205 : vector<16xf32> to vector<1x16xf32>
    tpu.vector_store %arg5[%swap3A_1237, %swap3A_1238], %swap3A_1241 {strides = array<i32>} : memref<32x256xf32, #tpu.memory_space<vmem>>, vector<1x16xf32>,
    %swap3A_1242 = arith.constant 6 : i32
    %swap3A_1243 = arith.index_cast %swap3A_1242 : i32 to index
    %swap3A_1244 = arith.constant 224 : index
    %swap3A_1245 = tpu.vector_load %arg5[%swap3A_1243, %swap3A_1244] {strides = array<i32>} : memref<32x256xf32, #tpu.memory_space<vmem>>, vector<1x16xf32>,
    %swap3A_1246 = vector.shape_cast %swap3A_1245 : vector<1x16xf32> to vector<16xf32>
    %swap3A_1247 = vector.shape_cast %get3A_1205 : vector<16xf32> to vector<1x16xf32>
    tpu.vector_store %arg5[%swap3A_1243, %swap3A_1244], %swap3A_1247 {strides = array<i32>} : memref<32x256xf32, #tpu.memory_space<vmem>>, vector<1x16xf32>,
    %swap3A_1248 = arith.constant 7 : i32
    %swap3A_1249 = arith.index_cast %swap3A_1248 : i32 to index
    %swap3A_1250 = arith.constant 224 : index
    %swap3A_1251 = tpu.vector_load %arg5[%swap3A_1249, %swap3A_1250] {strides = array<i32>} : memref<32x256xf32, #tpu.memory_space<vmem>>, vector<1x16xf32>,
    %swap3A_1252 = vector.shape_cast %swap3A_1251 : vector<1x16xf32> to vector<16xf32>
    %swap3A_1253 = vector.shape_cast %get3A_1205 : vector<16xf32> to vector<1x16xf32>
    tpu.vector_store %arg5[%swap3A_1249, %swap3A_1250], %swap3A_1253 {strides = array<i32>} : memref<32x256xf32, #tpu.memory_space<vmem>>, vector<1x16xf32>,
    %swap3A_1254 = arith.constant 8 : i32
    %swap3A_1255 = arith.index_cast %swap3A_1254 : i32 to index
    %swap3A_1256 = arith.constant 224 : index
    %swap3A_1257 = tpu.vector_load %arg5[%swap3A_1255, %swap3A_1256] {strides = array<i32>} : memref<32x256xf32, #tpu.memory_space<vmem>>, vector<1x16xf32>,
    %swap3A_1258 = vector.shape_cast %swap3A_1257 : vector<1x16xf32> to vector<16xf32>
    %swap3A_1259 = vector.shape_cast %get3A_1205 : vector<16xf32> to vector<1x16xf32>
    tpu.vector_store %arg5[%swap3A_1255, %swap3A_1256], %swap3A_1259 {strides = array<i32>} : memref<32x256xf32, #tpu.memory_space<vmem>>, vector<1x16xf32>,
    %swap3A_1260 = arith.constant 9 : i32
    %swap3A_1261 = arith.index_cast %swap3A_1260 : i32 to index
    %swap3A_1262 = arith.constant 224 : index
    %swap3A_1263 = tpu.vector_load %arg5[%swap3A_1261, %swap3A_1262] {strides = array<i32>} : memref<32x256xf32, #tpu.memory_space<vmem>>, vector<1x16xf32>,
    %swap3A_1264 = vector.shape_cast %swap3A_1263 : vector<1x16xf32> to vector<16xf32>
    %swap3A_1265 = vector.shape_cast %get3A_1205 : vector<16xf32> to vector<1x16xf32>
    tpu.vector_store %arg5[%swap3A_1261, %swap3A_1262], %swap3A_1265 {strides = array<i32>} : memref<32x256xf32, #tpu.memory_space<vmem>>, vector<1x16xf32>,
    %swap3A_1266 = arith.constant 10 : i32
    %swap3A_1267 = arith.index_cast %swap3A_1266 : i32 to index
    %swap3A_1268 = arith.constant 224 : index
    %swap3A_1269 = tpu.vector_load %arg5[%swap3A_1267, %swap3A_1268] {strides = array<i32>} : memref<32x256xf32, #tpu.memory_space<vmem>>, vector<1x16xf32>,
    %swap3A_1270 = vector.shape_cast %swap3A_1269 : vector<1x16xf32> to vector<16xf32>
    %swap3A_1271 = vector.shape_cast %get3A_1205 : vector<16xf32> to vector<1x16xf32>
    tpu.vector_store %arg5[%swap3A_1267, %swap3A_1268], %swap3A_1271 {strides = array<i32>} : memref<32x256xf32, #tpu.memory_space<vmem>>, vector<1x16xf32>,
    %swap3A_1272 = arith.constant 11 : i32
    %swap3A_1273 = arith.index_cast %swap3A_1272 : i32 to index
    %swap3A_1274 = arith.constant 224 : index
    %swap3A_1275 = tpu.vector_load %arg5[%swap3A_1273, %swap3A_1274] {strides = array<i32>} : memref<32x256xf32, #tpu.memory_space<vmem>>, vector<1x16xf32>,
    %swap3A_1276 = vector.shape_cast %swap3A_1275 : vector<1x16xf32> to vector<16xf32>
    %swap3A_1277 = vector.shape_cast %get3A_1205 : vector<16xf32> to vector<1x16xf32>
    tpu.vector_store %arg5[%swap3A_1273, %swap3A_1274], %swap3A_1277 {strides = array<i32>} : memref<32x256xf32, #tpu.memory_space<vmem>>, vector<1x16xf32>,
    %swap3A_1278 = arith.constant 12 : i32
    %swap3A_1279 = arith.index_cast %swap3A_1278 : i32 to index
    %swap3A_1280 = arith.constant 224 : index
    %swap3A_1281 = tpu.vector_load %arg5[%swap3A_1279, %swap3A_1280] {strides = array<i32>} : memref<32x256xf32, #tpu.memory_space<vmem>>, vector<1x16xf32>,
    %swap3A_1282 = vector.shape_cast %swap3A_1281 : vector<1x16xf32> to vector<16xf32>
    %swap3A_1283 = vector.shape_cast %get3A_1205 : vector<16xf32> to vector<1x16xf32>
    tpu.vector_store %arg5[%swap3A_1279, %swap3A_1280], %swap3A_1283 {strides = array<i32>} : memref<32x256xf32, #tpu.memory_space<vmem>>, vector<1x16xf32>,
    %swap3A_1284 = arith.constant 13 : i32
    %swap3A_1285 = arith.index_cast %swap3A_1284 : i32 to index
    %swap3A_1286 = arith.constant 224 : index
    %swap3A_1287 = tpu.vector_load %arg5[%swap3A_1285, %swap3A_1286] {strides = array<i32>} : memref<32x256xf32, #tpu.memory_space<vmem>>, vector<1x16xf32>,
    %swap3A_1288 = vector.shape_cast %swap3A_1287 : vector<1x16xf32> to vector<16xf32>
    %swap3A_1289 = vector.shape_cast %get3A_1205 : vector<16xf32> to vector<1x16xf32>
    tpu.vector_store %arg5[%swap3A_1285, %swap3A_1286], %swap3A_1289 {strides = array<i32>} : memref<32x256xf32, #tpu.memory_space<vmem>>, vector<1x16xf32>,
    %swap3A_1290 = arith.constant 14 : i32
    %swap3A_1291 = arith.index_cast %swap3A_1290 : i32 to index
    %swap3A_1292 = arith.constant 224 : index
    %swap3A_1293 = tpu.vector_load %arg5[%swap3A_1291, %swap3A_1292] {strides = array<i32>} : memref<32x256xf32, #tpu.memory_space<vmem>>, vector<1x16xf32>,
    %swap3A_1294 = vector.shape_cast %swap3A_1293 : vector<1x16xf32> to vector<16xf32>
    %swap3A_1295 = vector.shape_cast %get3A_1205 : vector<16xf32> to vector<1x16xf32>
    tpu.vector_store %arg5[%swap3A_1291, %swap3A_1292], %swap3A_1295 {strides = array<i32>} : memref<32x256xf32, #tpu.memory_space<vmem>>, vector<1x16xf32>,
    %swap3A_1296 = arith.constant 15 : i32
    %swap3A_1297 = arith.index_cast %swap3A_1296 : i32 to index
    %swap3A_1298 = arith.constant 224 : index
    %swap3A_1299 = tpu.vector_load %arg5[%swap3A_1297, %swap3A_1298] {strides = array<i32>} : memref<32x256xf32, #tpu.memory_space<vmem>>, vector<1x16xf32>,
    %swap3A_1300 = vector.shape_cast %swap3A_1299 : vector<1x16xf32> to vector<16xf32>
    %swap3A_1301 = vector.shape_cast %get3A_1205 : vector<16xf32> to vector<1x16xf32>
    tpu.vector_store %arg5[%swap3A_1297, %swap3A_1298], %swap3A_1301 {strides = array<i32>} : memref<32x256xf32, #tpu.memory_space<vmem>>, vector<1x16xf32>,
    %swap3A_1302 = arith.constant 16 : i32
    %swap3A_1303 = arith.index_cast %swap3A_1302 : i32 to index
    %swap3A_1304 = arith.constant 224 : index
    %swap3A_1305 = tpu.vector_load %arg5[%swap3A_1303, %swap3A_1304] {strides = array<i32>} : memref<32x256xf32, #tpu.memory_space<vmem>>, vector<1x16xf32>,
    %swap3A_1306 = vector.shape_cast %swap3A_1305 : vector<1x16xf32> to vector<16xf32>
    %swap3A_1307 = vector.shape_cast %get3A_1205 : vector<16xf32> to vector<1x16xf32>
    tpu.vector_store %arg5[%swap3A_1303, %swap3A_1304], %swap3A_1307 {strides = array<i32>} : memref<32x256xf32, #tpu.memory_space<vmem>>, vector<1x16xf32>,
    %swap3A_1308 = arith.constant 17 : i32
    %swap3A_1309 = arith.index_cast %swap3A_1308 : i32 to index
    %swap3A_1310 = arith.constant 224 : index
    %swap3A_1311 = tpu.vector_load %arg5[%swap3A_1309, %swap3A_1310] {strides = array<i32>} : memref<32x256xf32, #tpu.memory_space<vmem>>, vector<1x16xf32>,
    %swap3A_1312 = vector.shape_cast %swap3A_1311 : vector<1x16xf32> to vector<16xf32>
    %swap3A_1313 = vector.shape_cast %get3A_1205 : vector<16xf32> to vector<1x16xf32>
    tpu.vector_store %arg5[%swap3A_1309, %swap3A_1310], %swap3A_1313 {strides = array<i32>} : memref<32x256xf32, #tpu.memory_space<vmem>>, vector<1x16xf32>,
    %swap3A_1314 = arith.constant 18 : i32
    %swap3A_1315 = arith.index_cast %swap3A_1314 : i32 to index
    %swap3A_1316 = arith.constant 224 : index
    %swap3A_1317 = tpu.vector_load %arg5[%swap3A_1315, %swap3A_1316] {strides = array<i32>} : memref<32x256xf32, #tpu.memory_space<vmem>>, vector<1x16xf32>,
    %swap3A_1318 = vector.shape_cast %swap3A_1317 : vector<1x16xf32> to vector<16xf32>
    %swap3A_1319 = vector.shape_cast %get3A_1205 : vector<16xf32> to vector<1x16xf32>
    tpu.vector_store %arg5[%swap3A_1315, %swap3A_1316], %swap3A_1319 {strides = array<i32>} : memref<32x256xf32, #tpu.memory_space<vmem>>, vector<1x16xf32>,
    %swap3A_1320 = arith.constant 19 : i32
    %swap3A_1321 = arith.index_cast %swap3A_1320 : i32 to index
    %swap3A_1322 = arith.constant 224 : index
    %swap3A_1323 = tpu.vector_load %arg5[%swap3A_1321, %swap3A_1322] {strides = array<i32>} : memref<32x256xf32, #tpu.memory_space<vmem>>, vector<1x16xf32>,
    %swap3A_1324 = vector.shape_cast %swap3A_1323 : vector<1x16xf32> to vector<16xf32>
    %swap3A_1325 = vector.shape_cast %get3A_1205 : vector<16xf32> to vector<1x16xf32>
    tpu.vector_store %arg5[%swap3A_1321, %swap3A_1322], %swap3A_1325 {strides = array<i32>} : memref<32x256xf32, #tpu.memory_space<vmem>>, vector<1x16xf32>,
    %swap3A_1326 = arith.constant 20 : i32
    %swap3A_1327 = arith.index_cast %swap3A_1326 : i32 to index
    %swap3A_1328 = arith.constant 224 : index
    %swap3A_1329 = tpu.vector_load %arg5[%swap3A_1327, %swap3A_1328] {strides = array<i32>} : memref<32x256xf32, #tpu.memory_space<vmem>>, vector<1x16xf32>,
    %swap3A_1330 = vector.shape_cast %swap3A_1329 : vector<1x16xf32> to vector<16xf32>
    %swap3A_1331 = vector.shape_cast %get3A_1205 : vector<16xf32> to vector<1x16xf32>
    tpu.vector_store %arg5[%swap3A_1327, %swap3A_1328], %swap3A_1331 {strides = array<i32>} : memref<32x256xf32, #tpu.memory_space<vmem>>, vector<1x16xf32>,
    %swap3A_1332 = arith.constant 21 : i32
    %swap3A_1333 = arith.index_cast %swap3A_1332 : i32 to index
    %swap3A_1334 = arith.constant 224 : index
    %swap3A_1335 = tpu.vector_load %arg5[%swap3A_1333, %swap3A_1334] {strides = array<i32>} : memref<32x256xf32, #tpu.memory_space<vmem>>, vector<1x16xf32>,
    %swap3A_1336 = vector.shape_cast %swap3A_1335 : vector<1x16xf32> to vector<16xf32>
    %swap3A_1337 = vector.shape_cast %get3A_1205 : vector<16xf32> to vector<1x16xf32>
    tpu.vector_store %arg5[%swap3A_1333, %swap3A_1334], %swap3A_1337 {strides = array<i32>} : memref<32x256xf32, #tpu.memory_space<vmem>>, vector<1x16xf32>,
    %swap3A_1338 = arith.constant 22 : i32
    %swap3A_1339 = arith.index_cast %swap3A_1338 : i32 to index
    %swap3A_1340 = arith.constant 224 : index
    %swap3A_1341 = tpu.vector_load %arg5[%swap3A_1339, %swap3A_1340] {strides = array<i32>} : memref<32x256xf32, #tpu.memory_space<vmem>>, vector<1x16xf32>,
    %swap3A_1342 = vector.shape_cast %swap3A_1341 : vector<1x16xf32> to vector<16xf32>
    %swap3A_1343 = vector.shape_cast %get3A_1205 : vector<16xf32> to vector<1x16xf32>
    tpu.vector_store %arg5[%swap3A_1339, %swap3A_1340], %swap3A_1343 {strides = array<i32>} : memref<32x256xf32, #tpu.memory_space<vmem>>, vector<1x16xf32>,
    %swap3A_1344 = arith.constant 23 : i32
    %swap3A_1345 = arith.index_cast %swap3A_1344 : i32 to index
    %swap3A_1346 = arith.constant 224 : index
    %swap3A_1347 = tpu.vector_load %arg5[%swap3A_1345, %swap3A_1346] {strides = array<i32>} : memref<32x256xf32, #tpu.memory_space<vmem>>, vector<1x16xf32>,
    %swap3A_1348 = vector.shape_cast %swap3A_1347 : vector<1x16xf32> to vector<16xf32>
    %swap3A_1349 = vector.shape_cast %get3A_1205 : vector<16xf32> to vector<1x16xf32>
    tpu.vector_store %arg5[%swap3A_1345, %swap3A_1346], %swap3A_1349 {strides = array<i32>} : memref<32x256xf32, #tpu.memory_space<vmem>>, vector<1x16xf32>,
    %swap3A_1350 = arith.constant 24 : i32
    %swap3A_1351 = arith.index_cast %swap3A_1350 : i32 to index
    %swap3A_1352 = arith.constant 224 : index
    %swap3A_1353 = tpu.vector_load %arg5[%swap3A_1351, %swap3A_1352] {strides = array<i32>} : memref<32x256xf32, #tpu.memory_space<vmem>>, vector<1x16xf32>,
    %swap3A_1354 = vector.shape_cast %swap3A_1353 : vector<1x16xf32> to vector<16xf32>
    %swap3A_1355 = vector.shape_cast %get3A_1205 : vector<16xf32> to vector<1x16xf32>
    tpu.vector_store %arg5[%swap3A_1351, %swap3A_1352], %swap3A_1355 {strides = array<i32>} : memref<32x256xf32, #tpu.memory_space<vmem>>, vector<1x16xf32>,
    %swap3A_1356 = arith.constant 25 : i32
    %swap3A_1357 = arith.index_cast %swap3A_1356 : i32 to index
    %swap3A_1358 = arith.constant 224 : index
    %swap3A_1359 = tpu.vector_load %arg5[%swap3A_1357, %swap3A_1358] {strides = array<i32>} : memref<32x256xf32, #tpu.memory_space<vmem>>, vector<1x16xf32>,
    %swap3A_1360 = vector.shape_cast %swap3A_1359 : vector<1x16xf32> to vector<16xf32>
    %swap3A_1361 = vector.shape_cast %get3A_1205 : vector<16xf32> to vector<1x16xf32>
    tpu.vector_store %arg5[%swap3A_1357, %swap3A_1358], %swap3A_1361 {strides = array<i32>} : memref<32x256xf32, #tpu.memory_space<vmem>>, vector<1x16xf32>,
    %swap3A_1362 = arith.constant 26 : i32
    %swap3A_1363 = arith.index_cast %swap3A_1362 : i32 to index
    %swap3A_1364 = arith.constant 224 : index
    %swap3A_1365 = tpu.vector_load %arg5[%swap3A_1363, %swap3A_1364] {strides = array<i32>} : memref<32x256xf32, #tpu.memory_space<vmem>>, vector<1x16xf32>,
    %swap3A_1366 = vector.shape_cast %swap3A_1365 : vector<1x16xf32> to vector<16xf32>
    %swap3A_1367 = vector.shape_cast %get3A_1205 : vector<16xf32> to vector<1x16xf32>
    tpu.vector_store %arg5[%swap3A_1363, %swap3A_1364], %swap3A_1367 {strides = array<i32>} : memref<32x256xf32, #tpu.memory_space<vmem>>, vector<1x16xf32>,
    %swap3A_1368 = arith.constant 27 : i32
    %swap3A_1369 = arith.index_cast %swap3A_1368 : i32 to index
    %swap3A_1370 = arith.constant 224 : index
    %swap3A_1371 = tpu.vector_load %arg5[%swap3A_1369, %swap3A_1370] {strides = array<i32>} : memref<32x256xf32, #tpu.memory_space<vmem>>, vector<1x16xf32>,
    %swap3A_1372 = vector.shape_cast %swap3A_1371 : vector<1x16xf32> to vector<16xf32>
    %swap3A_1373 = vector.shape_cast %get3A_1205 : vector<16xf32> to vector<1x16xf32>
    tpu.vector_store %arg5[%swap3A_1369, %swap3A_1370], %swap3A_1373 {strides = array<i32>} : memref<32x256xf32, #tpu.memory_space<vmem>>, vector<1x16xf32>,
    %swap3A_1374 = arith.constant 28 : i32
    %swap3A_1375 = arith.index_cast %swap3A_1374 : i32 to index
    %swap3A_1376 = arith.constant 224 : index
    %swap3A_1377 = tpu.vector_load %arg5[%swap3A_1375, %swap3A_1376] {strides = array<i32>} : memref<32x256xf32, #tpu.memory_space<vmem>>, vector<1x16xf32>,
    %swap3A_1378 = vector.shape_cast %swap3A_1377 : vector<1x16xf32> to vector<16xf32>
    %swap3A_1379 = vector.shape_cast %get3A_1205 : vector<16xf32> to vector<1x16xf32>
    tpu.vector_store %arg5[%swap3A_1375, %swap3A_1376], %swap3A_1379 {strides = array<i32>} : memref<32x256xf32, #tpu.memory_space<vmem>>, vector<1x16xf32>,
    %swap3A_1380 = arith.constant 29 : i32
    %swap3A_1381 = arith.index_cast %swap3A_1380 : i32 to index
    %swap3A_1382 = arith.constant 224 : index
    %swap3A_1383 = tpu.vector_load %arg5[%swap3A_1381, %swap3A_1382] {strides = array<i32>} : memref<32x256xf32, #tpu.memory_space<vmem>>, vector<1x16xf32>,
    %swap3A_1384 = vector.shape_cast %swap3A_1383 : vector<1x16xf32> to vector<16xf32>
    %swap3A_1385 = vector.shape_cast %get3A_1205 : vector<16xf32> to vector<1x16xf32>
    tpu.vector_store %arg5[%swap3A_1381, %swap3A_1382], %swap3A_1385 {strides = array<i32>} : memref<32x256xf32, #tpu.memory_space<vmem>>, vector<1x16xf32>,
    %swap3A_1386 = arith.constant 30 : i32
    %swap3A_1387 = arith.index_cast %swap3A_1386 : i32 to index
    %swap3A_1388 = arith.constant 224 : index
    %swap3A_1389 = tpu.vector_load %arg5[%swap3A_1387, %swap3A_1388] {strides = array<i32>} : memref<32x256xf32, #tpu.memory_space<vmem>>, vector<1x16xf32>,
    %swap3A_1390 = vector.shape_cast %swap3A_1389 : vector<1x16xf32> to vector<16xf32>
    %swap3A_1391 = vector.shape_cast %get3A_1205 : vector<16xf32> to vector<1x16xf32>
    tpu.vector_store %arg5[%swap3A_1387, %swap3A_1388], %swap3A_1391 {strides = array<i32>} : memref<32x256xf32, #tpu.memory_space<vmem>>, vector<1x16xf32>,
    %swap3A_1392 = arith.constant 31 : i32
    %swap3A_1393 = arith.index_cast %swap3A_1392 : i32 to index
    %swap3A_1394 = arith.constant 224 : index
    %swap3A_1395 = tpu.vector_load %arg5[%swap3A_1393, %swap3A_1394] {strides = array<i32>} : memref<32x256xf32, #tpu.memory_space<vmem>>, vector<1x16xf32>,
    %swap3A_1396 = vector.shape_cast %swap3A_1395 : vector<1x16xf32> to vector<16xf32>
    %swap3A_1397 = vector.shape_cast %get3A_1205 : vector<16xf32> to vector<1x16xf32>
    tpu.vector_store %arg5[%swap3A_1393, %swap3A_1394], %swap3A_1397 {strides = array<i32>} : memref<32x256xf32, #tpu.memory_space<vmem>>, vector<1x16xf32>,
    %get3A_1398 = arith.constant 0 : i32
    %get3A_1399 = arith.index_cast %get3A_1398 : i32 to index
    %get3A_1400 = arith.constant 112 : index
    %get3A_1401 = tpu.vector_load %arg6[%get3A_1399, %get3A_1400] {strides = array<i32>} : memref<2x128xf32, #tpu.memory_space<vmem>>, vector<1x16xf32>,
    %get3A_1402 = vector.shape_cast %get3A_1401 : vector<1x16xf32> to vector<16xf32>
    %swap3A_1403 = arith.constant 0 : i32
    %swap3A_1404 = arith.index_cast %swap3A_1403 : i32 to index
    %swap3A_1405 = arith.constant 240 : index
    %swap3A_1406 = tpu.vector_load %arg5[%swap3A_1404, %swap3A_1405] {strides = array<i32>} : memref<32x256xf32, #tpu.memory_space<vmem>>, vector<1x16xf32>,
    %swap3A_1407 = vector.shape_cast %swap3A_1406 : vector<1x16xf32> to vector<16xf32>
    %swap3A_1408 = vector.shape_cast %get3A_1402 : vector<16xf32> to vector<1x16xf32>
    tpu.vector_store %arg5[%swap3A_1404, %swap3A_1405], %swap3A_1408 {strides = array<i32>} : memref<32x256xf32, #tpu.memory_space<vmem>>, vector<1x16xf32>,
    %swap3A_1409 = arith.constant 1 : i32
    %swap3A_1410 = arith.index_cast %swap3A_1409 : i32 to index
    %swap3A_1411 = arith.constant 240 : index
    %swap3A_1412 = tpu.vector_load %arg5[%swap3A_1410, %swap3A_1411] {strides = array<i32>} : memref<32x256xf32, #tpu.memory_space<vmem>>, vector<1x16xf32>,
    %swap3A_1413 = vector.shape_cast %swap3A_1412 : vector<1x16xf32> to vector<16xf32>
    %swap3A_1414 = vector.shape_cast %get3A_1402 : vector<16xf32> to vector<1x16xf32>
    tpu.vector_store %arg5[%swap3A_1410, %swap3A_1411], %swap3A_1414 {strides = array<i32>} : memref<32x256xf32, #tpu.memory_space<vmem>>, vector<1x16xf32>,
    %swap3A_1415 = arith.constant 2 : i32
    %swap3A_1416 = arith.index_cast %swap3A_1415 : i32 to index
    %swap3A_1417 = arith.constant 240 : index
    %swap3A_1418 = tpu.vector_load %arg5[%swap3A_1416, %swap3A_1417] {strides = array<i32>} : memref<32x256xf32, #tpu.memory_space<vmem>>, vector<1x16xf32>,
    %swap3A_1419 = vector.shape_cast %swap3A_1418 : vector<1x16xf32> to vector<16xf32>
    %swap3A_1420 = vector.shape_cast %get3A_1402 : vector<16xf32> to vector<1x16xf32>
    tpu.vector_store %arg5[%swap3A_1416, %swap3A_1417], %swap3A_1420 {strides = array<i32>} : memref<32x256xf32, #tpu.memory_space<vmem>>, vector<1x16xf32>,
    %swap3A_1421 = arith.constant 3 : i32
    %swap3A_1422 = arith.index_cast %swap3A_1421 : i32 to index
    %swap3A_1423 = arith.constant 240 : index
    %swap3A_1424 = tpu.vector_load %arg5[%swap3A_1422, %swap3A_1423] {strides = array<i32>} : memref<32x256xf32, #tpu.memory_space<vmem>>, vector<1x16xf32>,
    %swap3A_1425 = vector.shape_cast %swap3A_1424 : vector<1x16xf32> to vector<16xf32>
    %swap3A_1426 = vector.shape_cast %get3A_1402 : vector<16xf32> to vector<1x16xf32>
    tpu.vector_store %arg5[%swap3A_1422, %swap3A_1423], %swap3A_1426 {strides = array<i32>} : memref<32x256xf32, #tpu.memory_space<vmem>>, vector<1x16xf32>,
    %swap3A_1427 = arith.constant 4 : i32
    %swap3A_1428 = arith.index_cast %swap3A_1427 : i32 to index
    %swap3A_1429 = arith.constant 240 : index
    %swap3A_1430 = tpu.vector_load %arg5[%swap3A_1428, %swap3A_1429] {strides = array<i32>} : memref<32x256xf32, #tpu.memory_space<vmem>>, vector<1x16xf32>,
    %swap3A_1431 = vector.shape_cast %swap3A_1430 : vector<1x16xf32> to vector<16xf32>
    %swap3A_1432 = vector.shape_cast %get3A_1402 : vector<16xf32> to vector<1x16xf32>
    tpu.vector_store %arg5[%swap3A_1428, %swap3A_1429], %swap3A_1432 {strides = array<i32>} : memref<32x256xf32, #tpu.memory_space<vmem>>, vector<1x16xf32>,
    %swap3A_1433 = arith.constant 5 : i32
    %swap3A_1434 = arith.index_cast %swap3A_1433 : i32 to index
    %swap3A_1435 = arith.constant 240 : index
    %swap3A_1436 = tpu.vector_load %arg5[%swap3A_1434, %swap3A_1435] {strides = array<i32>} : memref<32x256xf32, #tpu.memory_space<vmem>>, vector<1x16xf32>,
    %swap3A_1437 = vector.shape_cast %swap3A_1436 : vector<1x16xf32> to vector<16xf32>
    %swap3A_1438 = vector.shape_cast %get3A_1402 : vector<16xf32> to vector<1x16xf32>
    tpu.vector_store %arg5[%swap3A_1434, %swap3A_1435], %swap3A_1438 {strides = array<i32>} : memref<32x256xf32, #tpu.memory_space<vmem>>, vector<1x16xf32>,
    %swap3A_1439 = arith.constant 6 : i32
    %swap3A_1440 = arith.index_cast %swap3A_1439 : i32 to index
    %swap3A_1441 = arith.constant 240 : index
    %swap3A_1442 = tpu.vector_load %arg5[%swap3A_1440, %swap3A_1441] {strides = array<i32>} : memref<32x256xf32, #tpu.memory_space<vmem>>, vector<1x16xf32>,
    %swap3A_1443 = vector.shape_cast %swap3A_1442 : vector<1x16xf32> to vector<16xf32>
    %swap3A_1444 = vector.shape_cast %get3A_1402 : vector<16xf32> to vector<1x16xf32>
    tpu.vector_store %arg5[%swap3A_1440, %swap3A_1441], %swap3A_1444 {strides = array<i32>} : memref<32x256xf32, #tpu.memory_space<vmem>>, vector<1x16xf32>,
    %swap3A_1445 = arith.constant 7 : i32
    %swap3A_1446 = arith.index_cast %swap3A_1445 : i32 to index
    %swap3A_1447 = arith.constant 240 : index
    %swap3A_1448 = tpu.vector_load %arg5[%swap3A_1446, %swap3A_1447] {strides = array<i32>} : memref<32x256xf32, #tpu.memory_space<vmem>>, vector<1x16xf32>,
    %swap3A_1449 = vector.shape_cast %swap3A_1448 : vector<1x16xf32> to vector<16xf32>
    %swap3A_1450 = vector.shape_cast %get3A_1402 : vector<16xf32> to vector<1x16xf32>
    tpu.vector_store %arg5[%swap3A_1446, %swap3A_1447], %swap3A_1450 {strides = array<i32>} : memref<32x256xf32, #tpu.memory_space<vmem>>, vector<1x16xf32>,
    %swap3A_1451 = arith.constant 8 : i32
    %swap3A_1452 = arith.index_cast %swap3A_1451 : i32 to index
    %swap3A_1453 = arith.constant 240 : index
    %swap3A_1454 = tpu.vector_load %arg5[%swap3A_1452, %swap3A_1453] {strides = array<i32>} : memref<32x256xf32, #tpu.memory_space<vmem>>, vector<1x16xf32>,
    %swap3A_1455 = vector.shape_cast %swap3A_1454 : vector<1x16xf32> to vector<16xf32>
    %swap3A_1456 = vector.shape_cast %get3A_1402 : vector<16xf32> to vector<1x16xf32>
    tpu.vector_store %arg5[%swap3A_1452, %swap3A_1453], %swap3A_1456 {strides = array<i32>} : memref<32x256xf32, #tpu.memory_space<vmem>>, vector<1x16xf32>,
    %swap3A_1457 = arith.constant 9 : i32
    %swap3A_1458 = arith.index_cast %swap3A_1457 : i32 to index
    %swap3A_1459 = arith.constant 240 : index
    %swap3A_1460 = tpu.vector_load %arg5[%swap3A_1458, %swap3A_1459] {strides = array<i32>} : memref<32x256xf32, #tpu.memory_space<vmem>>, vector<1x16xf32>,
    %swap3A_1461 = vector.shape_cast %swap3A_1460 : vector<1x16xf32> to vector<16xf32>
    %swap3A_1462 = vector.shape_cast %get3A_1402 : vector<16xf32> to vector<1x16xf32>
    tpu.vector_store %arg5[%swap3A_1458, %swap3A_1459], %swap3A_1462 {strides = array<i32>} : memref<32x256xf32, #tpu.memory_space<vmem>>, vector<1x16xf32>,
    %swap3A_1463 = arith.constant 10 : i32
    %swap3A_1464 = arith.index_cast %swap3A_1463 : i32 to index
    %swap3A_1465 = arith.constant 240 : index
    %swap3A_1466 = tpu.vector_load %arg5[%swap3A_1464, %swap3A_1465] {strides = array<i32>} : memref<32x256xf32, #tpu.memory_space<vmem>>, vector<1x16xf32>,
    %swap3A_1467 = vector.shape_cast %swap3A_1466 : vector<1x16xf32> to vector<16xf32>
    %swap3A_1468 = vector.shape_cast %get3A_1402 : vector<16xf32> to vector<1x16xf32>
    tpu.vector_store %arg5[%swap3A_1464, %swap3A_1465], %swap3A_1468 {strides = array<i32>} : memref<32x256xf32, #tpu.memory_space<vmem>>, vector<1x16xf32>,
    %swap3A_1469 = arith.constant 11 : i32
    %swap3A_1470 = arith.index_cast %swap3A_1469 : i32 to index
    %swap3A_1471 = arith.constant 240 : index
    %swap3A_1472 = tpu.vector_load %arg5[%swap3A_1470, %swap3A_1471] {strides = array<i32>} : memref<32x256xf32, #tpu.memory_space<vmem>>, vector<1x16xf32>,
    %swap3A_1473 = vector.shape_cast %swap3A_1472 : vector<1x16xf32> to vector<16xf32>
    %swap3A_1474 = vector.shape_cast %get3A_1402 : vector<16xf32> to vector<1x16xf32>
    tpu.vector_store %arg5[%swap3A_1470, %swap3A_1471], %swap3A_1474 {strides = array<i32>} : memref<32x256xf32, #tpu.memory_space<vmem>>, vector<1x16xf32>,
    %swap3A_1475 = arith.constant 12 : i32
    %swap3A_1476 = arith.index_cast %swap3A_1475 : i32 to index
    %swap3A_1477 = arith.constant 240 : index
    %swap3A_1478 = tpu.vector_load %arg5[%swap3A_1476, %swap3A_1477] {strides = array<i32>} : memref<32x256xf32, #tpu.memory_space<vmem>>, vector<1x16xf32>,
    %swap3A_1479 = vector.shape_cast %swap3A_1478 : vector<1x16xf32> to vector<16xf32>
    %swap3A_1480 = vector.shape_cast %get3A_1402 : vector<16xf32> to vector<1x16xf32>
    tpu.vector_store %arg5[%swap3A_1476, %swap3A_1477], %swap3A_1480 {strides = array<i32>} : memref<32x256xf32, #tpu.memory_space<vmem>>, vector<1x16xf32>,
    %swap3A_1481 = arith.constant 13 : i32
    %swap3A_1482 = arith.index_cast %swap3A_1481 : i32 to index
    %swap3A_1483 = arith.constant 240 : index
    %swap3A_1484 = tpu.vector_load %arg5[%swap3A_1482, %swap3A_1483] {strides = array<i32>} : memref<32x256xf32, #tpu.memory_space<vmem>>, vector<1x16xf32>,
    %swap3A_1485 = vector.shape_cast %swap3A_1484 : vector<1x16xf32> to vector<16xf32>
    %swap3A_1486 = vector.shape_cast %get3A_1402 : vector<16xf32> to vector<1x16xf32>
    tpu.vector_store %arg5[%swap3A_1482, %swap3A_1483], %swap3A_1486 {strides = array<i32>} : memref<32x256xf32, #tpu.memory_space<vmem>>, vector<1x16xf32>,
    %swap3A_1487 = arith.constant 14 : i32
    %swap3A_1488 = arith.index_cast %swap3A_1487 : i32 to index
    %swap3A_1489 = arith.constant 240 : index
    %swap3A_1490 = tpu.vector_load %arg5[%swap3A_1488, %swap3A_1489] {strides = array<i32>} : memref<32x256xf32, #tpu.memory_space<vmem>>, vector<1x16xf32>,
    %swap3A_1491 = vector.shape_cast %swap3A_1490 : vector<1x16xf32> to vector<16xf32>
    %swap3A_1492 = vector.shape_cast %get3A_1402 : vector<16xf32> to vector<1x16xf32>
    tpu.vector_store %arg5[%swap3A_1488, %swap3A_1489], %swap3A_1492 {strides = array<i32>} : memref<32x256xf32, #tpu.memory_space<vmem>>, vector<1x16xf32>,
    %swap3A_1493 = arith.constant 15 : i32
    %swap3A_1494 = arith.index_cast %swap3A_1493 : i32 to index
    %swap3A_1495 = arith.constant 240 : index
    %swap3A_1496 = tpu.vector_load %arg5[%swap3A_1494, %swap3A_1495] {strides = array<i32>} : memref<32x256xf32, #tpu.memory_space<vmem>>, vector<1x16xf32>,
    %swap3A_1497 = vector.shape_cast %swap3A_1496 : vector<1x16xf32> to vector<16xf32>
    %swap3A_1498 = vector.shape_cast %get3A_1402 : vector<16xf32> to vector<1x16xf32>
    tpu.vector_store %arg5[%swap3A_1494, %swap3A_1495], %swap3A_1498 {strides = array<i32>} : memref<32x256xf32, #tpu.memory_space<vmem>>, vector<1x16xf32>,
    %swap3A_1499 = arith.constant 16 : i32
    %swap3A_1500 = arith.index_cast %swap3A_1499 : i32 to index
    %swap3A_1501 = arith.constant 240 : index
    %swap3A_1502 = tpu.vector_load %arg5[%swap3A_1500, %swap3A_1501] {strides = array<i32>} : memref<32x256xf32, #tpu.memory_space<vmem>>, vector<1x16xf32>,
    %swap3A_1503 = vector.shape_cast %swap3A_1502 : vector<1x16xf32> to vector<16xf32>
    %swap3A_1504 = vector.shape_cast %get3A_1402 : vector<16xf32> to vector<1x16xf32>
    tpu.vector_store %arg5[%swap3A_1500, %swap3A_1501], %swap3A_1504 {strides = array<i32>} : memref<32x256xf32, #tpu.memory_space<vmem>>, vector<1x16xf32>,
    %swap3A_1505 = arith.constant 17 : i32
    %swap3A_1506 = arith.index_cast %swap3A_1505 : i32 to index
    %swap3A_1507 = arith.constant 240 : index
    %swap3A_1508 = tpu.vector_load %arg5[%swap3A_1506, %swap3A_1507] {strides = array<i32>} : memref<32x256xf32, #tpu.memory_space<vmem>>, vector<1x16xf32>,
    %swap3A_1509 = vector.shape_cast %swap3A_1508 : vector<1x16xf32> to vector<16xf32>
    %swap3A_1510 = vector.shape_cast %get3A_1402 : vector<16xf32> to vector<1x16xf32>
    tpu.vector_store %arg5[%swap3A_1506, %swap3A_1507], %swap3A_1510 {strides = array<i32>} : memref<32x256xf32, #tpu.memory_space<vmem>>, vector<1x16xf32>,
    %swap3A_1511 = arith.constant 18 : i32
    %swap3A_1512 = arith.index_cast %swap3A_1511 : i32 to index
    %swap3A_1513 = arith.constant 240 : index
    %swap3A_1514 = tpu.vector_load %arg5[%swap3A_1512, %swap3A_1513] {strides = array<i32>} : memref<32x256xf32, #tpu.memory_space<vmem>>, vector<1x16xf32>,
    %swap3A_1515 = vector.shape_cast %swap3A_1514 : vector<1x16xf32> to vector<16xf32>
    %swap3A_1516 = vector.shape_cast %get3A_1402 : vector<16xf32> to vector<1x16xf32>
    tpu.vector_store %arg5[%swap3A_1512, %swap3A_1513], %swap3A_1516 {strides = array<i32>} : memref<32x256xf32, #tpu.memory_space<vmem>>, vector<1x16xf32>,
    %swap3A_1517 = arith.constant 19 : i32
    %swap3A_1518 = arith.index_cast %swap3A_1517 : i32 to index
    %swap3A_1519 = arith.constant 240 : index
    %swap3A_1520 = tpu.vector_load %arg5[%swap3A_1518, %swap3A_1519] {strides = array<i32>} : memref<32x256xf32, #tpu.memory_space<vmem>>, vector<1x16xf32>,
    %swap3A_1521 = vector.shape_cast %swap3A_1520 : vector<1x16xf32> to vector<16xf32>
    %swap3A_1522 = vector.shape_cast %get3A_1402 : vector<16xf32> to vector<1x16xf32>
    tpu.vector_store %arg5[%swap3A_1518, %swap3A_1519], %swap3A_1522 {strides = array<i32>} : memref<32x256xf32, #tpu.memory_space<vmem>>, vector<1x16xf32>,
    %swap3A_1523 = arith.constant 20 : i32
    %swap3A_1524 = arith.index_cast %swap3A_1523 : i32 to index
    %swap3A_1525 = arith.constant 240 : index
    %swap3A_1526 = tpu.vector_load %arg5[%swap3A_1524, %swap3A_1525] {strides = array<i32>} : memref<32x256xf32, #tpu.memory_space<vmem>>, vector<1x16xf32>,
    %swap3A_1527 = vector.shape_cast %swap3A_1526 : vector<1x16xf32> to vector<16xf32>
    %swap3A_1528 = vector.shape_cast %get3A_1402 : vector<16xf32> to vector<1x16xf32>
    tpu.vector_store %arg5[%swap3A_1524, %swap3A_1525], %swap3A_1528 {strides = array<i32>} : memref<32x256xf32, #tpu.memory_space<vmem>>, vector<1x16xf32>,
    %swap3A_1529 = arith.constant 21 : i32
    %swap3A_1530 = arith.index_cast %swap3A_1529 : i32 to index
    %swap3A_1531 = arith.constant 240 : index
    %swap3A_1532 = tpu.vector_load %arg5[%swap3A_1530, %swap3A_1531] {strides = array<i32>} : memref<32x256xf32, #tpu.memory_space<vmem>>, vector<1x16xf32>,
    %swap3A_1533 = vector.shape_cast %swap3A_1532 : vector<1x16xf32> to vector<16xf32>
    %swap3A_1534 = vector.shape_cast %get3A_1402 : vector<16xf32> to vector<1x16xf32>
    tpu.vector_store %arg5[%swap3A_1530, %swap3A_1531], %swap3A_1534 {strides = array<i32>} : memref<32x256xf32, #tpu.memory_space<vmem>>, vector<1x16xf32>,
    %swap3A_1535 = arith.constant 22 : i32
    %swap3A_1536 = arith.index_cast %swap3A_1535 : i32 to index
    %swap3A_1537 = arith.constant 240 : index
    %swap3A_1538 = tpu.vector_load %arg5[%swap3A_1536, %swap3A_1537] {strides = array<i32>} : memref<32x256xf32, #tpu.memory_space<vmem>>, vector<1x16xf32>,
    %swap3A_1539 = vector.shape_cast %swap3A_1538 : vector<1x16xf32> to vector<16xf32>
    %swap3A_1540 = vector.shape_cast %get3A_1402 : vector<16xf32> to vector<1x16xf32>
    tpu.vector_store %arg5[%swap3A_1536, %swap3A_1537], %swap3A_1540 {strides = array<i32>} : memref<32x256xf32, #tpu.memory_space<vmem>>, vector<1x16xf32>,
    %swap3A_1541 = arith.constant 23 : i32
    %swap3A_1542 = arith.index_cast %swap3A_1541 : i32 to index
    %swap3A_1543 = arith.constant 240 : index
    %swap3A_1544 = tpu.vector_load %arg5[%swap3A_1542, %swap3A_1543] {strides = array<i32>} : memref<32x256xf32, #tpu.memory_space<vmem>>, vector<1x16xf32>,
    %swap3A_1545 = vector.shape_cast %swap3A_1544 : vector<1x16xf32> to vector<16xf32>
    %swap3A_1546 = vector.shape_cast %get3A_1402 : vector<16xf32> to vector<1x16xf32>
    tpu.vector_store %arg5[%swap3A_1542, %swap3A_1543], %swap3A_1546 {strides = array<i32>} : memref<32x256xf32, #tpu.memory_space<vmem>>, vector<1x16xf32>,
    %swap3A_1547 = arith.constant 24 : i32
    %swap3A_1548 = arith.index_cast %swap3A_1547 : i32 to index
    %swap3A_1549 = arith.constant 240 : index
    %swap3A_1550 = tpu.vector_load %arg5[%swap3A_1548, %swap3A_1549] {strides = array<i32>} : memref<32x256xf32, #tpu.memory_space<vmem>>, vector<1x16xf32>,
    %swap3A_1551 = vector.shape_cast %swap3A_1550 : vector<1x16xf32> to vector<16xf32>
    %swap3A_1552 = vector.shape_cast %get3A_1402 : vector<16xf32> to vector<1x16xf32>
    tpu.vector_store %arg5[%swap3A_1548, %swap3A_1549], %swap3A_1552 {strides = array<i32>} : memref<32x256xf32, #tpu.memory_space<vmem>>, vector<1x16xf32>,
    %swap3A_1553 = arith.constant 25 : i32
    %swap3A_1554 = arith.index_cast %swap3A_1553 : i32 to index
    %swap3A_1555 = arith.constant 240 : index
    %swap3A_1556 = tpu.vector_load %arg5[%swap3A_1554, %swap3A_1555] {strides = array<i32>} : memref<32x256xf32, #tpu.memory_space<vmem>>, vector<1x16xf32>,
    %swap3A_1557 = vector.shape_cast %swap3A_1556 : vector<1x16xf32> to vector<16xf32>
    %swap3A_1558 = vector.shape_cast %get3A_1402 : vector<16xf32> to vector<1x16xf32>
    tpu.vector_store %arg5[%swap3A_1554, %swap3A_1555], %swap3A_1558 {strides = array<i32>} : memref<32x256xf32, #tpu.memory_space<vmem>>, vector<1x16xf32>,
    %swap3A_1559 = arith.constant 26 : i32
    %swap3A_1560 = arith.index_cast %swap3A_1559 : i32 to index
    %swap3A_1561 = arith.constant 240 : index
    %swap3A_1562 = tpu.vector_load %arg5[%swap3A_1560, %swap3A_1561] {strides = array<i32>} : memref<32x256xf32, #tpu.memory_space<vmem>>, vector<1x16xf32>,
    %swap3A_1563 = vector.shape_cast %swap3A_1562 : vector<1x16xf32> to vector<16xf32>
    %swap3A_1564 = vector.shape_cast %get3A_1402 : vector<16xf32> to vector<1x16xf32>
    tpu.vector_store %arg5[%swap3A_1560, %swap3A_1561], %swap3A_1564 {strides = array<i32>} : memref<32x256xf32, #tpu.memory_space<vmem>>, vector<1x16xf32>,
    %swap3A_1565 = arith.constant 27 : i32
    %swap3A_1566 = arith.index_cast %swap3A_1565 : i32 to index
    %swap3A_1567 = arith.constant 240 : index
    %swap3A_1568 = tpu.vector_load %arg5[%swap3A_1566, %swap3A_1567] {strides = array<i32>} : memref<32x256xf32, #tpu.memory_space<vmem>>, vector<1x16xf32>,
    %swap3A_1569 = vector.shape_cast %swap3A_1568 : vector<1x16xf32> to vector<16xf32>
    %swap3A_1570 = vector.shape_cast %get3A_1402 : vector<16xf32> to vector<1x16xf32>
    tpu.vector_store %arg5[%swap3A_1566, %swap3A_1567], %swap3A_1570 {strides = array<i32>} : memref<32x256xf32, #tpu.memory_space<vmem>>, vector<1x16xf32>,
    %swap3A_1571 = arith.constant 28 : i32
    %swap3A_1572 = arith.index_cast %swap3A_1571 : i32 to index
    %swap3A_1573 = arith.constant 240 : index
    %swap3A_1574 = tpu.vector_load %arg5[%swap3A_1572, %swap3A_1573] {strides = array<i32>} : memref<32x256xf32, #tpu.memory_space<vmem>>, vector<1x16xf32>,
    %swap3A_1575 = vector.shape_cast %swap3A_1574 : vector<1x16xf32> to vector<16xf32>
    %swap3A_1576 = vector.shape_cast %get3A_1402 : vector<16xf32> to vector<1x16xf32>
    tpu.vector_store %arg5[%swap3A_1572, %swap3A_1573], %swap3A_1576 {strides = array<i32>} : memref<32x256xf32, #tpu.memory_space<vmem>>, vector<1x16xf32>,
    %swap3A_1577 = arith.constant 29 : i32
    %swap3A_1578 = arith.index_cast %swap3A_1577 : i32 to index
    %swap3A_1579 = arith.constant 240 : index
    %swap3A_1580 = tpu.vector_load %arg5[%swap3A_1578, %swap3A_1579] {strides = array<i32>} : memref<32x256xf32, #tpu.memory_space<vmem>>, vector<1x16xf32>,
    %swap3A_1581 = vector.shape_cast %swap3A_1580 : vector<1x16xf32> to vector<16xf32>
    %swap3A_1582 = vector.shape_cast %get3A_1402 : vector<16xf32> to vector<1x16xf32>
    tpu.vector_store %arg5[%swap3A_1578, %swap3A_1579], %swap3A_1582 {strides = array<i32>} : memref<32x256xf32, #tpu.memory_space<vmem>>, vector<1x16xf32>,
    %swap3A_1583 = arith.constant 30 : i32
    %swap3A_1584 = arith.index_cast %swap3A_1583 : i32 to index
    %swap3A_1585 = arith.constant 240 : index
    %swap3A_1586 = tpu.vector_load %arg5[%swap3A_1584, %swap3A_1585] {strides = array<i32>} : memref<32x256xf32, #tpu.memory_space<vmem>>, vector<1x16xf32>,
    %swap3A_1587 = vector.shape_cast %swap3A_1586 : vector<1x16xf32> to vector<16xf32>
    %swap3A_1588 = vector.shape_cast %get3A_1402 : vector<16xf32> to vector<1x16xf32>
    tpu.vector_store %arg5[%swap3A_1584, %swap3A_1585], %swap3A_1588 {strides = array<i32>} : memref<32x256xf32, #tpu.memory_space<vmem>>, vector<1x16xf32>,
    %swap3A_1589 = arith.constant 31 : i32
    %swap3A_1590 = arith.index_cast %swap3A_1589 : i32 to index
    %swap3A_1591 = arith.constant 240 : index
    %swap3A_1592 = tpu.vector_load %arg5[%swap3A_1590, %swap3A_1591] {strides = array<i32>} : memref<32x256xf32, #tpu.memory_space<vmem>>, vector<1x16xf32>,
    %swap3A_1593 = vector.shape_cast %swap3A_1592 : vector<1x16xf32> to vector<16xf32>
    %swap3A_1594 = vector.shape_cast %get3A_1402 : vector<16xf32> to vector<1x16xf32>
    tpu.vector_store %arg5[%swap3A_1590, %swap3A_1591], %swap3A_1594 {strides = array<i32>} : memref<32x256xf32, #tpu.memory_space<vmem>>, vector<1x16xf32>,
    %dma_wait3A_1595 = arith.constant 0 : i32
    %dma_wait3A_1596 = arith.constant 0 : i32
    %dma_wait3A_1597 = tpu.memref_slice %arg5[%dma_wait3A_1595, %dma_wait3A_1596] : memref<32x256xf32, #tpu.memory_space<vmem>> -> memref<32x128xf32, #tpu.memory_space<vmem>>
    %dma_wait3A_1598 = arith.constant 0 : i32
    %dma_wait3A_1599 = arith.constant 0 : i32
    %dma_wait3A_1600 = tpu.memref_slice %arg2[%dma_wait3A_1598, %dma_wait3A_1599] : memref<50x128xf32, #tpu.memory_space<hbm>> -> memref<32x128xf32, #tpu.memory_space<hbm>>
    %dma_wait3A_1601 = arith.constant 0 : i32
    %dma_wait3A_1602 = arith.constant 0 : i32
    %dma_wait3A_1603 = tpu.memref_slice %arg5[%dma_wait3A_1601, %dma_wait3A_1602] : memref<32x256xf32, #tpu.memory_space<vmem>> -> memref<32x128xf32, #tpu.memory_space<vmem>>
    %dma_wait3A_1604 = arith.constant 0 : i32
    %dma_wait3A_1605 = arith.constant 0 : i32
    %dma_wait3A_1606 = tpu.memref_slice %arg2[%dma_wait3A_1604, %dma_wait3A_1605] : memref<50x128xf32, #tpu.memory_space<hbm>> -> memref<32x128xf32, #tpu.memory_space<hbm>>
    tpu.wait_dma2 semaphore(%arg7 : memref<!tpu.dma_semaphore, #tpu.memory_space<semaphore_mem>>) src(%dma_wait3A_1606 : memref<32x128xf32, #tpu.memory_space<hbm>>) dst(%dma_wait3A_1603 : memref<32x128xf32, #tpu.memory_space<vmem>>)
    %dma_start3A_1607 = arith.constant 0 : i32
    %dma_start3A_1608 = arith.constant 0 : i32
    %dma_start3A_1609 = arith.constant 0 : i32
    %dma_start3A_1610 = tpu.memref_slice %arg4[%dma_start3A_1607, %mul3A_2, %dma_start3A_1608, %dma_start3A_1609] : memref<1x32x32x256xf32, #tpu.memory_space<hbm>> -> memref<1x1x32x256xf32, #tpu.memory_space<hbm>>
    %dma_start3A_1611 = tpu.memref_squeeze %dma_start3A_1610 : memref<1x1x32x256xf32, #tpu.memory_space<hbm>> -> memref<32x256xf32, #tpu.memory_space<hbm>>
    %dma_start3A_1612 = arith.constant 0 : i32
    %dma_start3A_1613 = arith.constant 0 : i32
    %dma_start3A_1614 = tpu.memref_slice %arg4[%dma_start3A_1607, %mul3A_2, %dma_start3A_1612, %dma_start3A_1613] : memref<1x32x32x256xf32, #tpu.memory_space<hbm>> -> memref<1x1x32x256xf32, #tpu.memory_space<hbm>>
    %dma_start3A_1615 = tpu.memref_squeeze %dma_start3A_1614 : memref<1x1x32x256xf32, #tpu.memory_space<hbm>> -> memref<32x256xf32, #tpu.memory_space<hbm>>
    tpu.enqueue_dma source(%arg5 : memref<32x256xf32, #tpu.memory_space<vmem>>) target(%dma_start3A_1615 : memref<32x256xf32, #tpu.memory_space<hbm>>) target_semaphore(%arg9 : memref<!tpu.dma_semaphore, #tpu.memory_space<semaphore_mem>>)
    %dma_wait3A_1616 = arith.constant 0 : i32
    %dma_wait3A_1617 = arith.constant 0 : i32
    %dma_wait3A_1618 = arith.constant 0 : i32
    %dma_wait3A_1619 = tpu.memref_slice %arg4[%dma_wait3A_1616, %mul3A_2, %dma_wait3A_1617, %dma_wait3A_1618] : memref<1x32x32x256xf32, #tpu.memory_space<hbm>> -> memref<1x1x32x256xf32, #tpu.memory_space<hbm>>
    %dma_wait3A_1620 = tpu.memref_squeeze %dma_wait3A_1619 : memref<1x1x32x256xf32, #tpu.memory_space<hbm>> -> memref<32x256xf32, #tpu.memory_space<hbm>>
    %dma_wait3A_1621 = arith.constant 0 : i32
    %dma_wait3A_1622 = arith.constant 0 : i32
    %dma_wait3A_1623 = tpu.memref_slice %arg4[%dma_wait3A_1616, %mul3A_2, %dma_wait3A_1621, %dma_wait3A_1622] : memref<1x32x32x256xf32, #tpu.memory_space<hbm>> -> memref<1x1x32x256xf32, #tpu.memory_space<hbm>>
    %dma_wait3A_1624 = tpu.memref_squeeze %dma_wait3A_1623 : memref<1x1x32x256xf32, #tpu.memory_space<hbm>> -> memref<32x256xf32, #tpu.memory_space<hbm>>
    tpu.wait_dma2 semaphore(%arg9 : memref<!tpu.dma_semaphore, #tpu.memory_space<semaphore_mem>>) src(%arg5 : memref<32x256xf32, #tpu.memory_space<vmem>>) dst(%dma_wait3A_1624 : memref<32x256xf32, #tpu.memory_space<hbm>>)
    %get3A_1625 = arith.constant 1 : i32
    %get3A_1626 = arith.index_cast %get3A_1625 : i32 to index
    %get3A_1627 = arith.constant 0 : index
    %get3A_1628 = tpu.vector_load %arg6[%get3A_1626, %get3A_1627] {strides = array<i32>} : memref<2x128xf32, #tpu.memory_space<vmem>>, vector<1x16xf32>,
    %get3A_1629 = vector.shape_cast %get3A_1628 : vector<1x16xf32> to vector<16xf32>
    %swap3A_1630 = arith.constant 0 : i32
    %swap3A_1631 = arith.index_cast %swap3A_1630 : i32 to index
    %swap3A_1632 = arith.constant 128 : index
    %swap3A_1633 = tpu.vector_load %arg5[%swap3A_1631, %swap3A_1632] {strides = array<i32>} : memref<32x256xf32, #tpu.memory_space<vmem>>, vector<1x16xf32>,
    %swap3A_1634 = vector.shape_cast %swap3A_1633 : vector<1x16xf32> to vector<16xf32>
    %swap3A_1635 = vector.shape_cast %get3A_1629 : vector<16xf32> to vector<1x16xf32>
    tpu.vector_store %arg5[%swap3A_1631, %swap3A_1632], %swap3A_1635 {strides = array<i32>} : memref<32x256xf32, #tpu.memory_space<vmem>>, vector<1x16xf32>,
    %swap3A_1636 = arith.constant 1 : i32
    %swap3A_1637 = arith.index_cast %swap3A_1636 : i32 to index
    %swap3A_1638 = arith.constant 128 : index
    %swap3A_1639 = tpu.vector_load %arg5[%swap3A_1637, %swap3A_1638] {strides = array<i32>} : memref<32x256xf32, #tpu.memory_space<vmem>>, vector<1x16xf32>,
    %swap3A_1640 = vector.shape_cast %swap3A_1639 : vector<1x16xf32> to vector<16xf32>
    %swap3A_1641 = vector.shape_cast %get3A_1629 : vector<16xf32> to vector<1x16xf32>
    tpu.vector_store %arg5[%swap3A_1637, %swap3A_1638], %swap3A_1641 {strides = array<i32>} : memref<32x256xf32, #tpu.memory_space<vmem>>, vector<1x16xf32>,
    %swap3A_1642 = arith.constant 2 : i32
    %swap3A_1643 = arith.index_cast %swap3A_1642 : i32 to index
    %swap3A_1644 = arith.constant 128 : index
    %swap3A_1645 = tpu.vector_load %arg5[%swap3A_1643, %swap3A_1644] {strides = array<i32>} : memref<32x256xf32, #tpu.memory_space<vmem>>, vector<1x16xf32>,
    %swap3A_1646 = vector.shape_cast %swap3A_1645 : vector<1x16xf32> to vector<16xf32>
    %swap3A_1647 = vector.shape_cast %get3A_1629 : vector<16xf32> to vector<1x16xf32>
    tpu.vector_store %arg5[%swap3A_1643, %swap3A_1644], %swap3A_1647 {strides = array<i32>} : memref<32x256xf32, #tpu.memory_space<vmem>>, vector<1x16xf32>,
    %swap3A_1648 = arith.constant 3 : i32
    %swap3A_1649 = arith.index_cast %swap3A_1648 : i32 to index
    %swap3A_1650 = arith.constant 128 : index
    %swap3A_1651 = tpu.vector_load %arg5[%swap3A_1649, %swap3A_1650] {strides = array<i32>} : memref<32x256xf32, #tpu.memory_space<vmem>>, vector<1x16xf32>,
    %swap3A_1652 = vector.shape_cast %swap3A_1651 : vector<1x16xf32> to vector<16xf32>
    %swap3A_1653 = vector.shape_cast %get3A_1629 : vector<16xf32> to vector<1x16xf32>
    tpu.vector_store %arg5[%swap3A_1649, %swap3A_1650], %swap3A_1653 {strides = array<i32>} : memref<32x256xf32, #tpu.memory_space<vmem>>, vector<1x16xf32>,
    %swap3A_1654 = arith.constant 4 : i32
    %swap3A_1655 = arith.index_cast %swap3A_1654 : i32 to index
    %swap3A_1656 = arith.constant 128 : index
    %swap3A_1657 = tpu.vector_load %arg5[%swap3A_1655, %swap3A_1656] {strides = array<i32>} : memref<32x256xf32, #tpu.memory_space<vmem>>, vector<1x16xf32>,
    %swap3A_1658 = vector.shape_cast %swap3A_1657 : vector<1x16xf32> to vector<16xf32>
    %swap3A_1659 = vector.shape_cast %get3A_1629 : vector<16xf32> to vector<1x16xf32>
    tpu.vector_store %arg5[%swap3A_1655, %swap3A_1656], %swap3A_1659 {strides = array<i32>} : memref<32x256xf32, #tpu.memory_space<vmem>>, vector<1x16xf32>,
    %swap3A_1660 = arith.constant 5 : i32
    %swap3A_1661 = arith.index_cast %swap3A_1660 : i32 to index
    %swap3A_1662 = arith.constant 128 : index
    %swap3A_1663 = tpu.vector_load %arg5[%swap3A_1661, %swap3A_1662] {strides = array<i32>} : memref<32x256xf32, #tpu.memory_space<vmem>>, vector<1x16xf32>,
    %swap3A_1664 = vector.shape_cast %swap3A_1663 : vector<1x16xf32> to vector<16xf32>
    %swap3A_1665 = vector.shape_cast %get3A_1629 : vector<16xf32> to vector<1x16xf32>
    tpu.vector_store %arg5[%swap3A_1661, %swap3A_1662], %swap3A_1665 {strides = array<i32>} : memref<32x256xf32, #tpu.memory_space<vmem>>, vector<1x16xf32>,
    %swap3A_1666 = arith.constant 6 : i32
    %swap3A_1667 = arith.index_cast %swap3A_1666 : i32 to index
    %swap3A_1668 = arith.constant 128 : index
    %swap3A_1669 = tpu.vector_load %arg5[%swap3A_1667, %swap3A_1668] {strides = array<i32>} : memref<32x256xf32, #tpu.memory_space<vmem>>, vector<1x16xf32>,
    %swap3A_1670 = vector.shape_cast %swap3A_1669 : vector<1x16xf32> to vector<16xf32>
    %swap3A_1671 = vector.shape_cast %get3A_1629 : vector<16xf32> to vector<1x16xf32>
    tpu.vector_store %arg5[%swap3A_1667, %swap3A_1668], %swap3A_1671 {strides = array<i32>} : memref<32x256xf32, #tpu.memory_space<vmem>>, vector<1x16xf32>,
    %swap3A_1672 = arith.constant 7 : i32
    %swap3A_1673 = arith.index_cast %swap3A_1672 : i32 to index
    %swap3A_1674 = arith.constant 128 : index
    %swap3A_1675 = tpu.vector_load %arg5[%swap3A_1673, %swap3A_1674] {strides = array<i32>} : memref<32x256xf32, #tpu.memory_space<vmem>>, vector<1x16xf32>,
    %swap3A_1676 = vector.shape_cast %swap3A_1675 : vector<1x16xf32> to vector<16xf32>
    %swap3A_1677 = vector.shape_cast %get3A_1629 : vector<16xf32> to vector<1x16xf32>
    tpu.vector_store %arg5[%swap3A_1673, %swap3A_1674], %swap3A_1677 {strides = array<i32>} : memref<32x256xf32, #tpu.memory_space<vmem>>, vector<1x16xf32>,
    %swap3A_1678 = arith.constant 8 : i32
    %swap3A_1679 = arith.index_cast %swap3A_1678 : i32 to index
    %swap3A_1680 = arith.constant 128 : index
    %swap3A_1681 = tpu.vector_load %arg5[%swap3A_1679, %swap3A_1680] {strides = array<i32>} : memref<32x256xf32, #tpu.memory_space<vmem>>, vector<1x16xf32>,
    %swap3A_1682 = vector.shape_cast %swap3A_1681 : vector<1x16xf32> to vector<16xf32>
    %swap3A_1683 = vector.shape_cast %get3A_1629 : vector<16xf32> to vector<1x16xf32>
    tpu.vector_store %arg5[%swap3A_1679, %swap3A_1680], %swap3A_1683 {strides = array<i32>} : memref<32x256xf32, #tpu.memory_space<vmem>>, vector<1x16xf32>,
    %swap3A_1684 = arith.constant 9 : i32
    %swap3A_1685 = arith.index_cast %swap3A_1684 : i32 to index
    %swap3A_1686 = arith.constant 128 : index
    %swap3A_1687 = tpu.vector_load %arg5[%swap3A_1685, %swap3A_1686] {strides = array<i32>} : memref<32x256xf32, #tpu.memory_space<vmem>>, vector<1x16xf32>,
    %swap3A_1688 = vector.shape_cast %swap3A_1687 : vector<1x16xf32> to vector<16xf32>
    %swap3A_1689 = vector.shape_cast %get3A_1629 : vector<16xf32> to vector<1x16xf32>
    tpu.vector_store %arg5[%swap3A_1685, %swap3A_1686], %swap3A_1689 {strides = array<i32>} : memref<32x256xf32, #tpu.memory_space<vmem>>, vector<1x16xf32>,
    %swap3A_1690 = arith.constant 10 : i32
    %swap3A_1691 = arith.index_cast %swap3A_1690 : i32 to index
    %swap3A_1692 = arith.constant 128 : index
    %swap3A_1693 = tpu.vector_load %arg5[%swap3A_1691, %swap3A_1692] {strides = array<i32>} : memref<32x256xf32, #tpu.memory_space<vmem>>, vector<1x16xf32>,
    %swap3A_1694 = vector.shape_cast %swap3A_1693 : vector<1x16xf32> to vector<16xf32>
    %swap3A_1695 = vector.shape_cast %get3A_1629 : vector<16xf32> to vector<1x16xf32>
    tpu.vector_store %arg5[%swap3A_1691, %swap3A_1692], %swap3A_1695 {strides = array<i32>} : memref<32x256xf32, #tpu.memory_space<vmem>>, vector<1x16xf32>,
    %swap3A_1696 = arith.constant 11 : i32
    %swap3A_1697 = arith.index_cast %swap3A_1696 : i32 to index
    %swap3A_1698 = arith.constant 128 : index
    %swap3A_1699 = tpu.vector_load %arg5[%swap3A_1697, %swap3A_1698] {strides = array<i32>} : memref<32x256xf32, #tpu.memory_space<vmem>>, vector<1x16xf32>,
    %swap3A_1700 = vector.shape_cast %swap3A_1699 : vector<1x16xf32> to vector<16xf32>
    %swap3A_1701 = vector.shape_cast %get3A_1629 : vector<16xf32> to vector<1x16xf32>
    tpu.vector_store %arg5[%swap3A_1697, %swap3A_1698], %swap3A_1701 {strides = array<i32>} : memref<32x256xf32, #tpu.memory_space<vmem>>, vector<1x16xf32>,
    %swap3A_1702 = arith.constant 12 : i32
    %swap3A_1703 = arith.index_cast %swap3A_1702 : i32 to index
    %swap3A_1704 = arith.constant 128 : index
    %swap3A_1705 = tpu.vector_load %arg5[%swap3A_1703, %swap3A_1704] {strides = array<i32>} : memref<32x256xf32, #tpu.memory_space<vmem>>, vector<1x16xf32>,
    %swap3A_1706 = vector.shape_cast %swap3A_1705 : vector<1x16xf32> to vector<16xf32>
    %swap3A_1707 = vector.shape_cast %get3A_1629 : vector<16xf32> to vector<1x16xf32>
    tpu.vector_store %arg5[%swap3A_1703, %swap3A_1704], %swap3A_1707 {strides = array<i32>} : memref<32x256xf32, #tpu.memory_space<vmem>>, vector<1x16xf32>,
    %swap3A_1708 = arith.constant 13 : i32
    %swap3A_1709 = arith.index_cast %swap3A_1708 : i32 to index
    %swap3A_1710 = arith.constant 128 : index
    %swap3A_1711 = tpu.vector_load %arg5[%swap3A_1709, %swap3A_1710] {strides = array<i32>} : memref<32x256xf32, #tpu.memory_space<vmem>>, vector<1x16xf32>,
    %swap3A_1712 = vector.shape_cast %swap3A_1711 : vector<1x16xf32> to vector<16xf32>
    %swap3A_1713 = vector.shape_cast %get3A_1629 : vector<16xf32> to vector<1x16xf32>
    tpu.vector_store %arg5[%swap3A_1709, %swap3A_1710], %swap3A_1713 {strides = array<i32>} : memref<32x256xf32, #tpu.memory_space<vmem>>, vector<1x16xf32>,
    %swap3A_1714 = arith.constant 14 : i32
    %swap3A_1715 = arith.index_cast %swap3A_1714 : i32 to index
    %swap3A_1716 = arith.constant 128 : index
    %swap3A_1717 = tpu.vector_load %arg5[%swap3A_1715, %swap3A_1716] {strides = array<i32>} : memref<32x256xf32, #tpu.memory_space<vmem>>, vector<1x16xf32>,
    %swap3A_1718 = vector.shape_cast %swap3A_1717 : vector<1x16xf32> to vector<16xf32>
    %swap3A_1719 = vector.shape_cast %get3A_1629 : vector<16xf32> to vector<1x16xf32>
    tpu.vector_store %arg5[%swap3A_1715, %swap3A_1716], %swap3A_1719 {strides = array<i32>} : memref<32x256xf32, #tpu.memory_space<vmem>>, vector<1x16xf32>,
    %swap3A_1720 = arith.constant 15 : i32
    %swap3A_1721 = arith.index_cast %swap3A_1720 : i32 to index
    %swap3A_1722 = arith.constant 128 : index
    %swap3A_1723 = tpu.vector_load %arg5[%swap3A_1721, %swap3A_1722] {strides = array<i32>} : memref<32x256xf32, #tpu.memory_space<vmem>>, vector<1x16xf32>,
    %swap3A_1724 = vector.shape_cast %swap3A_1723 : vector<1x16xf32> to vector<16xf32>
    %swap3A_1725 = vector.shape_cast %get3A_1629 : vector<16xf32> to vector<1x16xf32>
    tpu.vector_store %arg5[%swap3A_1721, %swap3A_1722], %swap3A_1725 {strides = array<i32>} : memref<32x256xf32, #tpu.memory_space<vmem>>, vector<1x16xf32>,
    %swap3A_1726 = arith.constant 16 : i32
    %swap3A_1727 = arith.index_cast %swap3A_1726 : i32 to index
    %swap3A_1728 = arith.constant 128 : index
    %swap3A_1729 = tpu.vector_load %arg5[%swap3A_1727, %swap3A_1728] {strides = array<i32>} : memref<32x256xf32, #tpu.memory_space<vmem>>, vector<1x16xf32>,
    %swap3A_1730 = vector.shape_cast %swap3A_1729 : vector<1x16xf32> to vector<16xf32>
    %swap3A_1731 = vector.shape_cast %get3A_1629 : vector<16xf32> to vector<1x16xf32>
    tpu.vector_store %arg5[%swap3A_1727, %swap3A_1728], %swap3A_1731 {strides = array<i32>} : memref<32x256xf32, #tpu.memory_space<vmem>>, vector<1x16xf32>,
    %swap3A_1732 = arith.constant 17 : i32
    %swap3A_1733 = arith.index_cast %swap3A_1732 : i32 to index
    %swap3A_1734 = arith.constant 128 : index
    %swap3A_1735 = tpu.vector_load %arg5[%swap3A_1733, %swap3A_1734] {strides = array<i32>} : memref<32x256xf32, #tpu.memory_space<vmem>>, vector<1x16xf32>,
    %swap3A_1736 = vector.shape_cast %swap3A_1735 : vector<1x16xf32> to vector<16xf32>
    %swap3A_1737 = vector.shape_cast %get3A_1629 : vector<16xf32> to vector<1x16xf32>
    tpu.vector_store %arg5[%swap3A_1733, %swap3A_1734], %swap3A_1737 {strides = array<i32>} : memref<32x256xf32, #tpu.memory_space<vmem>>, vector<1x16xf32>,
    %swap3A_1738 = arith.constant 18 : i32
    %swap3A_1739 = arith.index_cast %swap3A_1738 : i32 to index
    %swap3A_1740 = arith.constant 128 : index
    %swap3A_1741 = tpu.vector_load %arg5[%swap3A_1739, %swap3A_1740] {strides = array<i32>} : memref<32x256xf32, #tpu.memory_space<vmem>>, vector<1x16xf32>,
    %swap3A_1742 = vector.shape_cast %swap3A_1741 : vector<1x16xf32> to vector<16xf32>
    %swap3A_1743 = vector.shape_cast %get3A_1629 : vector<16xf32> to vector<1x16xf32>
    tpu.vector_store %arg5[%swap3A_1739, %swap3A_1740], %swap3A_1743 {strides = array<i32>} : memref<32x256xf32, #tpu.memory_space<vmem>>, vector<1x16xf32>,
    %swap3A_1744 = arith.constant 19 : i32
    %swap3A_1745 = arith.index_cast %swap3A_1744 : i32 to index
    %swap3A_1746 = arith.constant 128 : index
    %swap3A_1747 = tpu.vector_load %arg5[%swap3A_1745, %swap3A_1746] {strides = array<i32>} : memref<32x256xf32, #tpu.memory_space<vmem>>, vector<1x16xf32>,
    %swap3A_1748 = vector.shape_cast %swap3A_1747 : vector<1x16xf32> to vector<16xf32>
    %swap3A_1749 = vector.shape_cast %get3A_1629 : vector<16xf32> to vector<1x16xf32>
    tpu.vector_store %arg5[%swap3A_1745, %swap3A_1746], %swap3A_1749 {strides = array<i32>} : memref<32x256xf32, #tpu.memory_space<vmem>>, vector<1x16xf32>,
    %swap3A_1750 = arith.constant 20 : i32
    %swap3A_1751 = arith.index_cast %swap3A_1750 : i32 to index
    %swap3A_1752 = arith.constant 128 : index
    %swap3A_1753 = tpu.vector_load %arg5[%swap3A_1751, %swap3A_1752] {strides = array<i32>} : memref<32x256xf32, #tpu.memory_space<vmem>>, vector<1x16xf32>,
    %swap3A_1754 = vector.shape_cast %swap3A_1753 : vector<1x16xf32> to vector<16xf32>
    %swap3A_1755 = vector.shape_cast %get3A_1629 : vector<16xf32> to vector<1x16xf32>
    tpu.vector_store %arg5[%swap3A_1751, %swap3A_1752], %swap3A_1755 {strides = array<i32>} : memref<32x256xf32, #tpu.memory_space<vmem>>, vector<1x16xf32>,
    %swap3A_1756 = arith.constant 21 : i32
    %swap3A_1757 = arith.index_cast %swap3A_1756 : i32 to index
    %swap3A_1758 = arith.constant 128 : index
    %swap3A_1759 = tpu.vector_load %arg5[%swap3A_1757, %swap3A_1758] {strides = array<i32>} : memref<32x256xf32, #tpu.memory_space<vmem>>, vector<1x16xf32>,
    %swap3A_1760 = vector.shape_cast %swap3A_1759 : vector<1x16xf32> to vector<16xf32>
    %swap3A_1761 = vector.shape_cast %get3A_1629 : vector<16xf32> to vector<1x16xf32>
    tpu.vector_store %arg5[%swap3A_1757, %swap3A_1758], %swap3A_1761 {strides = array<i32>} : memref<32x256xf32, #tpu.memory_space<vmem>>, vector<1x16xf32>,
    %swap3A_1762 = arith.constant 22 : i32
    %swap3A_1763 = arith.index_cast %swap3A_1762 : i32 to index
    %swap3A_1764 = arith.constant 128 : index
    %swap3A_1765 = tpu.vector_load %arg5[%swap3A_1763, %swap3A_1764] {strides = array<i32>} : memref<32x256xf32, #tpu.memory_space<vmem>>, vector<1x16xf32>,
    %swap3A_1766 = vector.shape_cast %swap3A_1765 : vector<1x16xf32> to vector<16xf32>
    %swap3A_1767 = vector.shape_cast %get3A_1629 : vector<16xf32> to vector<1x16xf32>
    tpu.vector_store %arg5[%swap3A_1763, %swap3A_1764], %swap3A_1767 {strides = array<i32>} : memref<32x256xf32, #tpu.memory_space<vmem>>, vector<1x16xf32>,
    %swap3A_1768 = arith.constant 23 : i32
    %swap3A_1769 = arith.index_cast %swap3A_1768 : i32 to index
    %swap3A_1770 = arith.constant 128 : index
    %swap3A_1771 = tpu.vector_load %arg5[%swap3A_1769, %swap3A_1770] {strides = array<i32>} : memref<32x256xf32, #tpu.memory_space<vmem>>, vector<1x16xf32>,
    %swap3A_1772 = vector.shape_cast %swap3A_1771 : vector<1x16xf32> to vector<16xf32>
    %swap3A_1773 = vector.shape_cast %get3A_1629 : vector<16xf32> to vector<1x16xf32>
    tpu.vector_store %arg5[%swap3A_1769, %swap3A_1770], %swap3A_1773 {strides = array<i32>} : memref<32x256xf32, #tpu.memory_space<vmem>>, vector<1x16xf32>,
    %swap3A_1774 = arith.constant 24 : i32
    %swap3A_1775 = arith.index_cast %swap3A_1774 : i32 to index
    %swap3A_1776 = arith.constant 128 : index
    %swap3A_1777 = tpu.vector_load %arg5[%swap3A_1775, %swap3A_1776] {strides = array<i32>} : memref<32x256xf32, #tpu.memory_space<vmem>>, vector<1x16xf32>,
    %swap3A_1778 = vector.shape_cast %swap3A_1777 : vector<1x16xf32> to vector<16xf32>
    %swap3A_1779 = vector.shape_cast %get3A_1629 : vector<16xf32> to vector<1x16xf32>
    tpu.vector_store %arg5[%swap3A_1775, %swap3A_1776], %swap3A_1779 {strides = array<i32>} : memref<32x256xf32, #tpu.memory_space<vmem>>, vector<1x16xf32>,
    %swap3A_1780 = arith.constant 25 : i32
    %swap3A_1781 = arith.index_cast %swap3A_1780 : i32 to index
    %swap3A_1782 = arith.constant 128 : index
    %swap3A_1783 = tpu.vector_load %arg5[%swap3A_1781, %swap3A_1782] {strides = array<i32>} : memref<32x256xf32, #tpu.memory_space<vmem>>, vector<1x16xf32>,
    %swap3A_1784 = vector.shape_cast %swap3A_1783 : vector<1x16xf32> to vector<16xf32>
    %swap3A_1785 = vector.shape_cast %get3A_1629 : vector<16xf32> to vector<1x16xf32>
    tpu.vector_store %arg5[%swap3A_1781, %swap3A_1782], %swap3A_1785 {strides = array<i32>} : memref<32x256xf32, #tpu.memory_space<vmem>>, vector<1x16xf32>,
    %swap3A_1786 = arith.constant 26 : i32
    %swap3A_1787 = arith.index_cast %swap3A_1786 : i32 to index
    %swap3A_1788 = arith.constant 128 : index
    %swap3A_1789 = tpu.vector_load %arg5[%swap3A_1787, %swap3A_1788] {strides = array<i32>} : memref<32x256xf32, #tpu.memory_space<vmem>>, vector<1x16xf32>,
    %swap3A_1790 = vector.shape_cast %swap3A_1789 : vector<1x16xf32> to vector<16xf32>
    %swap3A_1791 = vector.shape_cast %get3A_1629 : vector<16xf32> to vector<1x16xf32>
    tpu.vector_store %arg5[%swap3A_1787, %swap3A_1788], %swap3A_1791 {strides = array<i32>} : memref<32x256xf32, #tpu.memory_space<vmem>>, vector<1x16xf32>,
    %swap3A_1792 = arith.constant 27 : i32
    %swap3A_1793 = arith.index_cast %swap3A_1792 : i32 to index
    %swap3A_1794 = arith.constant 128 : index
    %swap3A_1795 = tpu.vector_load %arg5[%swap3A_1793, %swap3A_1794] {strides = array<i32>} : memref<32x256xf32, #tpu.memory_space<vmem>>, vector<1x16xf32>,
    %swap3A_1796 = vector.shape_cast %swap3A_1795 : vector<1x16xf32> to vector<16xf32>
    %swap3A_1797 = vector.shape_cast %get3A_1629 : vector<16xf32> to vector<1x16xf32>
    tpu.vector_store %arg5[%swap3A_1793, %swap3A_1794], %swap3A_1797 {strides = array<i32>} : memref<32x256xf32, #tpu.memory_space<vmem>>, vector<1x16xf32>,
    %swap3A_1798 = arith.constant 28 : i32
    %swap3A_1799 = arith.index_cast %swap3A_1798 : i32 to index
    %swap3A_1800 = arith.constant 128 : index
    %swap3A_1801 = tpu.vector_load %arg5[%swap3A_1799, %swap3A_1800] {strides = array<i32>} : memref<32x256xf32, #tpu.memory_space<vmem>>, vector<1x16xf32>,
    %swap3A_1802 = vector.shape_cast %swap3A_1801 : vector<1x16xf32> to vector<16xf32>
    %swap3A_1803 = vector.shape_cast %get3A_1629 : vector<16xf32> to vector<1x16xf32>
    tpu.vector_store %arg5[%swap3A_1799, %swap3A_1800], %swap3A_1803 {strides = array<i32>} : memref<32x256xf32, #tpu.memory_space<vmem>>, vector<1x16xf32>,
    %swap3A_1804 = arith.constant 29 : i32
    %swap3A_1805 = arith.index_cast %swap3A_1804 : i32 to index
    %swap3A_1806 = arith.constant 128 : index
    %swap3A_1807 = tpu.vector_load %arg5[%swap3A_1805, %swap3A_1806] {strides = array<i32>} : memref<32x256xf32, #tpu.memory_space<vmem>>, vector<1x16xf32>,
    %swap3A_1808 = vector.shape_cast %swap3A_1807 : vector<1x16xf32> to vector<16xf32>
    %swap3A_1809 = vector.shape_cast %get3A_1629 : vector<16xf32> to vector<1x16xf32>
    tpu.vector_store %arg5[%swap3A_1805, %swap3A_1806], %swap3A_1809 {strides = array<i32>} : memref<32x256xf32, #tpu.memory_space<vmem>>, vector<1x16xf32>,
    %swap3A_1810 = arith.constant 30 : i32
    %swap3A_1811 = arith.index_cast %swap3A_1810 : i32 to index
    %swap3A_1812 = arith.constant 128 : index
    %swap3A_1813 = tpu.vector_load %arg5[%swap3A_1811, %swap3A_1812] {strides = array<i32>} : memref<32x256xf32, #tpu.memory_space<vmem>>, vector<1x16xf32>,
    %swap3A_1814 = vector.shape_cast %swap3A_1813 : vector<1x16xf32> to vector<16xf32>
    %swap3A_1815 = vector.shape_cast %get3A_1629 : vector<16xf32> to vector<1x16xf32>
    tpu.vector_store %arg5[%swap3A_1811, %swap3A_1812], %swap3A_1815 {strides = array<i32>} : memref<32x256xf32, #tpu.memory_space<vmem>>, vector<1x16xf32>,
    %swap3A_1816 = arith.constant 31 : i32
    %swap3A_1817 = arith.index_cast %swap3A_1816 : i32 to index
    %swap3A_1818 = arith.constant 128 : index
    %swap3A_1819 = tpu.vector_load %arg5[%swap3A_1817, %swap3A_1818] {strides = array<i32>} : memref<32x256xf32, #tpu.memory_space<vmem>>, vector<1x16xf32>,
    %swap3A_1820 = vector.shape_cast %swap3A_1819 : vector<1x16xf32> to vector<16xf32>
    %swap3A_1821 = vector.shape_cast %get3A_1629 : vector<16xf32> to vector<1x16xf32>
    tpu.vector_store %arg5[%swap3A_1817, %swap3A_1818], %swap3A_1821 {strides = array<i32>} : memref<32x256xf32, #tpu.memory_space<vmem>>, vector<1x16xf32>,
    %get3A_1822 = arith.constant 1 : i32
    %get3A_1823 = arith.index_cast %get3A_1822 : i32 to index
    %get3A_1824 = arith.constant 16 : index
    %get3A_1825 = tpu.vector_load %arg6[%get3A_1823, %get3A_1824] {strides = array<i32>} : memref<2x128xf32, #tpu.memory_space<vmem>>, vector<1x16xf32>,
    %get3A_1826 = vector.shape_cast %get3A_1825 : vector<1x16xf32> to vector<16xf32>
    %swap3A_1827 = arith.constant 0 : i32
    %swap3A_1828 = arith.index_cast %swap3A_1827 : i32 to index
    %swap3A_1829 = arith.constant 144 : index
    %swap3A_1830 = tpu.vector_load %arg5[%swap3A_1828, %swap3A_1829] {strides = array<i32>} : memref<32x256xf32, #tpu.memory_space<vmem>>, vector<1x16xf32>,
    %swap3A_1831 = vector.shape_cast %swap3A_1830 : vector<1x16xf32> to vector<16xf32>
    %swap3A_1832 = vector.shape_cast %get3A_1826 : vector<16xf32> to vector<1x16xf32>
    tpu.vector_store %arg5[%swap3A_1828, %swap3A_1829], %swap3A_1832 {strides = array<i32>} : memref<32x256xf32, #tpu.memory_space<vmem>>, vector<1x16xf32>,
    %swap3A_1833 = arith.constant 1 : i32
    %swap3A_1834 = arith.index_cast %swap3A_1833 : i32 to index
    %swap3A_1835 = arith.constant 144 : index
    %swap3A_1836 = tpu.vector_load %arg5[%swap3A_1834, %swap3A_1835] {strides = array<i32>} : memref<32x256xf32, #tpu.memory_space<vmem>>, vector<1x16xf32>,
    %swap3A_1837 = vector.shape_cast %swap3A_1836 : vector<1x16xf32> to vector<16xf32>
    %swap3A_1838 = vector.shape_cast %get3A_1826 : vector<16xf32> to vector<1x16xf32>
    tpu.vector_store %arg5[%swap3A_1834, %swap3A_1835], %swap3A_1838 {strides = array<i32>} : memref<32x256xf32, #tpu.memory_space<vmem>>, vector<1x16xf32>,
    %swap3A_1839 = arith.constant 2 : i32
    %swap3A_1840 = arith.index_cast %swap3A_1839 : i32 to index
    %swap3A_1841 = arith.constant 144 : index
    %swap3A_1842 = tpu.vector_load %arg5[%swap3A_1840, %swap3A_1841] {strides = array<i32>} : memref<32x256xf32, #tpu.memory_space<vmem>>, vector<1x16xf32>,
    %swap3A_1843 = vector.shape_cast %swap3A_1842 : vector<1x16xf32> to vector<16xf32>
    %swap3A_1844 = vector.shape_cast %get3A_1826 : vector<16xf32> to vector<1x16xf32>
    tpu.vector_store %arg5[%swap3A_1840, %swap3A_1841], %swap3A_1844 {strides = array<i32>} : memref<32x256xf32, #tpu.memory_space<vmem>>, vector<1x16xf32>,
    %swap3A_1845 = arith.constant 3 : i32
    %swap3A_1846 = arith.index_cast %swap3A_1845 : i32 to index
    %swap3A_1847 = arith.constant 144 : index
    %swap3A_1848 = tpu.vector_load %arg5[%swap3A_1846, %swap3A_1847] {strides = array<i32>} : memref<32x256xf32, #tpu.memory_space<vmem>>, vector<1x16xf32>,
    %swap3A_1849 = vector.shape_cast %swap3A_1848 : vector<1x16xf32> to vector<16xf32>
    %swap3A_1850 = vector.shape_cast %get3A_1826 : vector<16xf32> to vector<1x16xf32>
    tpu.vector_store %arg5[%swap3A_1846, %swap3A_1847], %swap3A_1850 {strides = array<i32>} : memref<32x256xf32, #tpu.memory_space<vmem>>, vector<1x16xf32>,
    %swap3A_1851 = arith.constant 4 : i32
    %swap3A_1852 = arith.index_cast %swap3A_1851 : i32 to index
    %swap3A_1853 = arith.constant 144 : index
    %swap3A_1854 = tpu.vector_load %arg5[%swap3A_1852, %swap3A_1853] {strides = array<i32>} : memref<32x256xf32, #tpu.memory_space<vmem>>, vector<1x16xf32>,
    %swap3A_1855 = vector.shape_cast %swap3A_1854 : vector<1x16xf32> to vector<16xf32>
    %swap3A_1856 = vector.shape_cast %get3A_1826 : vector<16xf32> to vector<1x16xf32>
    tpu.vector_store %arg5[%swap3A_1852, %swap3A_1853], %swap3A_1856 {strides = array<i32>} : memref<32x256xf32, #tpu.memory_space<vmem>>, vector<1x16xf32>,
    %swap3A_1857 = arith.constant 5 : i32
    %swap3A_1858 = arith.index_cast %swap3A_1857 : i32 to index
    %swap3A_1859 = arith.constant 144 : index
    %swap3A_1860 = tpu.vector_load %arg5[%swap3A_1858, %swap3A_1859] {strides = array<i32>} : memref<32x256xf32, #tpu.memory_space<vmem>>, vector<1x16xf32>,
    %swap3A_1861 = vector.shape_cast %swap3A_1860 : vector<1x16xf32> to vector<16xf32>
    %swap3A_1862 = vector.shape_cast %get3A_1826 : vector<16xf32> to vector<1x16xf32>
    tpu.vector_store %arg5[%swap3A_1858, %swap3A_1859], %swap3A_1862 {strides = array<i32>} : memref<32x256xf32, #tpu.memory_space<vmem>>, vector<1x16xf32>,
    %swap3A_1863 = arith.constant 6 : i32
    %swap3A_1864 = arith.index_cast %swap3A_1863 : i32 to index
    %swap3A_1865 = arith.constant 144 : index
    %swap3A_1866 = tpu.vector_load %arg5[%swap3A_1864, %swap3A_1865] {strides = array<i32>} : memref<32x256xf32, #tpu.memory_space<vmem>>, vector<1x16xf32>,
    %swap3A_1867 = vector.shape_cast %swap3A_1866 : vector<1x16xf32> to vector<16xf32>
    %swap3A_1868 = vector.shape_cast %get3A_1826 : vector<16xf32> to vector<1x16xf32>
    tpu.vector_store %arg5[%swap3A_1864, %swap3A_1865], %swap3A_1868 {strides = array<i32>} : memref<32x256xf32, #tpu.memory_space<vmem>>, vector<1x16xf32>,
    %swap3A_1869 = arith.constant 7 : i32
    %swap3A_1870 = arith.index_cast %swap3A_1869 : i32 to index
    %swap3A_1871 = arith.constant 144 : index
    %swap3A_1872 = tpu.vector_load %arg5[%swap3A_1870, %swap3A_1871] {strides = array<i32>} : memref<32x256xf32, #tpu.memory_space<vmem>>, vector<1x16xf32>,
    %swap3A_1873 = vector.shape_cast %swap3A_1872 : vector<1x16xf32> to vector<16xf32>
    %swap3A_1874 = vector.shape_cast %get3A_1826 : vector<16xf32> to vector<1x16xf32>
    tpu.vector_store %arg5[%swap3A_1870, %swap3A_1871], %swap3A_1874 {strides = array<i32>} : memref<32x256xf32, #tpu.memory_space<vmem>>, vector<1x16xf32>,
    %swap3A_1875 = arith.constant 8 : i32
    %swap3A_1876 = arith.index_cast %swap3A_1875 : i32 to index
    %swap3A_1877 = arith.constant 144 : index
    %swap3A_1878 = tpu.vector_load %arg5[%swap3A_1876, %swap3A_1877] {strides = array<i32>} : memref<32x256xf32, #tpu.memory_space<vmem>>, vector<1x16xf32>,
    %swap3A_1879 = vector.shape_cast %swap3A_1878 : vector<1x16xf32> to vector<16xf32>
    %swap3A_1880 = vector.shape_cast %get3A_1826 : vector<16xf32> to vector<1x16xf32>
    tpu.vector_store %arg5[%swap3A_1876, %swap3A_1877], %swap3A_1880 {strides = array<i32>} : memref<32x256xf32, #tpu.memory_space<vmem>>, vector<1x16xf32>,
    %swap3A_1881 = arith.constant 9 : i32
    %swap3A_1882 = arith.index_cast %swap3A_1881 : i32 to index
    %swap3A_1883 = arith.constant 144 : index
    %swap3A_1884 = tpu.vector_load %arg5[%swap3A_1882, %swap3A_1883] {strides = array<i32>} : memref<32x256xf32, #tpu.memory_space<vmem>>, vector<1x16xf32>,
    %swap3A_1885 = vector.shape_cast %swap3A_1884 : vector<1x16xf32> to vector<16xf32>
    %swap3A_1886 = vector.shape_cast %get3A_1826 : vector<16xf32> to vector<1x16xf32>
    tpu.vector_store %arg5[%swap3A_1882, %swap3A_1883], %swap3A_1886 {strides = array<i32>} : memref<32x256xf32, #tpu.memory_space<vmem>>, vector<1x16xf32>,
    %swap3A_1887 = arith.constant 10 : i32
    %swap3A_1888 = arith.index_cast %swap3A_1887 : i32 to index
    %swap3A_1889 = arith.constant 144 : index
    %swap3A_1890 = tpu.vector_load %arg5[%swap3A_1888, %swap3A_1889] {strides = array<i32>} : memref<32x256xf32, #tpu.memory_space<vmem>>, vector<1x16xf32>,
    %swap3A_1891 = vector.shape_cast %swap3A_1890 : vector<1x16xf32> to vector<16xf32>
    %swap3A_1892 = vector.shape_cast %get3A_1826 : vector<16xf32> to vector<1x16xf32>
    tpu.vector_store %arg5[%swap3A_1888, %swap3A_1889], %swap3A_1892 {strides = array<i32>} : memref<32x256xf32, #tpu.memory_space<vmem>>, vector<1x16xf32>,
    %swap3A_1893 = arith.constant 11 : i32
    %swap3A_1894 = arith.index_cast %swap3A_1893 : i32 to index
    %swap3A_1895 = arith.constant 144 : index
    %swap3A_1896 = tpu.vector_load %arg5[%swap3A_1894, %swap3A_1895] {strides = array<i32>} : memref<32x256xf32, #tpu.memory_space<vmem>>, vector<1x16xf32>,
    %swap3A_1897 = vector.shape_cast %swap3A_1896 : vector<1x16xf32> to vector<16xf32>
    %swap3A_1898 = vector.shape_cast %get3A_1826 : vector<16xf32> to vector<1x16xf32>
    tpu.vector_store %arg5[%swap3A_1894, %swap3A_1895], %swap3A_1898 {strides = array<i32>} : memref<32x256xf32, #tpu.memory_space<vmem>>, vector<1x16xf32>,
    %swap3A_1899 = arith.constant 12 : i32
    %swap3A_1900 = arith.index_cast %swap3A_1899 : i32 to index
    %swap3A_1901 = arith.constant 144 : index
    %swap3A_1902 = tpu.vector_load %arg5[%swap3A_1900, %swap3A_1901] {strides = array<i32>} : memref<32x256xf32, #tpu.memory_space<vmem>>, vector<1x16xf32>,
    %swap3A_1903 = vector.shape_cast %swap3A_1902 : vector<1x16xf32> to vector<16xf32>
    %swap3A_1904 = vector.shape_cast %get3A_1826 : vector<16xf32> to vector<1x16xf32>
    tpu.vector_store %arg5[%swap3A_1900, %swap3A_1901], %swap3A_1904 {strides = array<i32>} : memref<32x256xf32, #tpu.memory_space<vmem>>, vector<1x16xf32>,
    %swap3A_1905 = arith.constant 13 : i32
    %swap3A_1906 = arith.index_cast %swap3A_1905 : i32 to index
    %swap3A_1907 = arith.constant 144 : index
    %swap3A_1908 = tpu.vector_load %arg5[%swap3A_1906, %swap3A_1907] {strides = array<i32>} : memref<32x256xf32, #tpu.memory_space<vmem>>, vector<1x16xf32>,
    %swap3A_1909 = vector.shape_cast %swap3A_1908 : vector<1x16xf32> to vector<16xf32>
    %swap3A_1910 = vector.shape_cast %get3A_1826 : vector<16xf32> to vector<1x16xf32>
    tpu.vector_store %arg5[%swap3A_1906, %swap3A_1907], %swap3A_1910 {strides = array<i32>} : memref<32x256xf32, #tpu.memory_space<vmem>>, vector<1x16xf32>,
    %swap3A_1911 = arith.constant 14 : i32
    %swap3A_1912 = arith.index_cast %swap3A_1911 : i32 to index
    %swap3A_1913 = arith.constant 144 : index
    %swap3A_1914 = tpu.vector_load %arg5[%swap3A_1912, %swap3A_1913] {strides = array<i32>} : memref<32x256xf32, #tpu.memory_space<vmem>>, vector<1x16xf32>,
    %swap3A_1915 = vector.shape_cast %swap3A_1914 : vector<1x16xf32> to vector<16xf32>
    %swap3A_1916 = vector.shape_cast %get3A_1826 : vector<16xf32> to vector<1x16xf32>
    tpu.vector_store %arg5[%swap3A_1912, %swap3A_1913], %swap3A_1916 {strides = array<i32>} : memref<32x256xf32, #tpu.memory_space<vmem>>, vector<1x16xf32>,
    %swap3A_1917 = arith.constant 15 : i32
    %swap3A_1918 = arith.index_cast %swap3A_1917 : i32 to index
    %swap3A_1919 = arith.constant 144 : index
    %swap3A_1920 = tpu.vector_load %arg5[%swap3A_1918, %swap3A_1919] {strides = array<i32>} : memref<32x256xf32, #tpu.memory_space<vmem>>, vector<1x16xf32>,
    %swap3A_1921 = vector.shape_cast %swap3A_1920 : vector<1x16xf32> to vector<16xf32>
    %swap3A_1922 = vector.shape_cast %get3A_1826 : vector<16xf32> to vector<1x16xf32>
    tpu.vector_store %arg5[%swap3A_1918, %swap3A_1919], %swap3A_1922 {strides = array<i32>} : memref<32x256xf32, #tpu.memory_space<vmem>>, vector<1x16xf32>,
    %swap3A_1923 = arith.constant 16 : i32
    %swap3A_1924 = arith.index_cast %swap3A_1923 : i32 to index
    %swap3A_1925 = arith.constant 144 : index
    %swap3A_1926 = tpu.vector_load %arg5[%swap3A_1924, %swap3A_1925] {strides = array<i32>} : memref<32x256xf32, #tpu.memory_space<vmem>>, vector<1x16xf32>,
    %swap3A_1927 = vector.shape_cast %swap3A_1926 : vector<1x16xf32> to vector<16xf32>
    %swap3A_1928 = vector.shape_cast %get3A_1826 : vector<16xf32> to vector<1x16xf32>
    tpu.vector_store %arg5[%swap3A_1924, %swap3A_1925], %swap3A_1928 {strides = array<i32>} : memref<32x256xf32, #tpu.memory_space<vmem>>, vector<1x16xf32>,
    %swap3A_1929 = arith.constant 17 : i32
    %swap3A_1930 = arith.index_cast %swap3A_1929 : i32 to index
    %swap3A_1931 = arith.constant 144 : index
    %swap3A_1932 = tpu.vector_load %arg5[%swap3A_1930, %swap3A_1931] {strides = array<i32>} : memref<32x256xf32, #tpu.memory_space<vmem>>, vector<1x16xf32>,
    %swap3A_1933 = vector.shape_cast %swap3A_1932 : vector<1x16xf32> to vector<16xf32>
    %swap3A_1934 = vector.shape_cast %get3A_1826 : vector<16xf32> to vector<1x16xf32>
    tpu.vector_store %arg5[%swap3A_1930, %swap3A_1931], %swap3A_1934 {strides = array<i32>} : memref<32x256xf32, #tpu.memory_space<vmem>>, vector<1x16xf32>,
    %swap3A_1935 = arith.constant 18 : i32
    %swap3A_1936 = arith.index_cast %swap3A_1935 : i32 to index
    %swap3A_1937 = arith.constant 144 : index
    %swap3A_1938 = tpu.vector_load %arg5[%swap3A_1936, %swap3A_1937] {strides = array<i32>} : memref<32x256xf32, #tpu.memory_space<vmem>>, vector<1x16xf32>,
    %swap3A_1939 = vector.shape_cast %swap3A_1938 : vector<1x16xf32> to vector<16xf32>
    %swap3A_1940 = vector.shape_cast %get3A_1826 : vector<16xf32> to vector<1x16xf32>
    tpu.vector_store %arg5[%swap3A_1936, %swap3A_1937], %swap3A_1940 {strides = array<i32>} : memref<32x256xf32, #tpu.memory_space<vmem>>, vector<1x16xf32>,
    %swap3A_1941 = arith.constant 19 : i32
    %swap3A_1942 = arith.index_cast %swap3A_1941 : i32 to index
    %swap3A_1943 = arith.constant 144 : index
    %swap3A_1944 = tpu.vector_load %arg5[%swap3A_1942, %swap3A_1943] {strides = array<i32>} : memref<32x256xf32, #tpu.memory_space<vmem>>, vector<1x16xf32>,
    %swap3A_1945 = vector.shape_cast %swap3A_1944 : vector<1x16xf32> to vector<16xf32>
    %swap3A_1946 = vector.shape_cast %get3A_1826 : vector<16xf32> to vector<1x16xf32>
    tpu.vector_store %arg5[%swap3A_1942, %swap3A_1943], %swap3A_1946 {strides = array<i32>} : memref<32x256xf32, #tpu.memory_space<vmem>>, vector<1x16xf32>,
    %swap3A_1947 = arith.constant 20 : i32
    %swap3A_1948 = arith.index_cast %swap3A_1947 : i32 to index
    %swap3A_1949 = arith.constant 144 : index
    %swap3A_1950 = tpu.vector_load %arg5[%swap3A_1948, %swap3A_1949] {strides = array<i32>} : memref<32x256xf32, #tpu.memory_space<vmem>>, vector<1x16xf32>,
    %swap3A_1951 = vector.shape_cast %swap3A_1950 : vector<1x16xf32> to vector<16xf32>
    %swap3A_1952 = vector.shape_cast %get3A_1826 : vector<16xf32> to vector<1x16xf32>
    tpu.vector_store %arg5[%swap3A_1948, %swap3A_1949], %swap3A_1952 {strides = array<i32>} : memref<32x256xf32, #tpu.memory_space<vmem>>, vector<1x16xf32>,
    %swap3A_1953 = arith.constant 21 : i32
    %swap3A_1954 = arith.index_cast %swap3A_1953 : i32 to index
    %swap3A_1955 = arith.constant 144 : index
    %swap3A_1956 = tpu.vector_load %arg5[%swap3A_1954, %swap3A_1955] {strides = array<i32>} : memref<32x256xf32, #tpu.memory_space<vmem>>, vector<1x16xf32>,
    %swap3A_1957 = vector.shape_cast %swap3A_1956 : vector<1x16xf32> to vector<16xf32>
    %swap3A_1958 = vector.shape_cast %get3A_1826 : vector<16xf32> to vector<1x16xf32>
    tpu.vector_store %arg5[%swap3A_1954, %swap3A_1955], %swap3A_1958 {strides = array<i32>} : memref<32x256xf32, #tpu.memory_space<vmem>>, vector<1x16xf32>,
    %swap3A_1959 = arith.constant 22 : i32
    %swap3A_1960 = arith.index_cast %swap3A_1959 : i32 to index
    %swap3A_1961 = arith.constant 144 : index
    %swap3A_1962 = tpu.vector_load %arg5[%swap3A_1960, %swap3A_1961] {strides = array<i32>} : memref<32x256xf32, #tpu.memory_space<vmem>>, vector<1x16xf32>,
    %swap3A_1963 = vector.shape_cast %swap3A_1962 : vector<1x16xf32> to vector<16xf32>
    %swap3A_1964 = vector.shape_cast %get3A_1826 : vector<16xf32> to vector<1x16xf32>
    tpu.vector_store %arg5[%swap3A_1960, %swap3A_1961], %swap3A_1964 {strides = array<i32>} : memref<32x256xf32, #tpu.memory_space<vmem>>, vector<1x16xf32>,
    %swap3A_1965 = arith.constant 23 : i32
    %swap3A_1966 = arith.index_cast %swap3A_1965 : i32 to index
    %swap3A_1967 = arith.constant 144 : index
    %swap3A_1968 = tpu.vector_load %arg5[%swap3A_1966, %swap3A_1967] {strides = array<i32>} : memref<32x256xf32, #tpu.memory_space<vmem>>, vector<1x16xf32>,
    %swap3A_1969 = vector.shape_cast %swap3A_1968 : vector<1x16xf32> to vector<16xf32>
    %swap3A_1970 = vector.shape_cast %get3A_1826 : vector<16xf32> to vector<1x16xf32>
    tpu.vector_store %arg5[%swap3A_1966, %swap3A_1967], %swap3A_1970 {strides = array<i32>} : memref<32x256xf32, #tpu.memory_space<vmem>>, vector<1x16xf32>,
    %swap3A_1971 = arith.constant 24 : i32
    %swap3A_1972 = arith.index_cast %swap3A_1971 : i32 to index
    %swap3A_1973 = arith.constant 144 : index
    %swap3A_1974 = tpu.vector_load %arg5[%swap3A_1972, %swap3A_1973] {strides = array<i32>} : memref<32x256xf32, #tpu.memory_space<vmem>>, vector<1x16xf32>,
    %swap3A_1975 = vector.shape_cast %swap3A_1974 : vector<1x16xf32> to vector<16xf32>
    %swap3A_1976 = vector.shape_cast %get3A_1826 : vector<16xf32> to vector<1x16xf32>
    tpu.vector_store %arg5[%swap3A_1972, %swap3A_1973], %swap3A_1976 {strides = array<i32>} : memref<32x256xf32, #tpu.memory_space<vmem>>, vector<1x16xf32>,
    %swap3A_1977 = arith.constant 25 : i32
    %swap3A_1978 = arith.index_cast %swap3A_1977 : i32 to index
    %swap3A_1979 = arith.constant 144 : index
    %swap3A_1980 = tpu.vector_load %arg5[%swap3A_1978, %swap3A_1979] {strides = array<i32>} : memref<32x256xf32, #tpu.memory_space<vmem>>, vector<1x16xf32>,
    %swap3A_1981 = vector.shape_cast %swap3A_1980 : vector<1x16xf32> to vector<16xf32>
    %swap3A_1982 = vector.shape_cast %get3A_1826 : vector<16xf32> to vector<1x16xf32>
    tpu.vector_store %arg5[%swap3A_1978, %swap3A_1979], %swap3A_1982 {strides = array<i32>} : memref<32x256xf32, #tpu.memory_space<vmem>>, vector<1x16xf32>,
    %swap3A_1983 = arith.constant 26 : i32
    %swap3A_1984 = arith.index_cast %swap3A_1983 : i32 to index
    %swap3A_1985 = arith.constant 144 : index
    %swap3A_1986 = tpu.vector_load %arg5[%swap3A_1984, %swap3A_1985] {strides = array<i32>} : memref<32x256xf32, #tpu.memory_space<vmem>>, vector<1x16xf32>,
    %swap3A_1987 = vector.shape_cast %swap3A_1986 : vector<1x16xf32> to vector<16xf32>
    %swap3A_1988 = vector.shape_cast %get3A_1826 : vector<16xf32> to vector<1x16xf32>
    tpu.vector_store %arg5[%swap3A_1984, %swap3A_1985], %swap3A_1988 {strides = array<i32>} : memref<32x256xf32, #tpu.memory_space<vmem>>, vector<1x16xf32>,
    %swap3A_1989 = arith.constant 27 : i32
    %swap3A_1990 = arith.index_cast %swap3A_1989 : i32 to index
    %swap3A_1991 = arith.constant 144 : index
    %swap3A_1992 = tpu.vector_load %arg5[%swap3A_1990, %swap3A_1991] {strides = array<i32>} : memref<32x256xf32, #tpu.memory_space<vmem>>, vector<1x16xf32>,
    %swap3A_1993 = vector.shape_cast %swap3A_1992 : vector<1x16xf32> to vector<16xf32>
    %swap3A_1994 = vector.shape_cast %get3A_1826 : vector<16xf32> to vector<1x16xf32>
    tpu.vector_store %arg5[%swap3A_1990, %swap3A_1991], %swap3A_1994 {strides = array<i32>} : memref<32x256xf32, #tpu.memory_space<vmem>>, vector<1x16xf32>,
    %swap3A_1995 = arith.constant 28 : i32
    %swap3A_1996 = arith.index_cast %swap3A_1995 : i32 to index
    %swap3A_1997 = arith.constant 144 : index
    %swap3A_1998 = tpu.vector_load %arg5[%swap3A_1996, %swap3A_1997] {strides = array<i32>} : memref<32x256xf32, #tpu.memory_space<vmem>>, vector<1x16xf32>,
    %swap3A_1999 = vector.shape_cast %swap3A_1998 : vector<1x16xf32> to vector<16xf32>
    %swap3A_2000 = vector.shape_cast %get3A_1826 : vector<16xf32> to vector<1x16xf32>
    tpu.vector_store %arg5[%swap3A_1996, %swap3A_1997], %swap3A_2000 {strides = array<i32>} : memref<32x256xf32, #tpu.memory_space<vmem>>, vector<1x16xf32>,
    %swap3A_2001 = arith.constant 29 : i32
    %swap3A_2002 = arith.index_cast %swap3A_2001 : i32 to index
    %swap3A_2003 = arith.constant 144 : index
    %swap3A_2004 = tpu.vector_load %arg5[%swap3A_2002, %swap3A_2003] {strides = array<i32>} : memref<32x256xf32, #tpu.memory_space<vmem>>, vector<1x16xf32>,
    %swap3A_2005 = vector.shape_cast %swap3A_2004 : vector<1x16xf32> to vector<16xf32>
    %swap3A_2006 = vector.shape_cast %get3A_1826 : vector<16xf32> to vector<1x16xf32>
    tpu.vector_store %arg5[%swap3A_2002, %swap3A_2003], %swap3A_2006 {strides = array<i32>} : memref<32x256xf32, #tpu.memory_space<vmem>>, vector<1x16xf32>,
    %swap3A_2007 = arith.constant 30 : i32
    %swap3A_2008 = arith.index_cast %swap3A_2007 : i32 to index
    %swap3A_2009 = arith.constant 144 : index
    %swap3A_2010 = tpu.vector_load %arg5[%swap3A_2008, %swap3A_2009] {strides = array<i32>} : memref<32x256xf32, #tpu.memory_space<vmem>>, vector<1x16xf32>,
    %swap3A_2011 = vector.shape_cast %swap3A_2010 : vector<1x16xf32> to vector<16xf32>
    %swap3A_2012 = vector.shape_cast %get3A_1826 : vector<16xf32> to vector<1x16xf32>
    tpu.vector_store %arg5[%swap3A_2008, %swap3A_2009], %swap3A_2012 {strides = array<i32>} : memref<32x256xf32, #tpu.memory_space<vmem>>, vector<1x16xf32>,
    %swap3A_2013 = arith.constant 31 : i32
    %swap3A_2014 = arith.index_cast %swap3A_2013 : i32 to index
    %swap3A_2015 = arith.constant 144 : index
    %swap3A_2016 = tpu.vector_load %arg5[%swap3A_2014, %swap3A_2015] {strides = array<i32>} : memref<32x256xf32, #tpu.memory_space<vmem>>, vector<1x16xf32>,
    %swap3A_2017 = vector.shape_cast %swap3A_2016 : vector<1x16xf32> to vector<16xf32>
    %swap3A_2018 = vector.shape_cast %get3A_1826 : vector<16xf32> to vector<1x16xf32>
    tpu.vector_store %arg5[%swap3A_2014, %swap3A_2015], %swap3A_2018 {strides = array<i32>} : memref<32x256xf32, #tpu.memory_space<vmem>>, vector<1x16xf32>,
    %get3A_2019 = arith.constant 1 : i32
    %get3A_2020 = arith.index_cast %get3A_2019 : i32 to index
    %get3A_2021 = arith.constant 32 : index
    %get3A_2022 = tpu.vector_load %arg6[%get3A_2020, %get3A_2021] {strides = array<i32>} : memref<2x128xf32, #tpu.memory_space<vmem>>, vector<1x16xf32>,
    %get3A_2023 = vector.shape_cast %get3A_2022 : vector<1x16xf32> to vector<16xf32>
    %swap3A_2024 = arith.constant 0 : i32
    %swap3A_2025 = arith.index_cast %swap3A_2024 : i32 to index
    %swap3A_2026 = arith.constant 160 : index
    %swap3A_2027 = tpu.vector_load %arg5[%swap3A_2025, %swap3A_2026] {strides = array<i32>} : memref<32x256xf32, #tpu.memory_space<vmem>>, vector<1x16xf32>,
    %swap3A_2028 = vector.shape_cast %swap3A_2027 : vector<1x16xf32> to vector<16xf32>
    %swap3A_2029 = vector.shape_cast %get3A_2023 : vector<16xf32> to vector<1x16xf32>
    tpu.vector_store %arg5[%swap3A_2025, %swap3A_2026], %swap3A_2029 {strides = array<i32>} : memref<32x256xf32, #tpu.memory_space<vmem>>, vector<1x16xf32>,
    %swap3A_2030 = arith.constant 1 : i32
    %swap3A_2031 = arith.index_cast %swap3A_2030 : i32 to index
    %swap3A_2032 = arith.constant 160 : index
    %swap3A_2033 = tpu.vector_load %arg5[%swap3A_2031, %swap3A_2032] {strides = array<i32>} : memref<32x256xf32, #tpu.memory_space<vmem>>, vector<1x16xf32>,
    %swap3A_2034 = vector.shape_cast %swap3A_2033 : vector<1x16xf32> to vector<16xf32>
    %swap3A_2035 = vector.shape_cast %get3A_2023 : vector<16xf32> to vector<1x16xf32>
    tpu.vector_store %arg5[%swap3A_2031, %swap3A_2032], %swap3A_2035 {strides = array<i32>} : memref<32x256xf32, #tpu.memory_space<vmem>>, vector<1x16xf32>,
    %swap3A_2036 = arith.constant 2 : i32
    %swap3A_2037 = arith.index_cast %swap3A_2036 : i32 to index
    %swap3A_2038 = arith.constant 160 : index
    %swap3A_2039 = tpu.vector_load %arg5[%swap3A_2037, %swap3A_2038] {strides = array<i32>} : memref<32x256xf32, #tpu.memory_space<vmem>>, vector<1x16xf32>,
    %swap3A_2040 = vector.shape_cast %swap3A_2039 : vector<1x16xf32> to vector<16xf32>
    %swap3A_2041 = vector.shape_cast %get3A_2023 : vector<16xf32> to vector<1x16xf32>
    tpu.vector_store %arg5[%swap3A_2037, %swap3A_2038], %swap3A_2041 {strides = array<i32>} : memref<32x256xf32, #tpu.memory_space<vmem>>, vector<1x16xf32>,
    %swap3A_2042 = arith.constant 3 : i32
    %swap3A_2043 = arith.index_cast %swap3A_2042 : i32 to index
    %swap3A_2044 = arith.constant 160 : index
    %swap3A_2045 = tpu.vector_load %arg5[%swap3A_2043, %swap3A_2044] {strides = array<i32>} : memref<32x256xf32, #tpu.memory_space<vmem>>, vector<1x16xf32>,
    %swap3A_2046 = vector.shape_cast %swap3A_2045 : vector<1x16xf32> to vector<16xf32>
    %swap3A_2047 = vector.shape_cast %get3A_2023 : vector<16xf32> to vector<1x16xf32>
    tpu.vector_store %arg5[%swap3A_2043, %swap3A_2044], %swap3A_2047 {strides = array<i32>} : memref<32x256xf32, #tpu.memory_space<vmem>>, vector<1x16xf32>,
    %swap3A_2048 = arith.constant 4 : i32
    %swap3A_2049 = arith.index_cast %swap3A_2048 : i32 to index
    %swap3A_2050 = arith.constant 160 : index
    %swap3A_2051 = tpu.vector_load %arg5[%swap3A_2049, %swap3A_2050] {strides = array<i32>} : memref<32x256xf32, #tpu.memory_space<vmem>>, vector<1x16xf32>,
    %swap3A_2052 = vector.shape_cast %swap3A_2051 : vector<1x16xf32> to vector<16xf32>
    %swap3A_2053 = vector.shape_cast %get3A_2023 : vector<16xf32> to vector<1x16xf32>
    tpu.vector_store %arg5[%swap3A_2049, %swap3A_2050], %swap3A_2053 {strides = array<i32>} : memref<32x256xf32, #tpu.memory_space<vmem>>, vector<1x16xf32>,
    %swap3A_2054 = arith.constant 5 : i32
    %swap3A_2055 = arith.index_cast %swap3A_2054 : i32 to index
    %swap3A_2056 = arith.constant 160 : index
    %swap3A_2057 = tpu.vector_load %arg5[%swap3A_2055, %swap3A_2056] {strides = array<i32>} : memref<32x256xf32, #tpu.memory_space<vmem>>, vector<1x16xf32>,
    %swap3A_2058 = vector.shape_cast %swap3A_2057 : vector<1x16xf32> to vector<16xf32>
    %swap3A_2059 = vector.shape_cast %get3A_2023 : vector<16xf32> to vector<1x16xf32>
    tpu.vector_store %arg5[%swap3A_2055, %swap3A_2056], %swap3A_2059 {strides = array<i32>} : memref<32x256xf32, #tpu.memory_space<vmem>>, vector<1x16xf32>,
    %swap3A_2060 = arith.constant 6 : i32
    %swap3A_2061 = arith.index_cast %swap3A_2060 : i32 to index
    %swap3A_2062 = arith.constant 160 : index
    %swap3A_2063 = tpu.vector_load %arg5[%swap3A_2061, %swap3A_2062] {strides = array<i32>} : memref<32x256xf32, #tpu.memory_space<vmem>>, vector<1x16xf32>,
    %swap3A_2064 = vector.shape_cast %swap3A_2063 : vector<1x16xf32> to vector<16xf32>
    %swap3A_2065 = vector.shape_cast %get3A_2023 : vector<16xf32> to vector<1x16xf32>
    tpu.vector_store %arg5[%swap3A_2061, %swap3A_2062], %swap3A_2065 {strides = array<i32>} : memref<32x256xf32, #tpu.memory_space<vmem>>, vector<1x16xf32>,
    %swap3A_2066 = arith.constant 7 : i32
    %swap3A_2067 = arith.index_cast %swap3A_2066 : i32 to index
    %swap3A_2068 = arith.constant 160 : index
    %swap3A_2069 = tpu.vector_load %arg5[%swap3A_2067, %swap3A_2068] {strides = array<i32>} : memref<32x256xf32, #tpu.memory_space<vmem>>, vector<1x16xf32>,
    %swap3A_2070 = vector.shape_cast %swap3A_2069 : vector<1x16xf32> to vector<16xf32>
    %swap3A_2071 = vector.shape_cast %get3A_2023 : vector<16xf32> to vector<1x16xf32>
    tpu.vector_store %arg5[%swap3A_2067, %swap3A_2068], %swap3A_2071 {strides = array<i32>} : memref<32x256xf32, #tpu.memory_space<vmem>>, vector<1x16xf32>,
    %swap3A_2072 = arith.constant 8 : i32
    %swap3A_2073 = arith.index_cast %swap3A_2072 : i32 to index
    %swap3A_2074 = arith.constant 160 : index
    %swap3A_2075 = tpu.vector_load %arg5[%swap3A_2073, %swap3A_2074] {strides = array<i32>} : memref<32x256xf32, #tpu.memory_space<vmem>>, vector<1x16xf32>,
    %swap3A_2076 = vector.shape_cast %swap3A_2075 : vector<1x16xf32> to vector<16xf32>
    %swap3A_2077 = vector.shape_cast %get3A_2023 : vector<16xf32> to vector<1x16xf32>
    tpu.vector_store %arg5[%swap3A_2073, %swap3A_2074], %swap3A_2077 {strides = array<i32>} : memref<32x256xf32, #tpu.memory_space<vmem>>, vector<1x16xf32>,
    %swap3A_2078 = arith.constant 9 : i32
    %swap3A_2079 = arith.index_cast %swap3A_2078 : i32 to index
    %swap3A_2080 = arith.constant 160 : index
    %swap3A_2081 = tpu.vector_load %arg5[%swap3A_2079, %swap3A_2080] {strides = array<i32>} : memref<32x256xf32, #tpu.memory_space<vmem>>, vector<1x16xf32>,
    %swap3A_2082 = vector.shape_cast %swap3A_2081 : vector<1x16xf32> to vector<16xf32>
    %swap3A_2083 = vector.shape_cast %get3A_2023 : vector<16xf32> to vector<1x16xf32>
    tpu.vector_store %arg5[%swap3A_2079, %swap3A_2080], %swap3A_2083 {strides = array<i32>} : memref<32x256xf32, #tpu.memory_space<vmem>>, vector<1x16xf32>,
    %swap3A_2084 = arith.constant 10 : i32
    %swap3A_2085 = arith.index_cast %swap3A_2084 : i32 to index
    %swap3A_2086 = arith.constant 160 : index
    %swap3A_2087 = tpu.vector_load %arg5[%swap3A_2085, %swap3A_2086] {strides = array<i32>} : memref<32x256xf32, #tpu.memory_space<vmem>>, vector<1x16xf32>,
    %swap3A_2088 = vector.shape_cast %swap3A_2087 : vector<1x16xf32> to vector<16xf32>
    %swap3A_2089 = vector.shape_cast %get3A_2023 : vector<16xf32> to vector<1x16xf32>
    tpu.vector_store %arg5[%swap3A_2085, %swap3A_2086], %swap3A_2089 {strides = array<i32>} : memref<32x256xf32, #tpu.memory_space<vmem>>, vector<1x16xf32>,
    %swap3A_2090 = arith.constant 11 : i32
    %swap3A_2091 = arith.index_cast %swap3A_2090 : i32 to index
    %swap3A_2092 = arith.constant 160 : index
    %swap3A_2093 = tpu.vector_load %arg5[%swap3A_2091, %swap3A_2092] {strides = array<i32>} : memref<32x256xf32, #tpu.memory_space<vmem>>, vector<1x16xf32>,
    %swap3A_2094 = vector.shape_cast %swap3A_2093 : vector<1x16xf32> to vector<16xf32>
    %swap3A_2095 = vector.shape_cast %get3A_2023 : vector<16xf32> to vector<1x16xf32>
    tpu.vector_store %arg5[%swap3A_2091, %swap3A_2092], %swap3A_2095 {strides = array<i32>} : memref<32x256xf32, #tpu.memory_space<vmem>>, vector<1x16xf32>,
    %swap3A_2096 = arith.constant 12 : i32
    %swap3A_2097 = arith.index_cast %swap3A_2096 : i32 to index
    %swap3A_2098 = arith.constant 160 : index
    %swap3A_2099 = tpu.vector_load %arg5[%swap3A_2097, %swap3A_2098] {strides = array<i32>} : memref<32x256xf32, #tpu.memory_space<vmem>>, vector<1x16xf32>,
    %swap3A_2100 = vector.shape_cast %swap3A_2099 : vector<1x16xf32> to vector<16xf32>
    %swap3A_2101 = vector.shape_cast %get3A_2023 : vector<16xf32> to vector<1x16xf32>
    tpu.vector_store %arg5[%swap3A_2097, %swap3A_2098], %swap3A_2101 {strides = array<i32>} : memref<32x256xf32, #tpu.memory_space<vmem>>, vector<1x16xf32>,
    %swap3A_2102 = arith.constant 13 : i32
    %swap3A_2103 = arith.index_cast %swap3A_2102 : i32 to index
    %swap3A_2104 = arith.constant 160 : index
    %swap3A_2105 = tpu.vector_load %arg5[%swap3A_2103, %swap3A_2104] {strides = array<i32>} : memref<32x256xf32, #tpu.memory_space<vmem>>, vector<1x16xf32>,
    %swap3A_2106 = vector.shape_cast %swap3A_2105 : vector<1x16xf32> to vector<16xf32>
    %swap3A_2107 = vector.shape_cast %get3A_2023 : vector<16xf32> to vector<1x16xf32>
    tpu.vector_store %arg5[%swap3A_2103, %swap3A_2104], %swap3A_2107 {strides = array<i32>} : memref<32x256xf32, #tpu.memory_space<vmem>>, vector<1x16xf32>,
    %swap3A_2108 = arith.constant 14 : i32
    %swap3A_2109 = arith.index_cast %swap3A_2108 : i32 to index
    %swap3A_2110 = arith.constant 160 : index
    %swap3A_2111 = tpu.vector_load %arg5[%swap3A_2109, %swap3A_2110] {strides = array<i32>} : memref<32x256xf32, #tpu.memory_space<vmem>>, vector<1x16xf32>,
    %swap3A_2112 = vector.shape_cast %swap3A_2111 : vector<1x16xf32> to vector<16xf32>
    %swap3A_2113 = vector.shape_cast %get3A_2023 : vector<16xf32> to vector<1x16xf32>
    tpu.vector_store %arg5[%swap3A_2109, %swap3A_2110], %swap3A_2113 {strides = array<i32>} : memref<32x256xf32, #tpu.memory_space<vmem>>, vector<1x16xf32>,
    %swap3A_2114 = arith.constant 15 : i32
    %swap3A_2115 = arith.index_cast %swap3A_2114 : i32 to index
    %swap3A_2116 = arith.constant 160 : index
    %swap3A_2117 = tpu.vector_load %arg5[%swap3A_2115, %swap3A_2116] {strides = array<i32>} : memref<32x256xf32, #tpu.memory_space<vmem>>, vector<1x16xf32>,
    %swap3A_2118 = vector.shape_cast %swap3A_2117 : vector<1x16xf32> to vector<16xf32>
    %swap3A_2119 = vector.shape_cast %get3A_2023 : vector<16xf32> to vector<1x16xf32>
    tpu.vector_store %arg5[%swap3A_2115, %swap3A_2116], %swap3A_2119 {strides = array<i32>} : memref<32x256xf32, #tpu.memory_space<vmem>>, vector<1x16xf32>,
    %swap3A_2120 = arith.constant 16 : i32
    %swap3A_2121 = arith.index_cast %swap3A_2120 : i32 to index
    %swap3A_2122 = arith.constant 160 : index
    %swap3A_2123 = tpu.vector_load %arg5[%swap3A_2121, %swap3A_2122] {strides = array<i32>} : memref<32x256xf32, #tpu.memory_space<vmem>>, vector<1x16xf32>,
    %swap3A_2124 = vector.shape_cast %swap3A_2123 : vector<1x16xf32> to vector<16xf32>
    %swap3A_2125 = vector.shape_cast %get3A_2023 : vector<16xf32> to vector<1x16xf32>
    tpu.vector_store %arg5[%swap3A_2121, %swap3A_2122], %swap3A_2125 {strides = array<i32>} : memref<32x256xf32, #tpu.memory_space<vmem>>, vector<1x16xf32>,
    %swap3A_2126 = arith.constant 17 : i32
    %swap3A_2127 = arith.index_cast %swap3A_2126 : i32 to index
    %swap3A_2128 = arith.constant 160 : index
    %swap3A_2129 = tpu.vector_load %arg5[%swap3A_2127, %swap3A_2128] {strides = array<i32>} : memref<32x256xf32, #tpu.memory_space<vmem>>, vector<1x16xf32>,
    %swap3A_2130 = vector.shape_cast %swap3A_2129 : vector<1x16xf32> to vector<16xf32>
    %swap3A_2131 = vector.shape_cast %get3A_2023 : vector<16xf32> to vector<1x16xf32>
    tpu.vector_store %arg5[%swap3A_2127, %swap3A_2128], %swap3A_2131 {strides = array<i32>} : memref<32x256xf32, #tpu.memory_space<vmem>>, vector<1x16xf32>,
    %swap3A_2132 = arith.constant 18 : i32
    %swap3A_2133 = arith.index_cast %swap3A_2132 : i32 to index
    %swap3A_2134 = arith.constant 160 : index
    %swap3A_2135 = tpu.vector_load %arg5[%swap3A_2133, %swap3A_2134] {strides = array<i32>} : memref<32x256xf32, #tpu.memory_space<vmem>>, vector<1x16xf32>,
    %swap3A_2136 = vector.shape_cast %swap3A_2135 : vector<1x16xf32> to vector<16xf32>
    %swap3A_2137 = vector.shape_cast %get3A_2023 : vector<16xf32> to vector<1x16xf32>
    tpu.vector_store %arg5[%swap3A_2133, %swap3A_2134], %swap3A_2137 {strides = array<i32>} : memref<32x256xf32, #tpu.memory_space<vmem>>, vector<1x16xf32>,
    %swap3A_2138 = arith.constant 19 : i32
    %swap3A_2139 = arith.index_cast %swap3A_2138 : i32 to index
    %swap3A_2140 = arith.constant 160 : index
    %swap3A_2141 = tpu.vector_load %arg5[%swap3A_2139, %swap3A_2140] {strides = array<i32>} : memref<32x256xf32, #tpu.memory_space<vmem>>, vector<1x16xf32>,
    %swap3A_2142 = vector.shape_cast %swap3A_2141 : vector<1x16xf32> to vector<16xf32>
    %swap3A_2143 = vector.shape_cast %get3A_2023 : vector<16xf32> to vector<1x16xf32>
    tpu.vector_store %arg5[%swap3A_2139, %swap3A_2140], %swap3A_2143 {strides = array<i32>} : memref<32x256xf32, #tpu.memory_space<vmem>>, vector<1x16xf32>,
    %swap3A_2144 = arith.constant 20 : i32
    %swap3A_2145 = arith.index_cast %swap3A_2144 : i32 to index
    %swap3A_2146 = arith.constant 160 : index
    %swap3A_2147 = tpu.vector_load %arg5[%swap3A_2145, %swap3A_2146] {strides = array<i32>} : memref<32x256xf32, #tpu.memory_space<vmem>>, vector<1x16xf32>,
    %swap3A_2148 = vector.shape_cast %swap3A_2147 : vector<1x16xf32> to vector<16xf32>
    %swap3A_2149 = vector.shape_cast %get3A_2023 : vector<16xf32> to vector<1x16xf32>
    tpu.vector_store %arg5[%swap3A_2145, %swap3A_2146], %swap3A_2149 {strides = array<i32>} : memref<32x256xf32, #tpu.memory_space<vmem>>, vector<1x16xf32>,
    %swap3A_2150 = arith.constant 21 : i32
    %swap3A_2151 = arith.index_cast %swap3A_2150 : i32 to index
    %swap3A_2152 = arith.constant 160 : index
    %swap3A_2153 = tpu.vector_load %arg5[%swap3A_2151, %swap3A_2152] {strides = array<i32>} : memref<32x256xf32, #tpu.memory_space<vmem>>, vector<1x16xf32>,
    %swap3A_2154 = vector.shape_cast %swap3A_2153 : vector<1x16xf32> to vector<16xf32>
    %swap3A_2155 = vector.shape_cast %get3A_2023 : vector<16xf32> to vector<1x16xf32>
    tpu.vector_store %arg5[%swap3A_2151, %swap3A_2152], %swap3A_2155 {strides = array<i32>} : memref<32x256xf32, #tpu.memory_space<vmem>>, vector<1x16xf32>,
    %swap3A_2156 = arith.constant 22 : i32
    %swap3A_2157 = arith.index_cast %swap3A_2156 : i32 to index
    %swap3A_2158 = arith.constant 160 : index
    %swap3A_2159 = tpu.vector_load %arg5[%swap3A_2157, %swap3A_2158] {strides = array<i32>} : memref<32x256xf32, #tpu.memory_space<vmem>>, vector<1x16xf32>,
    %swap3A_2160 = vector.shape_cast %swap3A_2159 : vector<1x16xf32> to vector<16xf32>
    %swap3A_2161 = vector.shape_cast %get3A_2023 : vector<16xf32> to vector<1x16xf32>
    tpu.vector_store %arg5[%swap3A_2157, %swap3A_2158], %swap3A_2161 {strides = array<i32>} : memref<32x256xf32, #tpu.memory_space<vmem>>, vector<1x16xf32>,
    %swap3A_2162 = arith.constant 23 : i32
    %swap3A_2163 = arith.index_cast %swap3A_2162 : i32 to index
    %swap3A_2164 = arith.constant 160 : index
    %swap3A_2165 = tpu.vector_load %arg5[%swap3A_2163, %swap3A_2164] {strides = array<i32>} : memref<32x256xf32, #tpu.memory_space<vmem>>, vector<1x16xf32>,
    %swap3A_2166 = vector.shape_cast %swap3A_2165 : vector<1x16xf32> to vector<16xf32>
    %swap3A_2167 = vector.shape_cast %get3A_2023 : vector<16xf32> to vector<1x16xf32>
    tpu.vector_store %arg5[%swap3A_2163, %swap3A_2164], %swap3A_2167 {strides = array<i32>} : memref<32x256xf32, #tpu.memory_space<vmem>>, vector<1x16xf32>,
    %swap3A_2168 = arith.constant 24 : i32
    %swap3A_2169 = arith.index_cast %swap3A_2168 : i32 to index
    %swap3A_2170 = arith.constant 160 : index
    %swap3A_2171 = tpu.vector_load %arg5[%swap3A_2169, %swap3A_2170] {strides = array<i32>} : memref<32x256xf32, #tpu.memory_space<vmem>>, vector<1x16xf32>,
    %swap3A_2172 = vector.shape_cast %swap3A_2171 : vector<1x16xf32> to vector<16xf32>
    %swap3A_2173 = vector.shape_cast %get3A_2023 : vector<16xf32> to vector<1x16xf32>
    tpu.vector_store %arg5[%swap3A_2169, %swap3A_2170], %swap3A_2173 {strides = array<i32>} : memref<32x256xf32, #tpu.memory_space<vmem>>, vector<1x16xf32>,
    %swap3A_2174 = arith.constant 25 : i32
    %swap3A_2175 = arith.index_cast %swap3A_2174 : i32 to index
    %swap3A_2176 = arith.constant 160 : index
    %swap3A_2177 = tpu.vector_load %arg5[%swap3A_2175, %swap3A_2176] {strides = array<i32>} : memref<32x256xf32, #tpu.memory_space<vmem>>, vector<1x16xf32>,
    %swap3A_2178 = vector.shape_cast %swap3A_2177 : vector<1x16xf32> to vector<16xf32>
    %swap3A_2179 = vector.shape_cast %get3A_2023 : vector<16xf32> to vector<1x16xf32>
    tpu.vector_store %arg5[%swap3A_2175, %swap3A_2176], %swap3A_2179 {strides = array<i32>} : memref<32x256xf32, #tpu.memory_space<vmem>>, vector<1x16xf32>,
    %swap3A_2180 = arith.constant 26 : i32
    %swap3A_2181 = arith.index_cast %swap3A_2180 : i32 to index
    %swap3A_2182 = arith.constant 160 : index
    %swap3A_2183 = tpu.vector_load %arg5[%swap3A_2181, %swap3A_2182] {strides = array<i32>} : memref<32x256xf32, #tpu.memory_space<vmem>>, vector<1x16xf32>,
    %swap3A_2184 = vector.shape_cast %swap3A_2183 : vector<1x16xf32> to vector<16xf32>
    %swap3A_2185 = vector.shape_cast %get3A_2023 : vector<16xf32> to vector<1x16xf32>
    tpu.vector_store %arg5[%swap3A_2181, %swap3A_2182], %swap3A_2185 {strides = array<i32>} : memref<32x256xf32, #tpu.memory_space<vmem>>, vector<1x16xf32>,
    %swap3A_2186 = arith.constant 27 : i32
    %swap3A_2187 = arith.index_cast %swap3A_2186 : i32 to index
    %swap3A_2188 = arith.constant 160 : index
    %swap3A_2189 = tpu.vector_load %arg5[%swap3A_2187, %swap3A_2188] {strides = array<i32>} : memref<32x256xf32, #tpu.memory_space<vmem>>, vector<1x16xf32>,
    %swap3A_2190 = vector.shape_cast %swap3A_2189 : vector<1x16xf32> to vector<16xf32>
    %swap3A_2191 = vector.shape_cast %get3A_2023 : vector<16xf32> to vector<1x16xf32>
    tpu.vector_store %arg5[%swap3A_2187, %swap3A_2188], %swap3A_2191 {strides = array<i32>} : memref<32x256xf32, #tpu.memory_space<vmem>>, vector<1x16xf32>,
    %swap3A_2192 = arith.constant 28 : i32
    %swap3A_2193 = arith.index_cast %swap3A_2192 : i32 to index
    %swap3A_2194 = arith.constant 160 : index
    %swap3A_2195 = tpu.vector_load %arg5[%swap3A_2193, %swap3A_2194] {strides = array<i32>} : memref<32x256xf32, #tpu.memory_space<vmem>>, vector<1x16xf32>,
    %swap3A_2196 = vector.shape_cast %swap3A_2195 : vector<1x16xf32> to vector<16xf32>
    %swap3A_2197 = vector.shape_cast %get3A_2023 : vector<16xf32> to vector<1x16xf32>
    tpu.vector_store %arg5[%swap3A_2193, %swap3A_2194], %swap3A_2197 {strides = array<i32>} : memref<32x256xf32, #tpu.memory_space<vmem>>, vector<1x16xf32>,
    %swap3A_2198 = arith.constant 29 : i32
    %swap3A_2199 = arith.index_cast %swap3A_2198 : i32 to index
    %swap3A_2200 = arith.constant 160 : index
    %swap3A_2201 = tpu.vector_load %arg5[%swap3A_2199, %swap3A_2200] {strides = array<i32>} : memref<32x256xf32, #tpu.memory_space<vmem>>, vector<1x16xf32>,
    %swap3A_2202 = vector.shape_cast %swap3A_2201 : vector<1x16xf32> to vector<16xf32>
    %swap3A_2203 = vector.shape_cast %get3A_2023 : vector<16xf32> to vector<1x16xf32>
    tpu.vector_store %arg5[%swap3A_2199, %swap3A_2200], %swap3A_2203 {strides = array<i32>} : memref<32x256xf32, #tpu.memory_space<vmem>>, vector<1x16xf32>,
    %swap3A_2204 = arith.constant 30 : i32
    %swap3A_2205 = arith.index_cast %swap3A_2204 : i32 to index
    %swap3A_2206 = arith.constant 160 : index
    %swap3A_2207 = tpu.vector_load %arg5[%swap3A_2205, %swap3A_2206] {strides = array<i32>} : memref<32x256xf32, #tpu.memory_space<vmem>>, vector<1x16xf32>,
    %swap3A_2208 = vector.shape_cast %swap3A_2207 : vector<1x16xf32> to vector<16xf32>
    %swap3A_2209 = vector.shape_cast %get3A_2023 : vector<16xf32> to vector<1x16xf32>
    tpu.vector_store %arg5[%swap3A_2205, %swap3A_2206], %swap3A_2209 {strides = array<i32>} : memref<32x256xf32, #tpu.memory_space<vmem>>, vector<1x16xf32>,
    %swap3A_2210 = arith.constant 31 : i32
    %swap3A_2211 = arith.index_cast %swap3A_2210 : i32 to index
    %swap3A_2212 = arith.constant 160 : index
    %swap3A_2213 = tpu.vector_load %arg5[%swap3A_2211, %swap3A_2212] {strides = array<i32>} : memref<32x256xf32, #tpu.memory_space<vmem>>, vector<1x16xf32>,
    %swap3A_2214 = vector.shape_cast %swap3A_2213 : vector<1x16xf32> to vector<16xf32>
    %swap3A_2215 = vector.shape_cast %get3A_2023 : vector<16xf32> to vector<1x16xf32>
    tpu.vector_store %arg5[%swap3A_2211, %swap3A_2212], %swap3A_2215 {strides = array<i32>} : memref<32x256xf32, #tpu.memory_space<vmem>>, vector<1x16xf32>,
    %get3A_2216 = arith.constant 1 : i32
    %get3A_2217 = arith.index_cast %get3A_2216 : i32 to index
    %get3A_2218 = arith.constant 48 : index
    %get3A_2219 = tpu.vector_load %arg6[%get3A_2217, %get3A_2218] {strides = array<i32>} : memref<2x128xf32, #tpu.memory_space<vmem>>, vector<1x16xf32>,
    %get3A_2220 = vector.shape_cast %get3A_2219 : vector<1x16xf32> to vector<16xf32>
    %swap3A_2221 = arith.constant 0 : i32
    %swap3A_2222 = arith.index_cast %swap3A_2221 : i32 to index
    %swap3A_2223 = arith.constant 176 : index
    %swap3A_2224 = tpu.vector_load %arg5[%swap3A_2222, %swap3A_2223] {strides = array<i32>} : memref<32x256xf32, #tpu.memory_space<vmem>>, vector<1x16xf32>,
    %swap3A_2225 = vector.shape_cast %swap3A_2224 : vector<1x16xf32> to vector<16xf32>
    %swap3A_2226 = vector.shape_cast %get3A_2220 : vector<16xf32> to vector<1x16xf32>
    tpu.vector_store %arg5[%swap3A_2222, %swap3A_2223], %swap3A_2226 {strides = array<i32>} : memref<32x256xf32, #tpu.memory_space<vmem>>, vector<1x16xf32>,
    %swap3A_2227 = arith.constant 1 : i32
    %swap3A_2228 = arith.index_cast %swap3A_2227 : i32 to index
    %swap3A_2229 = arith.constant 176 : index
    %swap3A_2230 = tpu.vector_load %arg5[%swap3A_2228, %swap3A_2229] {strides = array<i32>} : memref<32x256xf32, #tpu.memory_space<vmem>>, vector<1x16xf32>,
    %swap3A_2231 = vector.shape_cast %swap3A_2230 : vector<1x16xf32> to vector<16xf32>
    %swap3A_2232 = vector.shape_cast %get3A_2220 : vector<16xf32> to vector<1x16xf32>
    tpu.vector_store %arg5[%swap3A_2228, %swap3A_2229], %swap3A_2232 {strides = array<i32>} : memref<32x256xf32, #tpu.memory_space<vmem>>, vector<1x16xf32>,
    %swap3A_2233 = arith.constant 2 : i32
    %swap3A_2234 = arith.index_cast %swap3A_2233 : i32 to index
    %swap3A_2235 = arith.constant 176 : index
    %swap3A_2236 = tpu.vector_load %arg5[%swap3A_2234, %swap3A_2235] {strides = array<i32>} : memref<32x256xf32, #tpu.memory_space<vmem>>, vector<1x16xf32>,
    %swap3A_2237 = vector.shape_cast %swap3A_2236 : vector<1x16xf32> to vector<16xf32>
    %swap3A_2238 = vector.shape_cast %get3A_2220 : vector<16xf32> to vector<1x16xf32>
    tpu.vector_store %arg5[%swap3A_2234, %swap3A_2235], %swap3A_2238 {strides = array<i32>} : memref<32x256xf32, #tpu.memory_space<vmem>>, vector<1x16xf32>,
    %swap3A_2239 = arith.constant 3 : i32
    %swap3A_2240 = arith.index_cast %swap3A_2239 : i32 to index
    %swap3A_2241 = arith.constant 176 : index
    %swap3A_2242 = tpu.vector_load %arg5[%swap3A_2240, %swap3A_2241] {strides = array<i32>} : memref<32x256xf32, #tpu.memory_space<vmem>>, vector<1x16xf32>,
    %swap3A_2243 = vector.shape_cast %swap3A_2242 : vector<1x16xf32> to vector<16xf32>
    %swap3A_2244 = vector.shape_cast %get3A_2220 : vector<16xf32> to vector<1x16xf32>
    tpu.vector_store %arg5[%swap3A_2240, %swap3A_2241], %swap3A_2244 {strides = array<i32>} : memref<32x256xf32, #tpu.memory_space<vmem>>, vector<1x16xf32>,
    %swap3A_2245 = arith.constant 4 : i32
    %swap3A_2246 = arith.index_cast %swap3A_2245 : i32 to index
    %swap3A_2247 = arith.constant 176 : index
    %swap3A_2248 = tpu.vector_load %arg5[%swap3A_2246, %swap3A_2247] {strides = array<i32>} : memref<32x256xf32, #tpu.memory_space<vmem>>, vector<1x16xf32>,
    %swap3A_2249 = vector.shape_cast %swap3A_2248 : vector<1x16xf32> to vector<16xf32>
    %swap3A_2250 = vector.shape_cast %get3A_2220 : vector<16xf32> to vector<1x16xf32>
    tpu.vector_store %arg5[%swap3A_2246, %swap3A_2247], %swap3A_2250 {strides = array<i32>} : memref<32x256xf32, #tpu.memory_space<vmem>>, vector<1x16xf32>,
    %swap3A_2251 = arith.constant 5 : i32
    %swap3A_2252 = arith.index_cast %swap3A_2251 : i32 to index
    %swap3A_2253 = arith.constant 176 : index
    %swap3A_2254 = tpu.vector_load %arg5[%swap3A_2252, %swap3A_2253] {strides = array<i32>} : memref<32x256xf32, #tpu.memory_space<vmem>>, vector<1x16xf32>,
    %swap3A_2255 = vector.shape_cast %swap3A_2254 : vector<1x16xf32> to vector<16xf32>
    %swap3A_2256 = vector.shape_cast %get3A_2220 : vector<16xf32> to vector<1x16xf32>
    tpu.vector_store %arg5[%swap3A_2252, %swap3A_2253], %swap3A_2256 {strides = array<i32>} : memref<32x256xf32, #tpu.memory_space<vmem>>, vector<1x16xf32>,
    %swap3A_2257 = arith.constant 6 : i32
    %swap3A_2258 = arith.index_cast %swap3A_2257 : i32 to index
    %swap3A_2259 = arith.constant 176 : index
    %swap3A_2260 = tpu.vector_load %arg5[%swap3A_2258, %swap3A_2259] {strides = array<i32>} : memref<32x256xf32, #tpu.memory_space<vmem>>, vector<1x16xf32>,
    %swap3A_2261 = vector.shape_cast %swap3A_2260 : vector<1x16xf32> to vector<16xf32>
    %swap3A_2262 = vector.shape_cast %get3A_2220 : vector<16xf32> to vector<1x16xf32>
    tpu.vector_store %arg5[%swap3A_2258, %swap3A_2259], %swap3A_2262 {strides = array<i32>} : memref<32x256xf32, #tpu.memory_space<vmem>>, vector<1x16xf32>,
    %swap3A_2263 = arith.constant 7 : i32
    %swap3A_2264 = arith.index_cast %swap3A_2263 : i32 to index
    %swap3A_2265 = arith.constant 176 : index
    %swap3A_2266 = tpu.vector_load %arg5[%swap3A_2264, %swap3A_2265] {strides = array<i32>} : memref<32x256xf32, #tpu.memory_space<vmem>>, vector<1x16xf32>,
    %swap3A_2267 = vector.shape_cast %swap3A_2266 : vector<1x16xf32> to vector<16xf32>
    %swap3A_2268 = vector.shape_cast %get3A_2220 : vector<16xf32> to vector<1x16xf32>
    tpu.vector_store %arg5[%swap3A_2264, %swap3A_2265], %swap3A_2268 {strides = array<i32>} : memref<32x256xf32, #tpu.memory_space<vmem>>, vector<1x16xf32>,
    %swap3A_2269 = arith.constant 8 : i32
    %swap3A_2270 = arith.index_cast %swap3A_2269 : i32 to index
    %swap3A_2271 = arith.constant 176 : index
    %swap3A_2272 = tpu.vector_load %arg5[%swap3A_2270, %swap3A_2271] {strides = array<i32>} : memref<32x256xf32, #tpu.memory_space<vmem>>, vector<1x16xf32>,
    %swap3A_2273 = vector.shape_cast %swap3A_2272 : vector<1x16xf32> to vector<16xf32>
    %swap3A_2274 = vector.shape_cast %get3A_2220 : vector<16xf32> to vector<1x16xf32>
    tpu.vector_store %arg5[%swap3A_2270, %swap3A_2271], %swap3A_2274 {strides = array<i32>} : memref<32x256xf32, #tpu.memory_space<vmem>>, vector<1x16xf32>,
    %swap3A_2275 = arith.constant 9 : i32
    %swap3A_2276 = arith.index_cast %swap3A_2275 : i32 to index
    %swap3A_2277 = arith.constant 176 : index
    %swap3A_2278 = tpu.vector_load %arg5[%swap3A_2276, %swap3A_2277] {strides = array<i32>} : memref<32x256xf32, #tpu.memory_space<vmem>>, vector<1x16xf32>,
    %swap3A_2279 = vector.shape_cast %swap3A_2278 : vector<1x16xf32> to vector<16xf32>
    %swap3A_2280 = vector.shape_cast %get3A_2220 : vector<16xf32> to vector<1x16xf32>
    tpu.vector_store %arg5[%swap3A_2276, %swap3A_2277], %swap3A_2280 {strides = array<i32>} : memref<32x256xf32, #tpu.memory_space<vmem>>, vector<1x16xf32>,
    %swap3A_2281 = arith.constant 10 : i32
    %swap3A_2282 = arith.index_cast %swap3A_2281 : i32 to index
    %swap3A_2283 = arith.constant 176 : index
    %swap3A_2284 = tpu.vector_load %arg5[%swap3A_2282, %swap3A_2283] {strides = array<i32>} : memref<32x256xf32, #tpu.memory_space<vmem>>, vector<1x16xf32>,
    %swap3A_2285 = vector.shape_cast %swap3A_2284 : vector<1x16xf32> to vector<16xf32>
    %swap3A_2286 = vector.shape_cast %get3A_2220 : vector<16xf32> to vector<1x16xf32>
    tpu.vector_store %arg5[%swap3A_2282, %swap3A_2283], %swap3A_2286 {strides = array<i32>} : memref<32x256xf32, #tpu.memory_space<vmem>>, vector<1x16xf32>,
    %swap3A_2287 = arith.constant 11 : i32
    %swap3A_2288 = arith.index_cast %swap3A_2287 : i32 to index
    %swap3A_2289 = arith.constant 176 : index
    %swap3A_2290 = tpu.vector_load %arg5[%swap3A_2288, %swap3A_2289] {strides = array<i32>} : memref<32x256xf32, #tpu.memory_space<vmem>>, vector<1x16xf32>,
    %swap3A_2291 = vector.shape_cast %swap3A_2290 : vector<1x16xf32> to vector<16xf32>
    %swap3A_2292 = vector.shape_cast %get3A_2220 : vector<16xf32> to vector<1x16xf32>
    tpu.vector_store %arg5[%swap3A_2288, %swap3A_2289], %swap3A_2292 {strides = array<i32>} : memref<32x256xf32, #tpu.memory_space<vmem>>, vector<1x16xf32>,
    %swap3A_2293 = arith.constant 12 : i32
    %swap3A_2294 = arith.index_cast %swap3A_2293 : i32 to index
    %swap3A_2295 = arith.constant 176 : index
    %swap3A_2296 = tpu.vector_load %arg5[%swap3A_2294, %swap3A_2295] {strides = array<i32>} : memref<32x256xf32, #tpu.memory_space<vmem>>, vector<1x16xf32>,
    %swap3A_2297 = vector.shape_cast %swap3A_2296 : vector<1x16xf32> to vector<16xf32>
    %swap3A_2298 = vector.shape_cast %get3A_2220 : vector<16xf32> to vector<1x16xf32>
    tpu.vector_store %arg5[%swap3A_2294, %swap3A_2295], %swap3A_2298 {strides = array<i32>} : memref<32x256xf32, #tpu.memory_space<vmem>>, vector<1x16xf32>,
    %swap3A_2299 = arith.constant 13 : i32
    %swap3A_2300 = arith.index_cast %swap3A_2299 : i32 to index
    %swap3A_2301 = arith.constant 176 : index
    %swap3A_2302 = tpu.vector_load %arg5[%swap3A_2300, %swap3A_2301] {strides = array<i32>} : memref<32x256xf32, #tpu.memory_space<vmem>>, vector<1x16xf32>,
    %swap3A_2303 = vector.shape_cast %swap3A_2302 : vector<1x16xf32> to vector<16xf32>
    %swap3A_2304 = vector.shape_cast %get3A_2220 : vector<16xf32> to vector<1x16xf32>
    tpu.vector_store %arg5[%swap3A_2300, %swap3A_2301], %swap3A_2304 {strides = array<i32>} : memref<32x256xf32, #tpu.memory_space<vmem>>, vector<1x16xf32>,
    %swap3A_2305 = arith.constant 14 : i32
    %swap3A_2306 = arith.index_cast %swap3A_2305 : i32 to index
    %swap3A_2307 = arith.constant 176 : index
    %swap3A_2308 = tpu.vector_load %arg5[%swap3A_2306, %swap3A_2307] {strides = array<i32>} : memref<32x256xf32, #tpu.memory_space<vmem>>, vector<1x16xf32>,
    %swap3A_2309 = vector.shape_cast %swap3A_2308 : vector<1x16xf32> to vector<16xf32>
    %swap3A_2310 = vector.shape_cast %get3A_2220 : vector<16xf32> to vector<1x16xf32>
    tpu.vector_store %arg5[%swap3A_2306, %swap3A_2307], %swap3A_2310 {strides = array<i32>} : memref<32x256xf32, #tpu.memory_space<vmem>>, vector<1x16xf32>,
    %swap3A_2311 = arith.constant 15 : i32
    %swap3A_2312 = arith.index_cast %swap3A_2311 : i32 to index
    %swap3A_2313 = arith.constant 176 : index
    %swap3A_2314 = tpu.vector_load %arg5[%swap3A_2312, %swap3A_2313] {strides = array<i32>} : memref<32x256xf32, #tpu.memory_space<vmem>>, vector<1x16xf32>,
    %swap3A_2315 = vector.shape_cast %swap3A_2314 : vector<1x16xf32> to vector<16xf32>
    %swap3A_2316 = vector.shape_cast %get3A_2220 : vector<16xf32> to vector<1x16xf32>
    tpu.vector_store %arg5[%swap3A_2312, %swap3A_2313], %swap3A_2316 {strides = array<i32>} : memref<32x256xf32, #tpu.memory_space<vmem>>, vector<1x16xf32>,
    %swap3A_2317 = arith.constant 16 : i32
    %swap3A_2318 = arith.index_cast %swap3A_2317 : i32 to index
    %swap3A_2319 = arith.constant 176 : index
    %swap3A_2320 = tpu.vector_load %arg5[%swap3A_2318, %swap3A_2319] {strides = array<i32>} : memref<32x256xf32, #tpu.memory_space<vmem>>, vector<1x16xf32>,
    %swap3A_2321 = vector.shape_cast %swap3A_2320 : vector<1x16xf32> to vector<16xf32>
    %swap3A_2322 = vector.shape_cast %get3A_2220 : vector<16xf32> to vector<1x16xf32>
    tpu.vector_store %arg5[%swap3A_2318, %swap3A_2319], %swap3A_2322 {strides = array<i32>} : memref<32x256xf32, #tpu.memory_space<vmem>>, vector<1x16xf32>,
    %swap3A_2323 = arith.constant 17 : i32
    %swap3A_2324 = arith.index_cast %swap3A_2323 : i32 to index
    %swap3A_2325 = arith.constant 176 : index
    %swap3A_2326 = tpu.vector_load %arg5[%swap3A_2324, %swap3A_2325] {strides = array<i32>} : memref<32x256xf32, #tpu.memory_space<vmem>>, vector<1x16xf32>,
    %swap3A_2327 = vector.shape_cast %swap3A_2326 : vector<1x16xf32> to vector<16xf32>
    %swap3A_2328 = vector.shape_cast %get3A_2220 : vector<16xf32> to vector<1x16xf32>
    tpu.vector_store %arg5[%swap3A_2324, %swap3A_2325], %swap3A_2328 {strides = array<i32>} : memref<32x256xf32, #tpu.memory_space<vmem>>, vector<1x16xf32>,
    %swap3A_2329 = arith.constant 18 : i32
    %swap3A_2330 = arith.index_cast %swap3A_2329 : i32 to index
    %swap3A_2331 = arith.constant 176 : index
    %swap3A_2332 = tpu.vector_load %arg5[%swap3A_2330, %swap3A_2331] {strides = array<i32>} : memref<32x256xf32, #tpu.memory_space<vmem>>, vector<1x16xf32>,
    %swap3A_2333 = vector.shape_cast %swap3A_2332 : vector<1x16xf32> to vector<16xf32>
    %swap3A_2334 = vector.shape_cast %get3A_2220 : vector<16xf32> to vector<1x16xf32>
    tpu.vector_store %arg5[%swap3A_2330, %swap3A_2331], %swap3A_2334 {strides = array<i32>} : memref<32x256xf32, #tpu.memory_space<vmem>>, vector<1x16xf32>,
    %swap3A_2335 = arith.constant 19 : i32
    %swap3A_2336 = arith.index_cast %swap3A_2335 : i32 to index
    %swap3A_2337 = arith.constant 176 : index
    %swap3A_2338 = tpu.vector_load %arg5[%swap3A_2336, %swap3A_2337] {strides = array<i32>} : memref<32x256xf32, #tpu.memory_space<vmem>>, vector<1x16xf32>,
    %swap3A_2339 = vector.shape_cast %swap3A_2338 : vector<1x16xf32> to vector<16xf32>
    %swap3A_2340 = vector.shape_cast %get3A_2220 : vector<16xf32> to vector<1x16xf32>
    tpu.vector_store %arg5[%swap3A_2336, %swap3A_2337], %swap3A_2340 {strides = array<i32>} : memref<32x256xf32, #tpu.memory_space<vmem>>, vector<1x16xf32>,
    %swap3A_2341 = arith.constant 20 : i32
    %swap3A_2342 = arith.index_cast %swap3A_2341 : i32 to index
    %swap3A_2343 = arith.constant 176 : index
    %swap3A_2344 = tpu.vector_load %arg5[%swap3A_2342, %swap3A_2343] {strides = array<i32>} : memref<32x256xf32, #tpu.memory_space<vmem>>, vector<1x16xf32>,
    %swap3A_2345 = vector.shape_cast %swap3A_2344 : vector<1x16xf32> to vector<16xf32>
    %swap3A_2346 = vector.shape_cast %get3A_2220 : vector<16xf32> to vector<1x16xf32>
    tpu.vector_store %arg5[%swap3A_2342, %swap3A_2343], %swap3A_2346 {strides = array<i32>} : memref<32x256xf32, #tpu.memory_space<vmem>>, vector<1x16xf32>,
    %swap3A_2347 = arith.constant 21 : i32
    %swap3A_2348 = arith.index_cast %swap3A_2347 : i32 to index
    %swap3A_2349 = arith.constant 176 : index
    %swap3A_2350 = tpu.vector_load %arg5[%swap3A_2348, %swap3A_2349] {strides = array<i32>} : memref<32x256xf32, #tpu.memory_space<vmem>>, vector<1x16xf32>,
    %swap3A_2351 = vector.shape_cast %swap3A_2350 : vector<1x16xf32> to vector<16xf32>
    %swap3A_2352 = vector.shape_cast %get3A_2220 : vector<16xf32> to vector<1x16xf32>
    tpu.vector_store %arg5[%swap3A_2348, %swap3A_2349], %swap3A_2352 {strides = array<i32>} : memref<32x256xf32, #tpu.memory_space<vmem>>, vector<1x16xf32>,
    %swap3A_2353 = arith.constant 22 : i32
    %swap3A_2354 = arith.index_cast %swap3A_2353 : i32 to index
    %swap3A_2355 = arith.constant 176 : index
    %swap3A_2356 = tpu.vector_load %arg5[%swap3A_2354, %swap3A_2355] {strides = array<i32>} : memref<32x256xf32, #tpu.memory_space<vmem>>, vector<1x16xf32>,
    %swap3A_2357 = vector.shape_cast %swap3A_2356 : vector<1x16xf32> to vector<16xf32>
    %swap3A_2358 = vector.shape_cast %get3A_2220 : vector<16xf32> to vector<1x16xf32>
    tpu.vector_store %arg5[%swap3A_2354, %swap3A_2355], %swap3A_2358 {strides = array<i32>} : memref<32x256xf32, #tpu.memory_space<vmem>>, vector<1x16xf32>,
    %swap3A_2359 = arith.constant 23 : i32
    %swap3A_2360 = arith.index_cast %swap3A_2359 : i32 to index
    %swap3A_2361 = arith.constant 176 : index
    %swap3A_2362 = tpu.vector_load %arg5[%swap3A_2360, %swap3A_2361] {strides = array<i32>} : memref<32x256xf32, #tpu.memory_space<vmem>>, vector<1x16xf32>,
    %swap3A_2363 = vector.shape_cast %swap3A_2362 : vector<1x16xf32> to vector<16xf32>
    %swap3A_2364 = vector.shape_cast %get3A_2220 : vector<16xf32> to vector<1x16xf32>
    tpu.vector_store %arg5[%swap3A_2360, %swap3A_2361], %swap3A_2364 {strides = array<i32>} : memref<32x256xf32, #tpu.memory_space<vmem>>, vector<1x16xf32>,
    %swap3A_2365 = arith.constant 24 : i32
    %swap3A_2366 = arith.index_cast %swap3A_2365 : i32 to index
    %swap3A_2367 = arith.constant 176 : index
    %swap3A_2368 = tpu.vector_load %arg5[%swap3A_2366, %swap3A_2367] {strides = array<i32>} : memref<32x256xf32, #tpu.memory_space<vmem>>, vector<1x16xf32>,
    %swap3A_2369 = vector.shape_cast %swap3A_2368 : vector<1x16xf32> to vector<16xf32>
    %swap3A_2370 = vector.shape_cast %get3A_2220 : vector<16xf32> to vector<1x16xf32>
    tpu.vector_store %arg5[%swap3A_2366, %swap3A_2367], %swap3A_2370 {strides = array<i32>} : memref<32x256xf32, #tpu.memory_space<vmem>>, vector<1x16xf32>,
    %swap3A_2371 = arith.constant 25 : i32
    %swap3A_2372 = arith.index_cast %swap3A_2371 : i32 to index
    %swap3A_2373 = arith.constant 176 : index
    %swap3A_2374 = tpu.vector_load %arg5[%swap3A_2372, %swap3A_2373] {strides = array<i32>} : memref<32x256xf32, #tpu.memory_space<vmem>>, vector<1x16xf32>,
    %swap3A_2375 = vector.shape_cast %swap3A_2374 : vector<1x16xf32> to vector<16xf32>
    %swap3A_2376 = vector.shape_cast %get3A_2220 : vector<16xf32> to vector<1x16xf32>
    tpu.vector_store %arg5[%swap3A_2372, %swap3A_2373], %swap3A_2376 {strides = array<i32>} : memref<32x256xf32, #tpu.memory_space<vmem>>, vector<1x16xf32>,
    %swap3A_2377 = arith.constant 26 : i32
    %swap3A_2378 = arith.index_cast %swap3A_2377 : i32 to index
    %swap3A_2379 = arith.constant 176 : index
    %swap3A_2380 = tpu.vector_load %arg5[%swap3A_2378, %swap3A_2379] {strides = array<i32>} : memref<32x256xf32, #tpu.memory_space<vmem>>, vector<1x16xf32>,
    %swap3A_2381 = vector.shape_cast %swap3A_2380 : vector<1x16xf32> to vector<16xf32>
    %swap3A_2382 = vector.shape_cast %get3A_2220 : vector<16xf32> to vector<1x16xf32>
    tpu.vector_store %arg5[%swap3A_2378, %swap3A_2379], %swap3A_2382 {strides = array<i32>} : memref<32x256xf32, #tpu.memory_space<vmem>>, vector<1x16xf32>,
    %swap3A_2383 = arith.constant 27 : i32
    %swap3A_2384 = arith.index_cast %swap3A_2383 : i32 to index
    %swap3A_2385 = arith.constant 176 : index
    %swap3A_2386 = tpu.vector_load %arg5[%swap3A_2384, %swap3A_2385] {strides = array<i32>} : memref<32x256xf32, #tpu.memory_space<vmem>>, vector<1x16xf32>,
    %swap3A_2387 = vector.shape_cast %swap3A_2386 : vector<1x16xf32> to vector<16xf32>
    %swap3A_2388 = vector.shape_cast %get3A_2220 : vector<16xf32> to vector<1x16xf32>
    tpu.vector_store %arg5[%swap3A_2384, %swap3A_2385], %swap3A_2388 {strides = array<i32>} : memref<32x256xf32, #tpu.memory_space<vmem>>, vector<1x16xf32>,
    %swap3A_2389 = arith.constant 28 : i32
    %swap3A_2390 = arith.index_cast %swap3A_2389 : i32 to index
    %swap3A_2391 = arith.constant 176 : index
    %swap3A_2392 = tpu.vector_load %arg5[%swap3A_2390, %swap3A_2391] {strides = array<i32>} : memref<32x256xf32, #tpu.memory_space<vmem>>, vector<1x16xf32>,
    %swap3A_2393 = vector.shape_cast %swap3A_2392 : vector<1x16xf32> to vector<16xf32>
    %swap3A_2394 = vector.shape_cast %get3A_2220 : vector<16xf32> to vector<1x16xf32>
    tpu.vector_store %arg5[%swap3A_2390, %swap3A_2391], %swap3A_2394 {strides = array<i32>} : memref<32x256xf32, #tpu.memory_space<vmem>>, vector<1x16xf32>,
    %swap3A_2395 = arith.constant 29 : i32
    %swap3A_2396 = arith.index_cast %swap3A_2395 : i32 to index
    %swap3A_2397 = arith.constant 176 : index
    %swap3A_2398 = tpu.vector_load %arg5[%swap3A_2396, %swap3A_2397] {strides = array<i32>} : memref<32x256xf32, #tpu.memory_space<vmem>>, vector<1x16xf32>,
    %swap3A_2399 = vector.shape_cast %swap3A_2398 : vector<1x16xf32> to vector<16xf32>
    %swap3A_2400 = vector.shape_cast %get3A_2220 : vector<16xf32> to vector<1x16xf32>
    tpu.vector_store %arg5[%swap3A_2396, %swap3A_2397], %swap3A_2400 {strides = array<i32>} : memref<32x256xf32, #tpu.memory_space<vmem>>, vector<1x16xf32>,
    %swap3A_2401 = arith.constant 30 : i32
    %swap3A_2402 = arith.index_cast %swap3A_2401 : i32 to index
    %swap3A_2403 = arith.constant 176 : index
    %swap3A_2404 = tpu.vector_load %arg5[%swap3A_2402, %swap3A_2403] {strides = array<i32>} : memref<32x256xf32, #tpu.memory_space<vmem>>, vector<1x16xf32>,
    %swap3A_2405 = vector.shape_cast %swap3A_2404 : vector<1x16xf32> to vector<16xf32>
    %swap3A_2406 = vector.shape_cast %get3A_2220 : vector<16xf32> to vector<1x16xf32>
    tpu.vector_store %arg5[%swap3A_2402, %swap3A_2403], %swap3A_2406 {strides = array<i32>} : memref<32x256xf32, #tpu.memory_space<vmem>>, vector<1x16xf32>,
    %swap3A_2407 = arith.constant 31 : i32
    %swap3A_2408 = arith.index_cast %swap3A_2407 : i32 to index
    %swap3A_2409 = arith.constant 176 : index
    %swap3A_2410 = tpu.vector_load %arg5[%swap3A_2408, %swap3A_2409] {strides = array<i32>} : memref<32x256xf32, #tpu.memory_space<vmem>>, vector<1x16xf32>,
    %swap3A_2411 = vector.shape_cast %swap3A_2410 : vector<1x16xf32> to vector<16xf32>
    %swap3A_2412 = vector.shape_cast %get3A_2220 : vector<16xf32> to vector<1x16xf32>
    tpu.vector_store %arg5[%swap3A_2408, %swap3A_2409], %swap3A_2412 {strides = array<i32>} : memref<32x256xf32, #tpu.memory_space<vmem>>, vector<1x16xf32>,
    %get3A_2413 = arith.constant 1 : i32
    %get3A_2414 = arith.index_cast %get3A_2413 : i32 to index
    %get3A_2415 = arith.constant 64 : index
    %get3A_2416 = tpu.vector_load %arg6[%get3A_2414, %get3A_2415] {strides = array<i32>} : memref<2x128xf32, #tpu.memory_space<vmem>>, vector<1x16xf32>,
    %get3A_2417 = vector.shape_cast %get3A_2416 : vector<1x16xf32> to vector<16xf32>
    %swap3A_2418 = arith.constant 0 : i32
    %swap3A_2419 = arith.index_cast %swap3A_2418 : i32 to index
    %swap3A_2420 = arith.constant 192 : index
    %swap3A_2421 = tpu.vector_load %arg5[%swap3A_2419, %swap3A_2420] {strides = array<i32>} : memref<32x256xf32, #tpu.memory_space<vmem>>, vector<1x16xf32>,
    %swap3A_2422 = vector.shape_cast %swap3A_2421 : vector<1x16xf32> to vector<16xf32>
    %swap3A_2423 = vector.shape_cast %get3A_2417 : vector<16xf32> to vector<1x16xf32>
    tpu.vector_store %arg5[%swap3A_2419, %swap3A_2420], %swap3A_2423 {strides = array<i32>} : memref<32x256xf32, #tpu.memory_space<vmem>>, vector<1x16xf32>,
    %swap3A_2424 = arith.constant 1 : i32
    %swap3A_2425 = arith.index_cast %swap3A_2424 : i32 to index
    %swap3A_2426 = arith.constant 192 : index
    %swap3A_2427 = tpu.vector_load %arg5[%swap3A_2425, %swap3A_2426] {strides = array<i32>} : memref<32x256xf32, #tpu.memory_space<vmem>>, vector<1x16xf32>,
    %swap3A_2428 = vector.shape_cast %swap3A_2427 : vector<1x16xf32> to vector<16xf32>
    %swap3A_2429 = vector.shape_cast %get3A_2417 : vector<16xf32> to vector<1x16xf32>
    tpu.vector_store %arg5[%swap3A_2425, %swap3A_2426], %swap3A_2429 {strides = array<i32>} : memref<32x256xf32, #tpu.memory_space<vmem>>, vector<1x16xf32>,
    %swap3A_2430 = arith.constant 2 : i32
    %swap3A_2431 = arith.index_cast %swap3A_2430 : i32 to index
    %swap3A_2432 = arith.constant 192 : index
    %swap3A_2433 = tpu.vector_load %arg5[%swap3A_2431, %swap3A_2432] {strides = array<i32>} : memref<32x256xf32, #tpu.memory_space<vmem>>, vector<1x16xf32>,
    %swap3A_2434 = vector.shape_cast %swap3A_2433 : vector<1x16xf32> to vector<16xf32>
    %swap3A_2435 = vector.shape_cast %get3A_2417 : vector<16xf32> to vector<1x16xf32>
    tpu.vector_store %arg5[%swap3A_2431, %swap3A_2432], %swap3A_2435 {strides = array<i32>} : memref<32x256xf32, #tpu.memory_space<vmem>>, vector<1x16xf32>,
    %swap3A_2436 = arith.constant 3 : i32
    %swap3A_2437 = arith.index_cast %swap3A_2436 : i32 to index
    %swap3A_2438 = arith.constant 192 : index
    %swap3A_2439 = tpu.vector_load %arg5[%swap3A_2437, %swap3A_2438] {strides = array<i32>} : memref<32x256xf32, #tpu.memory_space<vmem>>, vector<1x16xf32>,
    %swap3A_2440 = vector.shape_cast %swap3A_2439 : vector<1x16xf32> to vector<16xf32>
    %swap3A_2441 = vector.shape_cast %get3A_2417 : vector<16xf32> to vector<1x16xf32>
    tpu.vector_store %arg5[%swap3A_2437, %swap3A_2438], %swap3A_2441 {strides = array<i32>} : memref<32x256xf32, #tpu.memory_space<vmem>>, vector<1x16xf32>,
    %swap3A_2442 = arith.constant 4 : i32
    %swap3A_2443 = arith.index_cast %swap3A_2442 : i32 to index
    %swap3A_2444 = arith.constant 192 : index
    %swap3A_2445 = tpu.vector_load %arg5[%swap3A_2443, %swap3A_2444] {strides = array<i32>} : memref<32x256xf32, #tpu.memory_space<vmem>>, vector<1x16xf32>,
    %swap3A_2446 = vector.shape_cast %swap3A_2445 : vector<1x16xf32> to vector<16xf32>
    %swap3A_2447 = vector.shape_cast %get3A_2417 : vector<16xf32> to vector<1x16xf32>
    tpu.vector_store %arg5[%swap3A_2443, %swap3A_2444], %swap3A_2447 {strides = array<i32>} : memref<32x256xf32, #tpu.memory_space<vmem>>, vector<1x16xf32>,
    %swap3A_2448 = arith.constant 5 : i32
    %swap3A_2449 = arith.index_cast %swap3A_2448 : i32 to index
    %swap3A_2450 = arith.constant 192 : index
    %swap3A_2451 = tpu.vector_load %arg5[%swap3A_2449, %swap3A_2450] {strides = array<i32>} : memref<32x256xf32, #tpu.memory_space<vmem>>, vector<1x16xf32>,
    %swap3A_2452 = vector.shape_cast %swap3A_2451 : vector<1x16xf32> to vector<16xf32>
    %swap3A_2453 = vector.shape_cast %get3A_2417 : vector<16xf32> to vector<1x16xf32>
    tpu.vector_store %arg5[%swap3A_2449, %swap3A_2450], %swap3A_2453 {strides = array<i32>} : memref<32x256xf32, #tpu.memory_space<vmem>>, vector<1x16xf32>,
    %swap3A_2454 = arith.constant 6 : i32
    %swap3A_2455 = arith.index_cast %swap3A_2454 : i32 to index
    %swap3A_2456 = arith.constant 192 : index
    %swap3A_2457 = tpu.vector_load %arg5[%swap3A_2455, %swap3A_2456] {strides = array<i32>} : memref<32x256xf32, #tpu.memory_space<vmem>>, vector<1x16xf32>,
    %swap3A_2458 = vector.shape_cast %swap3A_2457 : vector<1x16xf32> to vector<16xf32>
    %swap3A_2459 = vector.shape_cast %get3A_2417 : vector<16xf32> to vector<1x16xf32>
    tpu.vector_store %arg5[%swap3A_2455, %swap3A_2456], %swap3A_2459 {strides = array<i32>} : memref<32x256xf32, #tpu.memory_space<vmem>>, vector<1x16xf32>,
    %swap3A_2460 = arith.constant 7 : i32
    %swap3A_2461 = arith.index_cast %swap3A_2460 : i32 to index
    %swap3A_2462 = arith.constant 192 : index
    %swap3A_2463 = tpu.vector_load %arg5[%swap3A_2461, %swap3A_2462] {strides = array<i32>} : memref<32x256xf32, #tpu.memory_space<vmem>>, vector<1x16xf32>,
    %swap3A_2464 = vector.shape_cast %swap3A_2463 : vector<1x16xf32> to vector<16xf32>
    %swap3A_2465 = vector.shape_cast %get3A_2417 : vector<16xf32> to vector<1x16xf32>
    tpu.vector_store %arg5[%swap3A_2461, %swap3A_2462], %swap3A_2465 {strides = array<i32>} : memref<32x256xf32, #tpu.memory_space<vmem>>, vector<1x16xf32>,
    %swap3A_2466 = arith.constant 8 : i32
    %swap3A_2467 = arith.index_cast %swap3A_2466 : i32 to index
    %swap3A_2468 = arith.constant 192 : index
    %swap3A_2469 = tpu.vector_load %arg5[%swap3A_2467, %swap3A_2468] {strides = array<i32>} : memref<32x256xf32, #tpu.memory_space<vmem>>, vector<1x16xf32>,
    %swap3A_2470 = vector.shape_cast %swap3A_2469 : vector<1x16xf32> to vector<16xf32>
    %swap3A_2471 = vector.shape_cast %get3A_2417 : vector<16xf32> to vector<1x16xf32>
    tpu.vector_store %arg5[%swap3A_2467, %swap3A_2468], %swap3A_2471 {strides = array<i32>} : memref<32x256xf32, #tpu.memory_space<vmem>>, vector<1x16xf32>,
    %swap3A_2472 = arith.constant 9 : i32
    %swap3A_2473 = arith.index_cast %swap3A_2472 : i32 to index
    %swap3A_2474 = arith.constant 192 : index
    %swap3A_2475 = tpu.vector_load %arg5[%swap3A_2473, %swap3A_2474] {strides = array<i32>} : memref<32x256xf32, #tpu.memory_space<vmem>>, vector<1x16xf32>,
    %swap3A_2476 = vector.shape_cast %swap3A_2475 : vector<1x16xf32> to vector<16xf32>
    %swap3A_2477 = vector.shape_cast %get3A_2417 : vector<16xf32> to vector<1x16xf32>
    tpu.vector_store %arg5[%swap3A_2473, %swap3A_2474], %swap3A_2477 {strides = array<i32>} : memref<32x256xf32, #tpu.memory_space<vmem>>, vector<1x16xf32>,
    %swap3A_2478 = arith.constant 10 : i32
    %swap3A_2479 = arith.index_cast %swap3A_2478 : i32 to index
    %swap3A_2480 = arith.constant 192 : index
    %swap3A_2481 = tpu.vector_load %arg5[%swap3A_2479, %swap3A_2480] {strides = array<i32>} : memref<32x256xf32, #tpu.memory_space<vmem>>, vector<1x16xf32>,
    %swap3A_2482 = vector.shape_cast %swap3A_2481 : vector<1x16xf32> to vector<16xf32>
    %swap3A_2483 = vector.shape_cast %get3A_2417 : vector<16xf32> to vector<1x16xf32>
    tpu.vector_store %arg5[%swap3A_2479, %swap3A_2480], %swap3A_2483 {strides = array<i32>} : memref<32x256xf32, #tpu.memory_space<vmem>>, vector<1x16xf32>,
    %swap3A_2484 = arith.constant 11 : i32
    %swap3A_2485 = arith.index_cast %swap3A_2484 : i32 to index
    %swap3A_2486 = arith.constant 192 : index
    %swap3A_2487 = tpu.vector_load %arg5[%swap3A_2485, %swap3A_2486] {strides = array<i32>} : memref<32x256xf32, #tpu.memory_space<vmem>>, vector<1x16xf32>,
    %swap3A_2488 = vector.shape_cast %swap3A_2487 : vector<1x16xf32> to vector<16xf32>
    %swap3A_2489 = vector.shape_cast %get3A_2417 : vector<16xf32> to vector<1x16xf32>
    tpu.vector_store %arg5[%swap3A_2485, %swap3A_2486], %swap3A_2489 {strides = array<i32>} : memref<32x256xf32, #tpu.memory_space<vmem>>, vector<1x16xf32>,
    %swap3A_2490 = arith.constant 12 : i32
    %swap3A_2491 = arith.index_cast %swap3A_2490 : i32 to index
    %swap3A_2492 = arith.constant 192 : index
    %swap3A_2493 = tpu.vector_load %arg5[%swap3A_2491, %swap3A_2492] {strides = array<i32>} : memref<32x256xf32, #tpu.memory_space<vmem>>, vector<1x16xf32>,
    %swap3A_2494 = vector.shape_cast %swap3A_2493 : vector<1x16xf32> to vector<16xf32>
    %swap3A_2495 = vector.shape_cast %get3A_2417 : vector<16xf32> to vector<1x16xf32>
    tpu.vector_store %arg5[%swap3A_2491, %swap3A_2492], %swap3A_2495 {strides = array<i32>} : memref<32x256xf32, #tpu.memory_space<vmem>>, vector<1x16xf32>,
    %swap3A_2496 = arith.constant 13 : i32
    %swap3A_2497 = arith.index_cast %swap3A_2496 : i32 to index
    %swap3A_2498 = arith.constant 192 : index
    %swap3A_2499 = tpu.vector_load %arg5[%swap3A_2497, %swap3A_2498] {strides = array<i32>} : memref<32x256xf32, #tpu.memory_space<vmem>>, vector<1x16xf32>,
    %swap3A_2500 = vector.shape_cast %swap3A_2499 : vector<1x16xf32> to vector<16xf32>
    %swap3A_2501 = vector.shape_cast %get3A_2417 : vector<16xf32> to vector<1x16xf32>
    tpu.vector_store %arg5[%swap3A_2497, %swap3A_2498], %swap3A_2501 {strides = array<i32>} : memref<32x256xf32, #tpu.memory_space<vmem>>, vector<1x16xf32>,
    %swap3A_2502 = arith.constant 14 : i32
    %swap3A_2503 = arith.index_cast %swap3A_2502 : i32 to index
    %swap3A_2504 = arith.constant 192 : index
    %swap3A_2505 = tpu.vector_load %arg5[%swap3A_2503, %swap3A_2504] {strides = array<i32>} : memref<32x256xf32, #tpu.memory_space<vmem>>, vector<1x16xf32>,
    %swap3A_2506 = vector.shape_cast %swap3A_2505 : vector<1x16xf32> to vector<16xf32>
    %swap3A_2507 = vector.shape_cast %get3A_2417 : vector<16xf32> to vector<1x16xf32>
    tpu.vector_store %arg5[%swap3A_2503, %swap3A_2504], %swap3A_2507 {strides = array<i32>} : memref<32x256xf32, #tpu.memory_space<vmem>>, vector<1x16xf32>,
    %swap3A_2508 = arith.constant 15 : i32
    %swap3A_2509 = arith.index_cast %swap3A_2508 : i32 to index
    %swap3A_2510 = arith.constant 192 : index
    %swap3A_2511 = tpu.vector_load %arg5[%swap3A_2509, %swap3A_2510] {strides = array<i32>} : memref<32x256xf32, #tpu.memory_space<vmem>>, vector<1x16xf32>,
    %swap3A_2512 = vector.shape_cast %swap3A_2511 : vector<1x16xf32> to vector<16xf32>
    %swap3A_2513 = vector.shape_cast %get3A_2417 : vector<16xf32> to vector<1x16xf32>
    tpu.vector_store %arg5[%swap3A_2509, %swap3A_2510], %swap3A_2513 {strides = array<i32>} : memref<32x256xf32, #tpu.memory_space<vmem>>, vector<1x16xf32>,
    %swap3A_2514 = arith.constant 16 : i32
    %swap3A_2515 = arith.index_cast %swap3A_2514 : i32 to index
    %swap3A_2516 = arith.constant 192 : index
    %swap3A_2517 = tpu.vector_load %arg5[%swap3A_2515, %swap3A_2516] {strides = array<i32>} : memref<32x256xf32, #tpu.memory_space<vmem>>, vector<1x16xf32>,
    %swap3A_2518 = vector.shape_cast %swap3A_2517 : vector<1x16xf32> to vector<16xf32>
    %swap3A_2519 = vector.shape_cast %get3A_2417 : vector<16xf32> to vector<1x16xf32>
    tpu.vector_store %arg5[%swap3A_2515, %swap3A_2516], %swap3A_2519 {strides = array<i32>} : memref<32x256xf32, #tpu.memory_space<vmem>>, vector<1x16xf32>,
    %swap3A_2520 = arith.constant 17 : i32
    %swap3A_2521 = arith.index_cast %swap3A_2520 : i32 to index
    %swap3A_2522 = arith.constant 192 : index
    %swap3A_2523 = tpu.vector_load %arg5[%swap3A_2521, %swap3A_2522] {strides = array<i32>} : memref<32x256xf32, #tpu.memory_space<vmem>>, vector<1x16xf32>,
    %swap3A_2524 = vector.shape_cast %swap3A_2523 : vector<1x16xf32> to vector<16xf32>
    %swap3A_2525 = vector.shape_cast %get3A_2417 : vector<16xf32> to vector<1x16xf32>
    tpu.vector_store %arg5[%swap3A_2521, %swap3A_2522], %swap3A_2525 {strides = array<i32>} : memref<32x256xf32, #tpu.memory_space<vmem>>, vector<1x16xf32>,
    %swap3A_2526 = arith.constant 18 : i32
    %swap3A_2527 = arith.index_cast %swap3A_2526 : i32 to index
    %swap3A_2528 = arith.constant 192 : index
    %swap3A_2529 = tpu.vector_load %arg5[%swap3A_2527, %swap3A_2528] {strides = array<i32>} : memref<32x256xf32, #tpu.memory_space<vmem>>, vector<1x16xf32>,
    %swap3A_2530 = vector.shape_cast %swap3A_2529 : vector<1x16xf32> to vector<16xf32>
    %swap3A_2531 = vector.shape_cast %get3A_2417 : vector<16xf32> to vector<1x16xf32>
    tpu.vector_store %arg5[%swap3A_2527, %swap3A_2528], %swap3A_2531 {strides = array<i32>} : memref<32x256xf32, #tpu.memory_space<vmem>>, vector<1x16xf32>,
    %swap3A_2532 = arith.constant 19 : i32
    %swap3A_2533 = arith.index_cast %swap3A_2532 : i32 to index
    %swap3A_2534 = arith.constant 192 : index
    %swap3A_2535 = tpu.vector_load %arg5[%swap3A_2533, %swap3A_2534] {strides = array<i32>} : memref<32x256xf32, #tpu.memory_space<vmem>>, vector<1x16xf32>,
    %swap3A_2536 = vector.shape_cast %swap3A_2535 : vector<1x16xf32> to vector<16xf32>
    %swap3A_2537 = vector.shape_cast %get3A_2417 : vector<16xf32> to vector<1x16xf32>
    tpu.vector_store %arg5[%swap3A_2533, %swap3A_2534], %swap3A_2537 {strides = array<i32>} : memref<32x256xf32, #tpu.memory_space<vmem>>, vector<1x16xf32>,
    %swap3A_2538 = arith.constant 20 : i32
    %swap3A_2539 = arith.index_cast %swap3A_2538 : i32 to index
    %swap3A_2540 = arith.constant 192 : index
    %swap3A_2541 = tpu.vector_load %arg5[%swap3A_2539, %swap3A_2540] {strides = array<i32>} : memref<32x256xf32, #tpu.memory_space<vmem>>, vector<1x16xf32>,
    %swap3A_2542 = vector.shape_cast %swap3A_2541 : vector<1x16xf32> to vector<16xf32>
    %swap3A_2543 = vector.shape_cast %get3A_2417 : vector<16xf32> to vector<1x16xf32>
    tpu.vector_store %arg5[%swap3A_2539, %swap3A_2540], %swap3A_2543 {strides = array<i32>} : memref<32x256xf32, #tpu.memory_space<vmem>>, vector<1x16xf32>,
    %swap3A_2544 = arith.constant 21 : i32
    %swap3A_2545 = arith.index_cast %swap3A_2544 : i32 to index
    %swap3A_2546 = arith.constant 192 : index
    %swap3A_2547 = tpu.vector_load %arg5[%swap3A_2545, %swap3A_2546] {strides = array<i32>} : memref<32x256xf32, #tpu.memory_space<vmem>>, vector<1x16xf32>,
    %swap3A_2548 = vector.shape_cast %swap3A_2547 : vector<1x16xf32> to vector<16xf32>
    %swap3A_2549 = vector.shape_cast %get3A_2417 : vector<16xf32> to vector<1x16xf32>
    tpu.vector_store %arg5[%swap3A_2545, %swap3A_2546], %swap3A_2549 {strides = array<i32>} : memref<32x256xf32, #tpu.memory_space<vmem>>, vector<1x16xf32>,
    %swap3A_2550 = arith.constant 22 : i32
    %swap3A_2551 = arith.index_cast %swap3A_2550 : i32 to index
    %swap3A_2552 = arith.constant 192 : index
    %swap3A_2553 = tpu.vector_load %arg5[%swap3A_2551, %swap3A_2552] {strides = array<i32>} : memref<32x256xf32, #tpu.memory_space<vmem>>, vector<1x16xf32>,
    %swap3A_2554 = vector.shape_cast %swap3A_2553 : vector<1x16xf32> to vector<16xf32>
    %swap3A_2555 = vector.shape_cast %get3A_2417 : vector<16xf32> to vector<1x16xf32>
    tpu.vector_store %arg5[%swap3A_2551, %swap3A_2552], %swap3A_2555 {strides = array<i32>} : memref<32x256xf32, #tpu.memory_space<vmem>>, vector<1x16xf32>,
    %swap3A_2556 = arith.constant 23 : i32
    %swap3A_2557 = arith.index_cast %swap3A_2556 : i32 to index
    %swap3A_2558 = arith.constant 192 : index
    %swap3A_2559 = tpu.vector_load %arg5[%swap3A_2557, %swap3A_2558] {strides = array<i32>} : memref<32x256xf32, #tpu.memory_space<vmem>>, vector<1x16xf32>,
    %swap3A_2560 = vector.shape_cast %swap3A_2559 : vector<1x16xf32> to vector<16xf32>
    %swap3A_2561 = vector.shape_cast %get3A_2417 : vector<16xf32> to vector<1x16xf32>
    tpu.vector_store %arg5[%swap3A_2557, %swap3A_2558], %swap3A_2561 {strides = array<i32>} : memref<32x256xf32, #tpu.memory_space<vmem>>, vector<1x16xf32>,
    %swap3A_2562 = arith.constant 24 : i32
    %swap3A_2563 = arith.index_cast %swap3A_2562 : i32 to index
    %swap3A_2564 = arith.constant 192 : index
    %swap3A_2565 = tpu.vector_load %arg5[%swap3A_2563, %swap3A_2564] {strides = array<i32>} : memref<32x256xf32, #tpu.memory_space<vmem>>, vector<1x16xf32>,
    %swap3A_2566 = vector.shape_cast %swap3A_2565 : vector<1x16xf32> to vector<16xf32>
    %swap3A_2567 = vector.shape_cast %get3A_2417 : vector<16xf32> to vector<1x16xf32>
    tpu.vector_store %arg5[%swap3A_2563, %swap3A_2564], %swap3A_2567 {strides = array<i32>} : memref<32x256xf32, #tpu.memory_space<vmem>>, vector<1x16xf32>,
    %swap3A_2568 = arith.constant 25 : i32
    %swap3A_2569 = arith.index_cast %swap3A_2568 : i32 to index
    %swap3A_2570 = arith.constant 192 : index
    %swap3A_2571 = tpu.vector_load %arg5[%swap3A_2569, %swap3A_2570] {strides = array<i32>} : memref<32x256xf32, #tpu.memory_space<vmem>>, vector<1x16xf32>,
    %swap3A_2572 = vector.shape_cast %swap3A_2571 : vector<1x16xf32> to vector<16xf32>
    %swap3A_2573 = vector.shape_cast %get3A_2417 : vector<16xf32> to vector<1x16xf32>
    tpu.vector_store %arg5[%swap3A_2569, %swap3A_2570], %swap3A_2573 {strides = array<i32>} : memref<32x256xf32, #tpu.memory_space<vmem>>, vector<1x16xf32>,
    %swap3A_2574 = arith.constant 26 : i32
    %swap3A_2575 = arith.index_cast %swap3A_2574 : i32 to index
    %swap3A_2576 = arith.constant 192 : index
    %swap3A_2577 = tpu.vector_load %arg5[%swap3A_2575, %swap3A_2576] {strides = array<i32>} : memref<32x256xf32, #tpu.memory_space<vmem>>, vector<1x16xf32>,
    %swap3A_2578 = vector.shape_cast %swap3A_2577 : vector<1x16xf32> to vector<16xf32>
    %swap3A_2579 = vector.shape_cast %get3A_2417 : vector<16xf32> to vector<1x16xf32>
    tpu.vector_store %arg5[%swap3A_2575, %swap3A_2576], %swap3A_2579 {strides = array<i32>} : memref<32x256xf32, #tpu.memory_space<vmem>>, vector<1x16xf32>,
    %swap3A_2580 = arith.constant 27 : i32
    %swap3A_2581 = arith.index_cast %swap3A_2580 : i32 to index
    %swap3A_2582 = arith.constant 192 : index
    %swap3A_2583 = tpu.vector_load %arg5[%swap3A_2581, %swap3A_2582] {strides = array<i32>} : memref<32x256xf32, #tpu.memory_space<vmem>>, vector<1x16xf32>,
    %swap3A_2584 = vector.shape_cast %swap3A_2583 : vector<1x16xf32> to vector<16xf32>
    %swap3A_2585 = vector.shape_cast %get3A_2417 : vector<16xf32> to vector<1x16xf32>
    tpu.vector_store %arg5[%swap3A_2581, %swap3A_2582], %swap3A_2585 {strides = array<i32>} : memref<32x256xf32, #tpu.memory_space<vmem>>, vector<1x16xf32>,
    %swap3A_2586 = arith.constant 28 : i32
    %swap3A_2587 = arith.index_cast %swap3A_2586 : i32 to index
    %swap3A_2588 = arith.constant 192 : index
    %swap3A_2589 = tpu.vector_load %arg5[%swap3A_2587, %swap3A_2588] {strides = array<i32>} : memref<32x256xf32, #tpu.memory_space<vmem>>, vector<1x16xf32>,
    %swap3A_2590 = vector.shape_cast %swap3A_2589 : vector<1x16xf32> to vector<16xf32>
    %swap3A_2591 = vector.shape_cast %get3A_2417 : vector<16xf32> to vector<1x16xf32>
    tpu.vector_store %arg5[%swap3A_2587, %swap3A_2588], %swap3A_2591 {strides = array<i32>} : memref<32x256xf32, #tpu.memory_space<vmem>>, vector<1x16xf32>,
    %swap3A_2592 = arith.constant 29 : i32
    %swap3A_2593 = arith.index_cast %swap3A_2592 : i32 to index
    %swap3A_2594 = arith.constant 192 : index
    %swap3A_2595 = tpu.vector_load %arg5[%swap3A_2593, %swap3A_2594] {strides = array<i32>} : memref<32x256xf32, #tpu.memory_space<vmem>>, vector<1x16xf32>,
    %swap3A_2596 = vector.shape_cast %swap3A_2595 : vector<1x16xf32> to vector<16xf32>
    %swap3A_2597 = vector.shape_cast %get3A_2417 : vector<16xf32> to vector<1x16xf32>
    tpu.vector_store %arg5[%swap3A_2593, %swap3A_2594], %swap3A_2597 {strides = array<i32>} : memref<32x256xf32, #tpu.memory_space<vmem>>, vector<1x16xf32>,
    %swap3A_2598 = arith.constant 30 : i32
    %swap3A_2599 = arith.index_cast %swap3A_2598 : i32 to index
    %swap3A_2600 = arith.constant 192 : index
    %swap3A_2601 = tpu.vector_load %arg5[%swap3A_2599, %swap3A_2600] {strides = array<i32>} : memref<32x256xf32, #tpu.memory_space<vmem>>, vector<1x16xf32>,
    %swap3A_2602 = vector.shape_cast %swap3A_2601 : vector<1x16xf32> to vector<16xf32>
    %swap3A_2603 = vector.shape_cast %get3A_2417 : vector<16xf32> to vector<1x16xf32>
    tpu.vector_store %arg5[%swap3A_2599, %swap3A_2600], %swap3A_2603 {strides = array<i32>} : memref<32x256xf32, #tpu.memory_space<vmem>>, vector<1x16xf32>,
    %swap3A_2604 = arith.constant 31 : i32
    %swap3A_2605 = arith.index_cast %swap3A_2604 : i32 to index
    %swap3A_2606 = arith.constant 192 : index
    %swap3A_2607 = tpu.vector_load %arg5[%swap3A_2605, %swap3A_2606] {strides = array<i32>} : memref<32x256xf32, #tpu.memory_space<vmem>>, vector<1x16xf32>,
    %swap3A_2608 = vector.shape_cast %swap3A_2607 : vector<1x16xf32> to vector<16xf32>
    %swap3A_2609 = vector.shape_cast %get3A_2417 : vector<16xf32> to vector<1x16xf32>
    tpu.vector_store %arg5[%swap3A_2605, %swap3A_2606], %swap3A_2609 {strides = array<i32>} : memref<32x256xf32, #tpu.memory_space<vmem>>, vector<1x16xf32>,
    %get3A_2610 = arith.constant 1 : i32
    %get3A_2611 = arith.index_cast %get3A_2610 : i32 to index
    %get3A_2612 = arith.constant 80 : index
    %get3A_2613 = tpu.vector_load %arg6[%get3A_2611, %get3A_2612] {strides = array<i32>} : memref<2x128xf32, #tpu.memory_space<vmem>>, vector<1x16xf32>,
    %get3A_2614 = vector.shape_cast %get3A_2613 : vector<1x16xf32> to vector<16xf32>
    %swap3A_2615 = arith.constant 0 : i32
    %swap3A_2616 = arith.index_cast %swap3A_2615 : i32 to index
    %swap3A_2617 = arith.constant 208 : index
    %swap3A_2618 = tpu.vector_load %arg5[%swap3A_2616, %swap3A_2617] {strides = array<i32>} : memref<32x256xf32, #tpu.memory_space<vmem>>, vector<1x16xf32>,
    %swap3A_2619 = vector.shape_cast %swap3A_2618 : vector<1x16xf32> to vector<16xf32>
    %swap3A_2620 = vector.shape_cast %get3A_2614 : vector<16xf32> to vector<1x16xf32>
    tpu.vector_store %arg5[%swap3A_2616, %swap3A_2617], %swap3A_2620 {strides = array<i32>} : memref<32x256xf32, #tpu.memory_space<vmem>>, vector<1x16xf32>,
    %swap3A_2621 = arith.constant 1 : i32
    %swap3A_2622 = arith.index_cast %swap3A_2621 : i32 to index
    %swap3A_2623 = arith.constant 208 : index
    %swap3A_2624 = tpu.vector_load %arg5[%swap3A_2622, %swap3A_2623] {strides = array<i32>} : memref<32x256xf32, #tpu.memory_space<vmem>>, vector<1x16xf32>,
    %swap3A_2625 = vector.shape_cast %swap3A_2624 : vector<1x16xf32> to vector<16xf32>
    %swap3A_2626 = vector.shape_cast %get3A_2614 : vector<16xf32> to vector<1x16xf32>
    tpu.vector_store %arg5[%swap3A_2622, %swap3A_2623], %swap3A_2626 {strides = array<i32>} : memref<32x256xf32, #tpu.memory_space<vmem>>, vector<1x16xf32>,
    %swap3A_2627 = arith.constant 2 : i32
    %swap3A_2628 = arith.index_cast %swap3A_2627 : i32 to index
    %swap3A_2629 = arith.constant 208 : index
    %swap3A_2630 = tpu.vector_load %arg5[%swap3A_2628, %swap3A_2629] {strides = array<i32>} : memref<32x256xf32, #tpu.memory_space<vmem>>, vector<1x16xf32>,
    %swap3A_2631 = vector.shape_cast %swap3A_2630 : vector<1x16xf32> to vector<16xf32>
    %swap3A_2632 = vector.shape_cast %get3A_2614 : vector<16xf32> to vector<1x16xf32>
    tpu.vector_store %arg5[%swap3A_2628, %swap3A_2629], %swap3A_2632 {strides = array<i32>} : memref<32x256xf32, #tpu.memory_space<vmem>>, vector<1x16xf32>,
    %swap3A_2633 = arith.constant 3 : i32
    %swap3A_2634 = arith.index_cast %swap3A_2633 : i32 to index
    %swap3A_2635 = arith.constant 208 : index
    %swap3A_2636 = tpu.vector_load %arg5[%swap3A_2634, %swap3A_2635] {strides = array<i32>} : memref<32x256xf32, #tpu.memory_space<vmem>>, vector<1x16xf32>,
    %swap3A_2637 = vector.shape_cast %swap3A_2636 : vector<1x16xf32> to vector<16xf32>
    %swap3A_2638 = vector.shape_cast %get3A_2614 : vector<16xf32> to vector<1x16xf32>
    tpu.vector_store %arg5[%swap3A_2634, %swap3A_2635], %swap3A_2638 {strides = array<i32>} : memref<32x256xf32, #tpu.memory_space<vmem>>, vector<1x16xf32>,
    %swap3A_2639 = arith.constant 4 : i32
    %swap3A_2640 = arith.index_cast %swap3A_2639 : i32 to index
    %swap3A_2641 = arith.constant 208 : index
    %swap3A_2642 = tpu.vector_load %arg5[%swap3A_2640, %swap3A_2641] {strides = array<i32>} : memref<32x256xf32, #tpu.memory_space<vmem>>, vector<1x16xf32>,
    %swap3A_2643 = vector.shape_cast %swap3A_2642 : vector<1x16xf32> to vector<16xf32>
    %swap3A_2644 = vector.shape_cast %get3A_2614 : vector<16xf32> to vector<1x16xf32>
    tpu.vector_store %arg5[%swap3A_2640, %swap3A_2641], %swap3A_2644 {strides = array<i32>} : memref<32x256xf32, #tpu.memory_space<vmem>>, vector<1x16xf32>,
    %swap3A_2645 = arith.constant 5 : i32
    %swap3A_2646 = arith.index_cast %swap3A_2645 : i32 to index
    %swap3A_2647 = arith.constant 208 : index
    %swap3A_2648 = tpu.vector_load %arg5[%swap3A_2646, %swap3A_2647] {strides = array<i32>} : memref<32x256xf32, #tpu.memory_space<vmem>>, vector<1x16xf32>,
    %swap3A_2649 = vector.shape_cast %swap3A_2648 : vector<1x16xf32> to vector<16xf32>
    %swap3A_2650 = vector.shape_cast %get3A_2614 : vector<16xf32> to vector<1x16xf32>
    tpu.vector_store %arg5[%swap3A_2646, %swap3A_2647], %swap3A_2650 {strides = array<i32>} : memref<32x256xf32, #tpu.memory_space<vmem>>, vector<1x16xf32>,
    %swap3A_2651 = arith.constant 6 : i32
    %swap3A_2652 = arith.index_cast %swap3A_2651 : i32 to index
    %swap3A_2653 = arith.constant 208 : index
    %swap3A_2654 = tpu.vector_load %arg5[%swap3A_2652, %swap3A_2653] {strides = array<i32>} : memref<32x256xf32, #tpu.memory_space<vmem>>, vector<1x16xf32>,
    %swap3A_2655 = vector.shape_cast %swap3A_2654 : vector<1x16xf32> to vector<16xf32>
    %swap3A_2656 = vector.shape_cast %get3A_2614 : vector<16xf32> to vector<1x16xf32>
    tpu.vector_store %arg5[%swap3A_2652, %swap3A_2653], %swap3A_2656 {strides = array<i32>} : memref<32x256xf32, #tpu.memory_space<vmem>>, vector<1x16xf32>,
    %swap3A_2657 = arith.constant 7 : i32
    %swap3A_2658 = arith.index_cast %swap3A_2657 : i32 to index
    %swap3A_2659 = arith.constant 208 : index
    %swap3A_2660 = tpu.vector_load %arg5[%swap3A_2658, %swap3A_2659] {strides = array<i32>} : memref<32x256xf32, #tpu.memory_space<vmem>>, vector<1x16xf32>,
    %swap3A_2661 = vector.shape_cast %swap3A_2660 : vector<1x16xf32> to vector<16xf32>
    %swap3A_2662 = vector.shape_cast %get3A_2614 : vector<16xf32> to vector<1x16xf32>
    tpu.vector_store %arg5[%swap3A_2658, %swap3A_2659], %swap3A_2662 {strides = array<i32>} : memref<32x256xf32, #tpu.memory_space<vmem>>, vector<1x16xf32>,
    %swap3A_2663 = arith.constant 8 : i32
    %swap3A_2664 = arith.index_cast %swap3A_2663 : i32 to index
    %swap3A_2665 = arith.constant 208 : index
    %swap3A_2666 = tpu.vector_load %arg5[%swap3A_2664, %swap3A_2665] {strides = array<i32>} : memref<32x256xf32, #tpu.memory_space<vmem>>, vector<1x16xf32>,
    %swap3A_2667 = vector.shape_cast %swap3A_2666 : vector<1x16xf32> to vector<16xf32>
    %swap3A_2668 = vector.shape_cast %get3A_2614 : vector<16xf32> to vector<1x16xf32>
    tpu.vector_store %arg5[%swap3A_2664, %swap3A_2665], %swap3A_2668 {strides = array<i32>} : memref<32x256xf32, #tpu.memory_space<vmem>>, vector<1x16xf32>,
    %swap3A_2669 = arith.constant 9 : i32
    %swap3A_2670 = arith.index_cast %swap3A_2669 : i32 to index
    %swap3A_2671 = arith.constant 208 : index
    %swap3A_2672 = tpu.vector_load %arg5[%swap3A_2670, %swap3A_2671] {strides = array<i32>} : memref<32x256xf32, #tpu.memory_space<vmem>>, vector<1x16xf32>,
    %swap3A_2673 = vector.shape_cast %swap3A_2672 : vector<1x16xf32> to vector<16xf32>
    %swap3A_2674 = vector.shape_cast %get3A_2614 : vector<16xf32> to vector<1x16xf32>
    tpu.vector_store %arg5[%swap3A_2670, %swap3A_2671], %swap3A_2674 {strides = array<i32>} : memref<32x256xf32, #tpu.memory_space<vmem>>, vector<1x16xf32>,
    %swap3A_2675 = arith.constant 10 : i32
    %swap3A_2676 = arith.index_cast %swap3A_2675 : i32 to index
    %swap3A_2677 = arith.constant 208 : index
    %swap3A_2678 = tpu.vector_load %arg5[%swap3A_2676, %swap3A_2677] {strides = array<i32>} : memref<32x256xf32, #tpu.memory_space<vmem>>, vector<1x16xf32>,
    %swap3A_2679 = vector.shape_cast %swap3A_2678 : vector<1x16xf32> to vector<16xf32>
    %swap3A_2680 = vector.shape_cast %get3A_2614 : vector<16xf32> to vector<1x16xf32>
    tpu.vector_store %arg5[%swap3A_2676, %swap3A_2677], %swap3A_2680 {strides = array<i32>} : memref<32x256xf32, #tpu.memory_space<vmem>>, vector<1x16xf32>,
    %swap3A_2681 = arith.constant 11 : i32
    %swap3A_2682 = arith.index_cast %swap3A_2681 : i32 to index
    %swap3A_2683 = arith.constant 208 : index
    %swap3A_2684 = tpu.vector_load %arg5[%swap3A_2682, %swap3A_2683] {strides = array<i32>} : memref<32x256xf32, #tpu.memory_space<vmem>>, vector<1x16xf32>,
    %swap3A_2685 = vector.shape_cast %swap3A_2684 : vector<1x16xf32> to vector<16xf32>
    %swap3A_2686 = vector.shape_cast %get3A_2614 : vector<16xf32> to vector<1x16xf32>
    tpu.vector_store %arg5[%swap3A_2682, %swap3A_2683], %swap3A_2686 {strides = array<i32>} : memref<32x256xf32, #tpu.memory_space<vmem>>, vector<1x16xf32>,
    %swap3A_2687 = arith.constant 12 : i32
    %swap3A_2688 = arith.index_cast %swap3A_2687 : i32 to index
    %swap3A_2689 = arith.constant 208 : index
    %swap3A_2690 = tpu.vector_load %arg5[%swap3A_2688, %swap3A_2689] {strides = array<i32>} : memref<32x256xf32, #tpu.memory_space<vmem>>, vector<1x16xf32>,
    %swap3A_2691 = vector.shape_cast %swap3A_2690 : vector<1x16xf32> to vector<16xf32>
    %swap3A_2692 = vector.shape_cast %get3A_2614 : vector<16xf32> to vector<1x16xf32>
    tpu.vector_store %arg5[%swap3A_2688, %swap3A_2689], %swap3A_2692 {strides = array<i32>} : memref<32x256xf32, #tpu.memory_space<vmem>>, vector<1x16xf32>,
    %swap3A_2693 = arith.constant 13 : i32
    %swap3A_2694 = arith.index_cast %swap3A_2693 : i32 to index
    %swap3A_2695 = arith.constant 208 : index
    %swap3A_2696 = tpu.vector_load %arg5[%swap3A_2694, %swap3A_2695] {strides = array<i32>} : memref<32x256xf32, #tpu.memory_space<vmem>>, vector<1x16xf32>,
    %swap3A_2697 = vector.shape_cast %swap3A_2696 : vector<1x16xf32> to vector<16xf32>
    %swap3A_2698 = vector.shape_cast %get3A_2614 : vector<16xf32> to vector<1x16xf32>
    tpu.vector_store %arg5[%swap3A_2694, %swap3A_2695], %swap3A_2698 {strides = array<i32>} : memref<32x256xf32, #tpu.memory_space<vmem>>, vector<1x16xf32>,
    %swap3A_2699 = arith.constant 14 : i32
    %swap3A_2700 = arith.index_cast %swap3A_2699 : i32 to index
    %swap3A_2701 = arith.constant 208 : index
    %swap3A_2702 = tpu.vector_load %arg5[%swap3A_2700, %swap3A_2701] {strides = array<i32>} : memref<32x256xf32, #tpu.memory_space<vmem>>, vector<1x16xf32>,
    %swap3A_2703 = vector.shape_cast %swap3A_2702 : vector<1x16xf32> to vector<16xf32>
    %swap3A_2704 = vector.shape_cast %get3A_2614 : vector<16xf32> to vector<1x16xf32>
    tpu.vector_store %arg5[%swap3A_2700, %swap3A_2701], %swap3A_2704 {strides = array<i32>} : memref<32x256xf32, #tpu.memory_space<vmem>>, vector<1x16xf32>,
    %swap3A_2705 = arith.constant 15 : i32
    %swap3A_2706 = arith.index_cast %swap3A_2705 : i32 to index
    %swap3A_2707 = arith.constant 208 : index
    %swap3A_2708 = tpu.vector_load %arg5[%swap3A_2706, %swap3A_2707] {strides = array<i32>} : memref<32x256xf32, #tpu.memory_space<vmem>>, vector<1x16xf32>,
    %swap3A_2709 = vector.shape_cast %swap3A_2708 : vector<1x16xf32> to vector<16xf32>
    %swap3A_2710 = vector.shape_cast %get3A_2614 : vector<16xf32> to vector<1x16xf32>
    tpu.vector_store %arg5[%swap3A_2706, %swap3A_2707], %swap3A_2710 {strides = array<i32>} : memref<32x256xf32, #tpu.memory_space<vmem>>, vector<1x16xf32>,
    %swap3A_2711 = arith.constant 16 : i32
    %swap3A_2712 = arith.index_cast %swap3A_2711 : i32 to index
    %swap3A_2713 = arith.constant 208 : index
    %swap3A_2714 = tpu.vector_load %arg5[%swap3A_2712, %swap3A_2713] {strides = array<i32>} : memref<32x256xf32, #tpu.memory_space<vmem>>, vector<1x16xf32>,
    %swap3A_2715 = vector.shape_cast %swap3A_2714 : vector<1x16xf32> to vector<16xf32>
    %swap3A_2716 = vector.shape_cast %get3A_2614 : vector<16xf32> to vector<1x16xf32>
    tpu.vector_store %arg5[%swap3A_2712, %swap3A_2713], %swap3A_2716 {strides = array<i32>} : memref<32x256xf32, #tpu.memory_space<vmem>>, vector<1x16xf32>,
    %swap3A_2717 = arith.constant 17 : i32
    %swap3A_2718 = arith.index_cast %swap3A_2717 : i32 to index
    %swap3A_2719 = arith.constant 208 : index
    %swap3A_2720 = tpu.vector_load %arg5[%swap3A_2718, %swap3A_2719] {strides = array<i32>} : memref<32x256xf32, #tpu.memory_space<vmem>>, vector<1x16xf32>,
    %swap3A_2721 = vector.shape_cast %swap3A_2720 : vector<1x16xf32> to vector<16xf32>
    %swap3A_2722 = vector.shape_cast %get3A_2614 : vector<16xf32> to vector<1x16xf32>
    tpu.vector_store %arg5[%swap3A_2718, %swap3A_2719], %swap3A_2722 {strides = array<i32>} : memref<32x256xf32, #tpu.memory_space<vmem>>, vector<1x16xf32>,
    %swap3A_2723 = arith.constant 18 : i32
    %swap3A_2724 = arith.index_cast %swap3A_2723 : i32 to index
    %swap3A_2725 = arith.constant 208 : index
    %swap3A_2726 = tpu.vector_load %arg5[%swap3A_2724, %swap3A_2725] {strides = array<i32>} : memref<32x256xf32, #tpu.memory_space<vmem>>, vector<1x16xf32>,
    %swap3A_2727 = vector.shape_cast %swap3A_2726 : vector<1x16xf32> to vector<16xf32>
    %swap3A_2728 = vector.shape_cast %get3A_2614 : vector<16xf32> to vector<1x16xf32>
    tpu.vector_store %arg5[%swap3A_2724, %swap3A_2725], %swap3A_2728 {strides = array<i32>} : memref<32x256xf32, #tpu.memory_space<vmem>>, vector<1x16xf32>,
    %swap3A_2729 = arith.constant 19 : i32
    %swap3A_2730 = arith.index_cast %swap3A_2729 : i32 to index
    %swap3A_2731 = arith.constant 208 : index
    %swap3A_2732 = tpu.vector_load %arg5[%swap3A_2730, %swap3A_2731] {strides = array<i32>} : memref<32x256xf32, #tpu.memory_space<vmem>>, vector<1x16xf32>,
    %swap3A_2733 = vector.shape_cast %swap3A_2732 : vector<1x16xf32> to vector<16xf32>
    %swap3A_2734 = vector.shape_cast %get3A_2614 : vector<16xf32> to vector<1x16xf32>
    tpu.vector_store %arg5[%swap3A_2730, %swap3A_2731], %swap3A_2734 {strides = array<i32>} : memref<32x256xf32, #tpu.memory_space<vmem>>, vector<1x16xf32>,
    %swap3A_2735 = arith.constant 20 : i32
    %swap3A_2736 = arith.index_cast %swap3A_2735 : i32 to index
    %swap3A_2737 = arith.constant 208 : index
    %swap3A_2738 = tpu.vector_load %arg5[%swap3A_2736, %swap3A_2737] {strides = array<i32>} : memref<32x256xf32, #tpu.memory_space<vmem>>, vector<1x16xf32>,
    %swap3A_2739 = vector.shape_cast %swap3A_2738 : vector<1x16xf32> to vector<16xf32>
    %swap3A_2740 = vector.shape_cast %get3A_2614 : vector<16xf32> to vector<1x16xf32>
    tpu.vector_store %arg5[%swap3A_2736, %swap3A_2737], %swap3A_2740 {strides = array<i32>} : memref<32x256xf32, #tpu.memory_space<vmem>>, vector<1x16xf32>,
    %swap3A_2741 = arith.constant 21 : i32
    %swap3A_2742 = arith.index_cast %swap3A_2741 : i32 to index
    %swap3A_2743 = arith.constant 208 : index
    %swap3A_2744 = tpu.vector_load %arg5[%swap3A_2742, %swap3A_2743] {strides = array<i32>} : memref<32x256xf32, #tpu.memory_space<vmem>>, vector<1x16xf32>,
    %swap3A_2745 = vector.shape_cast %swap3A_2744 : vector<1x16xf32> to vector<16xf32>
    %swap3A_2746 = vector.shape_cast %get3A_2614 : vector<16xf32> to vector<1x16xf32>
    tpu.vector_store %arg5[%swap3A_2742, %swap3A_2743], %swap3A_2746 {strides = array<i32>} : memref<32x256xf32, #tpu.memory_space<vmem>>, vector<1x16xf32>,
    %swap3A_2747 = arith.constant 22 : i32
    %swap3A_2748 = arith.index_cast %swap3A_2747 : i32 to index
    %swap3A_2749 = arith.constant 208 : index
    %swap3A_2750 = tpu.vector_load %arg5[%swap3A_2748, %swap3A_2749] {strides = array<i32>} : memref<32x256xf32, #tpu.memory_space<vmem>>, vector<1x16xf32>,
    %swap3A_2751 = vector.shape_cast %swap3A_2750 : vector<1x16xf32> to vector<16xf32>
    %swap3A_2752 = vector.shape_cast %get3A_2614 : vector<16xf32> to vector<1x16xf32>
    tpu.vector_store %arg5[%swap3A_2748, %swap3A_2749], %swap3A_2752 {strides = array<i32>} : memref<32x256xf32, #tpu.memory_space<vmem>>, vector<1x16xf32>,
    %swap3A_2753 = arith.constant 23 : i32
    %swap3A_2754 = arith.index_cast %swap3A_2753 : i32 to index
    %swap3A_2755 = arith.constant 208 : index
    %swap3A_2756 = tpu.vector_load %arg5[%swap3A_2754, %swap3A_2755] {strides = array<i32>} : memref<32x256xf32, #tpu.memory_space<vmem>>, vector<1x16xf32>,
    %swap3A_2757 = vector.shape_cast %swap3A_2756 : vector<1x16xf32> to vector<16xf32>
    %swap3A_2758 = vector.shape_cast %get3A_2614 : vector<16xf32> to vector<1x16xf32>
    tpu.vector_store %arg5[%swap3A_2754, %swap3A_2755], %swap3A_2758 {strides = array<i32>} : memref<32x256xf32, #tpu.memory_space<vmem>>, vector<1x16xf32>,
    %swap3A_2759 = arith.constant 24 : i32
    %swap3A_2760 = arith.index_cast %swap3A_2759 : i32 to index
    %swap3A_2761 = arith.constant 208 : index
    %swap3A_2762 = tpu.vector_load %arg5[%swap3A_2760, %swap3A_2761] {strides = array<i32>} : memref<32x256xf32, #tpu.memory_space<vmem>>, vector<1x16xf32>,
    %swap3A_2763 = vector.shape_cast %swap3A_2762 : vector<1x16xf32> to vector<16xf32>
    %swap3A_2764 = vector.shape_cast %get3A_2614 : vector<16xf32> to vector<1x16xf32>
    tpu.vector_store %arg5[%swap3A_2760, %swap3A_2761], %swap3A_2764 {strides = array<i32>} : memref<32x256xf32, #tpu.memory_space<vmem>>, vector<1x16xf32>,
    %swap3A_2765 = arith.constant 25 : i32
    %swap3A_2766 = arith.index_cast %swap3A_2765 : i32 to index
    %swap3A_2767 = arith.constant 208 : index
    %swap3A_2768 = tpu.vector_load %arg5[%swap3A_2766, %swap3A_2767] {strides = array<i32>} : memref<32x256xf32, #tpu.memory_space<vmem>>, vector<1x16xf32>,
    %swap3A_2769 = vector.shape_cast %swap3A_2768 : vector<1x16xf32> to vector<16xf32>
    %swap3A_2770 = vector.shape_cast %get3A_2614 : vector<16xf32> to vector<1x16xf32>
    tpu.vector_store %arg5[%swap3A_2766, %swap3A_2767], %swap3A_2770 {strides = array<i32>} : memref<32x256xf32, #tpu.memory_space<vmem>>, vector<1x16xf32>,
    %swap3A_2771 = arith.constant 26 : i32
    %swap3A_2772 = arith.index_cast %swap3A_2771 : i32 to index
    %swap3A_2773 = arith.constant 208 : index
    %swap3A_2774 = tpu.vector_load %arg5[%swap3A_2772, %swap3A_2773] {strides = array<i32>} : memref<32x256xf32, #tpu.memory_space<vmem>>, vector<1x16xf32>,
    %swap3A_2775 = vector.shape_cast %swap3A_2774 : vector<1x16xf32> to vector<16xf32>
    %swap3A_2776 = vector.shape_cast %get3A_2614 : vector<16xf32> to vector<1x16xf32>
    tpu.vector_store %arg5[%swap3A_2772, %swap3A_2773], %swap3A_2776 {strides = array<i32>} : memref<32x256xf32, #tpu.memory_space<vmem>>, vector<1x16xf32>,
    %swap3A_2777 = arith.constant 27 : i32
    %swap3A_2778 = arith.index_cast %swap3A_2777 : i32 to index
    %swap3A_2779 = arith.constant 208 : index
    %swap3A_2780 = tpu.vector_load %arg5[%swap3A_2778, %swap3A_2779] {strides = array<i32>} : memref<32x256xf32, #tpu.memory_space<vmem>>, vector<1x16xf32>,
    %swap3A_2781 = vector.shape_cast %swap3A_2780 : vector<1x16xf32> to vector<16xf32>
    %swap3A_2782 = vector.shape_cast %get3A_2614 : vector<16xf32> to vector<1x16xf32>
    tpu.vector_store %arg5[%swap3A_2778, %swap3A_2779], %swap3A_2782 {strides = array<i32>} : memref<32x256xf32, #tpu.memory_space<vmem>>, vector<1x16xf32>,
    %swap3A_2783 = arith.constant 28 : i32
    %swap3A_2784 = arith.index_cast %swap3A_2783 : i32 to index
    %swap3A_2785 = arith.constant 208 : index
    %swap3A_2786 = tpu.vector_load %arg5[%swap3A_2784, %swap3A_2785] {strides = array<i32>} : memref<32x256xf32, #tpu.memory_space<vmem>>, vector<1x16xf32>,
    %swap3A_2787 = vector.shape_cast %swap3A_2786 : vector<1x16xf32> to vector<16xf32>
    %swap3A_2788 = vector.shape_cast %get3A_2614 : vector<16xf32> to vector<1x16xf32>
    tpu.vector_store %arg5[%swap3A_2784, %swap3A_2785], %swap3A_2788 {strides = array<i32>} : memref<32x256xf32, #tpu.memory_space<vmem>>, vector<1x16xf32>,
    %swap3A_2789 = arith.constant 29 : i32
    %swap3A_2790 = arith.index_cast %swap3A_2789 : i32 to index
    %swap3A_2791 = arith.constant 208 : index
    %swap3A_2792 = tpu.vector_load %arg5[%swap3A_2790, %swap3A_2791] {strides = array<i32>} : memref<32x256xf32, #tpu.memory_space<vmem>>, vector<1x16xf32>,
    %swap3A_2793 = vector.shape_cast %swap3A_2792 : vector<1x16xf32> to vector<16xf32>
    %swap3A_2794 = vector.shape_cast %get3A_2614 : vector<16xf32> to vector<1x16xf32>
    tpu.vector_store %arg5[%swap3A_2790, %swap3A_2791], %swap3A_2794 {strides = array<i32>} : memref<32x256xf32, #tpu.memory_space<vmem>>, vector<1x16xf32>,
    %swap3A_2795 = arith.constant 30 : i32
    %swap3A_2796 = arith.index_cast %swap3A_2795 : i32 to index
    %swap3A_2797 = arith.constant 208 : index
    %swap3A_2798 = tpu.vector_load %arg5[%swap3A_2796, %swap3A_2797] {strides = array<i32>} : memref<32x256xf32, #tpu.memory_space<vmem>>, vector<1x16xf32>,
    %swap3A_2799 = vector.shape_cast %swap3A_2798 : vector<1x16xf32> to vector<16xf32>
    %swap3A_2800 = vector.shape_cast %get3A_2614 : vector<16xf32> to vector<1x16xf32>
    tpu.vector_store %arg5[%swap3A_2796, %swap3A_2797], %swap3A_2800 {strides = array<i32>} : memref<32x256xf32, #tpu.memory_space<vmem>>, vector<1x16xf32>,
    %swap3A_2801 = arith.constant 31 : i32
    %swap3A_2802 = arith.index_cast %swap3A_2801 : i32 to index
    %swap3A_2803 = arith.constant 208 : index
    %swap3A_2804 = tpu.vector_load %arg5[%swap3A_2802, %swap3A_2803] {strides = array<i32>} : memref<32x256xf32, #tpu.memory_space<vmem>>, vector<1x16xf32>,
    %swap3A_2805 = vector.shape_cast %swap3A_2804 : vector<1x16xf32> to vector<16xf32>
    %swap3A_2806 = vector.shape_cast %get3A_2614 : vector<16xf32> to vector<1x16xf32>
    tpu.vector_store %arg5[%swap3A_2802, %swap3A_2803], %swap3A_2806 {strides = array<i32>} : memref<32x256xf32, #tpu.memory_space<vmem>>, vector<1x16xf32>,
    %get3A_2807 = arith.constant 1 : i32
    %get3A_2808 = arith.index_cast %get3A_2807 : i32 to index
    %get3A_2809 = arith.constant 96 : index
    %get3A_2810 = tpu.vector_load %arg6[%get3A_2808, %get3A_2809] {strides = array<i32>} : memref<2x128xf32, #tpu.memory_space<vmem>>, vector<1x16xf32>,
    %get3A_2811 = vector.shape_cast %get3A_2810 : vector<1x16xf32> to vector<16xf32>
    %swap3A_2812 = arith.constant 0 : i32
    %swap3A_2813 = arith.index_cast %swap3A_2812 : i32 to index
    %swap3A_2814 = arith.constant 224 : index
    %swap3A_2815 = tpu.vector_load %arg5[%swap3A_2813, %swap3A_2814] {strides = array<i32>} : memref<32x256xf32, #tpu.memory_space<vmem>>, vector<1x16xf32>,
    %swap3A_2816 = vector.shape_cast %swap3A_2815 : vector<1x16xf32> to vector<16xf32>
    %swap3A_2817 = vector.shape_cast %get3A_2811 : vector<16xf32> to vector<1x16xf32>
    tpu.vector_store %arg5[%swap3A_2813, %swap3A_2814], %swap3A_2817 {strides = array<i32>} : memref<32x256xf32, #tpu.memory_space<vmem>>, vector<1x16xf32>,
    %swap3A_2818 = arith.constant 1 : i32
    %swap3A_2819 = arith.index_cast %swap3A_2818 : i32 to index
    %swap3A_2820 = arith.constant 224 : index
    %swap3A_2821 = tpu.vector_load %arg5[%swap3A_2819, %swap3A_2820] {strides = array<i32>} : memref<32x256xf32, #tpu.memory_space<vmem>>, vector<1x16xf32>,
    %swap3A_2822 = vector.shape_cast %swap3A_2821 : vector<1x16xf32> to vector<16xf32>
    %swap3A_2823 = vector.shape_cast %get3A_2811 : vector<16xf32> to vector<1x16xf32>
    tpu.vector_store %arg5[%swap3A_2819, %swap3A_2820], %swap3A_2823 {strides = array<i32>} : memref<32x256xf32, #tpu.memory_space<vmem>>, vector<1x16xf32>,
    %swap3A_2824 = arith.constant 2 : i32
    %swap3A_2825 = arith.index_cast %swap3A_2824 : i32 to index
    %swap3A_2826 = arith.constant 224 : index
    %swap3A_2827 = tpu.vector_load %arg5[%swap3A_2825, %swap3A_2826] {strides = array<i32>} : memref<32x256xf32, #tpu.memory_space<vmem>>, vector<1x16xf32>,
    %swap3A_2828 = vector.shape_cast %swap3A_2827 : vector<1x16xf32> to vector<16xf32>
    %swap3A_2829 = vector.shape_cast %get3A_2811 : vector<16xf32> to vector<1x16xf32>
    tpu.vector_store %arg5[%swap3A_2825, %swap3A_2826], %swap3A_2829 {strides = array<i32>} : memref<32x256xf32, #tpu.memory_space<vmem>>, vector<1x16xf32>,
    %swap3A_2830 = arith.constant 3 : i32
    %swap3A_2831 = arith.index_cast %swap3A_2830 : i32 to index
    %swap3A_2832 = arith.constant 224 : index
    %swap3A_2833 = tpu.vector_load %arg5[%swap3A_2831, %swap3A_2832] {strides = array<i32>} : memref<32x256xf32, #tpu.memory_space<vmem>>, vector<1x16xf32>,
    %swap3A_2834 = vector.shape_cast %swap3A_2833 : vector<1x16xf32> to vector<16xf32>
    %swap3A_2835 = vector.shape_cast %get3A_2811 : vector<16xf32> to vector<1x16xf32>
    tpu.vector_store %arg5[%swap3A_2831, %swap3A_2832], %swap3A_2835 {strides = array<i32>} : memref<32x256xf32, #tpu.memory_space<vmem>>, vector<1x16xf32>,
    %swap3A_2836 = arith.constant 4 : i32
    %swap3A_2837 = arith.index_cast %swap3A_2836 : i32 to index
    %swap3A_2838 = arith.constant 224 : index
    %swap3A_2839 = tpu.vector_load %arg5[%swap3A_2837, %swap3A_2838] {strides = array<i32>} : memref<32x256xf32, #tpu.memory_space<vmem>>, vector<1x16xf32>,
    %swap3A_2840 = vector.shape_cast %swap3A_2839 : vector<1x16xf32> to vector<16xf32>
    %swap3A_2841 = vector.shape_cast %get3A_2811 : vector<16xf32> to vector<1x16xf32>
    tpu.vector_store %arg5[%swap3A_2837, %swap3A_2838], %swap3A_2841 {strides = array<i32>} : memref<32x256xf32, #tpu.memory_space<vmem>>, vector<1x16xf32>,
    %swap3A_2842 = arith.constant 5 : i32
    %swap3A_2843 = arith.index_cast %swap3A_2842 : i32 to index
    %swap3A_2844 = arith.constant 224 : index
    %swap3A_2845 = tpu.vector_load %arg5[%swap3A_2843, %swap3A_2844] {strides = array<i32>} : memref<32x256xf32, #tpu.memory_space<vmem>>, vector<1x16xf32>,
    %swap3A_2846 = vector.shape_cast %swap3A_2845 : vector<1x16xf32> to vector<16xf32>
    %swap3A_2847 = vector.shape_cast %get3A_2811 : vector<16xf32> to vector<1x16xf32>
    tpu.vector_store %arg5[%swap3A_2843, %swap3A_2844], %swap3A_2847 {strides = array<i32>} : memref<32x256xf32, #tpu.memory_space<vmem>>, vector<1x16xf32>,
    %swap3A_2848 = arith.constant 6 : i32
    %swap3A_2849 = arith.index_cast %swap3A_2848 : i32 to index
    %swap3A_2850 = arith.constant 224 : index
    %swap3A_2851 = tpu.vector_load %arg5[%swap3A_2849, %swap3A_2850] {strides = array<i32>} : memref<32x256xf32, #tpu.memory_space<vmem>>, vector<1x16xf32>,
    %swap3A_2852 = vector.shape_cast %swap3A_2851 : vector<1x16xf32> to vector<16xf32>
    %swap3A_2853 = vector.shape_cast %get3A_2811 : vector<16xf32> to vector<1x16xf32>
    tpu.vector_store %arg5[%swap3A_2849, %swap3A_2850], %swap3A_2853 {strides = array<i32>} : memref<32x256xf32, #tpu.memory_space<vmem>>, vector<1x16xf32>,
    %swap3A_2854 = arith.constant 7 : i32
    %swap3A_2855 = arith.index_cast %swap3A_2854 : i32 to index
    %swap3A_2856 = arith.constant 224 : index
    %swap3A_2857 = tpu.vector_load %arg5[%swap3A_2855, %swap3A_2856] {strides = array<i32>} : memref<32x256xf32, #tpu.memory_space<vmem>>, vector<1x16xf32>,
    %swap3A_2858 = vector.shape_cast %swap3A_2857 : vector<1x16xf32> to vector<16xf32>
    %swap3A_2859 = vector.shape_cast %get3A_2811 : vector<16xf32> to vector<1x16xf32>
    tpu.vector_store %arg5[%swap3A_2855, %swap3A_2856], %swap3A_2859 {strides = array<i32>} : memref<32x256xf32, #tpu.memory_space<vmem>>, vector<1x16xf32>,
    %swap3A_2860 = arith.constant 8 : i32
    %swap3A_2861 = arith.index_cast %swap3A_2860 : i32 to index
    %swap3A_2862 = arith.constant 224 : index
    %swap3A_2863 = tpu.vector_load %arg5[%swap3A_2861, %swap3A_2862] {strides = array<i32>} : memref<32x256xf32, #tpu.memory_space<vmem>>, vector<1x16xf32>,
    %swap3A_2864 = vector.shape_cast %swap3A_2863 : vector<1x16xf32> to vector<16xf32>
    %swap3A_2865 = vector.shape_cast %get3A_2811 : vector<16xf32> to vector<1x16xf32>
    tpu.vector_store %arg5[%swap3A_2861, %swap3A_2862], %swap3A_2865 {strides = array<i32>} : memref<32x256xf32, #tpu.memory_space<vmem>>, vector<1x16xf32>,
    %swap3A_2866 = arith.constant 9 : i32
    %swap3A_2867 = arith.index_cast %swap3A_2866 : i32 to index
    %swap3A_2868 = arith.constant 224 : index
    %swap3A_2869 = tpu.vector_load %arg5[%swap3A_2867, %swap3A_2868] {strides = array<i32>} : memref<32x256xf32, #tpu.memory_space<vmem>>, vector<1x16xf32>,
    %swap3A_2870 = vector.shape_cast %swap3A_2869 : vector<1x16xf32> to vector<16xf32>
    %swap3A_2871 = vector.shape_cast %get3A_2811 : vector<16xf32> to vector<1x16xf32>
    tpu.vector_store %arg5[%swap3A_2867, %swap3A_2868], %swap3A_2871 {strides = array<i32>} : memref<32x256xf32, #tpu.memory_space<vmem>>, vector<1x16xf32>,
    %swap3A_2872 = arith.constant 10 : i32
    %swap3A_2873 = arith.index_cast %swap3A_2872 : i32 to index
    %swap3A_2874 = arith.constant 224 : index
    %swap3A_2875 = tpu.vector_load %arg5[%swap3A_2873, %swap3A_2874] {strides = array<i32>} : memref<32x256xf32, #tpu.memory_space<vmem>>, vector<1x16xf32>,
    %swap3A_2876 = vector.shape_cast %swap3A_2875 : vector<1x16xf32> to vector<16xf32>
    %swap3A_2877 = vector.shape_cast %get3A_2811 : vector<16xf32> to vector<1x16xf32>
    tpu.vector_store %arg5[%swap3A_2873, %swap3A_2874], %swap3A_2877 {strides = array<i32>} : memref<32x256xf32, #tpu.memory_space<vmem>>, vector<1x16xf32>,
    %swap3A_2878 = arith.constant 11 : i32
    %swap3A_2879 = arith.index_cast %swap3A_2878 : i32 to index
    %swap3A_2880 = arith.constant 224 : index
    %swap3A_2881 = tpu.vector_load %arg5[%swap3A_2879, %swap3A_2880] {strides = array<i32>} : memref<32x256xf32, #tpu.memory_space<vmem>>, vector<1x16xf32>,
    %swap3A_2882 = vector.shape_cast %swap3A_2881 : vector<1x16xf32> to vector<16xf32>
    %swap3A_2883 = vector.shape_cast %get3A_2811 : vector<16xf32> to vector<1x16xf32>
    tpu.vector_store %arg5[%swap3A_2879, %swap3A_2880], %swap3A_2883 {strides = array<i32>} : memref<32x256xf32, #tpu.memory_space<vmem>>, vector<1x16xf32>,
    %swap3A_2884 = arith.constant 12 : i32
    %swap3A_2885 = arith.index_cast %swap3A_2884 : i32 to index
    %swap3A_2886 = arith.constant 224 : index
    %swap3A_2887 = tpu.vector_load %arg5[%swap3A_2885, %swap3A_2886] {strides = array<i32>} : memref<32x256xf32, #tpu.memory_space<vmem>>, vector<1x16xf32>,
    %swap3A_2888 = vector.shape_cast %swap3A_2887 : vector<1x16xf32> to vector<16xf32>
    %swap3A_2889 = vector.shape_cast %get3A_2811 : vector<16xf32> to vector<1x16xf32>
    tpu.vector_store %arg5[%swap3A_2885, %swap3A_2886], %swap3A_2889 {strides = array<i32>} : memref<32x256xf32, #tpu.memory_space<vmem>>, vector<1x16xf32>,
    %swap3A_2890 = arith.constant 13 : i32
    %swap3A_2891 = arith.index_cast %swap3A_2890 : i32 to index
    %swap3A_2892 = arith.constant 224 : index
    %swap3A_2893 = tpu.vector_load %arg5[%swap3A_2891, %swap3A_2892] {strides = array<i32>} : memref<32x256xf32, #tpu.memory_space<vmem>>, vector<1x16xf32>,
    %swap3A_2894 = vector.shape_cast %swap3A_2893 : vector<1x16xf32> to vector<16xf32>
    %swap3A_2895 = vector.shape_cast %get3A_2811 : vector<16xf32> to vector<1x16xf32>
    tpu.vector_store %arg5[%swap3A_2891, %swap3A_2892], %swap3A_2895 {strides = array<i32>} : memref<32x256xf32, #tpu.memory_space<vmem>>, vector<1x16xf32>,
    %swap3A_2896 = arith.constant 14 : i32
    %swap3A_2897 = arith.index_cast %swap3A_2896 : i32 to index
    %swap3A_2898 = arith.constant 224 : index
    %swap3A_2899 = tpu.vector_load %arg5[%swap3A_2897, %swap3A_2898] {strides = array<i32>} : memref<32x256xf32, #tpu.memory_space<vmem>>, vector<1x16xf32>,
    %swap3A_2900 = vector.shape_cast %swap3A_2899 : vector<1x16xf32> to vector<16xf32>
    %swap3A_2901 = vector.shape_cast %get3A_2811 : vector<16xf32> to vector<1x16xf32>
    tpu.vector_store %arg5[%swap3A_2897, %swap3A_2898], %swap3A_2901 {strides = array<i32>} : memref<32x256xf32, #tpu.memory_space<vmem>>, vector<1x16xf32>,
    %swap3A_2902 = arith.constant 15 : i32
    %swap3A_2903 = arith.index_cast %swap3A_2902 : i32 to index
    %swap3A_2904 = arith.constant 224 : index
    %swap3A_2905 = tpu.vector_load %arg5[%swap3A_2903, %swap3A_2904] {strides = array<i32>} : memref<32x256xf32, #tpu.memory_space<vmem>>, vector<1x16xf32>,
    %swap3A_2906 = vector.shape_cast %swap3A_2905 : vector<1x16xf32> to vector<16xf32>
    %swap3A_2907 = vector.shape_cast %get3A_2811 : vector<16xf32> to vector<1x16xf32>
    tpu.vector_store %arg5[%swap3A_2903, %swap3A_2904], %swap3A_2907 {strides = array<i32>} : memref<32x256xf32, #tpu.memory_space<vmem>>, vector<1x16xf32>,
    %swap3A_2908 = arith.constant 16 : i32
    %swap3A_2909 = arith.index_cast %swap3A_2908 : i32 to index
    %swap3A_2910 = arith.constant 224 : index
    %swap3A_2911 = tpu.vector_load %arg5[%swap3A_2909, %swap3A_2910] {strides = array<i32>} : memref<32x256xf32, #tpu.memory_space<vmem>>, vector<1x16xf32>,
    %swap3A_2912 = vector.shape_cast %swap3A_2911 : vector<1x16xf32> to vector<16xf32>
    %swap3A_2913 = vector.shape_cast %get3A_2811 : vector<16xf32> to vector<1x16xf32>
    tpu.vector_store %arg5[%swap3A_2909, %swap3A_2910], %swap3A_2913 {strides = array<i32>} : memref<32x256xf32, #tpu.memory_space<vmem>>, vector<1x16xf32>,
    %swap3A_2914 = arith.constant 17 : i32
    %swap3A_2915 = arith.index_cast %swap3A_2914 : i32 to index
    %swap3A_2916 = arith.constant 224 : index
    %swap3A_2917 = tpu.vector_load %arg5[%swap3A_2915, %swap3A_2916] {strides = array<i32>} : memref<32x256xf32, #tpu.memory_space<vmem>>, vector<1x16xf32>,
    %swap3A_2918 = vector.shape_cast %swap3A_2917 : vector<1x16xf32> to vector<16xf32>
    %swap3A_2919 = vector.shape_cast %get3A_2811 : vector<16xf32> to vector<1x16xf32>
    tpu.vector_store %arg5[%swap3A_2915, %swap3A_2916], %swap3A_2919 {strides = array<i32>} : memref<32x256xf32, #tpu.memory_space<vmem>>, vector<1x16xf32>,
    %swap3A_2920 = arith.constant 18 : i32
    %swap3A_2921 = arith.index_cast %swap3A_2920 : i32 to index
    %swap3A_2922 = arith.constant 224 : index
    %swap3A_2923 = tpu.vector_load %arg5[%swap3A_2921, %swap3A_2922] {strides = array<i32>} : memref<32x256xf32, #tpu.memory_space<vmem>>, vector<1x16xf32>,
    %swap3A_2924 = vector.shape_cast %swap3A_2923 : vector<1x16xf32> to vector<16xf32>
    %swap3A_2925 = vector.shape_cast %get3A_2811 : vector<16xf32> to vector<1x16xf32>
    tpu.vector_store %arg5[%swap3A_2921, %swap3A_2922], %swap3A_2925 {strides = array<i32>} : memref<32x256xf32, #tpu.memory_space<vmem>>, vector<1x16xf32>,
    %swap3A_2926 = arith.constant 19 : i32
    %swap3A_2927 = arith.index_cast %swap3A_2926 : i32 to index
    %swap3A_2928 = arith.constant 224 : index
    %swap3A_2929 = tpu.vector_load %arg5[%swap3A_2927, %swap3A_2928] {strides = array<i32>} : memref<32x256xf32, #tpu.memory_space<vmem>>, vector<1x16xf32>,
    %swap3A_2930 = vector.shape_cast %swap3A_2929 : vector<1x16xf32> to vector<16xf32>
    %swap3A_2931 = vector.shape_cast %get3A_2811 : vector<16xf32> to vector<1x16xf32>
    tpu.vector_store %arg5[%swap3A_2927, %swap3A_2928], %swap3A_2931 {strides = array<i32>} : memref<32x256xf32, #tpu.memory_space<vmem>>, vector<1x16xf32>,
    %swap3A_2932 = arith.constant 20 : i32
    %swap3A_2933 = arith.index_cast %swap3A_2932 : i32 to index
    %swap3A_2934 = arith.constant 224 : index
    %swap3A_2935 = tpu.vector_load %arg5[%swap3A_2933, %swap3A_2934] {strides = array<i32>} : memref<32x256xf32, #tpu.memory_space<vmem>>, vector<1x16xf32>,
    %swap3A_2936 = vector.shape_cast %swap3A_2935 : vector<1x16xf32> to vector<16xf32>
    %swap3A_2937 = vector.shape_cast %get3A_2811 : vector<16xf32> to vector<1x16xf32>
    tpu.vector_store %arg5[%swap3A_2933, %swap3A_2934], %swap3A_2937 {strides = array<i32>} : memref<32x256xf32, #tpu.memory_space<vmem>>, vector<1x16xf32>,
    %swap3A_2938 = arith.constant 21 : i32
    %swap3A_2939 = arith.index_cast %swap3A_2938 : i32 to index
    %swap3A_2940 = arith.constant 224 : index
    %swap3A_2941 = tpu.vector_load %arg5[%swap3A_2939, %swap3A_2940] {strides = array<i32>} : memref<32x256xf32, #tpu.memory_space<vmem>>, vector<1x16xf32>,
    %swap3A_2942 = vector.shape_cast %swap3A_2941 : vector<1x16xf32> to vector<16xf32>
    %swap3A_2943 = vector.shape_cast %get3A_2811 : vector<16xf32> to vector<1x16xf32>
    tpu.vector_store %arg5[%swap3A_2939, %swap3A_2940], %swap3A_2943 {strides = array<i32>} : memref<32x256xf32, #tpu.memory_space<vmem>>, vector<1x16xf32>,
    %swap3A_2944 = arith.constant 22 : i32
    %swap3A_2945 = arith.index_cast %swap3A_2944 : i32 to index
    %swap3A_2946 = arith.constant 224 : index
    %swap3A_2947 = tpu.vector_load %arg5[%swap3A_2945, %swap3A_2946] {strides = array<i32>} : memref<32x256xf32, #tpu.memory_space<vmem>>, vector<1x16xf32>,
    %swap3A_2948 = vector.shape_cast %swap3A_2947 : vector<1x16xf32> to vector<16xf32>
    %swap3A_2949 = vector.shape_cast %get3A_2811 : vector<16xf32> to vector<1x16xf32>
    tpu.vector_store %arg5[%swap3A_2945, %swap3A_2946], %swap3A_2949 {strides = array<i32>} : memref<32x256xf32, #tpu.memory_space<vmem>>, vector<1x16xf32>,
    %swap3A_2950 = arith.constant 23 : i32
    %swap3A_2951 = arith.index_cast %swap3A_2950 : i32 to index
    %swap3A_2952 = arith.constant 224 : index
    %swap3A_2953 = tpu.vector_load %arg5[%swap3A_2951, %swap3A_2952] {strides = array<i32>} : memref<32x256xf32, #tpu.memory_space<vmem>>, vector<1x16xf32>,
    %swap3A_2954 = vector.shape_cast %swap3A_2953 : vector<1x16xf32> to vector<16xf32>
    %swap3A_2955 = vector.shape_cast %get3A_2811 : vector<16xf32> to vector<1x16xf32>
    tpu.vector_store %arg5[%swap3A_2951, %swap3A_2952], %swap3A_2955 {strides = array<i32>} : memref<32x256xf32, #tpu.memory_space<vmem>>, vector<1x16xf32>,
    %swap3A_2956 = arith.constant 24 : i32
    %swap3A_2957 = arith.index_cast %swap3A_2956 : i32 to index
    %swap3A_2958 = arith.constant 224 : index
    %swap3A_2959 = tpu.vector_load %arg5[%swap3A_2957, %swap3A_2958] {strides = array<i32>} : memref<32x256xf32, #tpu.memory_space<vmem>>, vector<1x16xf32>,
    %swap3A_2960 = vector.shape_cast %swap3A_2959 : vector<1x16xf32> to vector<16xf32>
    %swap3A_2961 = vector.shape_cast %get3A_2811 : vector<16xf32> to vector<1x16xf32>
    tpu.vector_store %arg5[%swap3A_2957, %swap3A_2958], %swap3A_2961 {strides = array<i32>} : memref<32x256xf32, #tpu.memory_space<vmem>>, vector<1x16xf32>,
    %swap3A_2962 = arith.constant 25 : i32
    %swap3A_2963 = arith.index_cast %swap3A_2962 : i32 to index
    %swap3A_2964 = arith.constant 224 : index
    %swap3A_2965 = tpu.vector_load %arg5[%swap3A_2963, %swap3A_2964] {strides = array<i32>} : memref<32x256xf32, #tpu.memory_space<vmem>>, vector<1x16xf32>,
    %swap3A_2966 = vector.shape_cast %swap3A_2965 : vector<1x16xf32> to vector<16xf32>
    %swap3A_2967 = vector.shape_cast %get3A_2811 : vector<16xf32> to vector<1x16xf32>
    tpu.vector_store %arg5[%swap3A_2963, %swap3A_2964], %swap3A_2967 {strides = array<i32>} : memref<32x256xf32, #tpu.memory_space<vmem>>, vector<1x16xf32>,
    %swap3A_2968 = arith.constant 26 : i32
    %swap3A_2969 = arith.index_cast %swap3A_2968 : i32 to index
    %swap3A_2970 = arith.constant 224 : index
    %swap3A_2971 = tpu.vector_load %arg5[%swap3A_2969, %swap3A_2970] {strides = array<i32>} : memref<32x256xf32, #tpu.memory_space<vmem>>, vector<1x16xf32>,
    %swap3A_2972 = vector.shape_cast %swap3A_2971 : vector<1x16xf32> to vector<16xf32>
    %swap3A_2973 = vector.shape_cast %get3A_2811 : vector<16xf32> to vector<1x16xf32>
    tpu.vector_store %arg5[%swap3A_2969, %swap3A_2970], %swap3A_2973 {strides = array<i32>} : memref<32x256xf32, #tpu.memory_space<vmem>>, vector<1x16xf32>,
    %swap3A_2974 = arith.constant 27 : i32
    %swap3A_2975 = arith.index_cast %swap3A_2974 : i32 to index
    %swap3A_2976 = arith.constant 224 : index
    %swap3A_2977 = tpu.vector_load %arg5[%swap3A_2975, %swap3A_2976] {strides = array<i32>} : memref<32x256xf32, #tpu.memory_space<vmem>>, vector<1x16xf32>,
    %swap3A_2978 = vector.shape_cast %swap3A_2977 : vector<1x16xf32> to vector<16xf32>
    %swap3A_2979 = vector.shape_cast %get3A_2811 : vector<16xf32> to vector<1x16xf32>
    tpu.vector_store %arg5[%swap3A_2975, %swap3A_2976], %swap3A_2979 {strides = array<i32>} : memref<32x256xf32, #tpu.memory_space<vmem>>, vector<1x16xf32>,
    %swap3A_2980 = arith.constant 28 : i32
    %swap3A_2981 = arith.index_cast %swap3A_2980 : i32 to index
    %swap3A_2982 = arith.constant 224 : index
    %swap3A_2983 = tpu.vector_load %arg5[%swap3A_2981, %swap3A_2982] {strides = array<i32>} : memref<32x256xf32, #tpu.memory_space<vmem>>, vector<1x16xf32>,
    %swap3A_2984 = vector.shape_cast %swap3A_2983 : vector<1x16xf32> to vector<16xf32>
    %swap3A_2985 = vector.shape_cast %get3A_2811 : vector<16xf32> to vector<1x16xf32>
    tpu.vector_store %arg5[%swap3A_2981, %swap3A_2982], %swap3A_2985 {strides = array<i32>} : memref<32x256xf32, #tpu.memory_space<vmem>>, vector<1x16xf32>,
    %swap3A_2986 = arith.constant 29 : i32
    %swap3A_2987 = arith.index_cast %swap3A_2986 : i32 to index
    %swap3A_2988 = arith.constant 224 : index
    %swap3A_2989 = tpu.vector_load %arg5[%swap3A_2987, %swap3A_2988] {strides = array<i32>} : memref<32x256xf32, #tpu.memory_space<vmem>>, vector<1x16xf32>,
    %swap3A_2990 = vector.shape_cast %swap3A_2989 : vector<1x16xf32> to vector<16xf32>
    %swap3A_2991 = vector.shape_cast %get3A_2811 : vector<16xf32> to vector<1x16xf32>
    tpu.vector_store %arg5[%swap3A_2987, %swap3A_2988], %swap3A_2991 {strides = array<i32>} : memref<32x256xf32, #tpu.memory_space<vmem>>, vector<1x16xf32>,
    %swap3A_2992 = arith.constant 30 : i32
    %swap3A_2993 = arith.index_cast %swap3A_2992 : i32 to index
    %swap3A_2994 = arith.constant 224 : index
    %swap3A_2995 = tpu.vector_load %arg5[%swap3A_2993, %swap3A_2994] {strides = array<i32>} : memref<32x256xf32, #tpu.memory_space<vmem>>, vector<1x16xf32>,
    %swap3A_2996 = vector.shape_cast %swap3A_2995 : vector<1x16xf32> to vector<16xf32>
    %swap3A_2997 = vector.shape_cast %get3A_2811 : vector<16xf32> to vector<1x16xf32>
    tpu.vector_store %arg5[%swap3A_2993, %swap3A_2994], %swap3A_2997 {strides = array<i32>} : memref<32x256xf32, #tpu.memory_space<vmem>>, vector<1x16xf32>,
    %swap3A_2998 = arith.constant 31 : i32
    %swap3A_2999 = arith.index_cast %swap3A_2998 : i32 to index
    %swap3A_3000 = arith.constant 224 : index
    %swap3A_3001 = tpu.vector_load %arg5[%swap3A_2999, %swap3A_3000] {strides = array<i32>} : memref<32x256xf32, #tpu.memory_space<vmem>>, vector<1x16xf32>,
    %swap3A_3002 = vector.shape_cast %swap3A_3001 : vector<1x16xf32> to vector<16xf32>
    %swap3A_3003 = vector.shape_cast %get3A_2811 : vector<16xf32> to vector<1x16xf32>
    tpu.vector_store %arg5[%swap3A_2999, %swap3A_3000], %swap3A_3003 {strides = array<i32>} : memref<32x256xf32, #tpu.memory_space<vmem>>, vector<1x16xf32>,
    %get3A_3004 = arith.constant 1 : i32
    %get3A_3005 = arith.index_cast %get3A_3004 : i32 to index
    %get3A_3006 = arith.constant 112 : index
    %get3A_3007 = tpu.vector_load %arg6[%get3A_3005, %get3A_3006] {strides = array<i32>} : memref<2x128xf32, #tpu.memory_space<vmem>>, vector<1x16xf32>,
    %get3A_3008 = vector.shape_cast %get3A_3007 : vector<1x16xf32> to vector<16xf32>
    %swap3A_3009 = arith.constant 0 : i32
    %swap3A_3010 = arith.index_cast %swap3A_3009 : i32 to index
    %swap3A_3011 = arith.constant 240 : index
    %swap3A_3012 = tpu.vector_load %arg5[%swap3A_3010, %swap3A_3011] {strides = array<i32>} : memref<32x256xf32, #tpu.memory_space<vmem>>, vector<1x16xf32>,
    %swap3A_3013 = vector.shape_cast %swap3A_3012 : vector<1x16xf32> to vector<16xf32>
    %swap3A_3014 = vector.shape_cast %get3A_3008 : vector<16xf32> to vector<1x16xf32>
    tpu.vector_store %arg5[%swap3A_3010, %swap3A_3011], %swap3A_3014 {strides = array<i32>} : memref<32x256xf32, #tpu.memory_space<vmem>>, vector<1x16xf32>,
    %swap3A_3015 = arith.constant 1 : i32
    %swap3A_3016 = arith.index_cast %swap3A_3015 : i32 to index
    %swap3A_3017 = arith.constant 240 : index
    %swap3A_3018 = tpu.vector_load %arg5[%swap3A_3016, %swap3A_3017] {strides = array<i32>} : memref<32x256xf32, #tpu.memory_space<vmem>>, vector<1x16xf32>,
    %swap3A_3019 = vector.shape_cast %swap3A_3018 : vector<1x16xf32> to vector<16xf32>
    %swap3A_3020 = vector.shape_cast %get3A_3008 : vector<16xf32> to vector<1x16xf32>
    tpu.vector_store %arg5[%swap3A_3016, %swap3A_3017], %swap3A_3020 {strides = array<i32>} : memref<32x256xf32, #tpu.memory_space<vmem>>, vector<1x16xf32>,
    %swap3A_3021 = arith.constant 2 : i32
    %swap3A_3022 = arith.index_cast %swap3A_3021 : i32 to index
    %swap3A_3023 = arith.constant 240 : index
    %swap3A_3024 = tpu.vector_load %arg5[%swap3A_3022, %swap3A_3023] {strides = array<i32>} : memref<32x256xf32, #tpu.memory_space<vmem>>, vector<1x16xf32>,
    %swap3A_3025 = vector.shape_cast %swap3A_3024 : vector<1x16xf32> to vector<16xf32>
    %swap3A_3026 = vector.shape_cast %get3A_3008 : vector<16xf32> to vector<1x16xf32>
    tpu.vector_store %arg5[%swap3A_3022, %swap3A_3023], %swap3A_3026 {strides = array<i32>} : memref<32x256xf32, #tpu.memory_space<vmem>>, vector<1x16xf32>,
    %swap3A_3027 = arith.constant 3 : i32
    %swap3A_3028 = arith.index_cast %swap3A_3027 : i32 to index
    %swap3A_3029 = arith.constant 240 : index
    %swap3A_3030 = tpu.vector_load %arg5[%swap3A_3028, %swap3A_3029] {strides = array<i32>} : memref<32x256xf32, #tpu.memory_space<vmem>>, vector<1x16xf32>,
    %swap3A_3031 = vector.shape_cast %swap3A_3030 : vector<1x16xf32> to vector<16xf32>
    %swap3A_3032 = vector.shape_cast %get3A_3008 : vector<16xf32> to vector<1x16xf32>
    tpu.vector_store %arg5[%swap3A_3028, %swap3A_3029], %swap3A_3032 {strides = array<i32>} : memref<32x256xf32, #tpu.memory_space<vmem>>, vector<1x16xf32>,
    %swap3A_3033 = arith.constant 4 : i32
    %swap3A_3034 = arith.index_cast %swap3A_3033 : i32 to index
    %swap3A_3035 = arith.constant 240 : index
    %swap3A_3036 = tpu.vector_load %arg5[%swap3A_3034, %swap3A_3035] {strides = array<i32>} : memref<32x256xf32, #tpu.memory_space<vmem>>, vector<1x16xf32>,
    %swap3A_3037 = vector.shape_cast %swap3A_3036 : vector<1x16xf32> to vector<16xf32>
    %swap3A_3038 = vector.shape_cast %get3A_3008 : vector<16xf32> to vector<1x16xf32>
    tpu.vector_store %arg5[%swap3A_3034, %swap3A_3035], %swap3A_3038 {strides = array<i32>} : memref<32x256xf32, #tpu.memory_space<vmem>>, vector<1x16xf32>,
    %swap3A_3039 = arith.constant 5 : i32
    %swap3A_3040 = arith.index_cast %swap3A_3039 : i32 to index
    %swap3A_3041 = arith.constant 240 : index
    %swap3A_3042 = tpu.vector_load %arg5[%swap3A_3040, %swap3A_3041] {strides = array<i32>} : memref<32x256xf32, #tpu.memory_space<vmem>>, vector<1x16xf32>,
    %swap3A_3043 = vector.shape_cast %swap3A_3042 : vector<1x16xf32> to vector<16xf32>
    %swap3A_3044 = vector.shape_cast %get3A_3008 : vector<16xf32> to vector<1x16xf32>
    tpu.vector_store %arg5[%swap3A_3040, %swap3A_3041], %swap3A_3044 {strides = array<i32>} : memref<32x256xf32, #tpu.memory_space<vmem>>, vector<1x16xf32>,
    %swap3A_3045 = arith.constant 6 : i32
    %swap3A_3046 = arith.index_cast %swap3A_3045 : i32 to index
    %swap3A_3047 = arith.constant 240 : index
    %swap3A_3048 = tpu.vector_load %arg5[%swap3A_3046, %swap3A_3047] {strides = array<i32>} : memref<32x256xf32, #tpu.memory_space<vmem>>, vector<1x16xf32>,
    %swap3A_3049 = vector.shape_cast %swap3A_3048 : vector<1x16xf32> to vector<16xf32>
    %swap3A_3050 = vector.shape_cast %get3A_3008 : vector<16xf32> to vector<1x16xf32>
    tpu.vector_store %arg5[%swap3A_3046, %swap3A_3047], %swap3A_3050 {strides = array<i32>} : memref<32x256xf32, #tpu.memory_space<vmem>>, vector<1x16xf32>,
    %swap3A_3051 = arith.constant 7 : i32
    %swap3A_3052 = arith.index_cast %swap3A_3051 : i32 to index
    %swap3A_3053 = arith.constant 240 : index
    %swap3A_3054 = tpu.vector_load %arg5[%swap3A_3052, %swap3A_3053] {strides = array<i32>} : memref<32x256xf32, #tpu.memory_space<vmem>>, vector<1x16xf32>,
    %swap3A_3055 = vector.shape_cast %swap3A_3054 : vector<1x16xf32> to vector<16xf32>
    %swap3A_3056 = vector.shape_cast %get3A_3008 : vector<16xf32> to vector<1x16xf32>
    tpu.vector_store %arg5[%swap3A_3052, %swap3A_3053], %swap3A_3056 {strides = array<i32>} : memref<32x256xf32, #tpu.memory_space<vmem>>, vector<1x16xf32>,
    %swap3A_3057 = arith.constant 8 : i32
    %swap3A_3058 = arith.index_cast %swap3A_3057 : i32 to index
    %swap3A_3059 = arith.constant 240 : index
    %swap3A_3060 = tpu.vector_load %arg5[%swap3A_3058, %swap3A_3059] {strides = array<i32>} : memref<32x256xf32, #tpu.memory_space<vmem>>, vector<1x16xf32>,
    %swap3A_3061 = vector.shape_cast %swap3A_3060 : vector<1x16xf32> to vector<16xf32>
    %swap3A_3062 = vector.shape_cast %get3A_3008 : vector<16xf32> to vector<1x16xf32>
    tpu.vector_store %arg5[%swap3A_3058, %swap3A_3059], %swap3A_3062 {strides = array<i32>} : memref<32x256xf32, #tpu.memory_space<vmem>>, vector<1x16xf32>,
    %swap3A_3063 = arith.constant 9 : i32
    %swap3A_3064 = arith.index_cast %swap3A_3063 : i32 to index
    %swap3A_3065 = arith.constant 240 : index
    %swap3A_3066 = tpu.vector_load %arg5[%swap3A_3064, %swap3A_3065] {strides = array<i32>} : memref<32x256xf32, #tpu.memory_space<vmem>>, vector<1x16xf32>,
    %swap3A_3067 = vector.shape_cast %swap3A_3066 : vector<1x16xf32> to vector<16xf32>
    %swap3A_3068 = vector.shape_cast %get3A_3008 : vector<16xf32> to vector<1x16xf32>
    tpu.vector_store %arg5[%swap3A_3064, %swap3A_3065], %swap3A_3068 {strides = array<i32>} : memref<32x256xf32, #tpu.memory_space<vmem>>, vector<1x16xf32>,
    %swap3A_3069 = arith.constant 10 : i32
    %swap3A_3070 = arith.index_cast %swap3A_3069 : i32 to index
    %swap3A_3071 = arith.constant 240 : index
    %swap3A_3072 = tpu.vector_load %arg5[%swap3A_3070, %swap3A_3071] {strides = array<i32>} : memref<32x256xf32, #tpu.memory_space<vmem>>, vector<1x16xf32>,
    %swap3A_3073 = vector.shape_cast %swap3A_3072 : vector<1x16xf32> to vector<16xf32>
    %swap3A_3074 = vector.shape_cast %get3A_3008 : vector<16xf32> to vector<1x16xf32>
    tpu.vector_store %arg5[%swap3A_3070, %swap3A_3071], %swap3A_3074 {strides = array<i32>} : memref<32x256xf32, #tpu.memory_space<vmem>>, vector<1x16xf32>,
    %swap3A_3075 = arith.constant 11 : i32
    %swap3A_3076 = arith.index_cast %swap3A_3075 : i32 to index
    %swap3A_3077 = arith.constant 240 : index
    %swap3A_3078 = tpu.vector_load %arg5[%swap3A_3076, %swap3A_3077] {strides = array<i32>} : memref<32x256xf32, #tpu.memory_space<vmem>>, vector<1x16xf32>,
    %swap3A_3079 = vector.shape_cast %swap3A_3078 : vector<1x16xf32> to vector<16xf32>
    %swap3A_3080 = vector.shape_cast %get3A_3008 : vector<16xf32> to vector<1x16xf32>
    tpu.vector_store %arg5[%swap3A_3076, %swap3A_3077], %swap3A_3080 {strides = array<i32>} : memref<32x256xf32, #tpu.memory_space<vmem>>, vector<1x16xf32>,
    %swap3A_3081 = arith.constant 12 : i32
    %swap3A_3082 = arith.index_cast %swap3A_3081 : i32 to index
    %swap3A_3083 = arith.constant 240 : index
    %swap3A_3084 = tpu.vector_load %arg5[%swap3A_3082, %swap3A_3083] {strides = array<i32>} : memref<32x256xf32, #tpu.memory_space<vmem>>, vector<1x16xf32>,
    %swap3A_3085 = vector.shape_cast %swap3A_3084 : vector<1x16xf32> to vector<16xf32>
    %swap3A_3086 = vector.shape_cast %get3A_3008 : vector<16xf32> to vector<1x16xf32>
    tpu.vector_store %arg5[%swap3A_3082, %swap3A_3083], %swap3A_3086 {strides = array<i32>} : memref<32x256xf32, #tpu.memory_space<vmem>>, vector<1x16xf32>,
    %swap3A_3087 = arith.constant 13 : i32
    %swap3A_3088 = arith.index_cast %swap3A_3087 : i32 to index
    %swap3A_3089 = arith.constant 240 : index
    %swap3A_3090 = tpu.vector_load %arg5[%swap3A_3088, %swap3A_3089] {strides = array<i32>} : memref<32x256xf32, #tpu.memory_space<vmem>>, vector<1x16xf32>,
    %swap3A_3091 = vector.shape_cast %swap3A_3090 : vector<1x16xf32> to vector<16xf32>
    %swap3A_3092 = vector.shape_cast %get3A_3008 : vector<16xf32> to vector<1x16xf32>
    tpu.vector_store %arg5[%swap3A_3088, %swap3A_3089], %swap3A_3092 {strides = array<i32>} : memref<32x256xf32, #tpu.memory_space<vmem>>, vector<1x16xf32>,
    %swap3A_3093 = arith.constant 14 : i32
    %swap3A_3094 = arith.index_cast %swap3A_3093 : i32 to index
    %swap3A_3095 = arith.constant 240 : index
    %swap3A_3096 = tpu.vector_load %arg5[%swap3A_3094, %swap3A_3095] {strides = array<i32>} : memref<32x256xf32, #tpu.memory_space<vmem>>, vector<1x16xf32>,
    %swap3A_3097 = vector.shape_cast %swap3A_3096 : vector<1x16xf32> to vector<16xf32>
    %swap3A_3098 = vector.shape_cast %get3A_3008 : vector<16xf32> to vector<1x16xf32>
    tpu.vector_store %arg5[%swap3A_3094, %swap3A_3095], %swap3A_3098 {strides = array<i32>} : memref<32x256xf32, #tpu.memory_space<vmem>>, vector<1x16xf32>,
    %swap3A_3099 = arith.constant 15 : i32
    %swap3A_3100 = arith.index_cast %swap3A_3099 : i32 to index
    %swap3A_3101 = arith.constant 240 : index
    %swap3A_3102 = tpu.vector_load %arg5[%swap3A_3100, %swap3A_3101] {strides = array<i32>} : memref<32x256xf32, #tpu.memory_space<vmem>>, vector<1x16xf32>,
    %swap3A_3103 = vector.shape_cast %swap3A_3102 : vector<1x16xf32> to vector<16xf32>
    %swap3A_3104 = vector.shape_cast %get3A_3008 : vector<16xf32> to vector<1x16xf32>
    tpu.vector_store %arg5[%swap3A_3100, %swap3A_3101], %swap3A_3104 {strides = array<i32>} : memref<32x256xf32, #tpu.memory_space<vmem>>, vector<1x16xf32>,
    %swap3A_3105 = arith.constant 16 : i32
    %swap3A_3106 = arith.index_cast %swap3A_3105 : i32 to index
    %swap3A_3107 = arith.constant 240 : index
    %swap3A_3108 = tpu.vector_load %arg5[%swap3A_3106, %swap3A_3107] {strides = array<i32>} : memref<32x256xf32, #tpu.memory_space<vmem>>, vector<1x16xf32>,
    %swap3A_3109 = vector.shape_cast %swap3A_3108 : vector<1x16xf32> to vector<16xf32>
    %swap3A_3110 = vector.shape_cast %get3A_3008 : vector<16xf32> to vector<1x16xf32>
    tpu.vector_store %arg5[%swap3A_3106, %swap3A_3107], %swap3A_3110 {strides = array<i32>} : memref<32x256xf32, #tpu.memory_space<vmem>>, vector<1x16xf32>,
    %swap3A_3111 = arith.constant 17 : i32
    %swap3A_3112 = arith.index_cast %swap3A_3111 : i32 to index
    %swap3A_3113 = arith.constant 240 : index
    %swap3A_3114 = tpu.vector_load %arg5[%swap3A_3112, %swap3A_3113] {strides = array<i32>} : memref<32x256xf32, #tpu.memory_space<vmem>>, vector<1x16xf32>,
    %swap3A_3115 = vector.shape_cast %swap3A_3114 : vector<1x16xf32> to vector<16xf32>
    %swap3A_3116 = vector.shape_cast %get3A_3008 : vector<16xf32> to vector<1x16xf32>
    tpu.vector_store %arg5[%swap3A_3112, %swap3A_3113], %swap3A_3116 {strides = array<i32>} : memref<32x256xf32, #tpu.memory_space<vmem>>, vector<1x16xf32>,
    %swap3A_3117 = arith.constant 18 : i32
    %swap3A_3118 = arith.index_cast %swap3A_3117 : i32 to index
    %swap3A_3119 = arith.constant 240 : index
    %swap3A_3120 = tpu.vector_load %arg5[%swap3A_3118, %swap3A_3119] {strides = array<i32>} : memref<32x256xf32, #tpu.memory_space<vmem>>, vector<1x16xf32>,
    %swap3A_3121 = vector.shape_cast %swap3A_3120 : vector<1x16xf32> to vector<16xf32>
    %swap3A_3122 = vector.shape_cast %get3A_3008 : vector<16xf32> to vector<1x16xf32>
    tpu.vector_store %arg5[%swap3A_3118, %swap3A_3119], %swap3A_3122 {strides = array<i32>} : memref<32x256xf32, #tpu.memory_space<vmem>>, vector<1x16xf32>,
    %swap3A_3123 = arith.constant 19 : i32
    %swap3A_3124 = arith.index_cast %swap3A_3123 : i32 to index
    %swap3A_3125 = arith.constant 240 : index
    %swap3A_3126 = tpu.vector_load %arg5[%swap3A_3124, %swap3A_3125] {strides = array<i32>} : memref<32x256xf32, #tpu.memory_space<vmem>>, vector<1x16xf32>,
    %swap3A_3127 = vector.shape_cast %swap3A_3126 : vector<1x16xf32> to vector<16xf32>
    %swap3A_3128 = vector.shape_cast %get3A_3008 : vector<16xf32> to vector<1x16xf32>
    tpu.vector_store %arg5[%swap3A_3124, %swap3A_3125], %swap3A_3128 {strides = array<i32>} : memref<32x256xf32, #tpu.memory_space<vmem>>, vector<1x16xf32>,
    %swap3A_3129 = arith.constant 20 : i32
    %swap3A_3130 = arith.index_cast %swap3A_3129 : i32 to index
    %swap3A_3131 = arith.constant 240 : index
    %swap3A_3132 = tpu.vector_load %arg5[%swap3A_3130, %swap3A_3131] {strides = array<i32>} : memref<32x256xf32, #tpu.memory_space<vmem>>, vector<1x16xf32>,
    %swap3A_3133 = vector.shape_cast %swap3A_3132 : vector<1x16xf32> to vector<16xf32>
    %swap3A_3134 = vector.shape_cast %get3A_3008 : vector<16xf32> to vector<1x16xf32>
    tpu.vector_store %arg5[%swap3A_3130, %swap3A_3131], %swap3A_3134 {strides = array<i32>} : memref<32x256xf32, #tpu.memory_space<vmem>>, vector<1x16xf32>,
    %swap3A_3135 = arith.constant 21 : i32
    %swap3A_3136 = arith.index_cast %swap3A_3135 : i32 to index
    %swap3A_3137 = arith.constant 240 : index
    %swap3A_3138 = tpu.vector_load %arg5[%swap3A_3136, %swap3A_3137] {strides = array<i32>} : memref<32x256xf32, #tpu.memory_space<vmem>>, vector<1x16xf32>,
    %swap3A_3139 = vector.shape_cast %swap3A_3138 : vector<1x16xf32> to vector<16xf32>
    %swap3A_3140 = vector.shape_cast %get3A_3008 : vector<16xf32> to vector<1x16xf32>
    tpu.vector_store %arg5[%swap3A_3136, %swap3A_3137], %swap3A_3140 {strides = array<i32>} : memref<32x256xf32, #tpu.memory_space<vmem>>, vector<1x16xf32>,
    %swap3A_3141 = arith.constant 22 : i32
    %swap3A_3142 = arith.index_cast %swap3A_3141 : i32 to index
    %swap3A_3143 = arith.constant 240 : index
    %swap3A_3144 = tpu.vector_load %arg5[%swap3A_3142, %swap3A_3143] {strides = array<i32>} : memref<32x256xf32, #tpu.memory_space<vmem>>, vector<1x16xf32>,
    %swap3A_3145 = vector.shape_cast %swap3A_3144 : vector<1x16xf32> to vector<16xf32>
    %swap3A_3146 = vector.shape_cast %get3A_3008 : vector<16xf32> to vector<1x16xf32>
    tpu.vector_store %arg5[%swap3A_3142, %swap3A_3143], %swap3A_3146 {strides = array<i32>} : memref<32x256xf32, #tpu.memory_space<vmem>>, vector<1x16xf32>,
    %swap3A_3147 = arith.constant 23 : i32
    %swap3A_3148 = arith.index_cast %swap3A_3147 : i32 to index
    %swap3A_3149 = arith.constant 240 : index
    %swap3A_3150 = tpu.vector_load %arg5[%swap3A_3148, %swap3A_3149] {strides = array<i32>} : memref<32x256xf32, #tpu.memory_space<vmem>>, vector<1x16xf32>,
    %swap3A_3151 = vector.shape_cast %swap3A_3150 : vector<1x16xf32> to vector<16xf32>
    %swap3A_3152 = vector.shape_cast %get3A_3008 : vector<16xf32> to vector<1x16xf32>
    tpu.vector_store %arg5[%swap3A_3148, %swap3A_3149], %swap3A_3152 {strides = array<i32>} : memref<32x256xf32, #tpu.memory_space<vmem>>, vector<1x16xf32>,
    %swap3A_3153 = arith.constant 24 : i32
    %swap3A_3154 = arith.index_cast %swap3A_3153 : i32 to index
    %swap3A_3155 = arith.constant 240 : index
    %swap3A_3156 = tpu.vector_load %arg5[%swap3A_3154, %swap3A_3155] {strides = array<i32>} : memref<32x256xf32, #tpu.memory_space<vmem>>, vector<1x16xf32>,
    %swap3A_3157 = vector.shape_cast %swap3A_3156 : vector<1x16xf32> to vector<16xf32>
    %swap3A_3158 = vector.shape_cast %get3A_3008 : vector<16xf32> to vector<1x16xf32>
    tpu.vector_store %arg5[%swap3A_3154, %swap3A_3155], %swap3A_3158 {strides = array<i32>} : memref<32x256xf32, #tpu.memory_space<vmem>>, vector<1x16xf32>,
    %swap3A_3159 = arith.constant 25 : i32
    %swap3A_3160 = arith.index_cast %swap3A_3159 : i32 to index
    %swap3A_3161 = arith.constant 240 : index
    %swap3A_3162 = tpu.vector_load %arg5[%swap3A_3160, %swap3A_3161] {strides = array<i32>} : memref<32x256xf32, #tpu.memory_space<vmem>>, vector<1x16xf32>,
    %swap3A_3163 = vector.shape_cast %swap3A_3162 : vector<1x16xf32> to vector<16xf32>
    %swap3A_3164 = vector.shape_cast %get3A_3008 : vector<16xf32> to vector<1x16xf32>
    tpu.vector_store %arg5[%swap3A_3160, %swap3A_3161], %swap3A_3164 {strides = array<i32>} : memref<32x256xf32, #tpu.memory_space<vmem>>, vector<1x16xf32>,
    %swap3A_3165 = arith.constant 26 : i32
    %swap3A_3166 = arith.index_cast %swap3A_3165 : i32 to index
    %swap3A_3167 = arith.constant 240 : index
    %swap3A_3168 = tpu.vector_load %arg5[%swap3A_3166, %swap3A_3167] {strides = array<i32>} : memref<32x256xf32, #tpu.memory_space<vmem>>, vector<1x16xf32>,
    %swap3A_3169 = vector.shape_cast %swap3A_3168 : vector<1x16xf32> to vector<16xf32>
    %swap3A_3170 = vector.shape_cast %get3A_3008 : vector<16xf32> to vector<1x16xf32>
    tpu.vector_store %arg5[%swap3A_3166, %swap3A_3167], %swap3A_3170 {strides = array<i32>} : memref<32x256xf32, #tpu.memory_space<vmem>>, vector<1x16xf32>,
    %swap3A_3171 = arith.constant 27 : i32
    %swap3A_3172 = arith.index_cast %swap3A_3171 : i32 to index
    %swap3A_3173 = arith.constant 240 : index
    %swap3A_3174 = tpu.vector_load %arg5[%swap3A_3172, %swap3A_3173] {strides = array<i32>} : memref<32x256xf32, #tpu.memory_space<vmem>>, vector<1x16xf32>,
    %swap3A_3175 = vector.shape_cast %swap3A_3174 : vector<1x16xf32> to vector<16xf32>
    %swap3A_3176 = vector.shape_cast %get3A_3008 : vector<16xf32> to vector<1x16xf32>
    tpu.vector_store %arg5[%swap3A_3172, %swap3A_3173], %swap3A_3176 {strides = array<i32>} : memref<32x256xf32, #tpu.memory_space<vmem>>, vector<1x16xf32>,
    %swap3A_3177 = arith.constant 28 : i32
    %swap3A_3178 = arith.index_cast %swap3A_3177 : i32 to index
    %swap3A_3179 = arith.constant 240 : index
    %swap3A_3180 = tpu.vector_load %arg5[%swap3A_3178, %swap3A_3179] {strides = array<i32>} : memref<32x256xf32, #tpu.memory_space<vmem>>, vector<1x16xf32>,
    %swap3A_3181 = vector.shape_cast %swap3A_3180 : vector<1x16xf32> to vector<16xf32>
    %swap3A_3182 = vector.shape_cast %get3A_3008 : vector<16xf32> to vector<1x16xf32>
    tpu.vector_store %arg5[%swap3A_3178, %swap3A_3179], %swap3A_3182 {strides = array<i32>} : memref<32x256xf32, #tpu.memory_space<vmem>>, vector<1x16xf32>,
    %swap3A_3183 = arith.constant 29 : i32
    %swap3A_3184 = arith.index_cast %swap3A_3183 : i32 to index
    %swap3A_3185 = arith.constant 240 : index
    %swap3A_3186 = tpu.vector_load %arg5[%swap3A_3184, %swap3A_3185] {strides = array<i32>} : memref<32x256xf32, #tpu.memory_space<vmem>>, vector<1x16xf32>,
    %swap3A_3187 = vector.shape_cast %swap3A_3186 : vector<1x16xf32> to vector<16xf32>
    %swap3A_3188 = vector.shape_cast %get3A_3008 : vector<16xf32> to vector<1x16xf32>
    tpu.vector_store %arg5[%swap3A_3184, %swap3A_3185], %swap3A_3188 {strides = array<i32>} : memref<32x256xf32, #tpu.memory_space<vmem>>, vector<1x16xf32>,
    %swap3A_3189 = arith.constant 30 : i32
    %swap3A_3190 = arith.index_cast %swap3A_3189 : i32 to index
    %swap3A_3191 = arith.constant 240 : index
    %swap3A_3192 = tpu.vector_load %arg5[%swap3A_3190, %swap3A_3191] {strides = array<i32>} : memref<32x256xf32, #tpu.memory_space<vmem>>, vector<1x16xf32>,
    %swap3A_3193 = vector.shape_cast %swap3A_3192 : vector<1x16xf32> to vector<16xf32>
    %swap3A_3194 = vector.shape_cast %get3A_3008 : vector<16xf32> to vector<1x16xf32>
    tpu.vector_store %arg5[%swap3A_3190, %swap3A_3191], %swap3A_3194 {strides = array<i32>} : memref<32x256xf32, #tpu.memory_space<vmem>>, vector<1x16xf32>,
    %swap3A_3195 = arith.constant 31 : i32
    %swap3A_3196 = arith.index_cast %swap3A_3195 : i32 to index
    %swap3A_3197 = arith.constant 240 : index
    %swap3A_3198 = tpu.vector_load %arg5[%swap3A_3196, %swap3A_3197] {strides = array<i32>} : memref<32x256xf32, #tpu.memory_space<vmem>>, vector<1x16xf32>,
    %swap3A_3199 = vector.shape_cast %swap3A_3198 : vector<1x16xf32> to vector<16xf32>
    %swap3A_3200 = vector.shape_cast %get3A_3008 : vector<16xf32> to vector<1x16xf32>
    tpu.vector_store %arg5[%swap3A_3196, %swap3A_3197], %swap3A_3200 {strides = array<i32>} : memref<32x256xf32, #tpu.memory_space<vmem>>, vector<1x16xf32>,
    %add3A_3201 = arith.constant 1 : i32
    %add3A_3202 = arith.addi %mul3A_2, %add3A_3201 : i32
    %run_scoped3A = arith.constant 0 : i32
    "tpu.region"() ({
      %run_scoped3A_3203 = tpu.sem_alloc : memref<!tpu.dma_semaphore, #tpu.memory_space<semaphore_mem>>
      %dma_start3A_3204 = arith.constant 0 : i32
      %dma_start3A_3205 = arith.constant 0 : i32
      %dma_start3A_3206 = tpu.memref_slice %arg4[%run_scoped3A, %add3A_3202, %dma_start3A_3204, %dma_start3A_3205] : memref<1x32x32x256xf32, #tpu.memory_space<hbm>> -> memref<1x1x32x256xf32, #tpu.memory_space<hbm>>
      %dma_start3A_3207 = tpu.memref_squeeze %dma_start3A_3206 : memref<1x1x32x256xf32, #tpu.memory_space<hbm>> -> memref<32x256xf32, #tpu.memory_space<hbm>>
      %dma_start3A_3208 = arith.constant 0 : i32
      %dma_start3A_3209 = arith.constant 0 : i32
      %dma_start3A_3210 = tpu.memref_slice %arg4[%run_scoped3A, %add3A_3202, %dma_start3A_3208, %dma_start3A_3209] : memref<1x32x32x256xf32, #tpu.memory_space<hbm>> -> memref<1x1x32x256xf32, #tpu.memory_space<hbm>>
      %dma_start3A_3211 = tpu.memref_squeeze %dma_start3A_3210 : memref<1x1x32x256xf32, #tpu.memory_space<hbm>> -> memref<32x256xf32, #tpu.memory_space<hbm>>
      tpu.enqueue_dma source(%arg5 : memref<32x256xf32, #tpu.memory_space<vmem>>) target(%dma_start3A_3211 : memref<32x256xf32, #tpu.memory_space<hbm>>) target_semaphore(%run_scoped3A_3203 : memref<!tpu.dma_semaphore, #tpu.memory_space<semaphore_mem>>)
      %dma_wait3A_3212 = arith.constant 0 : i32
      %dma_wait3A_3213 = arith.constant 0 : i32
      %dma_wait3A_3214 = tpu.memref_slice %arg4[%run_scoped3A, %add3A_3202, %dma_wait3A_3212, %dma_wait3A_3213] : memref<1x32x32x256xf32, #tpu.memory_space<hbm>> -> memref<1x1x32x256xf32, #tpu.memory_space<hbm>>
      %dma_wait3A_3215 = tpu.memref_squeeze %dma_wait3A_3214 : memref<1x1x32x256xf32, #tpu.memory_space<hbm>> -> memref<32x256xf32, #tpu.memory_space<hbm>>
      %dma_wait3A_3216 = arith.constant 0 : i32
      %dma_wait3A_3217 = arith.constant 0 : i32
      %dma_wait3A_3218 = tpu.memref_slice %arg4[%run_scoped3A, %add3A_3202, %dma_wait3A_3216, %dma_wait3A_3217] : memref<1x32x32x256xf32, #tpu.memory_space<hbm>> -> memref<1x1x32x256xf32, #tpu.memory_space<hbm>>
      %dma_wait3A_3219 = tpu.memref_squeeze %dma_wait3A_3218 : memref<1x1x32x256xf32, #tpu.memory_space<hbm>> -> memref<32x256xf32, #tpu.memory_space<hbm>>
      tpu.wait_dma2 semaphore(%run_scoped3A_3203 : memref<!tpu.dma_semaphore, #tpu.memory_space<semaphore_mem>>) src(%arg5 : memref<32x256xf32, #tpu.memory_space<vmem>>) dst(%dma_wait3A_3219 : memref<32x256xf32, #tpu.memory_space<hbm>>)
      tpu.yield
    }) : () -> ()
    return
  }
}

</mosaic_0001>

<sc_bundles>
// kernel: _pe_call.3.cloned.1.call-start
scs
__scs_entry_jumppad:
0x0: {  	(pc) =	sbr.rel $0x88, $3  }
0x1: {  	(tag) =	ssettag $0x0;
	lr =	simm.s32 $0x1  }
0x2: {  	[smem:$0x3F9F] =	sst lr;
	_ =	strace $0xD0000000  }
0x3: {  	_ = 	snop  }
0x4: {  	_ = 	snop  }
0x5: {  	_ = 	snop  }
0x6: {  	_ = 	snop  }
0x7: {  	_ = 	snop  }
__scs_overlays_trampoline_lowered:
0x8: {  	[smem:$0x3FAE] =	sst s0  }
0x9: {  	[smem:$0x3FAF] =	sst s1  }
0xa: {  	[smem:$0x3FB0] =	sst s2  }
0xb: {  	[smem:$0x3FB1] =	sst s3  }
0xc: {  	[smem:$0x3FB2] =	sst s4  }
0xd: {  	[smem:$0x3FB3] =	sst s5  }
0xe: {  	[smem:$0x3FB4] =	sst s6  }
0xf: {  	[smem:$0x3FB5] =	sst s7  }
0x10: {  	[smem:$0x3FB6] =	sst s8  }
0x11: {  	[smem:$0x3FB7] =	sst s9;
	s0 =	simm.s32 @!p0 $0x0  }
0x12: {  	s1 =	sld [smem:$0x3F9D];
	s0 =	simm.s32 @p0 $0x1  }
0x13: {  	[smem:$0x3FB8] =	sst s0;
	s0 =	simm.s32 @!p1 $0x0  }
0x14: {  	s2 =	sld [smem:$0x3F9C];
	s0 =	simm.s32 @p1 $0x1  }
0x15: {  	[smem:$0x3FB9] =	sst s0;
	s0 =	simm.s32 @!p2 $0x0  }
0x16: {  	s3 =	sld [smem:$0x3FDB];
	s0 =	simm.s32 @p2 $0x1  }
0x17: {  	s4 =	simm.s32 $0x1BF5;
	[smem:$0x3FBB] =	sst s0  }
0x18: {  	s0 =	sld [smem:$0x3F9E];
	_ =	swait.ge [sflag:s4], $0x0  }
0x19: {  	s7 =	sld [smem:$0x3F9F]  }
0x1a: {  	s8 =	sadd.s32 $0xFFFFE003, lr  }
0x1b: {  	s9 =	sadd.s32 $0xFFFFFEF7, lr;
	s5 =	simm.s32 $0xFFFFFFFF;
	p2 =	slt.u32 s8, $0xFFFFF086  }
0x1c: {  	p1 =	slt.u32 s9, $0xF7A;
	s5 =	simm.s32 @!p2 $0x0  }
0x1d: {  	s5 =	simm.s32 @p1 $0x1;
	p0 =	seq.s32 s7, s2  }
0x1e: {  	s7 =	smul.u32 @!p0 $0xF7A, s2;
	p2 =	seq.s32 @!p0 s5, $0x0  }
0x1f: {  	s9 =	smul.u32 $0xF7A, s1;
	s8 =	simm.s32 @!p0 $0x1BF5;
	p2 =	por !p2, p0  }
0x20: {  	[sflag:s8] =	ssyncset.s32 @!p0 $0xFFFFF086;
	s6 =	sadd.s32 @!p0 s3, s7;
	s7 =	simm.s32 @!p0 $0x108  }
0x21: {  	s3 =	sadd.s32 s3, s9;
	s6 =	sadd.s32 @!p0 $0x88, s6;
	s7 =	simm.s32 @p2 $0x1082  }
0x22: {  	[simem:s7], [sflag:s8] =	dma.local @!p0 [hbm:s6], $0xF7A  }
0x23: {  	s9 =	sor.u32 $0xD0000000, s2;
	s6 =	simm.s32 $0x108;
	_ =	swait.ge @!p0 [sflag:s8], $0x0  }
0x24: {  	s3 =	sadd.s32 $0x88, s3;
	s6 =	simm.s32 @!p1 $0x1082;
	[sflag:s4] =	ssyncset.s32 $0xFFFFF086  }
0x25: {  	[simem:s6], [sflag:s4] =	dma.local [hbm:s3], $0xF7A  }
0x26: {  	[smem:$0x3F9F] =	sst s1;
	(tag) =	ssettag s2;
	_ =	strace s9  }
0x27: {  	s1 =	sld [smem:$0x3FAF]  }
0x28: {  	s2 =	sld [smem:$0x3FB0]  }
0x29: {  	s4 =	sld [smem:$0x3FB2]  }
0x2a: {  	p0 =	seq.s32 s5, $0x0;
	s5 =	sld [smem:$0x3FB3]  }
0x2b: {  	s6 =	sld [smem:$0x3FB4]  }
0x2c: {  	s7 =	sld [smem:$0x3FB5]  }
0x2d: {  	s3 =	simm.s32 $0x108;
	s8 =	sld [smem:$0x3FB6]  }
0x2e: {  	s3 =	simm.s32 @!p0 $0x1082;
	s9 =	sld [smem:$0x3FB7]  }
0x2f: {  	lr =	sadd.s32 s0, s3;
	s0 =	sld [smem:$0x3FAE]  }
0x30: {  	s3 =	sld [smem:$0x3FB1]  }
0x31: {  	[smem:$0x3FBA] =	sst s10  }
0x32: {  	s10 =	sld [smem:$0x3FB8];
	_ =	sdelay $0x3  }
0x33: {  	p0 =	seq.s32 s10, $0x1;
	s10 =	sld [smem:$0x3FBA];
	_ =	sdelay $0x3  }
0x34: {  	[smem:$0x3FBA] =	sst s10  }
0x35: {  	s10 =	sld [smem:$0x3FB9];
	_ =	sdelay $0x3  }
0x36: {  	p1 =	seq.s32 s10, $0x1;
	s10 =	sld [smem:$0x3FBA];
	_ =	sdelay $0x3  }
0x37: {  	[smem:$0x3FBA] =	sst s10  }
0x38: {  	s10 =	sld [smem:$0x3FBB]  }
0x39: {  	_ = 	snop;
	(pc) =	sbr.ind lr, $3  }
0x3a: {  	_ = 	snop  }
0x3b: {  	_ = 	snop  }
0x3c: {  	p2 =	seq.s32 s10, $0x1;
	s10 =	sld [smem:$0x3FBA]  }
0x3d: {  	_ =	shalt  }
0x3e: {  	_ =	shalt  }
0x3f: {  	_ =	shalt  }
0x40: {  	_ =	shalt  }
0x41: {  	_ =	shalt  }
0x42: {  	_ =	shalt  }
0x43: {  	_ =	shalt  }
0x44: {  	_ =	shalt  }
0x45: {  	_ =	shalt  }
0x46: {  	_ =	shalt  }
0x47: {  	_ =	shalt  }
0x48: {  	_ =	shalt  }
0x49: {  	_ =	shalt  }
0x4a: {  	_ =	shalt  }
0x4b: {  	_ =	shalt  }
0x4c: {  	_ =	shalt  }
0x4d: {  	_ =	shalt  }
0x4e: {  	_ =	shalt  }
0x4f: {  	_ =	shalt  }
0x50: {  	_ =	shalt  }
0x51: {  	_ =	shalt  }
0x52: {  	_ =	shalt  }
0x53: {  	_ =	shalt  }
0x54: {  	_ =	shalt  }
0x55: {  	_ =	shalt  }
0x56: {  	_ =	shalt  }
0x57: {  	_ =	shalt  }
0x58: {  	_ =	shalt  }
0x59: {  	_ =	shalt  }
0x5a: {  	_ =	shalt  }
0x5b: {  	_ =	shalt  }
0x5c: {  	_ =	shalt  }
0x5d: {  	_ =	shalt  }
0x5e: {  	_ =	shalt  }
0x5f: {  	_ =	shalt  }
0x60: {  	_ =	shalt  }
0x61: {  	_ =	shalt  }
0x62: {  	_ =	shalt  }
0x63: {  	_ =	shalt  }
0x64: {  	_ =	shalt  }
0x65: {  	_ =	shalt  }
0x66: {  	_ =	shalt  }
0x67: {  	_ =	shalt  }
0x68: {  	_ =	shalt  }
0x69: {  	_ =	shalt  }
0x6a: {  	_ =	shalt  }
0x6b: {  	_ =	shalt  }
0x6c: {  	_ =	shalt  }
0x6d: {  	_ =	shalt  }
0x6e: {  	_ =	shalt  }
0x6f: {  	_ =	shalt  }
0x70: {  	_ =	shalt  }
0x71: {  	_ =	shalt  }
0x72: {  	_ =	shalt  }
0x73: {  	_ =	shalt  }
0x74: {  	_ =	shalt  }
0x75: {  	_ =	shalt  }
0x76: {  	_ =	shalt  }
0x77: {  	_ =	shalt  }
0x78: {  	_ =	shalt  }
0x79: {  	_ =	shalt  }
0x7a: {  	_ =	shalt  }
0x7b: {  	_ =	shalt  }
0x7c: {  	_ =	shalt  }
0x7d: {  	_ =	shalt  }
0x7e: {  	_ =	shalt  }
0x7f: {  	_ =	shalt  }
0x80: {  	_ =	shalt  }
0x81: {  	_ =	shalt  }
0x82: {  	_ =	shalt  }
0x83: {  	_ =	shalt  }
0x84: {  	_ =	shalt  }
0x85: {  	_ =	shalt  }
0x86: {  	_ =	shalt  }
0x87: {  	_ =	shalt  }
.Lfunc_end0:
.L_simem_size_0:
called_computation_lowered:
.L_overlay_start_0:
0x88: {  	s2 =	sld [smem:$0x3FD9]  }
0x89: {  	s3 =	sld [smem:$0x3FFE];
	_ =	sdelay $0x1  }
0x8a: {  	s1 =	srdreg.scid  }
0x8b: {  	s0 =	sand.u32 $0x1, s1  }
0x8c: {  	s18 =	sshll.u32 s0, $0xA;
	s2 =	sadd.s32 s3, s2  }
0x8d: {  	s2 =	sadd.s32 s2, s18  }
0x8e: {  	[smem:$0x3FC6] =	sst s2  }
0x8f: {  	_ = 	snop  }
0x90: {  	s2 =	sld [smem:$0x3FC9]  }
0x91: {  	s19 =	sld [smem:$0x3FC8]  }
0x92: {  	s4 =	sld [smem:$0x3FD0];
	(tm) =	ssettm $0x1  }
0x93: {  	s5 =	sld [smem:$0x3FFB];
	_ =	sdelay $0x3  }
0x94: {  	_ =	strace s5  }
0x95: {  	s5 =	sld [smem:$0x3FFC];
	_ =	sdelay $0x3  }
0x96: {  	_ =	strace s5  }
0x97: {  	s5 =	sld [smem:$0x3FFD];
	_ =	sdelay $0x3  }
0x98: {  	_ =	strace s5  }
0x99: {  	_ =	strace $0x8FFFFFFF  }
0x9a: {  	s20 =	sld [smem:$0x3FDB];
	_ =	sdelay $0x1  }
0x9b: {  	s6 =	simm.s32 $_scs_section_size  }
0x9c: {  	s7 =	simm.s32 $_size__tile_overlayer_lowered;
	s8 =	simm.s32 $_tile_overlayer_lowered  }
0x9d: {  	s23 =	simm.s32 $0x1BFF;
	s22 =	sshll.u32 s8, $0x1;
	s5 =	sadd.s32 s6, s20  }
0x9e: {  	s9 =	simm.s32 $0x0;
	s21 =	sshll.u32 s7, $0x1;
	s7 =	sadd.s32 s22, s5  }
0x9f: {  	[timem:s9], [sflag:s23] =	dma.local [hbm:s7], s21  }
0xa0: {  	_ =	swait.ge [sflag:s23], s21  }
0xa1: {  	s6 =	ssub.s32 $0x0, s21;
	[sflag:s23] =	ssyncset.done $0x0  }
0xa2: {  	[sflag:s23] =	ssyncadd.s32 s6;
	_ =	sdelay $0x1  }
0xa3: {  	s24 =	simm.s32 $0x1B8B  }
0xa4: {  	_ =	swait.ge [sflag:s24], $0x1  }
0xa5: {  	[sflag:s24] =	ssyncset.done $0x0  }
0xa6: {  	s25 =	simm.s32 $0x1B8E;
	[sflag:s24] =	ssyncadd.s32 $0xFFFFFFFF  }
0xa7: {  	s26 =	simm.s32 $execute0_lowered;
	[smem:$0x3FD2] =	sst s25  }
0xa8: {  	s6 =	sshll.u32 s26, $0x1;
	_ =	strace $0x80000046;
	[dreg:$0x1] =	wrdreg $0xFFFFFFFF  }
0xa9: {  	s28 =	simm.s32 $_size_execute0_lowered;
	s5 =	sadd.s32 s5, s6;
	[dreg:$0x0] =	wrdreg $0x0  }
0xaa: {  	s6 =	sshll.u32 s28, $0x1;
	[dreg:$0x2] =	wrdreg s5  }
0xab: {  	[dreg:$0x3] =	wrdreg s6  }
0xac: {  	[dreg:$0x4] =	wrdreg $0xC0  }
0xad: {  	_ =	task [dreg:s9], $0x5FFFF  }
0xae: {  	[dreg:$0x1] =	wrdreg $0xFFFFFFFF  }
0xaf: {  	[dreg:$0x0] =	wrdreg $0x60  }
0xb0: {  	[dreg:$0x2] =	wrdreg s2  }
0xb1: {  	[dreg:$0x3] =	wrdreg s19  }
0xb2: {  	[dreg:$0x4] =	wrdreg s4  }
0xb3: {  	[dreg:$0x5] =	wrdreg $0x9  }
0xb4: {  	_ =	task.clear_ibuf [dreg:s9], $0x6FFFF;
	_ =	strace $0x90000046  }
0xb5: {  	s29 =	simm.s32 $0x9;
	_ =	strace $0x80000048  }
0xb6: {  	_ =	swait.ge [sflag:s29], $0x1  }
0xb7: {  	[sflag:s29] =	ssyncadd.s32 $0xFFFFFFFF  }
0xb8: {  	_ =	strace $0x90000048  }
0xb9: {  	_ =	sfence  }
0xba: {  	s30 =	sld [smem:$0x0];
	_ =	sdelay $0x2  }
0xbb: {  	s31 =	sshll.u32 s1, $0xD;
	s1 =	sshrl.u32 s1, $0x2  }
0xbc: {  	s3 =	sand.u32 $0x4000, s31;
	s1 =	sadd.s32 s1, s30  }
0xbd: {  	s0 =	sor.u32 s3, s0;
	s1 =	sshll.u32 s1, $0x11  }
0xbe: {  	s0 =	sor.u32 s1, s0  }
0xbf: {  	s0 =	sadd.s32 $0x8F2B, s0  }
0xc0: {  	[sflag:s0] =	ssyncadd.remote.s32 $0x1  }
0xc1: {  	_ =	sfence.sel $0xFFFF  }
0xc2: {  	[dreg:$0x0] =	wrdreg $0xFFFFFFFF;
	(pc) =	sbr.abs _section_cstart, $3  }
0xc3: {  	[dreg:$0x1] =	wrdreg $0xFFFFFFFF  }
0xc4: {  	_ =	task.clear_ibuf [dreg:s9], $0x2FFFF;
	_ =	strace $0x9FFFFFFF  }
0xc5: {  	(tm) =	ssettm $0x7FFFFFFF  }
tec
execute0_lowered:
.L_overlay_start_1:
0x0: {  	(tag) =	ssettag $0x1  }
0x1: {  	s0 =	stileid.u32  }
0x2: {  	s1 =	srdreg.scid;
	s2 =	ssub.s32 $0x8, s0  }
0x3: {  	s5 =	sand.u32 $0x1, s1;
	p0 =	sgt.s32 s2, $0x0  }
0x4: {  	s3 =	ssub.s32 $0x2, s5;
	s2 =	simm.s32 @!p0 $0x0  }
0x5: {  	s4 =	sshrl.u32 s3, $0x1;
	s2 =	sadd.s32 $0xF, s2  }
0x6: {  	s3 =	ssub.s32 s3, s4;
	s2 =	sshrl.u32 s2, $0x4  }
0x7: {  	s3 =	smul.u32 s3, s2;
	_ =	sdelay $0x1  }
0x8: {  	p0 =	seq.s32 s3, $0x0  }
.Ltmp0:
0x9: {  	s6 =	rddreg [dreg:$0x1];
	(pc) =	sbr.rel @p0 .LBB2_3-.Ltmp0, $4  }
0xa: {  	s7 =	rddreg [dreg:$0x2]  }
0xb: {  	s1 =	rddreg [dreg:$0x0];
	s4 =	simm.s32 $0x0  }
0xc: {  	[smem:$0x7FF] =	sst s4  }
0xd: {  	s2 =	rddreg [dreg:$0x3];
	_ =	strace $0x80000047  }
0xe: {  	s8 =	sshll.u32 s0, $0x2  }
0xf: {  	s5 =	sshll.u32 s5, $0x1;
	s10 =	sadd.s32 $0x180, s1;
	s11 =	simm.s32 $0x800  }
0x10: {  	s12 =	simm.s32 $0x1000;
	s13 =	simm.s32 $0x1800;
	s14 =	simm.s32 $0x2000  }
0x11: {  	s15 =	simm.s32 $0x2;
	s16 =	simm.s32 $0x1;
	s5 =	sor.u32 s5, s8  }
0x12: {  	s17 =	simm.s32 $0x3;
	s8 =	sshll.u32 s5, $0x4;
	s9 =	sshll.u32 s5, $0xA  }
0x13: {  	s18 =	simm.s32 $0x4;
	s5 =	sadd.s32 s6, s8;
	s6 =	sadd.s32 s7, s9  }
0x14: {  	s8 =	sadd.s32 $0x80, s1;
	s9 =	sadd.s32 $0x100, s1;
	s7 =	sadd.s32 $0x400, s6  }
.LBB2_2:
0x15: {  	[tilespmem:s4], [sflag:$0x1] =	stream.linear.gather [hbm4b:s1+s4], $0x400, $0x38;
	[tilespmem:$0x2100] =	vst v63  }
0x16: {  	_ = 	snop  }
0x17: {  	[tilespmem:s11], [sflag:$0x1] =	stream.linear.gather [hbm4b:s8+s4], $0x400, $0x38;
	[tilespmem:$0x2100] =	vst v63  }
0x18: {  	_ = 	snop  }
0x19: {  	[tilespmem:s12], [sflag:$0x1] =	stream.linear.gather [hbm4b:s9+s4], $0x400, $0x38;
	[tilespmem:$0x2100] =	vst v63  }
0x1a: {  	_ = 	snop  }
0x1b: {  	[tilespmem:s13], [sflag:$0x1] =	stream.linear.gather [hbm4b:s10+s4], $0x400, $0x38;
	[tilespmem:$0x2100] =	vst v63  }
0x1c: {  	_ = 	snop  }
0x1d: {  	[tilespmem:s14], [sflag:$0x2] =	stream.linear.gather [hbm4b:s5+s4], $0x100, $0x38;
	[tilespmem:$0x2100] =	vst v63  }
0x1e: {  	_ =	swait.ge [sflag:s15], $0x100  }
0x1f: {  	[sflag:s15] =	ssyncset.done $0x0  }
0x20: {  	[sflag:s15] =	ssyncadd.s32 $0xFFFFFF00  }
0x21: {  	v0 =	vld [tilespmem:$0x2000];
	_ =	sdelay $0x4  }
0x22: {  	[tilespmem:$0x400] =	vst v0  }
0x23: {  	[tilespmem:$0x480] =	vst v0  }
0x24: {  	[tilespmem:$0x500] =	vst v0  }
0x25: {  	[tilespmem:$0x580] =	vst v0  }
0x26: {  	[tilespmem:$0x600] =	vst v0  }
0x27: {  	[tilespmem:$0x680] =	vst v0  }
0x28: {  	[tilespmem:$0x700] =	vst v0  }
0x29: {  	[tilespmem:$0x780] =	vst v0  }
0x2a: {  	[tilespmem:$0xC00] =	vst v0  }
0x2b: {  	[tilespmem:$0xC80] =	vst v0  }
0x2c: {  	[tilespmem:$0xD00] =	vst v0  }
0x2d: {  	[tilespmem:$0xD80] =	vst v0  }
0x2e: {  	[tilespmem:$0xE00] =	vst v0  }
0x2f: {  	[tilespmem:$0xE80] =	vst v0  }
0x30: {  	[tilespmem:$0xF00] =	vst v0  }
0x31: {  	[tilespmem:$0xF80] =	vst v0  }
0x32: {  	[tilespmem:$0x1400] =	vst v0  }
0x33: {  	[tilespmem:$0x1480] =	vst v0  }
0x34: {  	[tilespmem:$0x1500] =	vst v0  }
0x35: {  	[tilespmem:$0x1580] =	vst v0  }
0x36: {  	[tilespmem:$0x1600] =	vst v0  }
0x37: {  	[tilespmem:$0x1680] =	vst v0  }
0x38: {  	[tilespmem:$0x1700] =	vst v0  }
0x39: {  	[tilespmem:$0x1780] =	vst v0  }
0x3a: {  	[tilespmem:$0x1C00] =	vst v0  }
0x3b: {  	[tilespmem:$0x1C80] =	vst v0  }
0x3c: {  	[tilespmem:$0x1D00] =	vst v0  }
0x3d: {  	v1 =	vld [tilespmem:$0x2010];
	[tilespmem:$0x1D80] =	vst v0  }
0x3e: {  	[tilespmem:$0x1E00] =	vst v0  }
0x3f: {  	[tilespmem:$0x1E80] =	vst v0  }
0x40: {  	[tilespmem:$0x1F00] =	vst v0  }
0x41: {  	[tilespmem:$0x1F80] =	vst v0  }
0x42: {  	[tilespmem:$0x410] =	vst v1  }
0x43: {  	[tilespmem:$0x490] =	vst v1  }
0x44: {  	[tilespmem:$0x510] =	vst v1  }
0x45: {  	[tilespmem:$0x590] =	vst v1  }
0x46: {  	[tilespmem:$0x610] =	vst v1  }
0x47: {  	[tilespmem:$0x690] =	vst v1  }
0x48: {  	[tilespmem:$0x710] =	vst v1  }
0x49: {  	[tilespmem:$0x790] =	vst v1  }
0x4a: {  	[tilespmem:$0xC10] =	vst v1  }
0x4b: {  	[tilespmem:$0xC90] =	vst v1  }
0x4c: {  	[tilespmem:$0xD10] =	vst v1  }
0x4d: {  	[tilespmem:$0xD90] =	vst v1  }
0x4e: {  	[tilespmem:$0xE10] =	vst v1  }
0x4f: {  	[tilespmem:$0xE90] =	vst v1  }
0x50: {  	[tilespmem:$0xF10] =	vst v1  }
0x51: {  	[tilespmem:$0xF90] =	vst v1  }
0x52: {  	[tilespmem:$0x1410] =	vst v1  }
0x53: {  	[tilespmem:$0x1490] =	vst v1  }
0x54: {  	[tilespmem:$0x1510] =	vst v1  }
0x55: {  	[tilespmem:$0x1590] =	vst v1  }
0x56: {  	[tilespmem:$0x1610] =	vst v1  }
0x57: {  	[tilespmem:$0x1690] =	vst v1  }
0x58: {  	[tilespmem:$0x1710] =	vst v1  }
0x59: {  	[tilespmem:$0x1790] =	vst v1  }
0x5a: {  	[tilespmem:$0x1C10] =	vst v1  }
0x5b: {  	[tilespmem:$0x1C90] =	vst v1  }
0x5c: {  	[tilespmem:$0x1D10] =	vst v1  }
0x5d: {  	[tilespmem:$0x1D90] =	vst v1;
	v50 =	vld [tilespmem:$0x2020]  }
0x5e: {  	[tilespmem:$0x1E10] =	vst v1  }
0x5f: {  	[tilespmem:$0x1E90] =	vst v1  }
0x60: {  	[tilespmem:$0x1F10] =	vst v1  }
0x61: {  	[tilespmem:$0x1F90] =	vst v1  }
0x62: {  	[tilespmem:$0x420] =	vst v50  }
0x63: {  	[tilespmem:$0x4A0] =	vst v50  }
0x64: {  	[tilespmem:$0x520] =	vst v50  }
0x65: {  	[tilespmem:$0x5A0] =	vst v50  }
0x66: {  	[tilespmem:$0x620] =	vst v50  }
0x67: {  	[tilespmem:$0x6A0] =	vst v50  }
0x68: {  	[tilespmem:$0x720] =	vst v50  }
0x69: {  	[tilespmem:$0x7A0] =	vst v50  }
0x6a: {  	[tilespmem:$0xC20] =	vst v50  }
0x6b: {  	[tilespmem:$0xCA0] =	vst v50  }
0x6c: {  	[tilespmem:$0xD20] =	vst v50  }
0x6d: {  	[tilespmem:$0xDA0] =	vst v50  }
0x6e: {  	[tilespmem:$0xE20] =	vst v50  }
0x6f: {  	[tilespmem:$0xEA0] =	vst v50  }
0x70: {  	[tilespmem:$0xF20] =	vst v50  }
0x71: {  	[tilespmem:$0xFA0] =	vst v50  }
0x72: {  	[tilespmem:$0x1420] =	vst v50  }
0x73: {  	[tilespmem:$0x14A0] =	vst v50  }
0x74: {  	[tilespmem:$0x1520] =	vst v50  }
0x75: {  	[tilespmem:$0x15A0] =	vst v50  }
0x76: {  	[tilespmem:$0x1620] =	vst v50  }
0x77: {  	[tilespmem:$0x16A0] =	vst v50  }
0x78: {  	[tilespmem:$0x1720] =	vst v50  }
0x79: {  	[tilespmem:$0x17A0] =	vst v50  }
0x7a: {  	[tilespmem:$0x1C20] =	vst v50  }
0x7b: {  	[tilespmem:$0x1CA0] =	vst v50  }
0x7c: {  	[tilespmem:$0x1D20] =	vst v50  }
0x7d: {  	v51 =	vld [tilespmem:$0x2030];
	[tilespmem:$0x1DA0] =	vst v50  }
0x7e: {  	[tilespmem:$0x1E20] =	vst v50  }
0x7f: {  	[tilespmem:$0x1EA0] =	vst v50  }
0x80: {  	[tilespmem:$0x1F20] =	vst v50  }
0x81: {  	[tilespmem:$0x1FA0] =	vst v50  }
0x82: {  	[tilespmem:$0x430] =	vst v51  }
0x83: {  	[tilespmem:$0x4B0] =	vst v51  }
0x84: {  	[tilespmem:$0x530] =	vst v51  }
0x85: {  	[tilespmem:$0x5B0] =	vst v51  }
0x86: {  	[tilespmem:$0x630] =	vst v51  }
0x87: {  	[tilespmem:$0x6B0] =	vst v51  }
0x88: {  	[tilespmem:$0x730] =	vst v51  }
0x89: {  	[tilespmem:$0x7B0] =	vst v51  }
0x8a: {  	[tilespmem:$0xC30] =	vst v51  }
0x8b: {  	[tilespmem:$0xCB0] =	vst v51  }
0x8c: {  	[tilespmem:$0xD30] =	vst v51  }
0x8d: {  	[tilespmem:$0xDB0] =	vst v51  }
0x8e: {  	[tilespmem:$0xE30] =	vst v51  }
0x8f: {  	[tilespmem:$0xEB0] =	vst v51  }
0x90: {  	[tilespmem:$0xF30] =	vst v51  }
0x91: {  	[tilespmem:$0xFB0] =	vst v51  }
0x92: {  	[tilespmem:$0x1430] =	vst v51  }
0x93: {  	[tilespmem:$0x14B0] =	vst v51  }
0x94: {  	[tilespmem:$0x1530] =	vst v51  }
0x95: {  	[tilespmem:$0x15B0] =	vst v51  }
0x96: {  	[tilespmem:$0x1630] =	vst v51  }
0x97: {  	[tilespmem:$0x16B0] =	vst v51  }
0x98: {  	[tilespmem:$0x1730] =	vst v51  }
0x99: {  	[tilespmem:$0x17B0] =	vst v51  }
0x9a: {  	[tilespmem:$0x1C30] =	vst v51  }
0x9b: {  	[tilespmem:$0x1CB0] =	vst v51  }
0x9c: {  	[tilespmem:$0x1D30] =	vst v51  }
0x9d: {  	v52 =	vld [tilespmem:$0x2040];
	[tilespmem:$0x1DB0] =	vst v51  }
0x9e: {  	[tilespmem:$0x1E30] =	vst v51  }
0x9f: {  	[tilespmem:$0x1EB0] =	vst v51  }
0xa0: {  	[tilespmem:$0x1F30] =	vst v51  }
0xa1: {  	[tilespmem:$0x1FB0] =	vst v51  }
0xa2: {  	[tilespmem:$0x440] =	vst v52  }
0xa3: {  	[tilespmem:$0x4C0] =	vst v52  }
0xa4: {  	[tilespmem:$0x540] =	vst v52  }
0xa5: {  	[tilespmem:$0x5C0] =	vst v52  }
0xa6: {  	[tilespmem:$0x640] =	vst v52  }
0xa7: {  	[tilespmem:$0x6C0] =	vst v52  }
0xa8: {  	[tilespmem:$0x740] =	vst v52  }
0xa9: {  	[tilespmem:$0x7C0] =	vst v52  }
0xaa: {  	[tilespmem:$0xC40] =	vst v52  }
0xab: {  	[tilespmem:$0xCC0] =	vst v52  }
0xac: {  	[tilespmem:$0xD40] =	vst v52  }
0xad: {  	[tilespmem:$0xDC0] =	vst v52  }
0xae: {  	[tilespmem:$0xE40] =	vst v52  }
0xaf: {  	[tilespmem:$0xEC0] =	vst v52  }
0xb0: {  	[tilespmem:$0xF40] =	vst v52  }
0xb1: {  	[tilespmem:$0xFC0] =	vst v52  }
0xb2: {  	[tilespmem:$0x1440] =	vst v52  }
0xb3: {  	[tilespmem:$0x14C0] =	vst v52  }
0xb4: {  	[tilespmem:$0x1540] =	vst v52  }
0xb5: {  	[tilespmem:$0x15C0] =	vst v52  }
0xb6: {  	[tilespmem:$0x1640] =	vst v52  }
0xb7: {  	[tilespmem:$0x16C0] =	vst v52  }
0xb8: {  	[tilespmem:$0x1740] =	vst v52  }
0xb9: {  	[tilespmem:$0x17C0] =	vst v52  }
0xba: {  	[tilespmem:$0x1C40] =	vst v52  }
0xbb: {  	[tilespmem:$0x1CC0] =	vst v52  }
0xbc: {  	[tilespmem:$0x1D40] =	vst v52  }
0xbd: {  	v53 =	vld [tilespmem:$0x2050];
	[tilespmem:$0x1DC0] =	vst v52  }
0xbe: {  	[tilespmem:$0x1E40] =	vst v52  }
0xbf: {  	[tilespmem:$0x1EC0] =	vst v52  }
0xc0: {  	[tilespmem:$0x1F40] =	vst v52  }
0xc1: {  	[tilespmem:$0x1FC0] =	vst v52  }
0xc2: {  	[tilespmem:$0x450] =	vst v53  }
0xc3: {  	[tilespmem:$0x4D0] =	vst v53  }
0xc4: {  	[tilespmem:$0x550] =	vst v53  }
0xc5: {  	[tilespmem:$0x5D0] =	vst v53  }
0xc6: {  	[tilespmem:$0x650] =	vst v53  }
0xc7: {  	[tilespmem:$0x6D0] =	vst v53  }
0xc8: {  	[tilespmem:$0x750] =	vst v53  }
0xc9: {  	[tilespmem:$0x7D0] =	vst v53  }
0xca: {  	[tilespmem:$0xC50] =	vst v53  }
0xcb: {  	[tilespmem:$0xCD0] =	vst v53  }
0xcc: {  	[tilespmem:$0xD50] =	vst v53  }
0xcd: {  	[tilespmem:$0xDD0] =	vst v53  }
0xce: {  	[tilespmem:$0xE50] =	vst v53  }
0xcf: {  	[tilespmem:$0xED0] =	vst v53  }
0xd0: {  	[tilespmem:$0xF50] =	vst v53  }
0xd1: {  	[tilespmem:$0xFD0] =	vst v53  }
0xd2: {  	[tilespmem:$0x1450] =	vst v53  }
0xd3: {  	[tilespmem:$0x14D0] =	vst v53  }
0xd4: {  	[tilespmem:$0x1550] =	vst v53  }
0xd5: {  	[tilespmem:$0x15D0] =	vst v53  }
0xd6: {  	[tilespmem:$0x1650] =	vst v53  }
0xd7: {  	[tilespmem:$0x16D0] =	vst v53  }
0xd8: {  	[tilespmem:$0x1750] =	vst v53  }
0xd9: {  	[tilespmem:$0x17D0] =	vst v53  }
0xda: {  	[tilespmem:$0x1C50] =	vst v53  }
0xdb: {  	[tilespmem:$0x1CD0] =	vst v53  }
0xdc: {  	[tilespmem:$0x1D50] =	vst v53  }
0xdd: {  	v54 =	vld [tilespmem:$0x2060];
	[tilespmem:$0x1DD0] =	vst v53  }
0xde: {  	[tilespmem:$0x1E50] =	vst v53  }
0xdf: {  	[tilespmem:$0x1ED0] =	vst v53  }
0xe0: {  	[tilespmem:$0x1F50] =	vst v53  }
0xe1: {  	[tilespmem:$0x1FD0] =	vst v53  }
0xe2: {  	[tilespmem:$0x460] =	vst v54  }
0xe3: {  	[tilespmem:$0x4E0] =	vst v54  }
0xe4: {  	[tilespmem:$0x560] =	vst v54  }
0xe5: {  	[tilespmem:$0x5E0] =	vst v54  }
0xe6: {  	[tilespmem:$0x660] =	vst v54  }
0xe7: {  	[tilespmem:$0x6E0] =	vst v54  }
0xe8: {  	[tilespmem:$0x760] =	vst v54  }
0xe9: {  	[tilespmem:$0x7E0] =	vst v54  }
0xea: {  	[tilespmem:$0xC60] =	vst v54  }
0xeb: {  	[tilespmem:$0xCE0] =	vst v54  }
0xec: {  	[tilespmem:$0xD60] =	vst v54  }
0xed: {  	[tilespmem:$0xDE0] =	vst v54  }
0xee: {  	[tilespmem:$0xE60] =	vst v54  }
0xef: {  	[tilespmem:$0xEE0] =	vst v54  }
0xf0: {  	[tilespmem:$0xF60] =	vst v54  }
0xf1: {  	[tilespmem:$0xFE0] =	vst v54  }
0xf2: {  	[tilespmem:$0x1460] =	vst v54  }
0xf3: {  	[tilespmem:$0x14E0] =	vst v54  }
0xf4: {  	[tilespmem:$0x1560] =	vst v54  }
0xf5: {  	[tilespmem:$0x15E0] =	vst v54  }
0xf6: {  	[tilespmem:$0x1660] =	vst v54  }
0xf7: {  	[tilespmem:$0x16E0] =	vst v54  }
0xf8: {  	[tilespmem:$0x1760] =	vst v54  }
0xf9: {  	[tilespmem:$0x17E0] =	vst v54  }
0xfa: {  	[tilespmem:$0x1C60] =	vst v54  }
0xfb: {  	[tilespmem:$0x1CE0] =	vst v54  }
0xfc: {  	[tilespmem:$0x1D60] =	vst v54  }
0xfd: {  	v55 =	vld [tilespmem:$0x2070];
	[tilespmem:$0x1DE0] =	vst v54  }
0xfe: {  	[tilespmem:$0x1E60] =	vst v54  }
0xff: {  	[tilespmem:$0x1EE0] =	vst v54  }
0x100: {  	[tilespmem:$0x1F60] =	vst v54  }
0x101: {  	[tilespmem:$0x1FE0] =	vst v54  }
0x102: {  	[tilespmem:$0x470] =	vst v55  }
0x103: {  	[tilespmem:$0x4F0] =	vst v55  }
0x104: {  	[tilespmem:$0x570] =	vst v55  }
0x105: {  	[tilespmem:$0x5F0] =	vst v55  }
0x106: {  	[tilespmem:$0x670] =	vst v55  }
0x107: {  	[tilespmem:$0x6F0] =	vst v55  }
0x108: {  	[tilespmem:$0x770] =	vst v55  }
0x109: {  	[tilespmem:$0x7F0] =	vst v55  }
0x10a: {  	[tilespmem:$0xC70] =	vst v55  }
0x10b: {  	[tilespmem:$0xCF0] =	vst v55  }
0x10c: {  	[tilespmem:$0xD70] =	vst v55  }
0x10d: {  	[tilespmem:$0xDF0] =	vst v55  }
0x10e: {  	[tilespmem:$0xE70] =	vst v55  }
0x10f: {  	[tilespmem:$0xEF0] =	vst v55  }
0x110: {  	[tilespmem:$0xF70] =	vst v55  }
0x111: {  	[tilespmem:$0xFF0] =	vst v55  }
0x112: {  	[tilespmem:$0x1470] =	vst v55  }
0x113: {  	[tilespmem:$0x14F0] =	vst v55  }
0x114: {  	[tilespmem:$0x1570] =	vst v55  }
0x115: {  	[tilespmem:$0x15F0] =	vst v55  }
0x116: {  	[tilespmem:$0x1670] =	vst v55  }
0x117: {  	[tilespmem:$0x16F0] =	vst v55  }
0x118: {  	[tilespmem:$0x1770] =	vst v55  }
0x119: {  	[tilespmem:$0x17F0] =	vst v55  }
0x11a: {  	[tilespmem:$0x1C70] =	vst v55  }
0x11b: {  	[tilespmem:$0x1CF0] =	vst v55  }
0x11c: {  	[tilespmem:$0x1D70] =	vst v55  }
0x11d: {  	[tilespmem:$0x1DF0] =	vst v55  }
0x11e: {  	[tilespmem:$0x1E70] =	vst v55  }
0x11f: {  	[tilespmem:$0x1EF0] =	vst v55  }
0x120: {  	[tilespmem:$0x1F70] =	vst v55  }
0x121: {  	[tilespmem:$0x1FF0] =	vst v55  }
0x122: {  	_ =	swait.ge [sflag:s16], $0x1000  }
0x123: {  	[sflag:s16] =	ssyncset.done $0x0  }
0x124: {  	[sflag:s16] =	ssyncadd.s32 $0xFFFFF000  }
0x125: {  	[hbm4b:s6+s4] =	stream.linear.scatter [tilespmem:s4], [sflag:$0x3], $0x2000, $0x38;
	[tilespmem:$0x2100] =	vst v63  }
0x126: {  	_ =	swait.ge [sflag:s17], $0x2000  }
0x127: {  	[sflag:s17] =	ssyncset.done $0x0  }
0x128: {  	[sflag:s17] =	ssyncadd.s32 $0xFFFFE000  }
0x129: {  	v56 =	vld [tilespmem:$0x2080];
	_ =	sdelay $0x4  }
0x12a: {  	[tilespmem:$0x400] =	vst v56  }
0x12b: {  	[tilespmem:$0x480] =	vst v56  }
0x12c: {  	[tilespmem:$0x500] =	vst v56  }
0x12d: {  	[tilespmem:$0x580] =	vst v56  }
0x12e: {  	[tilespmem:$0x600] =	vst v56  }
0x12f: {  	[tilespmem:$0x680] =	vst v56  }
0x130: {  	[tilespmem:$0x700] =	vst v56  }
0x131: {  	[tilespmem:$0x780] =	vst v56  }
0x132: {  	[tilespmem:$0xC00] =	vst v56  }
0x133: {  	[tilespmem:$0xC80] =	vst v56  }
0x134: {  	[tilespmem:$0xD00] =	vst v56  }
0x135: {  	[tilespmem:$0xD80] =	vst v56  }
0x136: {  	[tilespmem:$0xE00] =	vst v56  }
0x137: {  	[tilespmem:$0xE80] =	vst v56  }
0x138: {  	[tilespmem:$0xF00] =	vst v56  }
0x139: {  	[tilespmem:$0xF80] =	vst v56  }
0x13a: {  	[tilespmem:$0x1400] =	vst v56  }
0x13b: {  	[tilespmem:$0x1480] =	vst v56  }
0x13c: {  	[tilespmem:$0x1500] =	vst v56  }
0x13d: {  	[tilespmem:$0x1580] =	vst v56  }
0x13e: {  	[tilespmem:$0x1600] =	vst v56  }
0x13f: {  	[tilespmem:$0x1680] =	vst v56  }
0x140: {  	[tilespmem:$0x1700] =	vst v56  }
0x141: {  	[tilespmem:$0x1780] =	vst v56  }
0x142: {  	[tilespmem:$0x1C00] =	vst v56  }
0x143: {  	[tilespmem:$0x1C80] =	vst v56  }
0x144: {  	[tilespmem:$0x1D00] =	vst v56  }
0x145: {  	v57 =	vld [tilespmem:$0x2090];
	[tilespmem:$0x1D80] =	vst v56  }
0x146: {  	[tilespmem:$0x1E00] =	vst v56  }
0x147: {  	[tilespmem:$0x1E80] =	vst v56  }
0x148: {  	[tilespmem:$0x1F00] =	vst v56  }
0x149: {  	[tilespmem:$0x1F80] =	vst v56  }
0x14a: {  	[tilespmem:$0x410] =	vst v57  }
0x14b: {  	[tilespmem:$0x490] =	vst v57  }
0x14c: {  	[tilespmem:$0x510] =	vst v57  }
0x14d: {  	[tilespmem:$0x590] =	vst v57  }
0x14e: {  	[tilespmem:$0x610] =	vst v57  }
0x14f: {  	[tilespmem:$0x690] =	vst v57  }
0x150: {  	[tilespmem:$0x710] =	vst v57  }
0x151: {  	[tilespmem:$0x790] =	vst v57  }
0x152: {  	[tilespmem:$0xC10] =	vst v57  }
0x153: {  	[tilespmem:$0xC90] =	vst v57  }
0x154: {  	[tilespmem:$0xD10] =	vst v57  }
0x155: {  	[tilespmem:$0xD90] =	vst v57  }
0x156: {  	[tilespmem:$0xE10] =	vst v57  }
0x157: {  	[tilespmem:$0xE90] =	vst v57  }
0x158: {  	[tilespmem:$0xF10] =	vst v57  }
0x159: {  	[tilespmem:$0xF90] =	vst v57  }
0x15a: {  	[tilespmem:$0x1410] =	vst v57  }
0x15b: {  	[tilespmem:$0x1490] =	vst v57  }
0x15c: {  	[tilespmem:$0x1510] =	vst v57  }
0x15d: {  	[tilespmem:$0x1590] =	vst v57  }
0x15e: {  	[tilespmem:$0x1610] =	vst v57  }
0x15f: {  	[tilespmem:$0x1690] =	vst v57  }
0x160: {  	[tilespmem:$0x1710] =	vst v57  }
0x161: {  	[tilespmem:$0x1790] =	vst v57  }
0x162: {  	[tilespmem:$0x1C10] =	vst v57  }
0x163: {  	[tilespmem:$0x1C90] =	vst v57  }
0x164: {  	[tilespmem:$0x1D10] =	vst v57  }
0x165: {  	v58 =	vld [tilespmem:$0x20A0];
	[tilespmem:$0x1D90] =	vst v57  }
0x166: {  	[tilespmem:$0x1E10] =	vst v57  }
0x167: {  	[tilespmem:$0x1E90] =	vst v57  }
0x168: {  	[tilespmem:$0x1F10] =	vst v57  }
0x169: {  	[tilespmem:$0x1F90] =	vst v57  }
0x16a: {  	[tilespmem:$0x420] =	vst v58  }
0x16b: {  	[tilespmem:$0x4A0] =	vst v58  }
0x16c: {  	[tilespmem:$0x520] =	vst v58  }
0x16d: {  	[tilespmem:$0x5A0] =	vst v58  }
0x16e: {  	[tilespmem:$0x620] =	vst v58  }
0x16f: {  	[tilespmem:$0x6A0] =	vst v58  }
0x170: {  	[tilespmem:$0x720] =	vst v58  }
0x171: {  	[tilespmem:$0x7A0] =	vst v58  }
0x172: {  	[tilespmem:$0xC20] =	vst v58  }
0x173: {  	[tilespmem:$0xCA0] =	vst v58  }
0x174: {  	[tilespmem:$0xD20] =	vst v58  }
0x175: {  	[tilespmem:$0xDA0] =	vst v58  }
0x176: {  	[tilespmem:$0xE20] =	vst v58  }
0x177: {  	[tilespmem:$0xEA0] =	vst v58  }
0x178: {  	[tilespmem:$0xF20] =	vst v58  }
0x179: {  	[tilespmem:$0xFA0] =	vst v58  }
0x17a: {  	[tilespmem:$0x1420] =	vst v58  }
0x17b: {  	[tilespmem:$0x14A0] =	vst v58  }
0x17c: {  	[tilespmem:$0x1520] =	vst v58  }
0x17d: {  	[tilespmem:$0x15A0] =	vst v58  }
0x17e: {  	[tilespmem:$0x1620] =	vst v58  }
0x17f: {  	[tilespmem:$0x16A0] =	vst v58  }
0x180: {  	[tilespmem:$0x1720] =	vst v58  }
0x181: {  	[tilespmem:$0x17A0] =	vst v58  }
0x182: {  	[tilespmem:$0x1C20] =	vst v58  }
0x183: {  	[tilespmem:$0x1CA0] =	vst v58  }
0x184: {  	[tilespmem:$0x1D20] =	vst v58  }
0x185: {  	v59 =	vld [tilespmem:$0x20B0];
	[tilespmem:$0x1DA0] =	vst v58  }
0x186: {  	[tilespmem:$0x1E20] =	vst v58  }
0x187: {  	[tilespmem:$0x1EA0] =	vst v58  }
0x188: {  	[tilespmem:$0x1F20] =	vst v58  }
0x189: {  	[tilespmem:$0x1FA0] =	vst v58  }
0x18a: {  	[tilespmem:$0x430] =	vst v59  }
0x18b: {  	[tilespmem:$0x4B0] =	vst v59  }
0x18c: {  	[tilespmem:$0x530] =	vst v59  }
0x18d: {  	[tilespmem:$0x5B0] =	vst v59  }
0x18e: {  	[tilespmem:$0x630] =	vst v59  }
0x18f: {  	[tilespmem:$0x6B0] =	vst v59  }
0x190: {  	[tilespmem:$0x730] =	vst v59  }
0x191: {  	[tilespmem:$0x7B0] =	vst v59  }
0x192: {  	[tilespmem:$0xC30] =	vst v59  }
0x193: {  	[tilespmem:$0xCB0] =	vst v59  }
0x194: {  	[tilespmem:$0xD30] =	vst v59  }
0x195: {  	[tilespmem:$0xDB0] =	vst v59  }
0x196: {  	[tilespmem:$0xE30] =	vst v59  }
0x197: {  	[tilespmem:$0xEB0] =	vst v59  }
0x198: {  	[tilespmem:$0xF30] =	vst v59  }
0x199: {  	[tilespmem:$0xFB0] =	vst v59  }
0x19a: {  	[tilespmem:$0x1430] =	vst v59  }
0x19b: {  	[tilespmem:$0x14B0] =	vst v59  }
0x19c: {  	[tilespmem:$0x1530] =	vst v59  }
0x19d: {  	[tilespmem:$0x15B0] =	vst v59  }
0x19e: {  	[tilespmem:$0x1630] =	vst v59  }
0x19f: {  	[tilespmem:$0x16B0] =	vst v59  }
0x1a0: {  	[tilespmem:$0x1730] =	vst v59  }
0x1a1: {  	[tilespmem:$0x17B0] =	vst v59  }
0x1a2: {  	[tilespmem:$0x1C30] =	vst v59  }
0x1a3: {  	[tilespmem:$0x1CB0] =	vst v59  }
0x1a4: {  	[tilespmem:$0x1D30] =	vst v59  }
0x1a5: {  	v60 =	vld [tilespmem:$0x20C0];
	[tilespmem:$0x1DB0] =	vst v59  }
0x1a6: {  	[tilespmem:$0x1E30] =	vst v59  }
0x1a7: {  	[tilespmem:$0x1EB0] =	vst v59  }
0x1a8: {  	[tilespmem:$0x1F30] =	vst v59  }
0x1a9: {  	[tilespmem:$0x1FB0] =	vst v59  }
0x1aa: {  	[tilespmem:$0x440] =	vst v60  }
0x1ab: {  	[tilespmem:$0x4C0] =	vst v60  }
0x1ac: {  	[tilespmem:$0x540] =	vst v60  }
0x1ad: {  	[tilespmem:$0x5C0] =	vst v60  }
0x1ae: {  	[tilespmem:$0x640] =	vst v60  }
0x1af: {  	[tilespmem:$0x6C0] =	vst v60  }
0x1b0: {  	[tilespmem:$0x740] =	vst v60  }
0x1b1: {  	[tilespmem:$0x7C0] =	vst v60  }
0x1b2: {  	[tilespmem:$0xC40] =	vst v60  }
0x1b3: {  	[tilespmem:$0xCC0] =	vst v60  }
0x1b4: {  	[tilespmem:$0xD40] =	vst v60  }
0x1b5: {  	[tilespmem:$0xDC0] =	vst v60  }
0x1b6: {  	[tilespmem:$0xE40] =	vst v60  }
0x1b7: {  	[tilespmem:$0xEC0] =	vst v60  }
0x1b8: {  	[tilespmem:$0xF40] =	vst v60  }
0x1b9: {  	[tilespmem:$0xFC0] =	vst v60  }
0x1ba: {  	[tilespmem:$0x1440] =	vst v60  }
0x1bb: {  	[tilespmem:$0x14C0] =	vst v60  }
0x1bc: {  	[tilespmem:$0x1540] =	vst v60  }
0x1bd: {  	[tilespmem:$0x15C0] =	vst v60  }
0x1be: {  	[tilespmem:$0x1640] =	vst v60  }
0x1bf: {  	[tilespmem:$0x16C0] =	vst v60  }
0x1c0: {  	[tilespmem:$0x1740] =	vst v60  }
0x1c1: {  	[tilespmem:$0x17C0] =	vst v60  }
0x1c2: {  	[tilespmem:$0x1C40] =	vst v60  }
0x1c3: {  	[tilespmem:$0x1CC0] =	vst v60  }
0x1c4: {  	[tilespmem:$0x1D40] =	vst v60  }
0x1c5: {  	v61 =	vld [tilespmem:$0x20D0];
	[tilespmem:$0x1DC0] =	vst v60  }
0x1c6: {  	[tilespmem:$0x1E40] =	vst v60  }
0x1c7: {  	[tilespmem:$0x1EC0] =	vst v60  }
0x1c8: {  	[tilespmem:$0x1F40] =	vst v60  }
0x1c9: {  	[tilespmem:$0x1FC0] =	vst v60  }
0x1ca: {  	[tilespmem:$0x450] =	vst v61  }
0x1cb: {  	[tilespmem:$0x4D0] =	vst v61  }
0x1cc: {  	[tilespmem:$0x550] =	vst v61  }
0x1cd: {  	[tilespmem:$0x5D0] =	vst v61  }
0x1ce: {  	[tilespmem:$0x650] =	vst v61  }
0x1cf: {  	[tilespmem:$0x6D0] =	vst v61  }
0x1d0: {  	[tilespmem:$0x750] =	vst v61  }
0x1d1: {  	[tilespmem:$0x7D0] =	vst v61  }
0x1d2: {  	[tilespmem:$0xC50] =	vst v61  }
0x1d3: {  	[tilespmem:$0xCD0] =	vst v61  }
0x1d4: {  	[tilespmem:$0xD50] =	vst v61  }
0x1d5: {  	[tilespmem:$0xDD0] =	vst v61  }
0x1d6: {  	[tilespmem:$0xE50] =	vst v61  }
0x1d7: {  	[tilespmem:$0xED0] =	vst v61  }
0x1d8: {  	[tilespmem:$0xF50] =	vst v61  }
0x1d9: {  	[tilespmem:$0xFD0] =	vst v61  }
0x1da: {  	[tilespmem:$0x1450] =	vst v61  }
0x1db: {  	[tilespmem:$0x14D0] =	vst v61  }
0x1dc: {  	[tilespmem:$0x1550] =	vst v61  }
0x1dd: {  	[tilespmem:$0x15D0] =	vst v61  }
0x1de: {  	[tilespmem:$0x1650] =	vst v61  }
0x1df: {  	[tilespmem:$0x16D0] =	vst v61  }
0x1e0: {  	[tilespmem:$0x1750] =	vst v61  }
0x1e1: {  	[tilespmem:$0x17D0] =	vst v61  }
0x1e2: {  	[tilespmem:$0x1C50] =	vst v61  }
0x1e3: {  	[tilespmem:$0x1CD0] =	vst v61  }
0x1e4: {  	[tilespmem:$0x1D50] =	vst v61  }
0x1e5: {  	v62 =	vld [tilespmem:$0x20E0];
	[tilespmem:$0x1DD0] =	vst v61  }
0x1e6: {  	[tilespmem:$0x1E50] =	vst v61  }
0x1e7: {  	[tilespmem:$0x1ED0] =	vst v61  }
0x1e8: {  	[tilespmem:$0x1F50] =	vst v61  }
0x1e9: {  	[tilespmem:$0x1FD0] =	vst v61  }
0x1ea: {  	[tilespmem:$0x460] =	vst v62  }
0x1eb: {  	[tilespmem:$0x4E0] =	vst v62  }
0x1ec: {  	[tilespmem:$0x560] =	vst v62  }
0x1ed: {  	[tilespmem:$0x5E0] =	vst v62  }
0x1ee: {  	[tilespmem:$0x660] =	vst v62  }
0x1ef: {  	[tilespmem:$0x6E0] =	vst v62  }
0x1f0: {  	[tilespmem:$0x760] =	vst v62  }
0x1f1: {  	[tilespmem:$0x7E0] =	vst v62  }
0x1f2: {  	[tilespmem:$0xC60] =	vst v62  }
0x1f3: {  	[tilespmem:$0xCE0] =	vst v62  }
0x1f4: {  	[tilespmem:$0xD60] =	vst v62  }
0x1f5: {  	[tilespmem:$0xDE0] =	vst v62  }
0x1f6: {  	[tilespmem:$0xE60] =	vst v62  }
0x1f7: {  	[tilespmem:$0xEE0] =	vst v62  }
0x1f8: {  	[tilespmem:$0xF60] =	vst v62  }
0x1f9: {  	[tilespmem:$0xFE0] =	vst v62  }
0x1fa: {  	[tilespmem:$0x1460] =	vst v62  }
0x1fb: {  	[tilespmem:$0x14E0] =	vst v62  }
0x1fc: {  	[tilespmem:$0x1560] =	vst v62  }
0x1fd: {  	[tilespmem:$0x15E0] =	vst v62  }
0x1fe: {  	[tilespmem:$0x1660] =	vst v62  }
0x1ff: {  	[tilespmem:$0x16E0] =	vst v62  }
0x200: {  	[tilespmem:$0x1760] =	vst v62  }
0x201: {  	[tilespmem:$0x17E0] =	vst v62  }
0x202: {  	[tilespmem:$0x1C60] =	vst v62  }
0x203: {  	[tilespmem:$0x1CE0] =	vst v62  }
0x204: {  	[tilespmem:$0x1D60] =	vst v62  }
0x205: {  	v63 =	vld [tilespmem:$0x20F0];
	[tilespmem:$0x1DE0] =	vst v62  }
0x206: {  	[tilespmem:$0x1E60] =	vst v62  }
0x207: {  	[tilespmem:$0x1EE0] =	vst v62  }
0x208: {  	[tilespmem:$0x1F60] =	vst v62  }
0x209: {  	[tilespmem:$0x1FE0] =	vst v62  }
0x20a: {  	[tilespmem:$0x470] =	vst v63  }
0x20b: {  	[tilespmem:$0x4F0] =	vst v63  }
0x20c: {  	[tilespmem:$0x570] =	vst v63  }
0x20d: {  	[tilespmem:$0x5F0] =	vst v63  }
0x20e: {  	[tilespmem:$0x670] =	vst v63  }
0x20f: {  	[tilespmem:$0x6F0] =	vst v63  }
0x210: {  	[tilespmem:$0x770] =	vst v63  }
0x211: {  	[tilespmem:$0x7F0] =	vst v63  }
0x212: {  	[tilespmem:$0xC70] =	vst v63  }
0x213: {  	[tilespmem:$0xCF0] =	vst v63  }
0x214: {  	[tilespmem:$0xD70] =	vst v63  }
0x215: {  	[tilespmem:$0xDF0] =	vst v63  }
0x216: {  	[tilespmem:$0xE70] =	vst v63  }
0x217: {  	[tilespmem:$0xEF0] =	vst v63  }
0x218: {  	[tilespmem:$0xF70] =	vst v63  }
0x219: {  	[tilespmem:$0xFF0] =	vst v63  }
0x21a: {  	[tilespmem:$0x1470] =	vst v63  }
0x21b: {  	[tilespmem:$0x14F0] =	vst v63  }
0x21c: {  	[tilespmem:$0x1570] =	vst v63  }
0x21d: {  	[tilespmem:$0x15F0] =	vst v63  }
0x21e: {  	[tilespmem:$0x1670] =	vst v63  }
0x21f: {  	[tilespmem:$0x16F0] =	vst v63  }
0x220: {  	[tilespmem:$0x1770] =	vst v63  }
0x221: {  	[tilespmem:$0x17F0] =	vst v63  }
0x222: {  	[tilespmem:$0x1C70] =	vst v63  }
0x223: {  	[tilespmem:$0x1CF0] =	vst v63  }
0x224: {  	[tilespmem:$0x1D70] =	vst v63  }
0x225: {  	[tilespmem:$0x1DF0] =	vst v63  }
0x226: {  	[tilespmem:$0x1E70] =	vst v63  }
0x227: {  	[tilespmem:$0x1EF0] =	vst v63  }
0x228: {  	p0 =	sne.s32 s3, $0x1;
	[tilespmem:$0x1F70] =	vst v63  }
.Ltmp1:
0x229: {  	[tilespmem:$0x1FF0] =	vst v63;
	(pc) =	sbr.rel @p0 .LBB2_2-.Ltmp1, $4  }
0x22a: {  	[hbm4b:s7+s4] =	stream.linear.scatter [tilespmem:s4], [sflag:$0x4], $0x2000, $0x38;
	[tilespmem:$0x2100] =	vst v63  }
0x22b: {  	_ =	swait.ge [sflag:s18], $0x2000  }
0x22c: {  	[sflag:s18] =	ssyncset.done $0x0  }
0x22d: {  	s3 =	sadd.s32 $0xFFFFFFFF, s3;
	[sflag:s18] =	ssyncadd.s32 $0xFFFFE000  }
.LBB2_3:
0x22e: {  	_ =	sfence.sel $0x180000  }
0x22f: {  	[bflag:$0x0] =	sbarrier.arrive $0xFFFF  }
0x230: {  	p0 =	sne.s32 s0, $0x0;
	_ =	strace $0x90000047  }
0x231: {  	s0 =	sadd.s32 @!p0 $0x100000, s2;
	[bflag:$0x2] =	sbarrier.arrive $0xFFFF  }
0x232: {  	[sflag:s0] =	ssyncadd.tile.s32 @!p0 $0x1;
	_ =	shalt  }
.Lfunc_end2:
_tile_overlayer_lowered:
.L_overlay_start_2:
0x233: {  	(tag) =	ssettag $0x2  }
0x234: {  	s0 =	rddreg [dreg:$0x0];
	s2 =	stileid.u32  }
0x235: {  	s1 =	rddreg [dreg:$0x1];
	p0 =	sne.s32 s2, $0x0  }
0x236: {  	s3 =	rddreg [dreg:$0x2];
	[bflag:$0x3] =	sbarrier.arrive $0xFFFF;
	s2 =	simm.s32 @!p0 $0x1C04  }
0x237: {  	[timem:s3], [sflag:s2] =	dma.local @!p0 [hbm:s0], s1  }
0x238: {  	s0 =	simm.s32 @!p0 $0x4  }
0x239: {  	_ =	swait.ge @!p0 [sflag:s0], s1  }
0x23a: {  	s1 =	ssub.s32 @!p0 $0x0, s1;
	[sflag:s0] =	ssyncset.done @!p0 $0x0  }
0x23b: {  	[sflag:s0] =	ssyncadd.s32 @!p0 s1  }
0x23c: {  	[bflag:$0x3] =	sbarrier.arrive $0xFFFF  }
0x23d: {  	_ =	shalt  }

</sc_bundles>
